<compile_context>
chip_gen: v7x
topology: tpu7x:2x2x1
jax: 0.10.2.dev20260603
libtpu: 0.0.44.dev20260713+nightly
codegen_flags: <defaults>
</compile_context>

<pallas_src>
import functools

import jax
import jax.numpy as jnp
from jax import lax
from jax.experimental import pallas as pl
from jax.experimental.pallas import tpu as pltpu
from jax.experimental.pallas import tpu_sc as plsc

NC = 2
NS = 16
L = 16
NB = 2048
HMAX = 16.0
SCALE = NB / HMAX
ROWS = 8
N = 512 * 512
NW = NC * NS
WPR = NW // ROWS
NPW = N // WPR
CH = 4096
NCHUNK = NPW // CH
UNROLL = 8


PQ = 4096.0


def _sc_body(logit_hbm, truth_hbm, out_hbm,
             cnt_h, sr_h, cnt_f, cp_f, sr_f, lbuf, tbuf, lbuf2, tbuf2,
             sp_cnt, sp_cp, sp_sr, sp_ts, sp_qt,
             sem_l0, sem_t0, sem_l1, sem_t1):
    c = lax.axis_index("c")
    s = lax.axis_index("s")
    r = c * (ROWS // NC) + s // WPR
    q = s % WPR
    f32 = jnp.float32
    i32 = jnp.int32
    lane = lax.iota(i32, L)
    ones = jnp.ones((L,), f32)
    zvec = jnp.zeros((L,), f32)

    row0 = q * (CH // 512) * NCHUNK

    def start_in(ci, lb, tb, sl, st):
        rr = row0 + ci * (CH // 512)
        pltpu.make_async_copy(logit_hbm.at[r, pl.ds(rr, CH // 512), :], lb, sl).start()
        pltpu.make_async_copy(truth_hbm.at[r, pl.ds(rr, CH // 512), :], tb, st).start()

    def wait_in(lb, tb, sl, st):
        pltpu.make_async_copy(logit_hbm.at[0, pl.ds(0, CH // 512), :], lb, sl).wait()
        pltpu.make_async_copy(truth_hbm.at[0, pl.ds(0, CH // 512), :], tb, st).wait()

    def consume(lb, tb, ts_acc):
        def vreg_body(i, acc):
            datas = []
            for k in range(UNROLL):
                kk = i * UNROLL + k
                sl = (kk // 32, pl.ds((kk % 32) * L, L))
                lv = lb[sl]
                tv = tb[sl]
                h = (tv * 4.0 + 1.0) - lv * (tv * 2.0 - 1.0)
                hr = jnp.maximum(h, 0.0)
                hb = jnp.minimum((hr * SCALE).astype(i32), NB - 1) * L + lane
                cw = tv * (1.0 / PQ) + 1.0
                datas.append((hb, hr, cw, h > 0.0))
                acc = acc + tv
            for hb, hr, cw, pos in datas:
                plsc.addupdate_scatter(cnt_h, [hb], cw, mask=pos)
                plsc.addupdate_scatter(sr_h, [hb], hr, mask=pos)
            return acc
        return lax.fori_loop(0, CH // L // UNROLL, vreg_body, ts_acc)

    start_in(0, lbuf, tbuf, sem_l0, sem_t0)
    start_in(1, lbuf2, tbuf2, sem_l1, sem_t1)

    def zero_body(i, _):
        for k in range(4):
            sl = pl.ds((i * 4 + k) * L, L)
            cnt_h[sl] = zvec
            sr_h[sl] = zvec
        return 0
    lax.fori_loop(0, NB // 4, zero_body, 0)

    def chunk_pair(ci, ts_acc):
        wait_in(lbuf, tbuf, sem_l0, sem_t0)
        ts_acc = consume(lbuf, tbuf, ts_acc)

        @pl.when(ci < NCHUNK // 2 - 1)
        def _():
            start_in(2 * ci + 2, lbuf, tbuf, sem_l0, sem_t0)
        wait_in(lbuf2, tbuf2, sem_l1, sem_t1)
        ts_acc = consume(lbuf2, tbuf2, ts_acc)

        @pl.when(ci < NCHUNK // 2 - 1)
        def _():
            start_in(2 * ci + 3, lbuf2, tbuf2, sem_l1, sem_t1)
        return ts_acc

    ts_acc = lax.fori_loop(0, NCHUNK // 2, chunk_pair, zvec)

    def fold_body(i, _):
        bins = (lane + i * L) * L
        cn_acc = jnp.zeros((L,), f32)
        cp_acc = jnp.zeros((L,), f32)
        sr_acc = jnp.zeros((L,), f32)
        for l in range(L):
            rot = bins + ((lane + l) & (L - 1))
            g = plsc.load_gather(cnt_h, [rot])
            cn = g.astype(i32).astype(f32)
            cn_acc = cn_acc + cn
            cp_acc = cp_acc + (g - cn) * PQ
            sr_acc = sr_acc + plsc.load_gather(sr_h, [rot])
        cnt_f[pl.ds(i * L, L)] = cn_acc
        cp_f[pl.ds(i * L, L)] = cp_acc
        sr_f[pl.ds(i * L, L)] = sr_acc
        return 0
    lax.fori_loop(0, NB // L, fold_body, 0)

    tbuf[0, pl.ds(0, L)] = ts_acc
    pltpu.sync_copy(cnt_f, sp_cnt.at[pl.ds(s * NB, NB)])
    pltpu.sync_copy(cp_f, sp_cp.at[pl.ds(s * NB, NB)])
    pltpu.sync_copy(sr_f, sp_sr.at[pl.ds(s * NB, NB)])
    pltpu.sync_copy(tbuf.at[0, pl.ds(0, L)], sp_ts.at[pl.ds(s * L, L)])
    plsc.subcore_barrier()

    QB = NB // WPR
    s0 = s - q
    qb = q * QB

    pltpu.sync_copy(sp_ts.at[pl.ds(s0 * L, WPR * L)], lbuf.at[0, pl.ds(0, WPR * L)])
    t16 = (lbuf[0, pl.ds(0, L)] + lbuf[0, pl.ds(L, L)]
           + lbuf[0, pl.ds(2 * L, L)] + lbuf[0, pl.ds(3 * L, L)])
    bigt = jnp.sum(t16)

    pltpu.sync_copy(sp_cnt.at[pl.ds(s0 * NB + qb, QB)], cnt_f.at[pl.ds(0, QB)])
    pltpu.sync_copy(sp_cp.at[pl.ds(s0 * NB + qb, QB)], cp_f.at[pl.ds(0, QB)])
    pltpu.sync_copy(sp_sr.at[pl.ds(s0 * NB + qb, QB)], sr_f.at[pl.ds(0, QB)])
    for j in range(1, WPR):
        pltpu.sync_copy(sp_cnt.at[pl.ds((s0 + j) * NB + qb, QB)], lbuf.at[0, pl.ds(0, QB)])
        pltpu.sync_copy(sp_cp.at[pl.ds((s0 + j) * NB + qb, QB)], tbuf.at[0, pl.ds(0, QB)])
        pltpu.sync_copy(sp_sr.at[pl.ds((s0 + j) * NB + qb, QB)], lbuf2.at[0, pl.ds(0, QB)])

        def add_body(i, _):
            sl = pl.ds(i * L, L)
            cnt_f[sl] = cnt_f[sl] + lbuf[0, sl]
            cp_f[sl] = cp_f[sl] + tbuf[0, sl]
            sr_f[sl] = sr_f[sl] + lbuf2[0, sl]
            return 0
        lax.fori_loop(0, QB // L, add_body, 0)

    def tot_body(i, carry):
        qcv, qpv = carry
        sl = pl.ds(i * L, L)
        return qcv + cnt_f[sl], qpv + cp_f[sl]
    qcv, qpv = lax.fori_loop(0, QB // L, tot_body, (zvec, zvec))
    qc = jnp.sum(qcv)
    qp = jnp.sum(qpv)
    tbuf[0, pl.ds(0, L)] = jnp.where(lane == 0, qc, jnp.where(lane == 1, qp, 0.0))
    pltpu.sync_copy(tbuf.at[0, pl.ds(0, L)], sp_qt.at[pl.ds(s * L, L)])
    plsc.subcore_barrier()

    pltpu.sync_copy(sp_qt.at[pl.ds(s0 * L, WPR * L)], lbuf.at[0, pl.ds(0, WPR * L)])
    carry_c = jnp.float32(0.0)
    carry_p = jnp.float32(0.0)
    for j in range(WPR):
        sel = j > q
        vj = lbuf[0, pl.ds(j * L, L)]
        carry_c = carry_c + jnp.where(sel, vj[0], 0.0)
        carry_p = carry_p + jnp.where(sel, vj[1], 0.0)

    def jac(cc, pp):
        den = jnp.maximum(bigt + cc - pp, 1.0)
        return jnp.where(cc > 0.0, 1.0 - (bigt - pp) / den, 0.0)

    def scan_body(k, carry):
        cc, cp_, acc = carry
        v = QB // L - 1 - k
        sl = pl.ds(v * L, L)
        cnt16 = cnt_f[sl]
        cp16 = cp_f[sl]
        sr16 = sr_f[sl]
        tot = jnp.sum(cnt16)
        totp = jnp.sum(cp16)
        incl = jnp.cumsum(cnt16)
        inclp = jnp.cumsum(cp16)
        c0 = (cc + tot) - incl
        p0 = (cp_ + totp) - inclp
        c1 = c0 + cnt16
        p1 = p0 + cp16
        mean_r = sr16 / jnp.maximum(cnt16, 1.0)
        acc = acc + mean_r * (jac(c1, p1) - jac(c0, p0))
        return cc + tot, cp_ + totp, acc

    _, _, acc = lax.fori_loop(0, QB // L, scan_body, (carry_c, carry_p, zvec))
    tbuf[0, pl.ds(0, L)] = acc
    pltpu.sync_copy(tbuf.at[0, pl.ds(0, L)], sp_ts.at[pl.ds(s * L, L)])
    plsc.subcore_barrier()

    @pl.when(q == 0)
    def _():
        pltpu.sync_copy(sp_ts.at[pl.ds(s * L, WPR * L)], lbuf.at[0, pl.ds(0, WPR * L)])
        a16 = (lbuf[0, pl.ds(0, L)] + lbuf[0, pl.ds(L, L)]
               + lbuf[0, pl.ds(2 * L, L)] + lbuf[0, pl.ds(3 * L, L)])
        loss = jnp.sum(a16)
        tbuf[0, pl.ds(0, L)] = zvec + loss
        pltpu.sync_copy(tbuf.at[0, pl.ds(0, L)], out_hbm.at[pl.ds(r * L, L)])


@functools.partial(jax.jit, static_argnums=())
def _run(logit, truth):
    f32 = jnp.float32
    mesh = plsc.VectorSubcoreMesh(core_axis_name="c", subcore_axis_name="s",
                                  num_cores=NC)
    k = pl.kernel(
        _sc_body,
        mesh=mesh,
        out_type=jax.ShapeDtypeStruct((ROWS * L,), f32),
        compiler_params=pltpu.CompilerParams(needs_layout_passes=False,
                                             use_tc_tiling_on_sc=True),
        scratch_types=[
            pltpu.VMEM((NB * L,), f32),
            pltpu.VMEM((NB * L,), f32),
            pltpu.VMEM((NB,), f32),
            pltpu.VMEM((NB,), f32),
            pltpu.VMEM((NB,), f32),
            pltpu.VMEM((CH // 512, 512), f32),
            pltpu.VMEM((CH // 512, 512), f32),
            pltpu.VMEM((CH // 512, 512), f32),
            pltpu.VMEM((CH // 512, 512), f32),
            pltpu.VMEM_SHARED((NS * NB,), f32),
            pltpu.VMEM_SHARED((NS * NB,), f32),
            pltpu.VMEM_SHARED((NS * NB,), f32),
            pltpu.VMEM_SHARED((NS * L,), f32),
            pltpu.VMEM_SHARED((NS * L,), f32),
            pltpu.SemaphoreType.DMA,
            pltpu.SemaphoreType.DMA,
            pltpu.SemaphoreType.DMA,
            pltpu.SemaphoreType.DMA,
        ],
    )
    return k(logit, truth)


def kernel(logit, truth):
    out = _run(logit, truth)
    return jnp.mean(out.reshape(ROWS, L)[:, 0])

# --- scband reference (transcript-rebuilt; emitter-appended) ---
"""Pipeline reference for scband-lovasz-loss-33337536151672 (READ-ONLY COPY).

The authoritative reference and input builder live on the scoring server;
editing this copy changes nothing except your own understanding.
"""

import jax, jax.numpy as jnp
import numpy as np

MARGIN = (1.0, 5.0)


def setup_inputs(seed: int = 0) -> dict:
    key = jax.random.key(seed)
    k1, k2 = jax.random.split(key)
    logit = jax.random.normal(k1, (8, 512, 512), dtype=jnp.float32)
    truth = jax.random.randint(k2, (8, 512, 512), 0, 2).astype(jnp.float32)
    return {"logit": logit, "truth": truth}


def _compute_lovasz_gradient(truth):
    truth_sum = truth.sum()
    intersection = truth_sum - jnp.cumsum(truth)
    union = truth_sum + jnp.cumsum(1.0 - truth)
    jaccard = 1.0 - intersection / union
    jaccard = jnp.concatenate([jaccard[:1], jaccard[1:] - jaccard[:-1]])
    return jaccard


def _lovasz_hinge_one(logit, truth):
    # m = truth.detach() * (margin[1] - margin[0]) + margin[0]
    m = jax.lax.stop_gradient(truth) * (MARGIN[1] - MARGIN[0]) + MARGIN[0]
    sign = 2.0 * truth - 1.0
    hinge = m - logit * sign
    # torch.sort(hinge, descending=True) -> values + permutation
    perm = jnp.argsort(-hinge)
    hinge_sorted = jax.nn.relu(hinge[perm])
    truth_sorted = truth[perm]
    gradient = _compute_lovasz_gradient(truth_sorted)
    return jnp.dot(hinge_sorted, gradient)


def reference(logit, truth):
    batch_size = logit.shape[0]
    logit = logit.reshape(batch_size, -1)
    truth = truth.reshape(batch_size, -1)
    loss = jax.vmap(_lovasz_hinge_one)(logit, truth)
    return loss.mean()

if __name__ == "__main__":
    import jax
    _d = setup_inputs()
    print(jax.jit(kernel)(*tuple(_d.values())))

</pallas_src>

<mosaic_0001>
#map = affine_map<(d0, d1) -> (0, 0, 0)>
#map1 = affine_map<(d0, d1) -> (0)>
module attributes {stable_mosaic.version = 14 : i64} {
  func.func @_sc_body(%arg0: i32, %arg1: i32, %arg2: memref<8x512x512xf32, #tpu.memory_space<hbm>>, %arg3: memref<8x512x512xf32, #tpu.memory_space<hbm>>, %arg4: memref<128xf32, #tpu.memory_space<hbm>>, %arg5: memref<32768xf32, #tpu.memory_space<vmem>>, %arg6: memref<32768xf32, #tpu.memory_space<vmem>>, %arg7: memref<2048xf32, #tpu.memory_space<vmem>>, %arg8: memref<2048xf32, #tpu.memory_space<vmem>>, %arg9: memref<2048xf32, #tpu.memory_space<vmem>>, %arg10: memref<8x512xf32, #tpu.memory_space<vmem>>, %arg11: memref<8x512xf32, #tpu.memory_space<vmem>>, %arg12: memref<8x512xf32, #tpu.memory_space<vmem>>, %arg13: memref<8x512xf32, #tpu.memory_space<vmem>>, %arg14: memref<32768xf32, #tpu.memory_space<vmem_shared>>, %arg15: memref<32768xf32, #tpu.memory_space<vmem_shared>>, %arg16: memref<32768xf32, #tpu.memory_space<vmem_shared>>, %arg17: memref<256xf32, #tpu.memory_space<vmem_shared>>, %arg18: memref<256xf32, #tpu.memory_space<vmem_shared>>, %arg19: memref<!tpu.dma_semaphore, #tpu.memory_space<semaphore_mem>>, %arg20: memref<!tpu.dma_semaphore, #tpu.memory_space<semaphore_mem>>, %arg21: memref<!tpu.dma_semaphore, #tpu.memory_space<semaphore_mem>>, %arg22: memref<!tpu.dma_semaphore, #tpu.memory_space<semaphore_mem>>) attributes {dimension_semantics = [#tpu.dimension_semantics<core_parallel>, #tpu.dimension_semantics<subcore_parallel>], iteration_bounds = array<i64: 2, 16>, scalar_prefetch = 0 : i64, scratch_operands = 18 : i64, tpu.core_type = #tpu.core_type<sc_vector_subcore>, window_params = [{transform_indices = #map}, {transform_indices = #map}, {transform_indices = #map1}]} {
    %mul3A = arith.constant 4 : i32
    %mul3A_0 = arith.muli %arg0, %mul3A : i32
    %jit3A = arith.constant 4 : i32
    %div3A = arith.divsi %arg1, %jit3A : i32
    %sign3A = arith.constant 0 : i32
    %sign3A_1 = arith.cmpi sgt, %arg1, %sign3A : i32
    %sign3A_2 = arith.extui %sign3A_1 : i1 to i32
    %sign3A_3 = arith.constant 0 : i32
    %sign3A_4 = arith.cmpi slt, %arg1, %sign3A_3 : i32
    %sign3A_5 = arith.extui %sign3A_4 : i1 to i32
    %sign3A_6 = arith.subi %sign3A_2, %sign3A_5 : i32
    %sign3A_7 = arith.constant 0 : i32
    %sign3A_8 = arith.cmpi sgt, %jit3A, %sign3A_7 : i32
    %sign3A_9 = arith.extui %sign3A_8 : i1 to i32
    %sign3A_10 = arith.constant 0 : i32
    %sign3A_11 = arith.cmpi slt, %jit3A, %sign3A_10 : i32
    %sign3A_12 = arith.extui %sign3A_11 : i1 to i32
    %sign3A_13 = arith.subi %sign3A_9, %sign3A_12 : i32
    %ne3A = arith.cmpi ne, %sign3A_6, %sign3A_13 : i32
    %rem3A = arith.remsi %arg1, %jit3A : i32
    %ne3A_14 = arith.constant 0 : i32
    %ne3A_15 = arith.cmpi ne, %rem3A, %ne3A_14 : i32
    %and3A = arith.andi %ne3A, %ne3A_15 : i1
    %sub3A = arith.constant 1 : i32
    %sub3A_16 = arith.subi %div3A, %sub3A : i32
    %select_n3A = arith.select %and3A, %sub3A_16, %div3A : i32
    %add3A = arith.addi %mul3A_0, %select_n3A : i32
    %jit3A_17 = arith.constant 4 : i32
    %eq3A = arith.constant 0 : i32
    %eq3A_18 = arith.cmpi eq, %jit3A_17, %eq3A : i32
    %jit3A_19 = arith.constant 1 : i32
    %select_n3A_20 = arith.select %eq3A_18, %jit3A_19, %jit3A_17 : i32
    %rem3A_21 = arith.remsi %arg1, %select_n3A_20 : i32
    %ne3A_22 = arith.constant 0 : i32
    %ne3A_23 = arith.cmpi ne, %rem3A_21, %ne3A_22 : i32
    %lt3A = arith.constant 0 : i32
    %lt3A_24 = arith.cmpi slt, %rem3A_21, %lt3A : i32
    %lt3A_25 = arith.constant 0 : i32
    %lt3A_26 = arith.cmpi slt, %select_n3A_20, %lt3A_25 : i32
    %ne3A_27 = arith.xori %lt3A_24, %lt3A_26 : i1
    %and3A_28 = arith.andi %ne3A_27, %ne3A_23 : i1
    %add3A_29 = arith.addi %rem3A_21, %select_n3A_20 : i32
    %select_n3A_30 = arith.select %and3A_28, %add3A_29, %rem3A_21 : i32
    %iota3A = tpu.iota {dimensions = array<i32: 0>} : vector<16xi32>
    %broadcast_in_dim3A = arith.constant 1.000000e+00 : f32
    %broadcast_in_dim3A_31 = vector.broadcast %broadcast_in_dim3A : f32 to vector<16xf32>
    %broadcast_in_dim3A_32 = arith.constant 0.000000e+00 : f32
    %broadcast_in_dim3A_33 = vector.broadcast %broadcast_in_dim3A_32 : f32 to vector<16xf32>
    %mul3A_34 = arith.constant 8 : i32
    %mul3A_35 = arith.muli %select_n3A_30, %mul3A_34 : i32
    %mul3A_36 = arith.constant 16 : i32
    %mul3A_37 = arith.muli %mul3A_35, %mul3A_36 : i32
    %add3A_38 = arith.constant 0 : i32
    %add3A_39 = arith.addi %mul3A_37, %add3A_38 : i32
    %dma_start3A = arith.constant 0 : i32
    %dma_start3A_40 = tpu.memref_slice %arg2[%add3A, %add3A_39, %dma_start3A] : memref<8x512x512xf32, #tpu.memory_space<hbm>> -> memref<1x8x512xf32, #tpu.memory_space<hbm>>
    %dma_start3A_41 = tpu.memref_squeeze %dma_start3A_40 : memref<1x8x512xf32, #tpu.memory_space<hbm>> -> memref<8x512xf32, #tpu.memory_space<hbm>>
    %dma_start3A_42 = arith.constant 0 : i32
    %dma_start3A_43 = tpu.memref_slice %arg2[%add3A, %add3A_39, %dma_start3A_42] : memref<8x512x512xf32, #tpu.memory_space<hbm>> -> memref<1x8x512xf32, #tpu.memory_space<hbm>>
    %dma_start3A_44 = tpu.memref_squeeze %dma_start3A_43 : memref<1x8x512xf32, #tpu.memory_space<hbm>> -> memref<8x512xf32, #tpu.memory_space<hbm>>
    tpu.enqueue_dma source(%dma_start3A_44 : memref<8x512xf32, #tpu.memory_space<hbm>>) target(%arg10 : memref<8x512xf32, #tpu.memory_space<vmem>>) target_semaphore(%arg19 : memref<!tpu.dma_semaphore, #tpu.memory_space<semaphore_mem>>)
    %dma_start3A_45 = arith.constant 0 : i32
    %dma_start3A_46 = tpu.memref_slice %arg3[%add3A, %add3A_39, %dma_start3A_45] : memref<8x512x512xf32, #tpu.memory_space<hbm>> -> memref<1x8x512xf32, #tpu.memory_space<hbm>>
    %dma_start3A_47 = tpu.memref_squeeze %dma_start3A_46 : memref<1x8x512xf32, #tpu.memory_space<hbm>> -> memref<8x512xf32, #tpu.memory_space<hbm>>
    %dma_start3A_48 = arith.constant 0 : i32
    %dma_start3A_49 = tpu.memref_slice %arg3[%add3A, %add3A_39, %dma_start3A_48] : memref<8x512x512xf32, #tpu.memory_space<hbm>> -> memref<1x8x512xf32, #tpu.memory_space<hbm>>
    %dma_start3A_50 = tpu.memref_squeeze %dma_start3A_49 : memref<1x8x512xf32, #tpu.memory_space<hbm>> -> memref<8x512xf32, #tpu.memory_space<hbm>>
    tpu.enqueue_dma source(%dma_start3A_50 : memref<8x512xf32, #tpu.memory_space<hbm>>) target(%arg11 : memref<8x512xf32, #tpu.memory_space<vmem>>) target_semaphore(%arg20 : memref<!tpu.dma_semaphore, #tpu.memory_space<semaphore_mem>>)
    %add3A_51 = arith.constant 8 : i32
    %add3A_52 = arith.addi %mul3A_37, %add3A_51 : i32
    %dma_start3A_53 = arith.constant 0 : i32
    %dma_start3A_54 = tpu.memref_slice %arg2[%add3A, %add3A_52, %dma_start3A_53] : memref<8x512x512xf32, #tpu.memory_space<hbm>> -> memref<1x8x512xf32, #tpu.memory_space<hbm>>
    %dma_start3A_55 = tpu.memref_squeeze %dma_start3A_54 : memref<1x8x512xf32, #tpu.memory_space<hbm>> -> memref<8x512xf32, #tpu.memory_space<hbm>>
    %dma_start3A_56 = arith.constant 0 : i32
    %dma_start3A_57 = tpu.memref_slice %arg2[%add3A, %add3A_52, %dma_start3A_56] : memref<8x512x512xf32, #tpu.memory_space<hbm>> -> memref<1x8x512xf32, #tpu.memory_space<hbm>>
    %dma_start3A_58 = tpu.memref_squeeze %dma_start3A_57 : memref<1x8x512xf32, #tpu.memory_space<hbm>> -> memref<8x512xf32, #tpu.memory_space<hbm>>
    tpu.enqueue_dma source(%dma_start3A_58 : memref<8x512xf32, #tpu.memory_space<hbm>>) target(%arg12 : memref<8x512xf32, #tpu.memory_space<vmem>>) target_semaphore(%arg21 : memref<!tpu.dma_semaphore, #tpu.memory_space<semaphore_mem>>)
    %dma_start3A_59 = arith.constant 0 : i32
    %dma_start3A_60 = tpu.memref_slice %arg3[%add3A, %add3A_52, %dma_start3A_59] : memref<8x512x512xf32, #tpu.memory_space<hbm>> -> memref<1x8x512xf32, #tpu.memory_space<hbm>>
    %dma_start3A_61 = tpu.memref_squeeze %dma_start3A_60 : memref<1x8x512xf32, #tpu.memory_space<hbm>> -> memref<8x512xf32, #tpu.memory_space<hbm>>
    %dma_start3A_62 = arith.constant 0 : i32
    %dma_start3A_63 = tpu.memref_slice %arg3[%add3A, %add3A_52, %dma_start3A_62] : memref<8x512x512xf32, #tpu.memory_space<hbm>> -> memref<1x8x512xf32, #tpu.memory_space<hbm>>
    %dma_start3A_64 = tpu.memref_squeeze %dma_start3A_63 : memref<1x8x512xf32, #tpu.memory_space<hbm>> -> memref<8x512xf32, #tpu.memory_space<hbm>>
    tpu.enqueue_dma source(%dma_start3A_64 : memref<8x512xf32, #tpu.memory_space<hbm>>) target(%arg13 : memref<8x512xf32, #tpu.memory_space<vmem>>) target_semaphore(%arg22 : memref<!tpu.dma_semaphore, #tpu.memory_space<semaphore_mem>>)
    %scan3A = arith.constant 0 : i32
    %scan3A_65 = arith.constant 0 : i32
    %scan3A_66 = arith.constant 512 : i32
    %scan3A_67 = arith.addi %scan3A_65, %scan3A_66 : i32
    %scan3A_68 = arith.constant 1 : i32
    %scan3A_69 = scf.for %scan3A_324 = %scan3A_65 to %scan3A_67 step %scan3A_68 iter_args(%scan3A_325 = %scan3A) -> (i32)  : i32 {
      %mul3A_326 = arith.constant 4 : i32
      %mul3A_327 = arith.muli %scan3A_324, %mul3A_326 : i32
      %add3A_328 = arith.constant 0 : i32
      %add3A_329 = arith.addi %mul3A_327, %add3A_328 : i32
      %mul3A_330 = arith.constant 16 : i32
      %mul3A_331 = arith.muli %add3A_329, %mul3A_330 : i32
      %swap3A_332 = arith.index_cast %mul3A_331 : i32 to index
      %swap3A_333 = tpu.vector_load %arg5[%swap3A_332] {strides = array<i32>} : memref<32768xf32, #tpu.memory_space<vmem>>, vector<16xf32>,
      tpu.vector_store %arg5[%swap3A_332], %broadcast_in_dim3A_33 {strides = array<i32>} : memref<32768xf32, #tpu.memory_space<vmem>>, vector<16xf32>,
      %swap3A_334 = arith.index_cast %mul3A_331 : i32 to index
      %swap3A_335 = tpu.vector_load %arg6[%swap3A_334] {strides = array<i32>} : memref<32768xf32, #tpu.memory_space<vmem>>, vector<16xf32>,
      tpu.vector_store %arg6[%swap3A_334], %broadcast_in_dim3A_33 {strides = array<i32>} : memref<32768xf32, #tpu.memory_space<vmem>>, vector<16xf32>,
      %mul3A_336 = arith.constant 4 : i32
      %mul3A_337 = arith.muli %scan3A_324, %mul3A_336 : i32
      %add3A_338 = arith.constant 1 : i32
      %add3A_339 = arith.addi %mul3A_337, %add3A_338 : i32
      %mul3A_340 = arith.constant 16 : i32
      %mul3A_341 = arith.muli %add3A_339, %mul3A_340 : i32
      %swap3A_342 = arith.index_cast %mul3A_341 : i32 to index
      %swap3A_343 = tpu.vector_load %arg5[%swap3A_342] {strides = array<i32>} : memref<32768xf32, #tpu.memory_space<vmem>>, vector<16xf32>,
      tpu.vector_store %arg5[%swap3A_342], %broadcast_in_dim3A_33 {strides = array<i32>} : memref<32768xf32, #tpu.memory_space<vmem>>, vector<16xf32>,
      %swap3A_344 = arith.index_cast %mul3A_341 : i32 to index
      %swap3A_345 = tpu.vector_load %arg6[%swap3A_344] {strides = array<i32>} : memref<32768xf32, #tpu.memory_space<vmem>>, vector<16xf32>,
      tpu.vector_store %arg6[%swap3A_344], %broadcast_in_dim3A_33 {strides = array<i32>} : memref<32768xf32, #tpu.memory_space<vmem>>, vector<16xf32>,
      %mul3A_346 = arith.constant 4 : i32
      %mul3A_347 = arith.muli %scan3A_324, %mul3A_346 : i32
      %add3A_348 = arith.constant 2 : i32
      %add3A_349 = arith.addi %mul3A_347, %add3A_348 : i32
      %mul3A_350 = arith.constant 16 : i32
      %mul3A_351 = arith.muli %add3A_349, %mul3A_350 : i32
      %swap3A_352 = arith.index_cast %mul3A_351 : i32 to index
      %swap3A_353 = tpu.vector_load %arg5[%swap3A_352] {strides = array<i32>} : memref<32768xf32, #tpu.memory_space<vmem>>, vector<16xf32>,
      tpu.vector_store %arg5[%swap3A_352], %broadcast_in_dim3A_33 {strides = array<i32>} : memref<32768xf32, #tpu.memory_space<vmem>>, vector<16xf32>,
      %swap3A_354 = arith.index_cast %mul3A_351 : i32 to index
      %swap3A_355 = tpu.vector_load %arg6[%swap3A_354] {strides = array<i32>} : memref<32768xf32, #tpu.memory_space<vmem>>, vector<16xf32>,
      tpu.vector_store %arg6[%swap3A_354], %broadcast_in_dim3A_33 {strides = array<i32>} : memref<32768xf32, #tpu.memory_space<vmem>>, vector<16xf32>,
      %mul3A_356 = arith.constant 4 : i32
      %mul3A_357 = arith.muli %scan3A_324, %mul3A_356 : i32
      %add3A_358 = arith.constant 3 : i32
      %add3A_359 = arith.addi %mul3A_357, %add3A_358 : i32
      %mul3A_360 = arith.constant 16 : i32
      %mul3A_361 = arith.muli %add3A_359, %mul3A_360 : i32
      %swap3A_362 = arith.index_cast %mul3A_361 : i32 to index
      %swap3A_363 = tpu.vector_load %arg5[%swap3A_362] {strides = array<i32>} : memref<32768xf32, #tpu.memory_space<vmem>>, vector<16xf32>,
      tpu.vector_store %arg5[%swap3A_362], %broadcast_in_dim3A_33 {strides = array<i32>} : memref<32768xf32, #tpu.memory_space<vmem>>, vector<16xf32>,
      %swap3A_364 = arith.index_cast %mul3A_361 : i32 to index
      %swap3A_365 = tpu.vector_load %arg6[%swap3A_364] {strides = array<i32>} : memref<32768xf32, #tpu.memory_space<vmem>>, vector<16xf32>,
      tpu.vector_store %arg6[%swap3A_364], %broadcast_in_dim3A_33 {strides = array<i32>} : memref<32768xf32, #tpu.memory_space<vmem>>, vector<16xf32>,
      %scan3A_366 = arith.constant 0 : i32
      scf.yield %scan3A_366 : i32
    }
    %scan3A_70 = arith.constant 512 : i32
    %scan3A_71 = arith.constant 0 : i32
    %scan3A_72 = arith.constant 8 : i32
    %scan3A_73 = arith.addi %scan3A_71, %scan3A_72 : i32
    %scan3A_74 = arith.constant 1 : i32
    %scan3A_75 = scf.for %scan3A_324 = %scan3A_71 to %scan3A_73 step %scan3A_74 iter_args(%scan3A_325 = %broadcast_in_dim3A_33) -> (vector<16xf32>)  : i32 {
      %dma_wait3A = arith.constant 0 : i32
      %dma_wait3A_326 = arith.constant 0 : i32
      %dma_wait3A_327 = arith.constant 0 : i32
      %dma_wait3A_328 = tpu.memref_slice %arg2[%dma_wait3A, %dma_wait3A_326, %dma_wait3A_327] : memref<8x512x512xf32, #tpu.memory_space<hbm>> -> memref<1x8x512xf32, #tpu.memory_space<hbm>>
      %dma_wait3A_329 = tpu.memref_squeeze %dma_wait3A_328 : memref<1x8x512xf32, #tpu.memory_space<hbm>> -> memref<8x512xf32, #tpu.memory_space<hbm>>
      %dma_wait3A_330 = arith.constant 0 : i32
      %dma_wait3A_331 = arith.constant 0 : i32
      %dma_wait3A_332 = tpu.memref_slice %arg2[%dma_wait3A, %dma_wait3A_330, %dma_wait3A_331] : memref<8x512x512xf32, #tpu.memory_space<hbm>> -> memref<1x8x512xf32, #tpu.memory_space<hbm>>
      %dma_wait3A_333 = tpu.memref_squeeze %dma_wait3A_332 : memref<1x8x512xf32, #tpu.memory_space<hbm>> -> memref<8x512xf32, #tpu.memory_space<hbm>>
      tpu.wait_dma2 semaphore(%arg19 : memref<!tpu.dma_semaphore, #tpu.memory_space<semaphore_mem>>) src(%dma_wait3A_333 : memref<8x512xf32, #tpu.memory_space<hbm>>) dst(%arg10 : memref<8x512xf32, #tpu.memory_space<vmem>>)
      %dma_wait3A_334 = arith.constant 0 : i32
      %dma_wait3A_335 = arith.constant 0 : i32
      %dma_wait3A_336 = arith.constant 0 : i32
      %dma_wait3A_337 = tpu.memref_slice %arg3[%dma_wait3A_334, %dma_wait3A_335, %dma_wait3A_336] : memref<8x512x512xf32, #tpu.memory_space<hbm>> -> memref<1x8x512xf32, #tpu.memory_space<hbm>>
      %dma_wait3A_338 = tpu.memref_squeeze %dma_wait3A_337 : memref<1x8x512xf32, #tpu.memory_space<hbm>> -> memref<8x512xf32, #tpu.memory_space<hbm>>
      %dma_wait3A_339 = arith.constant 0 : i32
      %dma_wait3A_340 = arith.constant 0 : i32
      %dma_wait3A_341 = tpu.memref_slice %arg3[%dma_wait3A_334, %dma_wait3A_339, %dma_wait3A_340] : memref<8x512x512xf32, #tpu.memory_space<hbm>> -> memref<1x8x512xf32, #tpu.memory_space<hbm>>
      %dma_wait3A_342 = tpu.memref_squeeze %dma_wait3A_341 : memref<1x8x512xf32, #tpu.memory_space<hbm>> -> memref<8x512xf32, #tpu.memory_space<hbm>>
      tpu.wait_dma2 semaphore(%arg20 : memref<!tpu.dma_semaphore, #tpu.memory_space<semaphore_mem>>) src(%dma_wait3A_342 : memref<8x512xf32, #tpu.memory_space<hbm>>) dst(%arg11 : memref<8x512xf32, #tpu.memory_space<vmem>>)
      %scan3A_343 = arith.constant 0 : i32
      %scan3A_344 = arith.constant 32 : i32
      %scan3A_345 = arith.addi %scan3A_343, %scan3A_344 : i32
      %scan3A_346 = arith.constant 1 : i32
      %scan3A_347 = scf.for %scan3A_383 = %scan3A_343 to %scan3A_345 step %scan3A_346 iter_args(%scan3A_384 = %scan3A_325) -> (vector<16xf32>)  : i32 {
        %mul3A_385 = arith.constant 8 : i32
        %mul3A_386 = arith.muli %scan3A_383, %mul3A_385 : i32
        %add3A_387 = arith.constant 0 : i32
        %add3A_388 = arith.addi %mul3A_386, %add3A_387 : i32
        %jit3A_389 = arith.constant 32 : i32
        %div3A_390 = arith.divsi %add3A_388, %jit3A_389 : i32
        %sign3A_391 = arith.constant 0 : i32
        %sign3A_392 = arith.cmpi sgt, %add3A_388, %sign3A_391 : i32
        %sign3A_393 = arith.extui %sign3A_392 : i1 to i32
        %sign3A_394 = arith.constant 0 : i32
        %sign3A_395 = arith.cmpi slt, %add3A_388, %sign3A_394 : i32
        %sign3A_396 = arith.extui %sign3A_395 : i1 to i32
        %sign3A_397 = arith.subi %sign3A_393, %sign3A_396 : i32
        %sign3A_398 = arith.constant 0 : i32
        %sign3A_399 = arith.cmpi sgt, %jit3A_389, %sign3A_398 : i32
        %sign3A_400 = arith.extui %sign3A_399 : i1 to i32
        %sign3A_401 = arith.constant 0 : i32
        %sign3A_402 = arith.cmpi slt, %jit3A_389, %sign3A_401 : i32
        %sign3A_403 = arith.extui %sign3A_402 : i1 to i32
        %sign3A_404 = arith.subi %sign3A_400, %sign3A_403 : i32
        %ne3A_405 = arith.cmpi ne, %sign3A_397, %sign3A_404 : i32
        %rem3A_406 = arith.remsi %add3A_388, %jit3A_389 : i32
        %ne3A_407 = arith.constant 0 : i32
        %ne3A_408 = arith.cmpi ne, %rem3A_406, %ne3A_407 : i32
        %and3A_409 = arith.andi %ne3A_405, %ne3A_408 : i1
        %sub3A_410 = arith.constant 1 : i32
        %sub3A_411 = arith.subi %div3A_390, %sub3A_410 : i32
        %select_n3A_412 = arith.select %and3A_409, %sub3A_411, %div3A_390 : i32
        %jit3A_413 = arith.constant 32 : i32
        %eq3A_414 = arith.constant 0 : i32
        %eq3A_415 = arith.cmpi eq, %jit3A_413, %eq3A_414 : i32
        %jit3A_416 = arith.constant 1 : i32
        %select_n3A_417 = arith.select %eq3A_415, %jit3A_416, %jit3A_413 : i32
        %rem3A_418 = arith.remsi %add3A_388, %select_n3A_417 : i32
        %ne3A_419 = arith.constant 0 : i32
        %ne3A_420 = arith.cmpi ne, %rem3A_418, %ne3A_419 : i32
        %lt3A_421 = arith.constant 0 : i32
        %lt3A_422 = arith.cmpi slt, %rem3A_418, %lt3A_421 : i32
        %lt3A_423 = arith.constant 0 : i32
        %lt3A_424 = arith.cmpi slt, %select_n3A_417, %lt3A_423 : i32
        %ne3A_425 = arith.xori %lt3A_422, %lt3A_424 : i1
        %and3A_426 = arith.andi %ne3A_425, %ne3A_420 : i1
        %add3A_427 = arith.addi %rem3A_418, %select_n3A_417 : i32
        %select_n3A_428 = arith.select %and3A_426, %add3A_427, %rem3A_418 : i32
        %mul3A_429 = arith.constant 16 : i32
        %mul3A_430 = arith.muli %select_n3A_428, %mul3A_429 : i32
        %get3A_431 = arith.index_cast %select_n3A_412 : i32 to index
        %get3A_432 = arith.index_cast %mul3A_430 : i32 to index
        %get3A_433 = tpu.vector_load %arg10[%get3A_431, %get3A_432] {strides = array<i32>} : memref<8x512xf32, #tpu.memory_space<vmem>>, vector<16xf32>,
        %get3A_434 = arith.index_cast %select_n3A_412 : i32 to index
        %get3A_435 = arith.index_cast %mul3A_430 : i32 to index
        %get3A_436 = tpu.vector_load %arg11[%get3A_434, %get3A_435] {strides = array<i32>} : memref<8x512xf32, #tpu.memory_space<vmem>>, vector<16xf32>,
        %mul3A_437 = arith.constant 4.000000e+00 : f32
        %mul3A_438 = vector.broadcast %mul3A_437 : f32 to vector<16xf32>
        %mul3A_439 = arith.mulf %get3A_436, %mul3A_438 : vector<16xf32>
        %add3A_440 = arith.constant 1.000000e+00 : f32
        %add3A_441 = vector.broadcast %add3A_440 : f32 to vector<16xf32>
        %add3A_442 = arith.addf %mul3A_439, %add3A_441 : vector<16xf32>
        %mul3A_443 = arith.constant 2.000000e+00 : f32
        %mul3A_444 = vector.broadcast %mul3A_443 : f32 to vector<16xf32>
        %mul3A_445 = arith.mulf %get3A_436, %mul3A_444 : vector<16xf32>
        %sub3A_446 = arith.constant 1.000000e+00 : f32
        %sub3A_447 = vector.broadcast %sub3A_446 : f32 to vector<16xf32>
        %sub3A_448 = arith.subf %mul3A_445, %sub3A_447 : vector<16xf32>
        %mul3A_449 = arith.mulf %get3A_433, %sub3A_448 : vector<16xf32>
        %sub3A_450 = arith.subf %add3A_442, %mul3A_449 : vector<16xf32>
        %max3A = arith.constant 0.000000e+00 : f32
        %max3A_451 = vector.broadcast %max3A : f32 to vector<16xf32>
        %max3A_452 = arith.maximumf %sub3A_450, %max3A_451 : vector<16xf32>
        %mul3A_453 = arith.constant 1.280000e+02 : f32
        %mul3A_454 = vector.broadcast %mul3A_453 : f32 to vector<16xf32>
        %mul3A_455 = arith.mulf %max3A_452, %mul3A_454 : vector<16xf32>
        %convert_element_type3A_456 = arith.fptosi %mul3A_455 : vector<16xf32> to vector<16xi32>
        %min3A = arith.constant 2047 : i32
        %min3A_457 = vector.broadcast %min3A : i32 to vector<16xi32>
        %min3A_458 = arith.minsi %convert_element_type3A_456, %min3A_457 : vector<16xi32>
        %mul3A_459 = arith.constant 16 : i32
        %mul3A_460 = vector.broadcast %mul3A_459 : i32 to vector<16xi32>
        %mul3A_461 = arith.muli %min3A_458, %mul3A_460 : vector<16xi32>
        %add3A_462 = arith.addi %mul3A_461, %iota3A : vector<16xi32>
        %mul3A_463 = arith.constant 2.44140625E-4 : f32
        %mul3A_464 = vector.broadcast %mul3A_463 : f32 to vector<16xf32>
        %mul3A_465 = arith.mulf %get3A_436, %mul3A_464 : vector<16xf32>
        %add3A_466 = arith.constant 1.000000e+00 : f32
        %add3A_467 = vector.broadcast %add3A_466 : f32 to vector<16xf32>
        %add3A_468 = arith.addf %mul3A_465, %add3A_467 : vector<16xf32>
        %gt3A = arith.constant 0.000000e+00 : f32
        %gt3A_469 = vector.broadcast %gt3A : f32 to vector<16xf32>
        %gt3A_470 = arith.cmpf ogt, %sub3A_450, %gt3A_469 : vector<16xf32>
        %add3A_471 = arith.addf %scan3A_384, %get3A_436 : vector<16xf32>
        %mul3A_472 = arith.constant 8 : i32
        %mul3A_473 = arith.muli %scan3A_383, %mul3A_472 : i32
        %add3A_474 = arith.constant 1 : i32
        %add3A_475 = arith.addi %mul3A_473, %add3A_474 : i32
        %jit3A_476 = arith.constant 32 : i32
        %div3A_477 = arith.divsi %add3A_475, %jit3A_476 : i32
        %sign3A_478 = arith.constant 0 : i32
        %sign3A_479 = arith.cmpi sgt, %add3A_475, %sign3A_478 : i32
        %sign3A_480 = arith.extui %sign3A_479 : i1 to i32
        %sign3A_481 = arith.constant 0 : i32
        %sign3A_482 = arith.cmpi slt, %add3A_475, %sign3A_481 : i32
        %sign3A_483 = arith.extui %sign3A_482 : i1 to i32
        %sign3A_484 = arith.subi %sign3A_480, %sign3A_483 : i32
        %sign3A_485 = arith.constant 0 : i32
        %sign3A_486 = arith.cmpi sgt, %jit3A_476, %sign3A_485 : i32
        %sign3A_487 = arith.extui %sign3A_486 : i1 to i32
        %sign3A_488 = arith.constant 0 : i32
        %sign3A_489 = arith.cmpi slt, %jit3A_476, %sign3A_488 : i32
        %sign3A_490 = arith.extui %sign3A_489 : i1 to i32
        %sign3A_491 = arith.subi %sign3A_487, %sign3A_490 : i32
        %ne3A_492 = arith.cmpi ne, %sign3A_484, %sign3A_491 : i32
        %rem3A_493 = arith.remsi %add3A_475, %jit3A_476 : i32
        %ne3A_494 = arith.constant 0 : i32
        %ne3A_495 = arith.cmpi ne, %rem3A_493, %ne3A_494 : i32
        %and3A_496 = arith.andi %ne3A_492, %ne3A_495 : i1
        %sub3A_497 = arith.constant 1 : i32
        %sub3A_498 = arith.subi %div3A_477, %sub3A_497 : i32
        %select_n3A_499 = arith.select %and3A_496, %sub3A_498, %div3A_477 : i32
        %jit3A_500 = arith.constant 32 : i32
        %eq3A_501 = arith.constant 0 : i32
        %eq3A_502 = arith.cmpi eq, %jit3A_500, %eq3A_501 : i32
        %jit3A_503 = arith.constant 1 : i32
        %select_n3A_504 = arith.select %eq3A_502, %jit3A_503, %jit3A_500 : i32
        %rem3A_505 = arith.remsi %add3A_475, %select_n3A_504 : i32
        %ne3A_506 = arith.constant 0 : i32
        %ne3A_507 = arith.cmpi ne, %rem3A_505, %ne3A_506 : i32
        %lt3A_508 = arith.constant 0 : i32
        %lt3A_509 = arith.cmpi slt, %rem3A_505, %lt3A_508 : i32
        %lt3A_510 = arith.constant 0 : i32
        %lt3A_511 = arith.cmpi slt, %select_n3A_504, %lt3A_510 : i32
        %ne3A_512 = arith.xori %lt3A_509, %lt3A_511 : i1
        %and3A_513 = arith.andi %ne3A_512, %ne3A_507 : i1
        %add3A_514 = arith.addi %rem3A_505, %select_n3A_504 : i32
        %select_n3A_515 = arith.select %and3A_513, %add3A_514, %rem3A_505 : i32
        %mul3A_516 = arith.constant 16 : i32
        %mul3A_517 = arith.muli %select_n3A_515, %mul3A_516 : i32
        %get3A_518 = arith.index_cast %select_n3A_499 : i32 to index
        %get3A_519 = arith.index_cast %mul3A_517 : i32 to index
        %get3A_520 = tpu.vector_load %arg10[%get3A_518, %get3A_519] {strides = array<i32>} : memref<8x512xf32, #tpu.memory_space<vmem>>, vector<16xf32>,
        %get3A_521 = arith.index_cast %select_n3A_499 : i32 to index
        %get3A_522 = arith.index_cast %mul3A_517 : i32 to index
        %get3A_523 = tpu.vector_load %arg11[%get3A_521, %get3A_522] {strides = array<i32>} : memref<8x512xf32, #tpu.memory_space<vmem>>, vector<16xf32>,
        %mul3A_524 = arith.constant 4.000000e+00 : f32
        %mul3A_525 = vector.broadcast %mul3A_524 : f32 to vector<16xf32>
        %mul3A_526 = arith.mulf %get3A_523, %mul3A_525 : vector<16xf32>
        %add3A_527 = arith.constant 1.000000e+00 : f32
        %add3A_528 = vector.broadcast %add3A_527 : f32 to vector<16xf32>
        %add3A_529 = arith.addf %mul3A_526, %add3A_528 : vector<16xf32>
        %mul3A_530 = arith.constant 2.000000e+00 : f32
        %mul3A_531 = vector.broadcast %mul3A_530 : f32 to vector<16xf32>
        %mul3A_532 = arith.mulf %get3A_523, %mul3A_531 : vector<16xf32>
        %sub3A_533 = arith.constant 1.000000e+00 : f32
        %sub3A_534 = vector.broadcast %sub3A_533 : f32 to vector<16xf32>
        %sub3A_535 = arith.subf %mul3A_532, %sub3A_534 : vector<16xf32>
        %mul3A_536 = arith.mulf %get3A_520, %sub3A_535 : vector<16xf32>
        %sub3A_537 = arith.subf %add3A_529, %mul3A_536 : vector<16xf32>
        %max3A_538 = arith.constant 0.000000e+00 : f32
        %max3A_539 = vector.broadcast %max3A_538 : f32 to vector<16xf32>
        %max3A_540 = arith.maximumf %sub3A_537, %max3A_539 : vector<16xf32>
        %mul3A_541 = arith.constant 1.280000e+02 : f32
        %mul3A_542 = vector.broadcast %mul3A_541 : f32 to vector<16xf32>
        %mul3A_543 = arith.mulf %max3A_540, %mul3A_542 : vector<16xf32>
        %convert_element_type3A_544 = arith.fptosi %mul3A_543 : vector<16xf32> to vector<16xi32>
        %min3A_545 = arith.constant 2047 : i32
        %min3A_546 = vector.broadcast %min3A_545 : i32 to vector<16xi32>
        %min3A_547 = arith.minsi %convert_element_type3A_544, %min3A_546 : vector<16xi32>
        %mul3A_548 = arith.constant 16 : i32
        %mul3A_549 = vector.broadcast %mul3A_548 : i32 to vector<16xi32>
        %mul3A_550 = arith.muli %min3A_547, %mul3A_549 : vector<16xi32>
        %add3A_551 = arith.addi %mul3A_550, %iota3A : vector<16xi32>
        %mul3A_552 = arith.constant 2.44140625E-4 : f32
        %mul3A_553 = vector.broadcast %mul3A_552 : f32 to vector<16xf32>
        %mul3A_554 = arith.mulf %get3A_523, %mul3A_553 : vector<16xf32>
        %add3A_555 = arith.constant 1.000000e+00 : f32
        %add3A_556 = vector.broadcast %add3A_555 : f32 to vector<16xf32>
        %add3A_557 = arith.addf %mul3A_554, %add3A_556 : vector<16xf32>
        %gt3A_558 = arith.constant 0.000000e+00 : f32
        %gt3A_559 = vector.broadcast %gt3A_558 : f32 to vector<16xf32>
        %gt3A_560 = arith.cmpf ogt, %sub3A_537, %gt3A_559 : vector<16xf32>
        %add3A_561 = arith.addf %add3A_471, %get3A_523 : vector<16xf32>
        %mul3A_562 = arith.constant 8 : i32
        %mul3A_563 = arith.muli %scan3A_383, %mul3A_562 : i32
        %add3A_564 = arith.constant 2 : i32
        %add3A_565 = arith.addi %mul3A_563, %add3A_564 : i32
        %jit3A_566 = arith.constant 32 : i32
        %div3A_567 = arith.divsi %add3A_565, %jit3A_566 : i32
        %sign3A_568 = arith.constant 0 : i32
        %sign3A_569 = arith.cmpi sgt, %add3A_565, %sign3A_568 : i32
        %sign3A_570 = arith.extui %sign3A_569 : i1 to i32
        %sign3A_571 = arith.constant 0 : i32
        %sign3A_572 = arith.cmpi slt, %add3A_565, %sign3A_571 : i32
        %sign3A_573 = arith.extui %sign3A_572 : i1 to i32
        %sign3A_574 = arith.subi %sign3A_570, %sign3A_573 : i32
        %sign3A_575 = arith.constant 0 : i32
        %sign3A_576 = arith.cmpi sgt, %jit3A_566, %sign3A_575 : i32
        %sign3A_577 = arith.extui %sign3A_576 : i1 to i32
        %sign3A_578 = arith.constant 0 : i32
        %sign3A_579 = arith.cmpi slt, %jit3A_566, %sign3A_578 : i32
        %sign3A_580 = arith.extui %sign3A_579 : i1 to i32
        %sign3A_581 = arith.subi %sign3A_577, %sign3A_580 : i32
        %ne3A_582 = arith.cmpi ne, %sign3A_574, %sign3A_581 : i32
        %rem3A_583 = arith.remsi %add3A_565, %jit3A_566 : i32
        %ne3A_584 = arith.constant 0 : i32
        %ne3A_585 = arith.cmpi ne, %rem3A_583, %ne3A_584 : i32
        %and3A_586 = arith.andi %ne3A_582, %ne3A_585 : i1
        %sub3A_587 = arith.constant 1 : i32
        %sub3A_588 = arith.subi %div3A_567, %sub3A_587 : i32
        %select_n3A_589 = arith.select %and3A_586, %sub3A_588, %div3A_567 : i32
        %jit3A_590 = arith.constant 32 : i32
        %eq3A_591 = arith.constant 0 : i32
        %eq3A_592 = arith.cmpi eq, %jit3A_590, %eq3A_591 : i32
        %jit3A_593 = arith.constant 1 : i32
        %select_n3A_594 = arith.select %eq3A_592, %jit3A_593, %jit3A_590 : i32
        %rem3A_595 = arith.remsi %add3A_565, %select_n3A_594 : i32
        %ne3A_596 = arith.constant 0 : i32
        %ne3A_597 = arith.cmpi ne, %rem3A_595, %ne3A_596 : i32
        %lt3A_598 = arith.constant 0 : i32
        %lt3A_599 = arith.cmpi slt, %rem3A_595, %lt3A_598 : i32
        %lt3A_600 = arith.constant 0 : i32
        %lt3A_601 = arith.cmpi slt, %select_n3A_594, %lt3A_600 : i32
        %ne3A_602 = arith.xori %lt3A_599, %lt3A_601 : i1
        %and3A_603 = arith.andi %ne3A_602, %ne3A_597 : i1
        %add3A_604 = arith.addi %rem3A_595, %select_n3A_594 : i32
        %select_n3A_605 = arith.select %and3A_603, %add3A_604, %rem3A_595 : i32
        %mul3A_606 = arith.constant 16 : i32
        %mul3A_607 = arith.muli %select_n3A_605, %mul3A_606 : i32
        %get3A_608 = arith.index_cast %select_n3A_589 : i32 to index
        %get3A_609 = arith.index_cast %mul3A_607 : i32 to index
        %get3A_610 = tpu.vector_load %arg10[%get3A_608, %get3A_609] {strides = array<i32>} : memref<8x512xf32, #tpu.memory_space<vmem>>, vector<16xf32>,
        %get3A_611 = arith.index_cast %select_n3A_589 : i32 to index
        %get3A_612 = arith.index_cast %mul3A_607 : i32 to index
        %get3A_613 = tpu.vector_load %arg11[%get3A_611, %get3A_612] {strides = array<i32>} : memref<8x512xf32, #tpu.memory_space<vmem>>, vector<16xf32>,
        %mul3A_614 = arith.constant 4.000000e+00 : f32
        %mul3A_615 = vector.broadcast %mul3A_614 : f32 to vector<16xf32>
        %mul3A_616 = arith.mulf %get3A_613, %mul3A_615 : vector<16xf32>
        %add3A_617 = arith.constant 1.000000e+00 : f32
        %add3A_618 = vector.broadcast %add3A_617 : f32 to vector<16xf32>
        %add3A_619 = arith.addf %mul3A_616, %add3A_618 : vector<16xf32>
        %mul3A_620 = arith.constant 2.000000e+00 : f32
        %mul3A_621 = vector.broadcast %mul3A_620 : f32 to vector<16xf32>
        %mul3A_622 = arith.mulf %get3A_613, %mul3A_621 : vector<16xf32>
        %sub3A_623 = arith.constant 1.000000e+00 : f32
        %sub3A_624 = vector.broadcast %sub3A_623 : f32 to vector<16xf32>
        %sub3A_625 = arith.subf %mul3A_622, %sub3A_624 : vector<16xf32>
        %mul3A_626 = arith.mulf %get3A_610, %sub3A_625 : vector<16xf32>
        %sub3A_627 = arith.subf %add3A_619, %mul3A_626 : vector<16xf32>
        %max3A_628 = arith.constant 0.000000e+00 : f32
        %max3A_629 = vector.broadcast %max3A_628 : f32 to vector<16xf32>
        %max3A_630 = arith.maximumf %sub3A_627, %max3A_629 : vector<16xf32>
        %mul3A_631 = arith.constant 1.280000e+02 : f32
        %mul3A_632 = vector.broadcast %mul3A_631 : f32 to vector<16xf32>
        %mul3A_633 = arith.mulf %max3A_630, %mul3A_632 : vector<16xf32>
        %convert_element_type3A_634 = arith.fptosi %mul3A_633 : vector<16xf32> to vector<16xi32>
        %min3A_635 = arith.constant 2047 : i32
        %min3A_636 = vector.broadcast %min3A_635 : i32 to vector<16xi32>
        %min3A_637 = arith.minsi %convert_element_type3A_634, %min3A_636 : vector<16xi32>
        %mul3A_638 = arith.constant 16 : i32
        %mul3A_639 = vector.broadcast %mul3A_638 : i32 to vector<16xi32>
        %mul3A_640 = arith.muli %min3A_637, %mul3A_639 : vector<16xi32>
        %add3A_641 = arith.addi %mul3A_640, %iota3A : vector<16xi32>
        %mul3A_642 = arith.constant 2.44140625E-4 : f32
        %mul3A_643 = vector.broadcast %mul3A_642 : f32 to vector<16xf32>
        %mul3A_644 = arith.mulf %get3A_613, %mul3A_643 : vector<16xf32>
        %add3A_645 = arith.constant 1.000000e+00 : f32
        %add3A_646 = vector.broadcast %add3A_645 : f32 to vector<16xf32>
        %add3A_647 = arith.addf %mul3A_644, %add3A_646 : vector<16xf32>
        %gt3A_648 = arith.constant 0.000000e+00 : f32
        %gt3A_649 = vector.broadcast %gt3A_648 : f32 to vector<16xf32>
        %gt3A_650 = arith.cmpf ogt, %sub3A_627, %gt3A_649 : vector<16xf32>
        %add3A_651 = arith.addf %add3A_561, %get3A_613 : vector<16xf32>
        %mul3A_652 = arith.constant 8 : i32
        %mul3A_653 = arith.muli %scan3A_383, %mul3A_652 : i32
        %add3A_654 = arith.constant 3 : i32
        %add3A_655 = arith.addi %mul3A_653, %add3A_654 : i32
        %jit3A_656 = arith.constant 32 : i32
        %div3A_657 = arith.divsi %add3A_655, %jit3A_656 : i32
        %sign3A_658 = arith.constant 0 : i32
        %sign3A_659 = arith.cmpi sgt, %add3A_655, %sign3A_658 : i32
        %sign3A_660 = arith.extui %sign3A_659 : i1 to i32
        %sign3A_661 = arith.constant 0 : i32
        %sign3A_662 = arith.cmpi slt, %add3A_655, %sign3A_661 : i32
        %sign3A_663 = arith.extui %sign3A_662 : i1 to i32
        %sign3A_664 = arith.subi %sign3A_660, %sign3A_663 : i32
        %sign3A_665 = arith.constant 0 : i32
        %sign3A_666 = arith.cmpi sgt, %jit3A_656, %sign3A_665 : i32
        %sign3A_667 = arith.extui %sign3A_666 : i1 to i32
        %sign3A_668 = arith.constant 0 : i32
        %sign3A_669 = arith.cmpi slt, %jit3A_656, %sign3A_668 : i32
        %sign3A_670 = arith.extui %sign3A_669 : i1 to i32
        %sign3A_671 = arith.subi %sign3A_667, %sign3A_670 : i32
        %ne3A_672 = arith.cmpi ne, %sign3A_664, %sign3A_671 : i32
        %rem3A_673 = arith.remsi %add3A_655, %jit3A_656 : i32
        %ne3A_674 = arith.constant 0 : i32
        %ne3A_675 = arith.cmpi ne, %rem3A_673, %ne3A_674 : i32
        %and3A_676 = arith.andi %ne3A_672, %ne3A_675 : i1
        %sub3A_677 = arith.constant 1 : i32
        %sub3A_678 = arith.subi %div3A_657, %sub3A_677 : i32
        %select_n3A_679 = arith.select %and3A_676, %sub3A_678, %div3A_657 : i32
        %jit3A_680 = arith.constant 32 : i32
        %eq3A_681 = arith.constant 0 : i32
        %eq3A_682 = arith.cmpi eq, %jit3A_680, %eq3A_681 : i32
        %jit3A_683 = arith.constant 1 : i32
        %select_n3A_684 = arith.select %eq3A_682, %jit3A_683, %jit3A_680 : i32
        %rem3A_685 = arith.remsi %add3A_655, %select_n3A_684 : i32
        %ne3A_686 = arith.constant 0 : i32
        %ne3A_687 = arith.cmpi ne, %rem3A_685, %ne3A_686 : i32
        %lt3A_688 = arith.constant 0 : i32
        %lt3A_689 = arith.cmpi slt, %rem3A_685, %lt3A_688 : i32
        %lt3A_690 = arith.constant 0 : i32
        %lt3A_691 = arith.cmpi slt, %select_n3A_684, %lt3A_690 : i32
        %ne3A_692 = arith.xori %lt3A_689, %lt3A_691 : i1
        %and3A_693 = arith.andi %ne3A_692, %ne3A_687 : i1
        %add3A_694 = arith.addi %rem3A_685, %select_n3A_684 : i32
        %select_n3A_695 = arith.select %and3A_693, %add3A_694, %rem3A_685 : i32
        %mul3A_696 = arith.constant 16 : i32
        %mul3A_697 = arith.muli %select_n3A_695, %mul3A_696 : i32
        %get3A_698 = arith.index_cast %select_n3A_679 : i32 to index
        %get3A_699 = arith.index_cast %mul3A_697 : i32 to index
        %get3A_700 = tpu.vector_load %arg10[%get3A_698, %get3A_699] {strides = array<i32>} : memref<8x512xf32, #tpu.memory_space<vmem>>, vector<16xf32>,
        %get3A_701 = arith.index_cast %select_n3A_679 : i32 to index
        %get3A_702 = arith.index_cast %mul3A_697 : i32 to index
        %get3A_703 = tpu.vector_load %arg11[%get3A_701, %get3A_702] {strides = array<i32>} : memref<8x512xf32, #tpu.memory_space<vmem>>, vector<16xf32>,
        %mul3A_704 = arith.constant 4.000000e+00 : f32
        %mul3A_705 = vector.broadcast %mul3A_704 : f32 to vector<16xf32>
        %mul3A_706 = arith.mulf %get3A_703, %mul3A_705 : vector<16xf32>
        %add3A_707 = arith.constant 1.000000e+00 : f32
        %add3A_708 = vector.broadcast %add3A_707 : f32 to vector<16xf32>
        %add3A_709 = arith.addf %mul3A_706, %add3A_708 : vector<16xf32>
        %mul3A_710 = arith.constant 2.000000e+00 : f32
        %mul3A_711 = vector.broadcast %mul3A_710 : f32 to vector<16xf32>
        %mul3A_712 = arith.mulf %get3A_703, %mul3A_711 : vector<16xf32>
        %sub3A_713 = arith.constant 1.000000e+00 : f32
        %sub3A_714 = vector.broadcast %sub3A_713 : f32 to vector<16xf32>
        %sub3A_715 = arith.subf %mul3A_712, %sub3A_714 : vector<16xf32>
        %mul3A_716 = arith.mulf %get3A_700, %sub3A_715 : vector<16xf32>
        %sub3A_717 = arith.subf %add3A_709, %mul3A_716 : vector<16xf32>
        %max3A_718 = arith.constant 0.000000e+00 : f32
        %max3A_719 = vector.broadcast %max3A_718 : f32 to vector<16xf32>
        %max3A_720 = arith.maximumf %sub3A_717, %max3A_719 : vector<16xf32>
        %mul3A_721 = arith.constant 1.280000e+02 : f32
        %mul3A_722 = vector.broadcast %mul3A_721 : f32 to vector<16xf32>
        %mul3A_723 = arith.mulf %max3A_720, %mul3A_722 : vector<16xf32>
        %convert_element_type3A_724 = arith.fptosi %mul3A_723 : vector<16xf32> to vector<16xi32>
        %min3A_725 = arith.constant 2047 : i32
        %min3A_726 = vector.broadcast %min3A_725 : i32 to vector<16xi32>
        %min3A_727 = arith.minsi %convert_element_type3A_724, %min3A_726 : vector<16xi32>
        %mul3A_728 = arith.constant 16 : i32
        %mul3A_729 = vector.broadcast %mul3A_728 : i32 to vector<16xi32>
        %mul3A_730 = arith.muli %min3A_727, %mul3A_729 : vector<16xi32>
        %add3A_731 = arith.addi %mul3A_730, %iota3A : vector<16xi32>
        %mul3A_732 = arith.constant 2.44140625E-4 : f32
        %mul3A_733 = vector.broadcast %mul3A_732 : f32 to vector<16xf32>
        %mul3A_734 = arith.mulf %get3A_703, %mul3A_733 : vector<16xf32>
        %add3A_735 = arith.constant 1.000000e+00 : f32
        %add3A_736 = vector.broadcast %add3A_735 : f32 to vector<16xf32>
        %add3A_737 = arith.addf %mul3A_734, %add3A_736 : vector<16xf32>
        %gt3A_738 = arith.constant 0.000000e+00 : f32
        %gt3A_739 = vector.broadcast %gt3A_738 : f32 to vector<16xf32>
        %gt3A_740 = arith.cmpf ogt, %sub3A_717, %gt3A_739 : vector<16xf32>
        %add3A_741 = arith.addf %add3A_651, %get3A_703 : vector<16xf32>
        %mul3A_742 = arith.constant 8 : i32
        %mul3A_743 = arith.muli %scan3A_383, %mul3A_742 : i32
        %add3A_744 = arith.constant 4 : i32
        %add3A_745 = arith.addi %mul3A_743, %add3A_744 : i32
        %jit3A_746 = arith.constant 32 : i32
        %div3A_747 = arith.divsi %add3A_745, %jit3A_746 : i32
        %sign3A_748 = arith.constant 0 : i32
        %sign3A_749 = arith.cmpi sgt, %add3A_745, %sign3A_748 : i32
        %sign3A_750 = arith.extui %sign3A_749 : i1 to i32
        %sign3A_751 = arith.constant 0 : i32
        %sign3A_752 = arith.cmpi slt, %add3A_745, %sign3A_751 : i32
        %sign3A_753 = arith.extui %sign3A_752 : i1 to i32
        %sign3A_754 = arith.subi %sign3A_750, %sign3A_753 : i32
        %sign3A_755 = arith.constant 0 : i32
        %sign3A_756 = arith.cmpi sgt, %jit3A_746, %sign3A_755 : i32
        %sign3A_757 = arith.extui %sign3A_756 : i1 to i32
        %sign3A_758 = arith.constant 0 : i32
        %sign3A_759 = arith.cmpi slt, %jit3A_746, %sign3A_758 : i32
        %sign3A_760 = arith.extui %sign3A_759 : i1 to i32
        %sign3A_761 = arith.subi %sign3A_757, %sign3A_760 : i32
        %ne3A_762 = arith.cmpi ne, %sign3A_754, %sign3A_761 : i32
        %rem3A_763 = arith.remsi %add3A_745, %jit3A_746 : i32
        %ne3A_764 = arith.constant 0 : i32
        %ne3A_765 = arith.cmpi ne, %rem3A_763, %ne3A_764 : i32
        %and3A_766 = arith.andi %ne3A_762, %ne3A_765 : i1
        %sub3A_767 = arith.constant 1 : i32
        %sub3A_768 = arith.subi %div3A_747, %sub3A_767 : i32
        %select_n3A_769 = arith.select %and3A_766, %sub3A_768, %div3A_747 : i32
        %jit3A_770 = arith.constant 32 : i32
        %eq3A_771 = arith.constant 0 : i32
        %eq3A_772 = arith.cmpi eq, %jit3A_770, %eq3A_771 : i32
        %jit3A_773 = arith.constant 1 : i32
        %select_n3A_774 = arith.select %eq3A_772, %jit3A_773, %jit3A_770 : i32
        %rem3A_775 = arith.remsi %add3A_745, %select_n3A_774 : i32
        %ne3A_776 = arith.constant 0 : i32
        %ne3A_777 = arith.cmpi ne, %rem3A_775, %ne3A_776 : i32
        %lt3A_778 = arith.constant 0 : i32
        %lt3A_779 = arith.cmpi slt, %rem3A_775, %lt3A_778 : i32
        %lt3A_780 = arith.constant 0 : i32
        %lt3A_781 = arith.cmpi slt, %select_n3A_774, %lt3A_780 : i32
        %ne3A_782 = arith.xori %lt3A_779, %lt3A_781 : i1
        %and3A_783 = arith.andi %ne3A_782, %ne3A_777 : i1
        %add3A_784 = arith.addi %rem3A_775, %select_n3A_774 : i32
        %select_n3A_785 = arith.select %and3A_783, %add3A_784, %rem3A_775 : i32
        %mul3A_786 = arith.constant 16 : i32
        %mul3A_787 = arith.muli %select_n3A_785, %mul3A_786 : i32
        %get3A_788 = arith.index_cast %select_n3A_769 : i32 to index
        %get3A_789 = arith.index_cast %mul3A_787 : i32 to index
        %get3A_790 = tpu.vector_load %arg10[%get3A_788, %get3A_789] {strides = array<i32>} : memref<8x512xf32, #tpu.memory_space<vmem>>, vector<16xf32>,
        %get3A_791 = arith.index_cast %select_n3A_769 : i32 to index
        %get3A_792 = arith.index_cast %mul3A_787 : i32 to index
        %get3A_793 = tpu.vector_load %arg11[%get3A_791, %get3A_792] {strides = array<i32>} : memref<8x512xf32, #tpu.memory_space<vmem>>, vector<16xf32>,
        %mul3A_794 = arith.constant 4.000000e+00 : f32
        %mul3A_795 = vector.broadcast %mul3A_794 : f32 to vector<16xf32>
        %mul3A_796 = arith.mulf %get3A_793, %mul3A_795 : vector<16xf32>
        %add3A_797 = arith.constant 1.000000e+00 : f32
        %add3A_798 = vector.broadcast %add3A_797 : f32 to vector<16xf32>
        %add3A_799 = arith.addf %mul3A_796, %add3A_798 : vector<16xf32>
        %mul3A_800 = arith.constant 2.000000e+00 : f32
        %mul3A_801 = vector.broadcast %mul3A_800 : f32 to vector<16xf32>
        %mul3A_802 = arith.mulf %get3A_793, %mul3A_801 : vector<16xf32>
        %sub3A_803 = arith.constant 1.000000e+00 : f32
        %sub3A_804 = vector.broadcast %sub3A_803 : f32 to vector<16xf32>
        %sub3A_805 = arith.subf %mul3A_802, %sub3A_804 : vector<16xf32>
        %mul3A_806 = arith.mulf %get3A_790, %sub3A_805 : vector<16xf32>
        %sub3A_807 = arith.subf %add3A_799, %mul3A_806 : vector<16xf32>
        %max3A_808 = arith.constant 0.000000e+00 : f32
        %max3A_809 = vector.broadcast %max3A_808 : f32 to vector<16xf32>
        %max3A_810 = arith.maximumf %sub3A_807, %max3A_809 : vector<16xf32>
        %mul3A_811 = arith.constant 1.280000e+02 : f32
        %mul3A_812 = vector.broadcast %mul3A_811 : f32 to vector<16xf32>
        %mul3A_813 = arith.mulf %max3A_810, %mul3A_812 : vector<16xf32>
        %convert_element_type3A_814 = arith.fptosi %mul3A_813 : vector<16xf32> to vector<16xi32>
        %min3A_815 = arith.constant 2047 : i32
        %min3A_816 = vector.broadcast %min3A_815 : i32 to vector<16xi32>
        %min3A_817 = arith.minsi %convert_element_type3A_814, %min3A_816 : vector<16xi32>
        %mul3A_818 = arith.constant 16 : i32
        %mul3A_819 = vector.broadcast %mul3A_818 : i32 to vector<16xi32>
        %mul3A_820 = arith.muli %min3A_817, %mul3A_819 : vector<16xi32>
        %add3A_821 = arith.addi %mul3A_820, %iota3A : vector<16xi32>
        %mul3A_822 = arith.constant 2.44140625E-4 : f32
        %mul3A_823 = vector.broadcast %mul3A_822 : f32 to vector<16xf32>
        %mul3A_824 = arith.mulf %get3A_793, %mul3A_823 : vector<16xf32>
        %add3A_825 = arith.constant 1.000000e+00 : f32
        %add3A_826 = vector.broadcast %add3A_825 : f32 to vector<16xf32>
        %add3A_827 = arith.addf %mul3A_824, %add3A_826 : vector<16xf32>
        %gt3A_828 = arith.constant 0.000000e+00 : f32
        %gt3A_829 = vector.broadcast %gt3A_828 : f32 to vector<16xf32>
        %gt3A_830 = arith.cmpf ogt, %sub3A_807, %gt3A_829 : vector<16xf32>
        %add3A_831 = arith.addf %add3A_741, %get3A_793 : vector<16xf32>
        %mul3A_832 = arith.constant 8 : i32
        %mul3A_833 = arith.muli %scan3A_383, %mul3A_832 : i32
        %add3A_834 = arith.constant 5 : i32
        %add3A_835 = arith.addi %mul3A_833, %add3A_834 : i32
        %jit3A_836 = arith.constant 32 : i32
        %div3A_837 = arith.divsi %add3A_835, %jit3A_836 : i32
        %sign3A_838 = arith.constant 0 : i32
        %sign3A_839 = arith.cmpi sgt, %add3A_835, %sign3A_838 : i32
        %sign3A_840 = arith.extui %sign3A_839 : i1 to i32
        %sign3A_841 = arith.constant 0 : i32
        %sign3A_842 = arith.cmpi slt, %add3A_835, %sign3A_841 : i32
        %sign3A_843 = arith.extui %sign3A_842 : i1 to i32
        %sign3A_844 = arith.subi %sign3A_840, %sign3A_843 : i32
        %sign3A_845 = arith.constant 0 : i32
        %sign3A_846 = arith.cmpi sgt, %jit3A_836, %sign3A_845 : i32
        %sign3A_847 = arith.extui %sign3A_846 : i1 to i32
        %sign3A_848 = arith.constant 0 : i32
        %sign3A_849 = arith.cmpi slt, %jit3A_836, %sign3A_848 : i32
        %sign3A_850 = arith.extui %sign3A_849 : i1 to i32
        %sign3A_851 = arith.subi %sign3A_847, %sign3A_850 : i32
        %ne3A_852 = arith.cmpi ne, %sign3A_844, %sign3A_851 : i32
        %rem3A_853 = arith.remsi %add3A_835, %jit3A_836 : i32
        %ne3A_854 = arith.constant 0 : i32
        %ne3A_855 = arith.cmpi ne, %rem3A_853, %ne3A_854 : i32
        %and3A_856 = arith.andi %ne3A_852, %ne3A_855 : i1
        %sub3A_857 = arith.constant 1 : i32
        %sub3A_858 = arith.subi %div3A_837, %sub3A_857 : i32
        %select_n3A_859 = arith.select %and3A_856, %sub3A_858, %div3A_837 : i32
        %jit3A_860 = arith.constant 32 : i32
        %eq3A_861 = arith.constant 0 : i32
        %eq3A_862 = arith.cmpi eq, %jit3A_860, %eq3A_861 : i32
        %jit3A_863 = arith.constant 1 : i32
        %select_n3A_864 = arith.select %eq3A_862, %jit3A_863, %jit3A_860 : i32
        %rem3A_865 = arith.remsi %add3A_835, %select_n3A_864 : i32
        %ne3A_866 = arith.constant 0 : i32
        %ne3A_867 = arith.cmpi ne, %rem3A_865, %ne3A_866 : i32
        %lt3A_868 = arith.constant 0 : i32
        %lt3A_869 = arith.cmpi slt, %rem3A_865, %lt3A_868 : i32
        %lt3A_870 = arith.constant 0 : i32
        %lt3A_871 = arith.cmpi slt, %select_n3A_864, %lt3A_870 : i32
        %ne3A_872 = arith.xori %lt3A_869, %lt3A_871 : i1
        %and3A_873 = arith.andi %ne3A_872, %ne3A_867 : i1
        %add3A_874 = arith.addi %rem3A_865, %select_n3A_864 : i32
        %select_n3A_875 = arith.select %and3A_873, %add3A_874, %rem3A_865 : i32
        %mul3A_876 = arith.constant 16 : i32
        %mul3A_877 = arith.muli %select_n3A_875, %mul3A_876 : i32
        %get3A_878 = arith.index_cast %select_n3A_859 : i32 to index
        %get3A_879 = arith.index_cast %mul3A_877 : i32 to index
        %get3A_880 = tpu.vector_load %arg10[%get3A_878, %get3A_879] {strides = array<i32>} : memref<8x512xf32, #tpu.memory_space<vmem>>, vector<16xf32>,
        %get3A_881 = arith.index_cast %select_n3A_859 : i32 to index
        %get3A_882 = arith.index_cast %mul3A_877 : i32 to index
        %get3A_883 = tpu.vector_load %arg11[%get3A_881, %get3A_882] {strides = array<i32>} : memref<8x512xf32, #tpu.memory_space<vmem>>, vector<16xf32>,
        %mul3A_884 = arith.constant 4.000000e+00 : f32
        %mul3A_885 = vector.broadcast %mul3A_884 : f32 to vector<16xf32>
        %mul3A_886 = arith.mulf %get3A_883, %mul3A_885 : vector<16xf32>
        %add3A_887 = arith.constant 1.000000e+00 : f32
        %add3A_888 = vector.broadcast %add3A_887 : f32 to vector<16xf32>
        %add3A_889 = arith.addf %mul3A_886, %add3A_888 : vector<16xf32>
        %mul3A_890 = arith.constant 2.000000e+00 : f32
        %mul3A_891 = vector.broadcast %mul3A_890 : f32 to vector<16xf32>
        %mul3A_892 = arith.mulf %get3A_883, %mul3A_891 : vector<16xf32>
        %sub3A_893 = arith.constant 1.000000e+00 : f32
        %sub3A_894 = vector.broadcast %sub3A_893 : f32 to vector<16xf32>
        %sub3A_895 = arith.subf %mul3A_892, %sub3A_894 : vector<16xf32>
        %mul3A_896 = arith.mulf %get3A_880, %sub3A_895 : vector<16xf32>
        %sub3A_897 = arith.subf %add3A_889, %mul3A_896 : vector<16xf32>
        %max3A_898 = arith.constant 0.000000e+00 : f32
        %max3A_899 = vector.broadcast %max3A_898 : f32 to vector<16xf32>
        %max3A_900 = arith.maximumf %sub3A_897, %max3A_899 : vector<16xf32>
        %mul3A_901 = arith.constant 1.280000e+02 : f32
        %mul3A_902 = vector.broadcast %mul3A_901 : f32 to vector<16xf32>
        %mul3A_903 = arith.mulf %max3A_900, %mul3A_902 : vector<16xf32>
        %convert_element_type3A_904 = arith.fptosi %mul3A_903 : vector<16xf32> to vector<16xi32>
        %min3A_905 = arith.constant 2047 : i32
        %min3A_906 = vector.broadcast %min3A_905 : i32 to vector<16xi32>
        %min3A_907 = arith.minsi %convert_element_type3A_904, %min3A_906 : vector<16xi32>
        %mul3A_908 = arith.constant 16 : i32
        %mul3A_909 = vector.broadcast %mul3A_908 : i32 to vector<16xi32>
        %mul3A_910 = arith.muli %min3A_907, %mul3A_909 : vector<16xi32>
        %add3A_911 = arith.addi %mul3A_910, %iota3A : vector<16xi32>
        %mul3A_912 = arith.constant 2.44140625E-4 : f32
        %mul3A_913 = vector.broadcast %mul3A_912 : f32 to vector<16xf32>
        %mul3A_914 = arith.mulf %get3A_883, %mul3A_913 : vector<16xf32>
        %add3A_915 = arith.constant 1.000000e+00 : f32
        %add3A_916 = vector.broadcast %add3A_915 : f32 to vector<16xf32>
        %add3A_917 = arith.addf %mul3A_914, %add3A_916 : vector<16xf32>
        %gt3A_918 = arith.constant 0.000000e+00 : f32
        %gt3A_919 = vector.broadcast %gt3A_918 : f32 to vector<16xf32>
        %gt3A_920 = arith.cmpf ogt, %sub3A_897, %gt3A_919 : vector<16xf32>
        %add3A_921 = arith.addf %add3A_831, %get3A_883 : vector<16xf32>
        %mul3A_922 = arith.constant 8 : i32
        %mul3A_923 = arith.muli %scan3A_383, %mul3A_922 : i32
        %add3A_924 = arith.constant 6 : i32
        %add3A_925 = arith.addi %mul3A_923, %add3A_924 : i32
        %jit3A_926 = arith.constant 32 : i32
        %div3A_927 = arith.divsi %add3A_925, %jit3A_926 : i32
        %sign3A_928 = arith.constant 0 : i32
        %sign3A_929 = arith.cmpi sgt, %add3A_925, %sign3A_928 : i32
        %sign3A_930 = arith.extui %sign3A_929 : i1 to i32
        %sign3A_931 = arith.constant 0 : i32
        %sign3A_932 = arith.cmpi slt, %add3A_925, %sign3A_931 : i32
        %sign3A_933 = arith.extui %sign3A_932 : i1 to i32
        %sign3A_934 = arith.subi %sign3A_930, %sign3A_933 : i32
        %sign3A_935 = arith.constant 0 : i32
        %sign3A_936 = arith.cmpi sgt, %jit3A_926, %sign3A_935 : i32
        %sign3A_937 = arith.extui %sign3A_936 : i1 to i32
        %sign3A_938 = arith.constant 0 : i32
        %sign3A_939 = arith.cmpi slt, %jit3A_926, %sign3A_938 : i32
        %sign3A_940 = arith.extui %sign3A_939 : i1 to i32
        %sign3A_941 = arith.subi %sign3A_937, %sign3A_940 : i32
        %ne3A_942 = arith.cmpi ne, %sign3A_934, %sign3A_941 : i32
        %rem3A_943 = arith.remsi %add3A_925, %jit3A_926 : i32
        %ne3A_944 = arith.constant 0 : i32
        %ne3A_945 = arith.cmpi ne, %rem3A_943, %ne3A_944 : i32
        %and3A_946 = arith.andi %ne3A_942, %ne3A_945 : i1
        %sub3A_947 = arith.constant 1 : i32
        %sub3A_948 = arith.subi %div3A_927, %sub3A_947 : i32
        %select_n3A_949 = arith.select %and3A_946, %sub3A_948, %div3A_927 : i32
        %jit3A_950 = arith.constant 32 : i32
        %eq3A_951 = arith.constant 0 : i32
        %eq3A_952 = arith.cmpi eq, %jit3A_950, %eq3A_951 : i32
        %jit3A_953 = arith.constant 1 : i32
        %select_n3A_954 = arith.select %eq3A_952, %jit3A_953, %jit3A_950 : i32
        %rem3A_955 = arith.remsi %add3A_925, %select_n3A_954 : i32
        %ne3A_956 = arith.constant 0 : i32
        %ne3A_957 = arith.cmpi ne, %rem3A_955, %ne3A_956 : i32
        %lt3A_958 = arith.constant 0 : i32
        %lt3A_959 = arith.cmpi slt, %rem3A_955, %lt3A_958 : i32
        %lt3A_960 = arith.constant 0 : i32
        %lt3A_961 = arith.cmpi slt, %select_n3A_954, %lt3A_960 : i32
        %ne3A_962 = arith.xori %lt3A_959, %lt3A_961 : i1
        %and3A_963 = arith.andi %ne3A_962, %ne3A_957 : i1
        %add3A_964 = arith.addi %rem3A_955, %select_n3A_954 : i32
        %select_n3A_965 = arith.select %and3A_963, %add3A_964, %rem3A_955 : i32
        %mul3A_966 = arith.constant 16 : i32
        %mul3A_967 = arith.muli %select_n3A_965, %mul3A_966 : i32
        %get3A_968 = arith.index_cast %select_n3A_949 : i32 to index
        %get3A_969 = arith.index_cast %mul3A_967 : i32 to index
        %get3A_970 = tpu.vector_load %arg10[%get3A_968, %get3A_969] {strides = array<i32>} : memref<8x512xf32, #tpu.memory_space<vmem>>, vector<16xf32>,
        %get3A_971 = arith.index_cast %select_n3A_949 : i32 to index
        %get3A_972 = arith.index_cast %mul3A_967 : i32 to index
        %get3A_973 = tpu.vector_load %arg11[%get3A_971, %get3A_972] {strides = array<i32>} : memref<8x512xf32, #tpu.memory_space<vmem>>, vector<16xf32>,
        %mul3A_974 = arith.constant 4.000000e+00 : f32
        %mul3A_975 = vector.broadcast %mul3A_974 : f32 to vector<16xf32>
        %mul3A_976 = arith.mulf %get3A_973, %mul3A_975 : vector<16xf32>
        %add3A_977 = arith.constant 1.000000e+00 : f32
        %add3A_978 = vector.broadcast %add3A_977 : f32 to vector<16xf32>
        %add3A_979 = arith.addf %mul3A_976, %add3A_978 : vector<16xf32>
        %mul3A_980 = arith.constant 2.000000e+00 : f32
        %mul3A_981 = vector.broadcast %mul3A_980 : f32 to vector<16xf32>
        %mul3A_982 = arith.mulf %get3A_973, %mul3A_981 : vector<16xf32>
        %sub3A_983 = arith.constant 1.000000e+00 : f32
        %sub3A_984 = vector.broadcast %sub3A_983 : f32 to vector<16xf32>
        %sub3A_985 = arith.subf %mul3A_982, %sub3A_984 : vector<16xf32>
        %mul3A_986 = arith.mulf %get3A_970, %sub3A_985 : vector<16xf32>
        %sub3A_987 = arith.subf %add3A_979, %mul3A_986 : vector<16xf32>
        %max3A_988 = arith.constant 0.000000e+00 : f32
        %max3A_989 = vector.broadcast %max3A_988 : f32 to vector<16xf32>
        %max3A_990 = arith.maximumf %sub3A_987, %max3A_989 : vector<16xf32>
        %mul3A_991 = arith.constant 1.280000e+02 : f32
        %mul3A_992 = vector.broadcast %mul3A_991 : f32 to vector<16xf32>
        %mul3A_993 = arith.mulf %max3A_990, %mul3A_992 : vector<16xf32>
        %convert_element_type3A_994 = arith.fptosi %mul3A_993 : vector<16xf32> to vector<16xi32>
        %min3A_995 = arith.constant 2047 : i32
        %min3A_996 = vector.broadcast %min3A_995 : i32 to vector<16xi32>
        %min3A_997 = arith.minsi %convert_element_type3A_994, %min3A_996 : vector<16xi32>
        %mul3A_998 = arith.constant 16 : i32
        %mul3A_999 = vector.broadcast %mul3A_998 : i32 to vector<16xi32>
        %mul3A_1000 = arith.muli %min3A_997, %mul3A_999 : vector<16xi32>
        %add3A_1001 = arith.addi %mul3A_1000, %iota3A : vector<16xi32>
        %mul3A_1002 = arith.constant 2.44140625E-4 : f32
        %mul3A_1003 = vector.broadcast %mul3A_1002 : f32 to vector<16xf32>
        %mul3A_1004 = arith.mulf %get3A_973, %mul3A_1003 : vector<16xf32>
        %add3A_1005 = arith.constant 1.000000e+00 : f32
        %add3A_1006 = vector.broadcast %add3A_1005 : f32 to vector<16xf32>
        %add3A_1007 = arith.addf %mul3A_1004, %add3A_1006 : vector<16xf32>
        %gt3A_1008 = arith.constant 0.000000e+00 : f32
        %gt3A_1009 = vector.broadcast %gt3A_1008 : f32 to vector<16xf32>
        %gt3A_1010 = arith.cmpf ogt, %sub3A_987, %gt3A_1009 : vector<16xf32>
        %add3A_1011 = arith.addf %add3A_921, %get3A_973 : vector<16xf32>
        %mul3A_1012 = arith.constant 8 : i32
        %mul3A_1013 = arith.muli %scan3A_383, %mul3A_1012 : i32
        %add3A_1014 = arith.constant 7 : i32
        %add3A_1015 = arith.addi %mul3A_1013, %add3A_1014 : i32
        %jit3A_1016 = arith.constant 32 : i32
        %div3A_1017 = arith.divsi %add3A_1015, %jit3A_1016 : i32
        %sign3A_1018 = arith.constant 0 : i32
        %sign3A_1019 = arith.cmpi sgt, %add3A_1015, %sign3A_1018 : i32
        %sign3A_1020 = arith.extui %sign3A_1019 : i1 to i32
        %sign3A_1021 = arith.constant 0 : i32
        %sign3A_1022 = arith.cmpi slt, %add3A_1015, %sign3A_1021 : i32
        %sign3A_1023 = arith.extui %sign3A_1022 : i1 to i32
        %sign3A_1024 = arith.subi %sign3A_1020, %sign3A_1023 : i32
        %sign3A_1025 = arith.constant 0 : i32
        %sign3A_1026 = arith.cmpi sgt, %jit3A_1016, %sign3A_1025 : i32
        %sign3A_1027 = arith.extui %sign3A_1026 : i1 to i32
        %sign3A_1028 = arith.constant 0 : i32
        %sign3A_1029 = arith.cmpi slt, %jit3A_1016, %sign3A_1028 : i32
        %sign3A_1030 = arith.extui %sign3A_1029 : i1 to i32
        %sign3A_1031 = arith.subi %sign3A_1027, %sign3A_1030 : i32
        %ne3A_1032 = arith.cmpi ne, %sign3A_1024, %sign3A_1031 : i32
        %rem3A_1033 = arith.remsi %add3A_1015, %jit3A_1016 : i32
        %ne3A_1034 = arith.constant 0 : i32
        %ne3A_1035 = arith.cmpi ne, %rem3A_1033, %ne3A_1034 : i32
        %and3A_1036 = arith.andi %ne3A_1032, %ne3A_1035 : i1
        %sub3A_1037 = arith.constant 1 : i32
        %sub3A_1038 = arith.subi %div3A_1017, %sub3A_1037 : i32
        %select_n3A_1039 = arith.select %and3A_1036, %sub3A_1038, %div3A_1017 : i32
        %jit3A_1040 = arith.constant 32 : i32
        %eq3A_1041 = arith.constant 0 : i32
        %eq3A_1042 = arith.cmpi eq, %jit3A_1040, %eq3A_1041 : i32
        %jit3A_1043 = arith.constant 1 : i32
        %select_n3A_1044 = arith.select %eq3A_1042, %jit3A_1043, %jit3A_1040 : i32
        %rem3A_1045 = arith.remsi %add3A_1015, %select_n3A_1044 : i32
        %ne3A_1046 = arith.constant 0 : i32
        %ne3A_1047 = arith.cmpi ne, %rem3A_1045, %ne3A_1046 : i32
        %lt3A_1048 = arith.constant 0 : i32
        %lt3A_1049 = arith.cmpi slt, %rem3A_1045, %lt3A_1048 : i32
        %lt3A_1050 = arith.constant 0 : i32
        %lt3A_1051 = arith.cmpi slt, %select_n3A_1044, %lt3A_1050 : i32
        %ne3A_1052 = arith.xori %lt3A_1049, %lt3A_1051 : i1
        %and3A_1053 = arith.andi %ne3A_1052, %ne3A_1047 : i1
        %add3A_1054 = arith.addi %rem3A_1045, %select_n3A_1044 : i32
        %select_n3A_1055 = arith.select %and3A_1053, %add3A_1054, %rem3A_1045 : i32
        %mul3A_1056 = arith.constant 16 : i32
        %mul3A_1057 = arith.muli %select_n3A_1055, %mul3A_1056 : i32
        %get3A_1058 = arith.index_cast %select_n3A_1039 : i32 to index
        %get3A_1059 = arith.index_cast %mul3A_1057 : i32 to index
        %get3A_1060 = tpu.vector_load %arg10[%get3A_1058, %get3A_1059] {strides = array<i32>} : memref<8x512xf32, #tpu.memory_space<vmem>>, vector<16xf32>,
        %get3A_1061 = arith.index_cast %select_n3A_1039 : i32 to index
        %get3A_1062 = arith.index_cast %mul3A_1057 : i32 to index
        %get3A_1063 = tpu.vector_load %arg11[%get3A_1061, %get3A_1062] {strides = array<i32>} : memref<8x512xf32, #tpu.memory_space<vmem>>, vector<16xf32>,
        %mul3A_1064 = arith.constant 4.000000e+00 : f32
        %mul3A_1065 = vector.broadcast %mul3A_1064 : f32 to vector<16xf32>
        %mul3A_1066 = arith.mulf %get3A_1063, %mul3A_1065 : vector<16xf32>
        %add3A_1067 = arith.constant 1.000000e+00 : f32
        %add3A_1068 = vector.broadcast %add3A_1067 : f32 to vector<16xf32>
        %add3A_1069 = arith.addf %mul3A_1066, %add3A_1068 : vector<16xf32>
        %mul3A_1070 = arith.constant 2.000000e+00 : f32
        %mul3A_1071 = vector.broadcast %mul3A_1070 : f32 to vector<16xf32>
        %mul3A_1072 = arith.mulf %get3A_1063, %mul3A_1071 : vector<16xf32>
        %sub3A_1073 = arith.constant 1.000000e+00 : f32
        %sub3A_1074 = vector.broadcast %sub3A_1073 : f32 to vector<16xf32>
        %sub3A_1075 = arith.subf %mul3A_1072, %sub3A_1074 : vector<16xf32>
        %mul3A_1076 = arith.mulf %get3A_1060, %sub3A_1075 : vector<16xf32>
        %sub3A_1077 = arith.subf %add3A_1069, %mul3A_1076 : vector<16xf32>
        %max3A_1078 = arith.constant 0.000000e+00 : f32
        %max3A_1079 = vector.broadcast %max3A_1078 : f32 to vector<16xf32>
        %max3A_1080 = arith.maximumf %sub3A_1077, %max3A_1079 : vector<16xf32>
        %mul3A_1081 = arith.constant 1.280000e+02 : f32
        %mul3A_1082 = vector.broadcast %mul3A_1081 : f32 to vector<16xf32>
        %mul3A_1083 = arith.mulf %max3A_1080, %mul3A_1082 : vector<16xf32>
        %convert_element_type3A_1084 = arith.fptosi %mul3A_1083 : vector<16xf32> to vector<16xi32>
        %min3A_1085 = arith.constant 2047 : i32
        %min3A_1086 = vector.broadcast %min3A_1085 : i32 to vector<16xi32>
        %min3A_1087 = arith.minsi %convert_element_type3A_1084, %min3A_1086 : vector<16xi32>
        %mul3A_1088 = arith.constant 16 : i32
        %mul3A_1089 = vector.broadcast %mul3A_1088 : i32 to vector<16xi32>
        %mul3A_1090 = arith.muli %min3A_1087, %mul3A_1089 : vector<16xi32>
        %add3A_1091 = arith.addi %mul3A_1090, %iota3A : vector<16xi32>
        %mul3A_1092 = arith.constant 2.44140625E-4 : f32
        %mul3A_1093 = vector.broadcast %mul3A_1092 : f32 to vector<16xf32>
        %mul3A_1094 = arith.mulf %get3A_1063, %mul3A_1093 : vector<16xf32>
        %add3A_1095 = arith.constant 1.000000e+00 : f32
        %add3A_1096 = vector.broadcast %add3A_1095 : f32 to vector<16xf32>
        %add3A_1097 = arith.addf %mul3A_1094, %add3A_1096 : vector<16xf32>
        %gt3A_1098 = arith.constant 0.000000e+00 : f32
        %gt3A_1099 = vector.broadcast %gt3A_1098 : f32 to vector<16xf32>
        %gt3A_1100 = arith.cmpf ogt, %sub3A_1077, %gt3A_1099 : vector<16xf32>
        %add3A_1101 = arith.addf %add3A_1011, %get3A_1063 : vector<16xf32>
        tpu.vector_store_idx %arg5[%add3A_462], %add3A_468 masked %gt3A_470 {add = true} : memref<32768xf32, #tpu.memory_space<vmem>>[vector<16xi32>], vector<16xf32>, vector<16xi1>
        tpu.vector_store_idx %arg6[%add3A_462], %max3A_452 masked %gt3A_470 {add = true} : memref<32768xf32, #tpu.memory_space<vmem>>[vector<16xi32>], vector<16xf32>, vector<16xi1>
        tpu.vector_store_idx %arg5[%add3A_551], %add3A_557 masked %gt3A_560 {add = true} : memref<32768xf32, #tpu.memory_space<vmem>>[vector<16xi32>], vector<16xf32>, vector<16xi1>
        tpu.vector_store_idx %arg6[%add3A_551], %max3A_540 masked %gt3A_560 {add = true} : memref<32768xf32, #tpu.memory_space<vmem>>[vector<16xi32>], vector<16xf32>, vector<16xi1>
        tpu.vector_store_idx %arg5[%add3A_641], %add3A_647 masked %gt3A_650 {add = true} : memref<32768xf32, #tpu.memory_space<vmem>>[vector<16xi32>], vector<16xf32>, vector<16xi1>
        tpu.vector_store_idx %arg6[%add3A_641], %max3A_630 masked %gt3A_650 {add = true} : memref<32768xf32, #tpu.memory_space<vmem>>[vector<16xi32>], vector<16xf32>, vector<16xi1>
        tpu.vector_store_idx %arg5[%add3A_731], %add3A_737 masked %gt3A_740 {add = true} : memref<32768xf32, #tpu.memory_space<vmem>>[vector<16xi32>], vector<16xf32>, vector<16xi1>
        tpu.vector_store_idx %arg6[%add3A_731], %max3A_720 masked %gt3A_740 {add = true} : memref<32768xf32, #tpu.memory_space<vmem>>[vector<16xi32>], vector<16xf32>, vector<16xi1>
        tpu.vector_store_idx %arg5[%add3A_821], %add3A_827 masked %gt3A_830 {add = true} : memref<32768xf32, #tpu.memory_space<vmem>>[vector<16xi32>], vector<16xf32>, vector<16xi1>
        tpu.vector_store_idx %arg6[%add3A_821], %max3A_810 masked %gt3A_830 {add = true} : memref<32768xf32, #tpu.memory_space<vmem>>[vector<16xi32>], vector<16xf32>, vector<16xi1>
        tpu.vector_store_idx %arg5[%add3A_911], %add3A_917 masked %gt3A_920 {add = true} : memref<32768xf32, #tpu.memory_space<vmem>>[vector<16xi32>], vector<16xf32>, vector<16xi1>
        tpu.vector_store_idx %arg6[%add3A_911], %max3A_900 masked %gt3A_920 {add = true} : memref<32768xf32, #tpu.memory_space<vmem>>[vector<16xi32>], vector<16xf32>, vector<16xi1>
        tpu.vector_store_idx %arg5[%add3A_1001], %add3A_1007 masked %gt3A_1010 {add = true} : memref<32768xf32, #tpu.memory_space<vmem>>[vector<16xi32>], vector<16xf32>, vector<16xi1>
        tpu.vector_store_idx %arg6[%add3A_1001], %max3A_990 masked %gt3A_1010 {add = true} : memref<32768xf32, #tpu.memory_space<vmem>>[vector<16xi32>], vector<16xf32>, vector<16xi1>
        tpu.vector_store_idx %arg5[%add3A_1091], %add3A_1097 masked %gt3A_1100 {add = true} : memref<32768xf32, #tpu.memory_space<vmem>>[vector<16xi32>], vector<16xf32>, vector<16xi1>
        tpu.vector_store_idx %arg6[%add3A_1091], %max3A_1080 masked %gt3A_1100 {add = true} : memref<32768xf32, #tpu.memory_space<vmem>>[vector<16xi32>], vector<16xf32>, vector<16xi1>
        scf.yield %add3A_1101 : vector<16xf32>
      }
      %scan3A_348 = arith.constant 32 : i32
      %lt3A_349 = arith.constant 7 : i32
      %lt3A_350 = arith.cmpi slt, %scan3A_324, %lt3A_349 : i32
      %convert_element_type3A_351 = arith.extui %lt3A_350 : i1 to i32
      %cond3A_352 = arith.constant 0 : i32
      %cond3A_353 = arith.cmpi ne, %convert_element_type3A_351, %cond3A_352 : i32
      scf.if %cond3A_353 {
        %mul3A_383 = arith.constant 2 : i32
        %mul3A_384 = arith.muli %mul3A_383, %scan3A_324 : i32
        %add3A_385 = arith.constant 2 : i32
        %add3A_386 = arith.addi %mul3A_384, %add3A_385 : i32
        %mul3A_387 = arith.constant 8 : i32
        %mul3A_388 = arith.muli %add3A_386, %mul3A_387 : i32
        %add3A_389 = arith.addi %mul3A_37, %mul3A_388 : i32
        %dma_start3A_390 = arith.constant 0 : i32
        %dma_start3A_391 = tpu.memref_slice %arg2[%add3A, %add3A_389, %dma_start3A_390] : memref<8x512x512xf32, #tpu.memory_space<hbm>> -> memref<1x8x512xf32, #tpu.memory_space<hbm>>
        %dma_start3A_392 = tpu.memref_squeeze %dma_start3A_391 : memref<1x8x512xf32, #tpu.memory_space<hbm>> -> memref<8x512xf32, #tpu.memory_space<hbm>>
        %dma_start3A_393 = arith.constant 0 : i32
        %dma_start3A_394 = tpu.memref_slice %arg2[%add3A, %add3A_389, %dma_start3A_393] : memref<8x512x512xf32, #tpu.memory_space<hbm>> -> memref<1x8x512xf32, #tpu.memory_space<hbm>>
        %dma_start3A_395 = tpu.memref_squeeze %dma_start3A_394 : memref<1x8x512xf32, #tpu.memory_space<hbm>> -> memref<8x512xf32, #tpu.memory_space<hbm>>
        tpu.enqueue_dma source(%dma_start3A_395 : memref<8x512xf32, #tpu.memory_space<hbm>>) target(%arg10 : memref<8x512xf32, #tpu.memory_space<vmem>>) target_semaphore(%arg19 : memref<!tpu.dma_semaphore, #tpu.memory_space<semaphore_mem>>)
        %dma_start3A_396 = arith.constant 0 : i32
        %dma_start3A_397 = tpu.memref_slice %arg3[%add3A, %add3A_389, %dma_start3A_396] : memref<8x512x512xf32, #tpu.memory_space<hbm>> -> memref<1x8x512xf32, #tpu.memory_space<hbm>>
        %dma_start3A_398 = tpu.memref_squeeze %dma_start3A_397 : memref<1x8x512xf32, #tpu.memory_space<hbm>> -> memref<8x512xf32, #tpu.memory_space<hbm>>
        %dma_start3A_399 = arith.constant 0 : i32
        %dma_start3A_400 = tpu.memref_slice %arg3[%add3A, %add3A_389, %dma_start3A_399] : memref<8x512x512xf32, #tpu.memory_space<hbm>> -> memref<1x8x512xf32, #tpu.memory_space<hbm>>
        %dma_start3A_401 = tpu.memref_squeeze %dma_start3A_400 : memref<1x8x512xf32, #tpu.memory_space<hbm>> -> memref<8x512xf32, #tpu.memory_space<hbm>>
        tpu.enqueue_dma source(%dma_start3A_401 : memref<8x512xf32, #tpu.memory_space<hbm>>) target(%arg11 : memref<8x512xf32, #tpu.memory_space<vmem>>) target_semaphore(%arg20 : memref<!tpu.dma_semaphore, #tpu.memory_space<semaphore_mem>>)
      } else {
      }
      %dma_wait3A_354 = arith.constant 0 : i32
      %dma_wait3A_355 = arith.constant 0 : i32
      %dma_wait3A_356 = arith.constant 0 : i32
      %dma_wait3A_357 = tpu.memref_slice %arg2[%dma_wait3A_354, %dma_wait3A_355, %dma_wait3A_356] : memref<8x512x512xf32, #tpu.memory_space<hbm>> -> memref<1x8x512xf32, #tpu.memory_space<hbm>>
      %dma_wait3A_358 = tpu.memref_squeeze %dma_wait3A_357 : memref<1x8x512xf32, #tpu.memory_space<hbm>> -> memref<8x512xf32, #tpu.memory_space<hbm>>
      %dma_wait3A_359 = arith.constant 0 : i32
      %dma_wait3A_360 = arith.constant 0 : i32
      %dma_wait3A_361 = tpu.memref_slice %arg2[%dma_wait3A_354, %dma_wait3A_359, %dma_wait3A_360] : memref<8x512x512xf32, #tpu.memory_space<hbm>> -> memref<1x8x512xf32, #tpu.memory_space<hbm>>
      %dma_wait3A_362 = tpu.memref_squeeze %dma_wait3A_361 : memref<1x8x512xf32, #tpu.memory_space<hbm>> -> memref<8x512xf32, #tpu.memory_space<hbm>>
      tpu.wait_dma2 semaphore(%arg21 : memref<!tpu.dma_semaphore, #tpu.memory_space<semaphore_mem>>) src(%dma_wait3A_362 : memref<8x512xf32, #tpu.memory_space<hbm>>) dst(%arg12 : memref<8x512xf32, #tpu.memory_space<vmem>>)
      %dma_wait3A_363 = arith.constant 0 : i32
      %dma_wait3A_364 = arith.constant 0 : i32
      %dma_wait3A_365 = arith.constant 0 : i32
      %dma_wait3A_366 = tpu.memref_slice %arg3[%dma_wait3A_363, %dma_wait3A_364, %dma_wait3A_365] : memref<8x512x512xf32, #tpu.memory_space<hbm>> -> memref<1x8x512xf32, #tpu.memory_space<hbm>>
      %dma_wait3A_367 = tpu.memref_squeeze %dma_wait3A_366 : memref<1x8x512xf32, #tpu.memory_space<hbm>> -> memref<8x512xf32, #tpu.memory_space<hbm>>
      %dma_wait3A_368 = arith.constant 0 : i32
      %dma_wait3A_369 = arith.constant 0 : i32
      %dma_wait3A_370 = tpu.memref_slice %arg3[%dma_wait3A_363, %dma_wait3A_368, %dma_wait3A_369] : memref<8x512x512xf32, #tpu.memory_space<hbm>> -> memref<1x8x512xf32, #tpu.memory_space<hbm>>
      %dma_wait3A_371 = tpu.memref_squeeze %dma_wait3A_370 : memref<1x8x512xf32, #tpu.memory_space<hbm>> -> memref<8x512xf32, #tpu.memory_space<hbm>>
      tpu.wait_dma2 semaphore(%arg22 : memref<!tpu.dma_semaphore, #tpu.memory_space<semaphore_mem>>) src(%dma_wait3A_371 : memref<8x512xf32, #tpu.memory_space<hbm>>) dst(%arg13 : memref<8x512xf32, #tpu.memory_space<vmem>>)
      %scan3A_372 = arith.constant 0 : i32
      %scan3A_373 = arith.constant 32 : i32
      %scan3A_374 = arith.addi %scan3A_372, %scan3A_373 : i32
      %scan3A_375 = arith.constant 1 : i32
      %scan3A_376 = scf.for %scan3A_383 = %scan3A_372 to %scan3A_374 step %scan3A_375 iter_args(%scan3A_384 = %scan3A_347) -> (vector<16xf32>)  : i32 {
        %mul3A_385 = arith.constant 8 : i32
        %mul3A_386 = arith.muli %scan3A_383, %mul3A_385 : i32
        %add3A_387 = arith.constant 0 : i32
        %add3A_388 = arith.addi %mul3A_386, %add3A_387 : i32
        %jit3A_389 = arith.constant 32 : i32
        %div3A_390 = arith.divsi %add3A_388, %jit3A_389 : i32
        %sign3A_391 = arith.constant 0 : i32
        %sign3A_392 = arith.cmpi sgt, %add3A_388, %sign3A_391 : i32
        %sign3A_393 = arith.extui %sign3A_392 : i1 to i32
        %sign3A_394 = arith.constant 0 : i32
        %sign3A_395 = arith.cmpi slt, %add3A_388, %sign3A_394 : i32
        %sign3A_396 = arith.extui %sign3A_395 : i1 to i32
        %sign3A_397 = arith.subi %sign3A_393, %sign3A_396 : i32
        %sign3A_398 = arith.constant 0 : i32
        %sign3A_399 = arith.cmpi sgt, %jit3A_389, %sign3A_398 : i32
        %sign3A_400 = arith.extui %sign3A_399 : i1 to i32
        %sign3A_401 = arith.constant 0 : i32
        %sign3A_402 = arith.cmpi slt, %jit3A_389, %sign3A_401 : i32
        %sign3A_403 = arith.extui %sign3A_402 : i1 to i32
        %sign3A_404 = arith.subi %sign3A_400, %sign3A_403 : i32
        %ne3A_405 = arith.cmpi ne, %sign3A_397, %sign3A_404 : i32
        %rem3A_406 = arith.remsi %add3A_388, %jit3A_389 : i32
        %ne3A_407 = arith.constant 0 : i32
        %ne3A_408 = arith.cmpi ne, %rem3A_406, %ne3A_407 : i32
        %and3A_409 = arith.andi %ne3A_405, %ne3A_408 : i1
        %sub3A_410 = arith.constant 1 : i32
        %sub3A_411 = arith.subi %div3A_390, %sub3A_410 : i32
        %select_n3A_412 = arith.select %and3A_409, %sub3A_411, %div3A_390 : i32
        %jit3A_413 = arith.constant 32 : i32
        %eq3A_414 = arith.constant 0 : i32
        %eq3A_415 = arith.cmpi eq, %jit3A_413, %eq3A_414 : i32
        %jit3A_416 = arith.constant 1 : i32
        %select_n3A_417 = arith.select %eq3A_415, %jit3A_416, %jit3A_413 : i32
        %rem3A_418 = arith.remsi %add3A_388, %select_n3A_417 : i32
        %ne3A_419 = arith.constant 0 : i32
        %ne3A_420 = arith.cmpi ne, %rem3A_418, %ne3A_419 : i32
        %lt3A_421 = arith.constant 0 : i32
        %lt3A_422 = arith.cmpi slt, %rem3A_418, %lt3A_421 : i32
        %lt3A_423 = arith.constant 0 : i32
        %lt3A_424 = arith.cmpi slt, %select_n3A_417, %lt3A_423 : i32
        %ne3A_425 = arith.xori %lt3A_422, %lt3A_424 : i1
        %and3A_426 = arith.andi %ne3A_425, %ne3A_420 : i1
        %add3A_427 = arith.addi %rem3A_418, %select_n3A_417 : i32
        %select_n3A_428 = arith.select %and3A_426, %add3A_427, %rem3A_418 : i32
        %mul3A_429 = arith.constant 16 : i32
        %mul3A_430 = arith.muli %select_n3A_428, %mul3A_429 : i32
        %get3A_431 = arith.index_cast %select_n3A_412 : i32 to index
        %get3A_432 = arith.index_cast %mul3A_430 : i32 to index
        %get3A_433 = tpu.vector_load %arg12[%get3A_431, %get3A_432] {strides = array<i32>} : memref<8x512xf32, #tpu.memory_space<vmem>>, vector<16xf32>,
        %get3A_434 = arith.index_cast %select_n3A_412 : i32 to index
        %get3A_435 = arith.index_cast %mul3A_430 : i32 to index
        %get3A_436 = tpu.vector_load %arg13[%get3A_434, %get3A_435] {strides = array<i32>} : memref<8x512xf32, #tpu.memory_space<vmem>>, vector<16xf32>,
        %mul3A_437 = arith.constant 4.000000e+00 : f32
        %mul3A_438 = vector.broadcast %mul3A_437 : f32 to vector<16xf32>
        %mul3A_439 = arith.mulf %get3A_436, %mul3A_438 : vector<16xf32>
        %add3A_440 = arith.constant 1.000000e+00 : f32
        %add3A_441 = vector.broadcast %add3A_440 : f32 to vector<16xf32>
        %add3A_442 = arith.addf %mul3A_439, %add3A_441 : vector<16xf32>
        %mul3A_443 = arith.constant 2.000000e+00 : f32
        %mul3A_444 = vector.broadcast %mul3A_443 : f32 to vector<16xf32>
        %mul3A_445 = arith.mulf %get3A_436, %mul3A_444 : vector<16xf32>
        %sub3A_446 = arith.constant 1.000000e+00 : f32
        %sub3A_447 = vector.broadcast %sub3A_446 : f32 to vector<16xf32>
        %sub3A_448 = arith.subf %mul3A_445, %sub3A_447 : vector<16xf32>
        %mul3A_449 = arith.mulf %get3A_433, %sub3A_448 : vector<16xf32>
        %sub3A_450 = arith.subf %add3A_442, %mul3A_449 : vector<16xf32>
        %max3A = arith.constant 0.000000e+00 : f32
        %max3A_451 = vector.broadcast %max3A : f32 to vector<16xf32>
        %max3A_452 = arith.maximumf %sub3A_450, %max3A_451 : vector<16xf32>
        %mul3A_453 = arith.constant 1.280000e+02 : f32
        %mul3A_454 = vector.broadcast %mul3A_453 : f32 to vector<16xf32>
        %mul3A_455 = arith.mulf %max3A_452, %mul3A_454 : vector<16xf32>
        %convert_element_type3A_456 = arith.fptosi %mul3A_455 : vector<16xf32> to vector<16xi32>
        %min3A = arith.constant 2047 : i32
        %min3A_457 = vector.broadcast %min3A : i32 to vector<16xi32>
        %min3A_458 = arith.minsi %convert_element_type3A_456, %min3A_457 : vector<16xi32>
        %mul3A_459 = arith.constant 16 : i32
        %mul3A_460 = vector.broadcast %mul3A_459 : i32 to vector<16xi32>
        %mul3A_461 = arith.muli %min3A_458, %mul3A_460 : vector<16xi32>
        %add3A_462 = arith.addi %mul3A_461, %iota3A : vector<16xi32>
        %mul3A_463 = arith.constant 2.44140625E-4 : f32
        %mul3A_464 = vector.broadcast %mul3A_463 : f32 to vector<16xf32>
        %mul3A_465 = arith.mulf %get3A_436, %mul3A_464 : vector<16xf32>
        %add3A_466 = arith.constant 1.000000e+00 : f32
        %add3A_467 = vector.broadcast %add3A_466 : f32 to vector<16xf32>
        %add3A_468 = arith.addf %mul3A_465, %add3A_467 : vector<16xf32>
        %gt3A = arith.constant 0.000000e+00 : f32
        %gt3A_469 = vector.broadcast %gt3A : f32 to vector<16xf32>
        %gt3A_470 = arith.cmpf ogt, %sub3A_450, %gt3A_469 : vector<16xf32>
        %add3A_471 = arith.addf %scan3A_384, %get3A_436 : vector<16xf32>
        %mul3A_472 = arith.constant 8 : i32
        %mul3A_473 = arith.muli %scan3A_383, %mul3A_472 : i32
        %add3A_474 = arith.constant 1 : i32
        %add3A_475 = arith.addi %mul3A_473, %add3A_474 : i32
        %jit3A_476 = arith.constant 32 : i32
        %div3A_477 = arith.divsi %add3A_475, %jit3A_476 : i32
        %sign3A_478 = arith.constant 0 : i32
        %sign3A_479 = arith.cmpi sgt, %add3A_475, %sign3A_478 : i32
        %sign3A_480 = arith.extui %sign3A_479 : i1 to i32
        %sign3A_481 = arith.constant 0 : i32
        %sign3A_482 = arith.cmpi slt, %add3A_475, %sign3A_481 : i32
        %sign3A_483 = arith.extui %sign3A_482 : i1 to i32
        %sign3A_484 = arith.subi %sign3A_480, %sign3A_483 : i32
        %sign3A_485 = arith.constant 0 : i32
        %sign3A_486 = arith.cmpi sgt, %jit3A_476, %sign3A_485 : i32
        %sign3A_487 = arith.extui %sign3A_486 : i1 to i32
        %sign3A_488 = arith.constant 0 : i32
        %sign3A_489 = arith.cmpi slt, %jit3A_476, %sign3A_488 : i32
        %sign3A_490 = arith.extui %sign3A_489 : i1 to i32
        %sign3A_491 = arith.subi %sign3A_487, %sign3A_490 : i32
        %ne3A_492 = arith.cmpi ne, %sign3A_484, %sign3A_491 : i32
        %rem3A_493 = arith.remsi %add3A_475, %jit3A_476 : i32
        %ne3A_494 = arith.constant 0 : i32
        %ne3A_495 = arith.cmpi ne, %rem3A_493, %ne3A_494 : i32
        %and3A_496 = arith.andi %ne3A_492, %ne3A_495 : i1
        %sub3A_497 = arith.constant 1 : i32
        %sub3A_498 = arith.subi %div3A_477, %sub3A_497 : i32
        %select_n3A_499 = arith.select %and3A_496, %sub3A_498, %div3A_477 : i32
        %jit3A_500 = arith.constant 32 : i32
        %eq3A_501 = arith.constant 0 : i32
        %eq3A_502 = arith.cmpi eq, %jit3A_500, %eq3A_501 : i32
        %jit3A_503 = arith.constant 1 : i32
        %select_n3A_504 = arith.select %eq3A_502, %jit3A_503, %jit3A_500 : i32
        %rem3A_505 = arith.remsi %add3A_475, %select_n3A_504 : i32
        %ne3A_506 = arith.constant 0 : i32
        %ne3A_507 = arith.cmpi ne, %rem3A_505, %ne3A_506 : i32
        %lt3A_508 = arith.constant 0 : i32
        %lt3A_509 = arith.cmpi slt, %rem3A_505, %lt3A_508 : i32
        %lt3A_510 = arith.constant 0 : i32
        %lt3A_511 = arith.cmpi slt, %select_n3A_504, %lt3A_510 : i32
        %ne3A_512 = arith.xori %lt3A_509, %lt3A_511 : i1
        %and3A_513 = arith.andi %ne3A_512, %ne3A_507 : i1
        %add3A_514 = arith.addi %rem3A_505, %select_n3A_504 : i32
        %select_n3A_515 = arith.select %and3A_513, %add3A_514, %rem3A_505 : i32
        %mul3A_516 = arith.constant 16 : i32
        %mul3A_517 = arith.muli %select_n3A_515, %mul3A_516 : i32
        %get3A_518 = arith.index_cast %select_n3A_499 : i32 to index
        %get3A_519 = arith.index_cast %mul3A_517 : i32 to index
        %get3A_520 = tpu.vector_load %arg12[%get3A_518, %get3A_519] {strides = array<i32>} : memref<8x512xf32, #tpu.memory_space<vmem>>, vector<16xf32>,
        %get3A_521 = arith.index_cast %select_n3A_499 : i32 to index
        %get3A_522 = arith.index_cast %mul3A_517 : i32 to index
        %get3A_523 = tpu.vector_load %arg13[%get3A_521, %get3A_522] {strides = array<i32>} : memref<8x512xf32, #tpu.memory_space<vmem>>, vector<16xf32>,
        %mul3A_524 = arith.constant 4.000000e+00 : f32
        %mul3A_525 = vector.broadcast %mul3A_524 : f32 to vector<16xf32>
        %mul3A_526 = arith.mulf %get3A_523, %mul3A_525 : vector<16xf32>
        %add3A_527 = arith.constant 1.000000e+00 : f32
        %add3A_528 = vector.broadcast %add3A_527 : f32 to vector<16xf32>
        %add3A_529 = arith.addf %mul3A_526, %add3A_528 : vector<16xf32>
        %mul3A_530 = arith.constant 2.000000e+00 : f32
        %mul3A_531 = vector.broadcast %mul3A_530 : f32 to vector<16xf32>
        %mul3A_532 = arith.mulf %get3A_523, %mul3A_531 : vector<16xf32>
        %sub3A_533 = arith.constant 1.000000e+00 : f32
        %sub3A_534 = vector.broadcast %sub3A_533 : f32 to vector<16xf32>
        %sub3A_535 = arith.subf %mul3A_532, %sub3A_534 : vector<16xf32>
        %mul3A_536 = arith.mulf %get3A_520, %sub3A_535 : vector<16xf32>
        %sub3A_537 = arith.subf %add3A_529, %mul3A_536 : vector<16xf32>
        %max3A_538 = arith.constant 0.000000e+00 : f32
        %max3A_539 = vector.broadcast %max3A_538 : f32 to vector<16xf32>
        %max3A_540 = arith.maximumf %sub3A_537, %max3A_539 : vector<16xf32>
        %mul3A_541 = arith.constant 1.280000e+02 : f32
        %mul3A_542 = vector.broadcast %mul3A_541 : f32 to vector<16xf32>
        %mul3A_543 = arith.mulf %max3A_540, %mul3A_542 : vector<16xf32>
        %convert_element_type3A_544 = arith.fptosi %mul3A_543 : vector<16xf32> to vector<16xi32>
        %min3A_545 = arith.constant 2047 : i32
        %min3A_546 = vector.broadcast %min3A_545 : i32 to vector<16xi32>
        %min3A_547 = arith.minsi %convert_element_type3A_544, %min3A_546 : vector<16xi32>
        %mul3A_548 = arith.constant 16 : i32
        %mul3A_549 = vector.broadcast %mul3A_548 : i32 to vector<16xi32>
        %mul3A_550 = arith.muli %min3A_547, %mul3A_549 : vector<16xi32>
        %add3A_551 = arith.addi %mul3A_550, %iota3A : vector<16xi32>
        %mul3A_552 = arith.constant 2.44140625E-4 : f32
        %mul3A_553 = vector.broadcast %mul3A_552 : f32 to vector<16xf32>
        %mul3A_554 = arith.mulf %get3A_523, %mul3A_553 : vector<16xf32>
        %add3A_555 = arith.constant 1.000000e+00 : f32
        %add3A_556 = vector.broadcast %add3A_555 : f32 to vector<16xf32>
        %add3A_557 = arith.addf %mul3A_554, %add3A_556 : vector<16xf32>
        %gt3A_558 = arith.constant 0.000000e+00 : f32
        %gt3A_559 = vector.broadcast %gt3A_558 : f32 to vector<16xf32>
        %gt3A_560 = arith.cmpf ogt, %sub3A_537, %gt3A_559 : vector<16xf32>
        %add3A_561 = arith.addf %add3A_471, %get3A_523 : vector<16xf32>
        %mul3A_562 = arith.constant 8 : i32
        %mul3A_563 = arith.muli %scan3A_383, %mul3A_562 : i32
        %add3A_564 = arith.constant 2 : i32
        %add3A_565 = arith.addi %mul3A_563, %add3A_564 : i32
        %jit3A_566 = arith.constant 32 : i32
        %div3A_567 = arith.divsi %add3A_565, %jit3A_566 : i32
        %sign3A_568 = arith.constant 0 : i32
        %sign3A_569 = arith.cmpi sgt, %add3A_565, %sign3A_568 : i32
        %sign3A_570 = arith.extui %sign3A_569 : i1 to i32
        %sign3A_571 = arith.constant 0 : i32
        %sign3A_572 = arith.cmpi slt, %add3A_565, %sign3A_571 : i32
        %sign3A_573 = arith.extui %sign3A_572 : i1 to i32
        %sign3A_574 = arith.subi %sign3A_570, %sign3A_573 : i32
        %sign3A_575 = arith.constant 0 : i32
        %sign3A_576 = arith.cmpi sgt, %jit3A_566, %sign3A_575 : i32
        %sign3A_577 = arith.extui %sign3A_576 : i1 to i32
        %sign3A_578 = arith.constant 0 : i32
        %sign3A_579 = arith.cmpi slt, %jit3A_566, %sign3A_578 : i32
        %sign3A_580 = arith.extui %sign3A_579 : i1 to i32
        %sign3A_581 = arith.subi %sign3A_577, %sign3A_580 : i32
        %ne3A_582 = arith.cmpi ne, %sign3A_574, %sign3A_581 : i32
        %rem3A_583 = arith.remsi %add3A_565, %jit3A_566 : i32
        %ne3A_584 = arith.constant 0 : i32
        %ne3A_585 = arith.cmpi ne, %rem3A_583, %ne3A_584 : i32
        %and3A_586 = arith.andi %ne3A_582, %ne3A_585 : i1
        %sub3A_587 = arith.constant 1 : i32
        %sub3A_588 = arith.subi %div3A_567, %sub3A_587 : i32
        %select_n3A_589 = arith.select %and3A_586, %sub3A_588, %div3A_567 : i32
        %jit3A_590 = arith.constant 32 : i32
        %eq3A_591 = arith.constant 0 : i32
        %eq3A_592 = arith.cmpi eq, %jit3A_590, %eq3A_591 : i32
        %jit3A_593 = arith.constant 1 : i32
        %select_n3A_594 = arith.select %eq3A_592, %jit3A_593, %jit3A_590 : i32
        %rem3A_595 = arith.remsi %add3A_565, %select_n3A_594 : i32
        %ne3A_596 = arith.constant 0 : i32
        %ne3A_597 = arith.cmpi ne, %rem3A_595, %ne3A_596 : i32
        %lt3A_598 = arith.constant 0 : i32
        %lt3A_599 = arith.cmpi slt, %rem3A_595, %lt3A_598 : i32
        %lt3A_600 = arith.constant 0 : i32
        %lt3A_601 = arith.cmpi slt, %select_n3A_594, %lt3A_600 : i32
        %ne3A_602 = arith.xori %lt3A_599, %lt3A_601 : i1
        %and3A_603 = arith.andi %ne3A_602, %ne3A_597 : i1
        %add3A_604 = arith.addi %rem3A_595, %select_n3A_594 : i32
        %select_n3A_605 = arith.select %and3A_603, %add3A_604, %rem3A_595 : i32
        %mul3A_606 = arith.constant 16 : i32
        %mul3A_607 = arith.muli %select_n3A_605, %mul3A_606 : i32
        %get3A_608 = arith.index_cast %select_n3A_589 : i32 to index
        %get3A_609 = arith.index_cast %mul3A_607 : i32 to index
        %get3A_610 = tpu.vector_load %arg12[%get3A_608, %get3A_609] {strides = array<i32>} : memref<8x512xf32, #tpu.memory_space<vmem>>, vector<16xf32>,
        %get3A_611 = arith.index_cast %select_n3A_589 : i32 to index
        %get3A_612 = arith.index_cast %mul3A_607 : i32 to index
        %get3A_613 = tpu.vector_load %arg13[%get3A_611, %get3A_612] {strides = array<i32>} : memref<8x512xf32, #tpu.memory_space<vmem>>, vector<16xf32>,
        %mul3A_614 = arith.constant 4.000000e+00 : f32
        %mul3A_615 = vector.broadcast %mul3A_614 : f32 to vector<16xf32>
        %mul3A_616 = arith.mulf %get3A_613, %mul3A_615 : vector<16xf32>
        %add3A_617 = arith.constant 1.000000e+00 : f32
        %add3A_618 = vector.broadcast %add3A_617 : f32 to vector<16xf32>
        %add3A_619 = arith.addf %mul3A_616, %add3A_618 : vector<16xf32>
        %mul3A_620 = arith.constant 2.000000e+00 : f32
        %mul3A_621 = vector.broadcast %mul3A_620 : f32 to vector<16xf32>
        %mul3A_622 = arith.mulf %get3A_613, %mul3A_621 : vector<16xf32>
        %sub3A_623 = arith.constant 1.000000e+00 : f32
        %sub3A_624 = vector.broadcast %sub3A_623 : f32 to vector<16xf32>
        %sub3A_625 = arith.subf %mul3A_622, %sub3A_624 : vector<16xf32>
        %mul3A_626 = arith.mulf %get3A_610, %sub3A_625 : vector<16xf32>
        %sub3A_627 = arith.subf %add3A_619, %mul3A_626 : vector<16xf32>
        %max3A_628 = arith.constant 0.000000e+00 : f32
        %max3A_629 = vector.broadcast %max3A_628 : f32 to vector<16xf32>
        %max3A_630 = arith.maximumf %sub3A_627, %max3A_629 : vector<16xf32>
        %mul3A_631 = arith.constant 1.280000e+02 : f32
        %mul3A_632 = vector.broadcast %mul3A_631 : f32 to vector<16xf32>
        %mul3A_633 = arith.mulf %max3A_630, %mul3A_632 : vector<16xf32>
        %convert_element_type3A_634 = arith.fptosi %mul3A_633 : vector<16xf32> to vector<16xi32>
        %min3A_635 = arith.constant 2047 : i32
        %min3A_636 = vector.broadcast %min3A_635 : i32 to vector<16xi32>
        %min3A_637 = arith.minsi %convert_element_type3A_634, %min3A_636 : vector<16xi32>
        %mul3A_638 = arith.constant 16 : i32
        %mul3A_639 = vector.broadcast %mul3A_638 : i32 to vector<16xi32>
        %mul3A_640 = arith.muli %min3A_637, %mul3A_639 : vector<16xi32>
        %add3A_641 = arith.addi %mul3A_640, %iota3A : vector<16xi32>
        %mul3A_642 = arith.constant 2.44140625E-4 : f32
        %mul3A_643 = vector.broadcast %mul3A_642 : f32 to vector<16xf32>
        %mul3A_644 = arith.mulf %get3A_613, %mul3A_643 : vector<16xf32>
        %add3A_645 = arith.constant 1.000000e+00 : f32
        %add3A_646 = vector.broadcast %add3A_645 : f32 to vector<16xf32>
        %add3A_647 = arith.addf %mul3A_644, %add3A_646 : vector<16xf32>
        %gt3A_648 = arith.constant 0.000000e+00 : f32
        %gt3A_649 = vector.broadcast %gt3A_648 : f32 to vector<16xf32>
        %gt3A_650 = arith.cmpf ogt, %sub3A_627, %gt3A_649 : vector<16xf32>
        %add3A_651 = arith.addf %add3A_561, %get3A_613 : vector<16xf32>
        %mul3A_652 = arith.constant 8 : i32
        %mul3A_653 = arith.muli %scan3A_383, %mul3A_652 : i32
        %add3A_654 = arith.constant 3 : i32
        %add3A_655 = arith.addi %mul3A_653, %add3A_654 : i32
        %jit3A_656 = arith.constant 32 : i32
        %div3A_657 = arith.divsi %add3A_655, %jit3A_656 : i32
        %sign3A_658 = arith.constant 0 : i32
        %sign3A_659 = arith.cmpi sgt, %add3A_655, %sign3A_658 : i32
        %sign3A_660 = arith.extui %sign3A_659 : i1 to i32
        %sign3A_661 = arith.constant 0 : i32
        %sign3A_662 = arith.cmpi slt, %add3A_655, %sign3A_661 : i32
        %sign3A_663 = arith.extui %sign3A_662 : i1 to i32
        %sign3A_664 = arith.subi %sign3A_660, %sign3A_663 : i32
        %sign3A_665 = arith.constant 0 : i32
        %sign3A_666 = arith.cmpi sgt, %jit3A_656, %sign3A_665 : i32
        %sign3A_667 = arith.extui %sign3A_666 : i1 to i32
        %sign3A_668 = arith.constant 0 : i32
        %sign3A_669 = arith.cmpi slt, %jit3A_656, %sign3A_668 : i32
        %sign3A_670 = arith.extui %sign3A_669 : i1 to i32
        %sign3A_671 = arith.subi %sign3A_667, %sign3A_670 : i32
        %ne3A_672 = arith.cmpi ne, %sign3A_664, %sign3A_671 : i32
        %rem3A_673 = arith.remsi %add3A_655, %jit3A_656 : i32
        %ne3A_674 = arith.constant 0 : i32
        %ne3A_675 = arith.cmpi ne, %rem3A_673, %ne3A_674 : i32
        %and3A_676 = arith.andi %ne3A_672, %ne3A_675 : i1
        %sub3A_677 = arith.constant 1 : i32
        %sub3A_678 = arith.subi %div3A_657, %sub3A_677 : i32
        %select_n3A_679 = arith.select %and3A_676, %sub3A_678, %div3A_657 : i32
        %jit3A_680 = arith.constant 32 : i32
        %eq3A_681 = arith.constant 0 : i32
        %eq3A_682 = arith.cmpi eq, %jit3A_680, %eq3A_681 : i32
        %jit3A_683 = arith.constant 1 : i32
        %select_n3A_684 = arith.select %eq3A_682, %jit3A_683, %jit3A_680 : i32
        %rem3A_685 = arith.remsi %add3A_655, %select_n3A_684 : i32
        %ne3A_686 = arith.constant 0 : i32
        %ne3A_687 = arith.cmpi ne, %rem3A_685, %ne3A_686 : i32
        %lt3A_688 = arith.constant 0 : i32
        %lt3A_689 = arith.cmpi slt, %rem3A_685, %lt3A_688 : i32
        %lt3A_690 = arith.constant 0 : i32
        %lt3A_691 = arith.cmpi slt, %select_n3A_684, %lt3A_690 : i32
        %ne3A_692 = arith.xori %lt3A_689, %lt3A_691 : i1
        %and3A_693 = arith.andi %ne3A_692, %ne3A_687 : i1
        %add3A_694 = arith.addi %rem3A_685, %select_n3A_684 : i32
        %select_n3A_695 = arith.select %and3A_693, %add3A_694, %rem3A_685 : i32
        %mul3A_696 = arith.constant 16 : i32
        %mul3A_697 = arith.muli %select_n3A_695, %mul3A_696 : i32
        %get3A_698 = arith.index_cast %select_n3A_679 : i32 to index
        %get3A_699 = arith.index_cast %mul3A_697 : i32 to index
        %get3A_700 = tpu.vector_load %arg12[%get3A_698, %get3A_699] {strides = array<i32>} : memref<8x512xf32, #tpu.memory_space<vmem>>, vector<16xf32>,
        %get3A_701 = arith.index_cast %select_n3A_679 : i32 to index
        %get3A_702 = arith.index_cast %mul3A_697 : i32 to index
        %get3A_703 = tpu.vector_load %arg13[%get3A_701, %get3A_702] {strides = array<i32>} : memref<8x512xf32, #tpu.memory_space<vmem>>, vector<16xf32>,
        %mul3A_704 = arith.constant 4.000000e+00 : f32
        %mul3A_705 = vector.broadcast %mul3A_704 : f32 to vector<16xf32>
        %mul3A_706 = arith.mulf %get3A_703, %mul3A_705 : vector<16xf32>
        %add3A_707 = arith.constant 1.000000e+00 : f32
        %add3A_708 = vector.broadcast %add3A_707 : f32 to vector<16xf32>
        %add3A_709 = arith.addf %mul3A_706, %add3A_708 : vector<16xf32>
        %mul3A_710 = arith.constant 2.000000e+00 : f32
        %mul3A_711 = vector.broadcast %mul3A_710 : f32 to vector<16xf32>
        %mul3A_712 = arith.mulf %get3A_703, %mul3A_711 : vector<16xf32>
        %sub3A_713 = arith.constant 1.000000e+00 : f32
        %sub3A_714 = vector.broadcast %sub3A_713 : f32 to vector<16xf32>
        %sub3A_715 = arith.subf %mul3A_712, %sub3A_714 : vector<16xf32>
        %mul3A_716 = arith.mulf %get3A_700, %sub3A_715 : vector<16xf32>
        %sub3A_717 = arith.subf %add3A_709, %mul3A_716 : vector<16xf32>
        %max3A_718 = arith.constant 0.000000e+00 : f32
        %max3A_719 = vector.broadcast %max3A_718 : f32 to vector<16xf32>
        %max3A_720 = arith.maximumf %sub3A_717, %max3A_719 : vector<16xf32>
        %mul3A_721 = arith.constant 1.280000e+02 : f32
        %mul3A_722 = vector.broadcast %mul3A_721 : f32 to vector<16xf32>
        %mul3A_723 = arith.mulf %max3A_720, %mul3A_722 : vector<16xf32>
        %convert_element_type3A_724 = arith.fptosi %mul3A_723 : vector<16xf32> to vector<16xi32>
        %min3A_725 = arith.constant 2047 : i32
        %min3A_726 = vector.broadcast %min3A_725 : i32 to vector<16xi32>
        %min3A_727 = arith.minsi %convert_element_type3A_724, %min3A_726 : vector<16xi32>
        %mul3A_728 = arith.constant 16 : i32
        %mul3A_729 = vector.broadcast %mul3A_728 : i32 to vector<16xi32>
        %mul3A_730 = arith.muli %min3A_727, %mul3A_729 : vector<16xi32>
        %add3A_731 = arith.addi %mul3A_730, %iota3A : vector<16xi32>
        %mul3A_732 = arith.constant 2.44140625E-4 : f32
        %mul3A_733 = vector.broadcast %mul3A_732 : f32 to vector<16xf32>
        %mul3A_734 = arith.mulf %get3A_703, %mul3A_733 : vector<16xf32>
        %add3A_735 = arith.constant 1.000000e+00 : f32
        %add3A_736 = vector.broadcast %add3A_735 : f32 to vector<16xf32>
        %add3A_737 = arith.addf %mul3A_734, %add3A_736 : vector<16xf32>
        %gt3A_738 = arith.constant 0.000000e+00 : f32
        %gt3A_739 = vector.broadcast %gt3A_738 : f32 to vector<16xf32>
        %gt3A_740 = arith.cmpf ogt, %sub3A_717, %gt3A_739 : vector<16xf32>
        %add3A_741 = arith.addf %add3A_651, %get3A_703 : vector<16xf32>
        %mul3A_742 = arith.constant 8 : i32
        %mul3A_743 = arith.muli %scan3A_383, %mul3A_742 : i32
        %add3A_744 = arith.constant 4 : i32
        %add3A_745 = arith.addi %mul3A_743, %add3A_744 : i32
        %jit3A_746 = arith.constant 32 : i32
        %div3A_747 = arith.divsi %add3A_745, %jit3A_746 : i32
        %sign3A_748 = arith.constant 0 : i32
        %sign3A_749 = arith.cmpi sgt, %add3A_745, %sign3A_748 : i32
        %sign3A_750 = arith.extui %sign3A_749 : i1 to i32
        %sign3A_751 = arith.constant 0 : i32
        %sign3A_752 = arith.cmpi slt, %add3A_745, %sign3A_751 : i32
        %sign3A_753 = arith.extui %sign3A_752 : i1 to i32
        %sign3A_754 = arith.subi %sign3A_750, %sign3A_753 : i32
        %sign3A_755 = arith.constant 0 : i32
        %sign3A_756 = arith.cmpi sgt, %jit3A_746, %sign3A_755 : i32
        %sign3A_757 = arith.extui %sign3A_756 : i1 to i32
        %sign3A_758 = arith.constant 0 : i32
        %sign3A_759 = arith.cmpi slt, %jit3A_746, %sign3A_758 : i32
        %sign3A_760 = arith.extui %sign3A_759 : i1 to i32
        %sign3A_761 = arith.subi %sign3A_757, %sign3A_760 : i32
        %ne3A_762 = arith.cmpi ne, %sign3A_754, %sign3A_761 : i32
        %rem3A_763 = arith.remsi %add3A_745, %jit3A_746 : i32
        %ne3A_764 = arith.constant 0 : i32
        %ne3A_765 = arith.cmpi ne, %rem3A_763, %ne3A_764 : i32
        %and3A_766 = arith.andi %ne3A_762, %ne3A_765 : i1
        %sub3A_767 = arith.constant 1 : i32
        %sub3A_768 = arith.subi %div3A_747, %sub3A_767 : i32
        %select_n3A_769 = arith.select %and3A_766, %sub3A_768, %div3A_747 : i32
        %jit3A_770 = arith.constant 32 : i32
        %eq3A_771 = arith.constant 0 : i32
        %eq3A_772 = arith.cmpi eq, %jit3A_770, %eq3A_771 : i32
        %jit3A_773 = arith.constant 1 : i32
        %select_n3A_774 = arith.select %eq3A_772, %jit3A_773, %jit3A_770 : i32
        %rem3A_775 = arith.remsi %add3A_745, %select_n3A_774 : i32
        %ne3A_776 = arith.constant 0 : i32
        %ne3A_777 = arith.cmpi ne, %rem3A_775, %ne3A_776 : i32
        %lt3A_778 = arith.constant 0 : i32
        %lt3A_779 = arith.cmpi slt, %rem3A_775, %lt3A_778 : i32
        %lt3A_780 = arith.constant 0 : i32
        %lt3A_781 = arith.cmpi slt, %select_n3A_774, %lt3A_780 : i32
        %ne3A_782 = arith.xori %lt3A_779, %lt3A_781 : i1
        %and3A_783 = arith.andi %ne3A_782, %ne3A_777 : i1
        %add3A_784 = arith.addi %rem3A_775, %select_n3A_774 : i32
        %select_n3A_785 = arith.select %and3A_783, %add3A_784, %rem3A_775 : i32
        %mul3A_786 = arith.constant 16 : i32
        %mul3A_787 = arith.muli %select_n3A_785, %mul3A_786 : i32
        %get3A_788 = arith.index_cast %select_n3A_769 : i32 to index
        %get3A_789 = arith.index_cast %mul3A_787 : i32 to index
        %get3A_790 = tpu.vector_load %arg12[%get3A_788, %get3A_789] {strides = array<i32>} : memref<8x512xf32, #tpu.memory_space<vmem>>, vector<16xf32>,
        %get3A_791 = arith.index_cast %select_n3A_769 : i32 to index
        %get3A_792 = arith.index_cast %mul3A_787 : i32 to index
        %get3A_793 = tpu.vector_load %arg13[%get3A_791, %get3A_792] {strides = array<i32>} : memref<8x512xf32, #tpu.memory_space<vmem>>, vector<16xf32>,
        %mul3A_794 = arith.constant 4.000000e+00 : f32
        %mul3A_795 = vector.broadcast %mul3A_794 : f32 to vector<16xf32>
        %mul3A_796 = arith.mulf %get3A_793, %mul3A_795 : vector<16xf32>
        %add3A_797 = arith.constant 1.000000e+00 : f32
        %add3A_798 = vector.broadcast %add3A_797 : f32 to vector<16xf32>
        %add3A_799 = arith.addf %mul3A_796, %add3A_798 : vector<16xf32>
        %mul3A_800 = arith.constant 2.000000e+00 : f32
        %mul3A_801 = vector.broadcast %mul3A_800 : f32 to vector<16xf32>
        %mul3A_802 = arith.mulf %get3A_793, %mul3A_801 : vector<16xf32>
        %sub3A_803 = arith.constant 1.000000e+00 : f32
        %sub3A_804 = vector.broadcast %sub3A_803 : f32 to vector<16xf32>
        %sub3A_805 = arith.subf %mul3A_802, %sub3A_804 : vector<16xf32>
        %mul3A_806 = arith.mulf %get3A_790, %sub3A_805 : vector<16xf32>
        %sub3A_807 = arith.subf %add3A_799, %mul3A_806 : vector<16xf32>
        %max3A_808 = arith.constant 0.000000e+00 : f32
        %max3A_809 = vector.broadcast %max3A_808 : f32 to vector<16xf32>
        %max3A_810 = arith.maximumf %sub3A_807, %max3A_809 : vector<16xf32>
        %mul3A_811 = arith.constant 1.280000e+02 : f32
        %mul3A_812 = vector.broadcast %mul3A_811 : f32 to vector<16xf32>
        %mul3A_813 = arith.mulf %max3A_810, %mul3A_812 : vector<16xf32>
        %convert_element_type3A_814 = arith.fptosi %mul3A_813 : vector<16xf32> to vector<16xi32>
        %min3A_815 = arith.constant 2047 : i32
        %min3A_816 = vector.broadcast %min3A_815 : i32 to vector<16xi32>
        %min3A_817 = arith.minsi %convert_element_type3A_814, %min3A_816 : vector<16xi32>
        %mul3A_818 = arith.constant 16 : i32
        %mul3A_819 = vector.broadcast %mul3A_818 : i32 to vector<16xi32>
        %mul3A_820 = arith.muli %min3A_817, %mul3A_819 : vector<16xi32>
        %add3A_821 = arith.addi %mul3A_820, %iota3A : vector<16xi32>
        %mul3A_822 = arith.constant 2.44140625E-4 : f32
        %mul3A_823 = vector.broadcast %mul3A_822 : f32 to vector<16xf32>
        %mul3A_824 = arith.mulf %get3A_793, %mul3A_823 : vector<16xf32>
        %add3A_825 = arith.constant 1.000000e+00 : f32
        %add3A_826 = vector.broadcast %add3A_825 : f32 to vector<16xf32>
        %add3A_827 = arith.addf %mul3A_824, %add3A_826 : vector<16xf32>
        %gt3A_828 = arith.constant 0.000000e+00 : f32
        %gt3A_829 = vector.broadcast %gt3A_828 : f32 to vector<16xf32>
        %gt3A_830 = arith.cmpf ogt, %sub3A_807, %gt3A_829 : vector<16xf32>
        %add3A_831 = arith.addf %add3A_741, %get3A_793 : vector<16xf32>
        %mul3A_832 = arith.constant 8 : i32
        %mul3A_833 = arith.muli %scan3A_383, %mul3A_832 : i32
        %add3A_834 = arith.constant 5 : i32
        %add3A_835 = arith.addi %mul3A_833, %add3A_834 : i32
        %jit3A_836 = arith.constant 32 : i32
        %div3A_837 = arith.divsi %add3A_835, %jit3A_836 : i32
        %sign3A_838 = arith.constant 0 : i32
        %sign3A_839 = arith.cmpi sgt, %add3A_835, %sign3A_838 : i32
        %sign3A_840 = arith.extui %sign3A_839 : i1 to i32
        %sign3A_841 = arith.constant 0 : i32
        %sign3A_842 = arith.cmpi slt, %add3A_835, %sign3A_841 : i32
        %sign3A_843 = arith.extui %sign3A_842 : i1 to i32
        %sign3A_844 = arith.subi %sign3A_840, %sign3A_843 : i32
        %sign3A_845 = arith.constant 0 : i32
        %sign3A_846 = arith.cmpi sgt, %jit3A_836, %sign3A_845 : i32
        %sign3A_847 = arith.extui %sign3A_846 : i1 to i32
        %sign3A_848 = arith.constant 0 : i32
        %sign3A_849 = arith.cmpi slt, %jit3A_836, %sign3A_848 : i32
        %sign3A_850 = arith.extui %sign3A_849 : i1 to i32
        %sign3A_851 = arith.subi %sign3A_847, %sign3A_850 : i32
        %ne3A_852 = arith.cmpi ne, %sign3A_844, %sign3A_851 : i32
        %rem3A_853 = arith.remsi %add3A_835, %jit3A_836 : i32
        %ne3A_854 = arith.constant 0 : i32
        %ne3A_855 = arith.cmpi ne, %rem3A_853, %ne3A_854 : i32
        %and3A_856 = arith.andi %ne3A_852, %ne3A_855 : i1
        %sub3A_857 = arith.constant 1 : i32
        %sub3A_858 = arith.subi %div3A_837, %sub3A_857 : i32
        %select_n3A_859 = arith.select %and3A_856, %sub3A_858, %div3A_837 : i32
        %jit3A_860 = arith.constant 32 : i32
        %eq3A_861 = arith.constant 0 : i32
        %eq3A_862 = arith.cmpi eq, %jit3A_860, %eq3A_861 : i32
        %jit3A_863 = arith.constant 1 : i32
        %select_n3A_864 = arith.select %eq3A_862, %jit3A_863, %jit3A_860 : i32
        %rem3A_865 = arith.remsi %add3A_835, %select_n3A_864 : i32
        %ne3A_866 = arith.constant 0 : i32
        %ne3A_867 = arith.cmpi ne, %rem3A_865, %ne3A_866 : i32
        %lt3A_868 = arith.constant 0 : i32
        %lt3A_869 = arith.cmpi slt, %rem3A_865, %lt3A_868 : i32
        %lt3A_870 = arith.constant 0 : i32
        %lt3A_871 = arith.cmpi slt, %select_n3A_864, %lt3A_870 : i32
        %ne3A_872 = arith.xori %lt3A_869, %lt3A_871 : i1
        %and3A_873 = arith.andi %ne3A_872, %ne3A_867 : i1
        %add3A_874 = arith.addi %rem3A_865, %select_n3A_864 : i32
        %select_n3A_875 = arith.select %and3A_873, %add3A_874, %rem3A_865 : i32
        %mul3A_876 = arith.constant 16 : i32
        %mul3A_877 = arith.muli %select_n3A_875, %mul3A_876 : i32
        %get3A_878 = arith.index_cast %select_n3A_859 : i32 to index
        %get3A_879 = arith.index_cast %mul3A_877 : i32 to index
        %get3A_880 = tpu.vector_load %arg12[%get3A_878, %get3A_879] {strides = array<i32>} : memref<8x512xf32, #tpu.memory_space<vmem>>, vector<16xf32>,
        %get3A_881 = arith.index_cast %select_n3A_859 : i32 to index
        %get3A_882 = arith.index_cast %mul3A_877 : i32 to index
        %get3A_883 = tpu.vector_load %arg13[%get3A_881, %get3A_882] {strides = array<i32>} : memref<8x512xf32, #tpu.memory_space<vmem>>, vector<16xf32>,
        %mul3A_884 = arith.constant 4.000000e+00 : f32
        %mul3A_885 = vector.broadcast %mul3A_884 : f32 to vector<16xf32>
        %mul3A_886 = arith.mulf %get3A_883, %mul3A_885 : vector<16xf32>
        %add3A_887 = arith.constant 1.000000e+00 : f32
        %add3A_888 = vector.broadcast %add3A_887 : f32 to vector<16xf32>
        %add3A_889 = arith.addf %mul3A_886, %add3A_888 : vector<16xf32>
        %mul3A_890 = arith.constant 2.000000e+00 : f32
        %mul3A_891 = vector.broadcast %mul3A_890 : f32 to vector<16xf32>
        %mul3A_892 = arith.mulf %get3A_883, %mul3A_891 : vector<16xf32>
        %sub3A_893 = arith.constant 1.000000e+00 : f32
        %sub3A_894 = vector.broadcast %sub3A_893 : f32 to vector<16xf32>
        %sub3A_895 = arith.subf %mul3A_892, %sub3A_894 : vector<16xf32>
        %mul3A_896 = arith.mulf %get3A_880, %sub3A_895 : vector<16xf32>
        %sub3A_897 = arith.subf %add3A_889, %mul3A_896 : vector<16xf32>
        %max3A_898 = arith.constant 0.000000e+00 : f32
        %max3A_899 = vector.broadcast %max3A_898 : f32 to vector<16xf32>
        %max3A_900 = arith.maximumf %sub3A_897, %max3A_899 : vector<16xf32>
        %mul3A_901 = arith.constant 1.280000e+02 : f32
        %mul3A_902 = vector.broadcast %mul3A_901 : f32 to vector<16xf32>
        %mul3A_903 = arith.mulf %max3A_900, %mul3A_902 : vector<16xf32>
        %convert_element_type3A_904 = arith.fptosi %mul3A_903 : vector<16xf32> to vector<16xi32>
        %min3A_905 = arith.constant 2047 : i32
        %min3A_906 = vector.broadcast %min3A_905 : i32 to vector<16xi32>
        %min3A_907 = arith.minsi %convert_element_type3A_904, %min3A_906 : vector<16xi32>
        %mul3A_908 = arith.constant 16 : i32
        %mul3A_909 = vector.broadcast %mul3A_908 : i32 to vector<16xi32>
        %mul3A_910 = arith.muli %min3A_907, %mul3A_909 : vector<16xi32>
        %add3A_911 = arith.addi %mul3A_910, %iota3A : vector<16xi32>
        %mul3A_912 = arith.constant 2.44140625E-4 : f32
        %mul3A_913 = vector.broadcast %mul3A_912 : f32 to vector<16xf32>
        %mul3A_914 = arith.mulf %get3A_883, %mul3A_913 : vector<16xf32>
        %add3A_915 = arith.constant 1.000000e+00 : f32
        %add3A_916 = vector.broadcast %add3A_915 : f32 to vector<16xf32>
        %add3A_917 = arith.addf %mul3A_914, %add3A_916 : vector<16xf32>
        %gt3A_918 = arith.constant 0.000000e+00 : f32
        %gt3A_919 = vector.broadcast %gt3A_918 : f32 to vector<16xf32>
        %gt3A_920 = arith.cmpf ogt, %sub3A_897, %gt3A_919 : vector<16xf32>
        %add3A_921 = arith.addf %add3A_831, %get3A_883 : vector<16xf32>
        %mul3A_922 = arith.constant 8 : i32
        %mul3A_923 = arith.muli %scan3A_383, %mul3A_922 : i32
        %add3A_924 = arith.constant 6 : i32
        %add3A_925 = arith.addi %mul3A_923, %add3A_924 : i32
        %jit3A_926 = arith.constant 32 : i32
        %div3A_927 = arith.divsi %add3A_925, %jit3A_926 : i32
        %sign3A_928 = arith.constant 0 : i32
        %sign3A_929 = arith.cmpi sgt, %add3A_925, %sign3A_928 : i32
        %sign3A_930 = arith.extui %sign3A_929 : i1 to i32
        %sign3A_931 = arith.constant 0 : i32
        %sign3A_932 = arith.cmpi slt, %add3A_925, %sign3A_931 : i32
        %sign3A_933 = arith.extui %sign3A_932 : i1 to i32
        %sign3A_934 = arith.subi %sign3A_930, %sign3A_933 : i32
        %sign3A_935 = arith.constant 0 : i32
        %sign3A_936 = arith.cmpi sgt, %jit3A_926, %sign3A_935 : i32
        %sign3A_937 = arith.extui %sign3A_936 : i1 to i32
        %sign3A_938 = arith.constant 0 : i32
        %sign3A_939 = arith.cmpi slt, %jit3A_926, %sign3A_938 : i32
        %sign3A_940 = arith.extui %sign3A_939 : i1 to i32
        %sign3A_941 = arith.subi %sign3A_937, %sign3A_940 : i32
        %ne3A_942 = arith.cmpi ne, %sign3A_934, %sign3A_941 : i32
        %rem3A_943 = arith.remsi %add3A_925, %jit3A_926 : i32
        %ne3A_944 = arith.constant 0 : i32
        %ne3A_945 = arith.cmpi ne, %rem3A_943, %ne3A_944 : i32
        %and3A_946 = arith.andi %ne3A_942, %ne3A_945 : i1
        %sub3A_947 = arith.constant 1 : i32
        %sub3A_948 = arith.subi %div3A_927, %sub3A_947 : i32
        %select_n3A_949 = arith.select %and3A_946, %sub3A_948, %div3A_927 : i32
        %jit3A_950 = arith.constant 32 : i32
        %eq3A_951 = arith.constant 0 : i32
        %eq3A_952 = arith.cmpi eq, %jit3A_950, %eq3A_951 : i32
        %jit3A_953 = arith.constant 1 : i32
        %select_n3A_954 = arith.select %eq3A_952, %jit3A_953, %jit3A_950 : i32
        %rem3A_955 = arith.remsi %add3A_925, %select_n3A_954 : i32
        %ne3A_956 = arith.constant 0 : i32
        %ne3A_957 = arith.cmpi ne, %rem3A_955, %ne3A_956 : i32
        %lt3A_958 = arith.constant 0 : i32
        %lt3A_959 = arith.cmpi slt, %rem3A_955, %lt3A_958 : i32
        %lt3A_960 = arith.constant 0 : i32
        %lt3A_961 = arith.cmpi slt, %select_n3A_954, %lt3A_960 : i32
        %ne3A_962 = arith.xori %lt3A_959, %lt3A_961 : i1
        %and3A_963 = arith.andi %ne3A_962, %ne3A_957 : i1
        %add3A_964 = arith.addi %rem3A_955, %select_n3A_954 : i32
        %select_n3A_965 = arith.select %and3A_963, %add3A_964, %rem3A_955 : i32
        %mul3A_966 = arith.constant 16 : i32
        %mul3A_967 = arith.muli %select_n3A_965, %mul3A_966 : i32
        %get3A_968 = arith.index_cast %select_n3A_949 : i32 to index
        %get3A_969 = arith.index_cast %mul3A_967 : i32 to index
        %get3A_970 = tpu.vector_load %arg12[%get3A_968, %get3A_969] {strides = array<i32>} : memref<8x512xf32, #tpu.memory_space<vmem>>, vector<16xf32>,
        %get3A_971 = arith.index_cast %select_n3A_949 : i32 to index
        %get3A_972 = arith.index_cast %mul3A_967 : i32 to index
        %get3A_973 = tpu.vector_load %arg13[%get3A_971, %get3A_972] {strides = array<i32>} : memref<8x512xf32, #tpu.memory_space<vmem>>, vector<16xf32>,
        %mul3A_974 = arith.constant 4.000000e+00 : f32
        %mul3A_975 = vector.broadcast %mul3A_974 : f32 to vector<16xf32>
        %mul3A_976 = arith.mulf %get3A_973, %mul3A_975 : vector<16xf32>
        %add3A_977 = arith.constant 1.000000e+00 : f32
        %add3A_978 = vector.broadcast %add3A_977 : f32 to vector<16xf32>
        %add3A_979 = arith.addf %mul3A_976, %add3A_978 : vector<16xf32>
        %mul3A_980 = arith.constant 2.000000e+00 : f32
        %mul3A_981 = vector.broadcast %mul3A_980 : f32 to vector<16xf32>
        %mul3A_982 = arith.mulf %get3A_973, %mul3A_981 : vector<16xf32>
        %sub3A_983 = arith.constant 1.000000e+00 : f32
        %sub3A_984 = vector.broadcast %sub3A_983 : f32 to vector<16xf32>
        %sub3A_985 = arith.subf %mul3A_982, %sub3A_984 : vector<16xf32>
        %mul3A_986 = arith.mulf %get3A_970, %sub3A_985 : vector<16xf32>
        %sub3A_987 = arith.subf %add3A_979, %mul3A_986 : vector<16xf32>
        %max3A_988 = arith.constant 0.000000e+00 : f32
        %max3A_989 = vector.broadcast %max3A_988 : f32 to vector<16xf32>
        %max3A_990 = arith.maximumf %sub3A_987, %max3A_989 : vector<16xf32>
        %mul3A_991 = arith.constant 1.280000e+02 : f32
        %mul3A_992 = vector.broadcast %mul3A_991 : f32 to vector<16xf32>
        %mul3A_993 = arith.mulf %max3A_990, %mul3A_992 : vector<16xf32>
        %convert_element_type3A_994 = arith.fptosi %mul3A_993 : vector<16xf32> to vector<16xi32>
        %min3A_995 = arith.constant 2047 : i32
        %min3A_996 = vector.broadcast %min3A_995 : i32 to vector<16xi32>
        %min3A_997 = arith.minsi %convert_element_type3A_994, %min3A_996 : vector<16xi32>
        %mul3A_998 = arith.constant 16 : i32
        %mul3A_999 = vector.broadcast %mul3A_998 : i32 to vector<16xi32>
        %mul3A_1000 = arith.muli %min3A_997, %mul3A_999 : vector<16xi32>
        %add3A_1001 = arith.addi %mul3A_1000, %iota3A : vector<16xi32>
        %mul3A_1002 = arith.constant 2.44140625E-4 : f32
        %mul3A_1003 = vector.broadcast %mul3A_1002 : f32 to vector<16xf32>
        %mul3A_1004 = arith.mulf %get3A_973, %mul3A_1003 : vector<16xf32>
        %add3A_1005 = arith.constant 1.000000e+00 : f32
        %add3A_1006 = vector.broadcast %add3A_1005 : f32 to vector<16xf32>
        %add3A_1007 = arith.addf %mul3A_1004, %add3A_1006 : vector<16xf32>
        %gt3A_1008 = arith.constant 0.000000e+00 : f32
        %gt3A_1009 = vector.broadcast %gt3A_1008 : f32 to vector<16xf32>
        %gt3A_1010 = arith.cmpf ogt, %sub3A_987, %gt3A_1009 : vector<16xf32>
        %add3A_1011 = arith.addf %add3A_921, %get3A_973 : vector<16xf32>
        %mul3A_1012 = arith.constant 8 : i32
        %mul3A_1013 = arith.muli %scan3A_383, %mul3A_1012 : i32
        %add3A_1014 = arith.constant 7 : i32
        %add3A_1015 = arith.addi %mul3A_1013, %add3A_1014 : i32
        %jit3A_1016 = arith.constant 32 : i32
        %div3A_1017 = arith.divsi %add3A_1015, %jit3A_1016 : i32
        %sign3A_1018 = arith.constant 0 : i32
        %sign3A_1019 = arith.cmpi sgt, %add3A_1015, %sign3A_1018 : i32
        %sign3A_1020 = arith.extui %sign3A_1019 : i1 to i32
        %sign3A_1021 = arith.constant 0 : i32
        %sign3A_1022 = arith.cmpi slt, %add3A_1015, %sign3A_1021 : i32
        %sign3A_1023 = arith.extui %sign3A_1022 : i1 to i32
        %sign3A_1024 = arith.subi %sign3A_1020, %sign3A_1023 : i32
        %sign3A_1025 = arith.constant 0 : i32
        %sign3A_1026 = arith.cmpi sgt, %jit3A_1016, %sign3A_1025 : i32
        %sign3A_1027 = arith.extui %sign3A_1026 : i1 to i32
        %sign3A_1028 = arith.constant 0 : i32
        %sign3A_1029 = arith.cmpi slt, %jit3A_1016, %sign3A_1028 : i32
        %sign3A_1030 = arith.extui %sign3A_1029 : i1 to i32
        %sign3A_1031 = arith.subi %sign3A_1027, %sign3A_1030 : i32
        %ne3A_1032 = arith.cmpi ne, %sign3A_1024, %sign3A_1031 : i32
        %rem3A_1033 = arith.remsi %add3A_1015, %jit3A_1016 : i32
        %ne3A_1034 = arith.constant 0 : i32
        %ne3A_1035 = arith.cmpi ne, %rem3A_1033, %ne3A_1034 : i32
        %and3A_1036 = arith.andi %ne3A_1032, %ne3A_1035 : i1
        %sub3A_1037 = arith.constant 1 : i32
        %sub3A_1038 = arith.subi %div3A_1017, %sub3A_1037 : i32
        %select_n3A_1039 = arith.select %and3A_1036, %sub3A_1038, %div3A_1017 : i32
        %jit3A_1040 = arith.constant 32 : i32
        %eq3A_1041 = arith.constant 0 : i32
        %eq3A_1042 = arith.cmpi eq, %jit3A_1040, %eq3A_1041 : i32
        %jit3A_1043 = arith.constant 1 : i32
        %select_n3A_1044 = arith.select %eq3A_1042, %jit3A_1043, %jit3A_1040 : i32
        %rem3A_1045 = arith.remsi %add3A_1015, %select_n3A_1044 : i32
        %ne3A_1046 = arith.constant 0 : i32
        %ne3A_1047 = arith.cmpi ne, %rem3A_1045, %ne3A_1046 : i32
        %lt3A_1048 = arith.constant 0 : i32
        %lt3A_1049 = arith.cmpi slt, %rem3A_1045, %lt3A_1048 : i32
        %lt3A_1050 = arith.constant 0 : i32
        %lt3A_1051 = arith.cmpi slt, %select_n3A_1044, %lt3A_1050 : i32
        %ne3A_1052 = arith.xori %lt3A_1049, %lt3A_1051 : i1
        %and3A_1053 = arith.andi %ne3A_1052, %ne3A_1047 : i1
        %add3A_1054 = arith.addi %rem3A_1045, %select_n3A_1044 : i32
        %select_n3A_1055 = arith.select %and3A_1053, %add3A_1054, %rem3A_1045 : i32
        %mul3A_1056 = arith.constant 16 : i32
        %mul3A_1057 = arith.muli %select_n3A_1055, %mul3A_1056 : i32
        %get3A_1058 = arith.index_cast %select_n3A_1039 : i32 to index
        %get3A_1059 = arith.index_cast %mul3A_1057 : i32 to index
        %get3A_1060 = tpu.vector_load %arg12[%get3A_1058, %get3A_1059] {strides = array<i32>} : memref<8x512xf32, #tpu.memory_space<vmem>>, vector<16xf32>,
        %get3A_1061 = arith.index_cast %select_n3A_1039 : i32 to index
        %get3A_1062 = arith.index_cast %mul3A_1057 : i32 to index
        %get3A_1063 = tpu.vector_load %arg13[%get3A_1061, %get3A_1062] {strides = array<i32>} : memref<8x512xf32, #tpu.memory_space<vmem>>, vector<16xf32>,
        %mul3A_1064 = arith.constant 4.000000e+00 : f32
        %mul3A_1065 = vector.broadcast %mul3A_1064 : f32 to vector<16xf32>
        %mul3A_1066 = arith.mulf %get3A_1063, %mul3A_1065 : vector<16xf32>
        %add3A_1067 = arith.constant 1.000000e+00 : f32
        %add3A_1068 = vector.broadcast %add3A_1067 : f32 to vector<16xf32>
        %add3A_1069 = arith.addf %mul3A_1066, %add3A_1068 : vector<16xf32>
        %mul3A_1070 = arith.constant 2.000000e+00 : f32
        %mul3A_1071 = vector.broadcast %mul3A_1070 : f32 to vector<16xf32>
        %mul3A_1072 = arith.mulf %get3A_1063, %mul3A_1071 : vector<16xf32>
        %sub3A_1073 = arith.constant 1.000000e+00 : f32
        %sub3A_1074 = vector.broadcast %sub3A_1073 : f32 to vector<16xf32>
        %sub3A_1075 = arith.subf %mul3A_1072, %sub3A_1074 : vector<16xf32>
        %mul3A_1076 = arith.mulf %get3A_1060, %sub3A_1075 : vector<16xf32>
        %sub3A_1077 = arith.subf %add3A_1069, %mul3A_1076 : vector<16xf32>
        %max3A_1078 = arith.constant 0.000000e+00 : f32
        %max3A_1079 = vector.broadcast %max3A_1078 : f32 to vector<16xf32>
        %max3A_1080 = arith.maximumf %sub3A_1077, %max3A_1079 : vector<16xf32>
        %mul3A_1081 = arith.constant 1.280000e+02 : f32
        %mul3A_1082 = vector.broadcast %mul3A_1081 : f32 to vector<16xf32>
        %mul3A_1083 = arith.mulf %max3A_1080, %mul3A_1082 : vector<16xf32>
        %convert_element_type3A_1084 = arith.fptosi %mul3A_1083 : vector<16xf32> to vector<16xi32>
        %min3A_1085 = arith.constant 2047 : i32
        %min3A_1086 = vector.broadcast %min3A_1085 : i32 to vector<16xi32>
        %min3A_1087 = arith.minsi %convert_element_type3A_1084, %min3A_1086 : vector<16xi32>
        %mul3A_1088 = arith.constant 16 : i32
        %mul3A_1089 = vector.broadcast %mul3A_1088 : i32 to vector<16xi32>
        %mul3A_1090 = arith.muli %min3A_1087, %mul3A_1089 : vector<16xi32>
        %add3A_1091 = arith.addi %mul3A_1090, %iota3A : vector<16xi32>
        %mul3A_1092 = arith.constant 2.44140625E-4 : f32
        %mul3A_1093 = vector.broadcast %mul3A_1092 : f32 to vector<16xf32>
        %mul3A_1094 = arith.mulf %get3A_1063, %mul3A_1093 : vector<16xf32>
        %add3A_1095 = arith.constant 1.000000e+00 : f32
        %add3A_1096 = vector.broadcast %add3A_1095 : f32 to vector<16xf32>
        %add3A_1097 = arith.addf %mul3A_1094, %add3A_1096 : vector<16xf32>
        %gt3A_1098 = arith.constant 0.000000e+00 : f32
        %gt3A_1099 = vector.broadcast %gt3A_1098 : f32 to vector<16xf32>
        %gt3A_1100 = arith.cmpf ogt, %sub3A_1077, %gt3A_1099 : vector<16xf32>
        %add3A_1101 = arith.addf %add3A_1011, %get3A_1063 : vector<16xf32>
        tpu.vector_store_idx %arg5[%add3A_462], %add3A_468 masked %gt3A_470 {add = true} : memref<32768xf32, #tpu.memory_space<vmem>>[vector<16xi32>], vector<16xf32>, vector<16xi1>
        tpu.vector_store_idx %arg6[%add3A_462], %max3A_452 masked %gt3A_470 {add = true} : memref<32768xf32, #tpu.memory_space<vmem>>[vector<16xi32>], vector<16xf32>, vector<16xi1>
        tpu.vector_store_idx %arg5[%add3A_551], %add3A_557 masked %gt3A_560 {add = true} : memref<32768xf32, #tpu.memory_space<vmem>>[vector<16xi32>], vector<16xf32>, vector<16xi1>
        tpu.vector_store_idx %arg6[%add3A_551], %max3A_540 masked %gt3A_560 {add = true} : memref<32768xf32, #tpu.memory_space<vmem>>[vector<16xi32>], vector<16xf32>, vector<16xi1>
        tpu.vector_store_idx %arg5[%add3A_641], %add3A_647 masked %gt3A_650 {add = true} : memref<32768xf32, #tpu.memory_space<vmem>>[vector<16xi32>], vector<16xf32>, vector<16xi1>
        tpu.vector_store_idx %arg6[%add3A_641], %max3A_630 masked %gt3A_650 {add = true} : memref<32768xf32, #tpu.memory_space<vmem>>[vector<16xi32>], vector<16xf32>, vector<16xi1>
        tpu.vector_store_idx %arg5[%add3A_731], %add3A_737 masked %gt3A_740 {add = true} : memref<32768xf32, #tpu.memory_space<vmem>>[vector<16xi32>], vector<16xf32>, vector<16xi1>
        tpu.vector_store_idx %arg6[%add3A_731], %max3A_720 masked %gt3A_740 {add = true} : memref<32768xf32, #tpu.memory_space<vmem>>[vector<16xi32>], vector<16xf32>, vector<16xi1>
        tpu.vector_store_idx %arg5[%add3A_821], %add3A_827 masked %gt3A_830 {add = true} : memref<32768xf32, #tpu.memory_space<vmem>>[vector<16xi32>], vector<16xf32>, vector<16xi1>
        tpu.vector_store_idx %arg6[%add3A_821], %max3A_810 masked %gt3A_830 {add = true} : memref<32768xf32, #tpu.memory_space<vmem>>[vector<16xi32>], vector<16xf32>, vector<16xi1>
        tpu.vector_store_idx %arg5[%add3A_911], %add3A_917 masked %gt3A_920 {add = true} : memref<32768xf32, #tpu.memory_space<vmem>>[vector<16xi32>], vector<16xf32>, vector<16xi1>
        tpu.vector_store_idx %arg6[%add3A_911], %max3A_900 masked %gt3A_920 {add = true} : memref<32768xf32, #tpu.memory_space<vmem>>[vector<16xi32>], vector<16xf32>, vector<16xi1>
        tpu.vector_store_idx %arg5[%add3A_1001], %add3A_1007 masked %gt3A_1010 {add = true} : memref<32768xf32, #tpu.memory_space<vmem>>[vector<16xi32>], vector<16xf32>, vector<16xi1>
        tpu.vector_store_idx %arg6[%add3A_1001], %max3A_990 masked %gt3A_1010 {add = true} : memref<32768xf32, #tpu.memory_space<vmem>>[vector<16xi32>], vector<16xf32>, vector<16xi1>
        tpu.vector_store_idx %arg5[%add3A_1091], %add3A_1097 masked %gt3A_1100 {add = true} : memref<32768xf32, #tpu.memory_space<vmem>>[vector<16xi32>], vector<16xf32>, vector<16xi1>
        tpu.vector_store_idx %arg6[%add3A_1091], %max3A_1080 masked %gt3A_1100 {add = true} : memref<32768xf32, #tpu.memory_space<vmem>>[vector<16xi32>], vector<16xf32>, vector<16xi1>
        scf.yield %add3A_1101 : vector<16xf32>
      }
      %scan3A_377 = arith.constant 32 : i32
      %lt3A_378 = arith.constant 7 : i32
      %lt3A_379 = arith.cmpi slt, %scan3A_324, %lt3A_378 : i32
      %convert_element_type3A_380 = arith.extui %lt3A_379 : i1 to i32
      %cond3A_381 = arith.constant 0 : i32
      %cond3A_382 = arith.cmpi ne, %convert_element_type3A_380, %cond3A_381 : i32
      scf.if %cond3A_382 {
        %mul3A_383 = arith.constant 2 : i32
        %mul3A_384 = arith.muli %mul3A_383, %scan3A_324 : i32
        %add3A_385 = arith.constant 3 : i32
        %add3A_386 = arith.addi %mul3A_384, %add3A_385 : i32
        %mul3A_387 = arith.constant 8 : i32
        %mul3A_388 = arith.muli %add3A_386, %mul3A_387 : i32
        %add3A_389 = arith.addi %mul3A_37, %mul3A_388 : i32
        %dma_start3A_390 = arith.constant 0 : i32
        %dma_start3A_391 = tpu.memref_slice %arg2[%add3A, %add3A_389, %dma_start3A_390] : memref<8x512x512xf32, #tpu.memory_space<hbm>> -> memref<1x8x512xf32, #tpu.memory_space<hbm>>
        %dma_start3A_392 = tpu.memref_squeeze %dma_start3A_391 : memref<1x8x512xf32, #tpu.memory_space<hbm>> -> memref<8x512xf32, #tpu.memory_space<hbm>>
        %dma_start3A_393 = arith.constant 0 : i32
        %dma_start3A_394 = tpu.memref_slice %arg2[%add3A, %add3A_389, %dma_start3A_393] : memref<8x512x512xf32, #tpu.memory_space<hbm>> -> memref<1x8x512xf32, #tpu.memory_space<hbm>>
        %dma_start3A_395 = tpu.memref_squeeze %dma_start3A_394 : memref<1x8x512xf32, #tpu.memory_space<hbm>> -> memref<8x512xf32, #tpu.memory_space<hbm>>
        tpu.enqueue_dma source(%dma_start3A_395 : memref<8x512xf32, #tpu.memory_space<hbm>>) target(%arg12 : memref<8x512xf32, #tpu.memory_space<vmem>>) target_semaphore(%arg21 : memref<!tpu.dma_semaphore, #tpu.memory_space<semaphore_mem>>)
        %dma_start3A_396 = arith.constant 0 : i32
        %dma_start3A_397 = tpu.memref_slice %arg3[%add3A, %add3A_389, %dma_start3A_396] : memref<8x512x512xf32, #tpu.memory_space<hbm>> -> memref<1x8x512xf32, #tpu.memory_space<hbm>>
        %dma_start3A_398 = tpu.memref_squeeze %dma_start3A_397 : memref<1x8x512xf32, #tpu.memory_space<hbm>> -> memref<8x512xf32, #tpu.memory_space<hbm>>
        %dma_start3A_399 = arith.constant 0 : i32
        %dma_start3A_400 = tpu.memref_slice %arg3[%add3A, %add3A_389, %dma_start3A_399] : memref<8x512x512xf32, #tpu.memory_space<hbm>> -> memref<1x8x512xf32, #tpu.memory_space<hbm>>
        %dma_start3A_401 = tpu.memref_squeeze %dma_start3A_400 : memref<1x8x512xf32, #tpu.memory_space<hbm>> -> memref<8x512xf32, #tpu.memory_space<hbm>>
        tpu.enqueue_dma source(%dma_start3A_401 : memref<8x512xf32, #tpu.memory_space<hbm>>) target(%arg13 : memref<8x512xf32, #tpu.memory_space<vmem>>) target_semaphore(%arg22 : memref<!tpu.dma_semaphore, #tpu.memory_space<semaphore_mem>>)
      } else {
      }
      scf.yield %scan3A_376 : vector<16xf32>
    }
    %scan3A_76 = arith.constant 8 : i32
    %scan3A_77 = arith.constant 0 : i32
    %scan3A_78 = arith.constant 0 : i32
    %scan3A_79 = arith.constant 128 : i32
    %scan3A_80 = arith.addi %scan3A_78, %scan3A_79 : i32
    %scan3A_81 = arith.constant 1 : i32
    %scan3A_82 = scf.for %scan3A_324 = %scan3A_78 to %scan3A_80 step %scan3A_81 iter_args(%scan3A_325 = %scan3A_77) -> (i32)  : i32 {
      %mul3A_326 = arith.constant 16 : i32
      %mul3A_327 = arith.muli %scan3A_324, %mul3A_326 : i32
      %add3A_328 = vector.broadcast %mul3A_327 : i32 to vector<16xi32>
      %add3A_329 = arith.addi %iota3A, %add3A_328 : vector<16xi32>
      %mul3A_330 = arith.constant 16 : i32
      %mul3A_331 = vector.broadcast %mul3A_330 : i32 to vector<16xi32>
      %mul3A_332 = arith.muli %add3A_329, %mul3A_331 : vector<16xi32>
      %broadcast_in_dim3A_333 = arith.constant 0.000000e+00 : f32
      %broadcast_in_dim3A_334 = vector.broadcast %broadcast_in_dim3A_333 : f32 to vector<16xf32>
      %broadcast_in_dim3A_335 = arith.constant 0.000000e+00 : f32
      %broadcast_in_dim3A_336 = vector.broadcast %broadcast_in_dim3A_335 : f32 to vector<16xf32>
      %broadcast_in_dim3A_337 = arith.constant 0.000000e+00 : f32
      %broadcast_in_dim3A_338 = vector.broadcast %broadcast_in_dim3A_337 : f32 to vector<16xf32>
      %add3A_339 = arith.constant 0 : i32
      %add3A_340 = vector.broadcast %add3A_339 : i32 to vector<16xi32>
      %add3A_341 = arith.addi %iota3A, %add3A_340 : vector<16xi32>
      %and3A_342 = arith.constant 15 : i32
      %and3A_343 = vector.broadcast %and3A_342 : i32 to vector<16xi32>
      %and3A_344 = arith.andi %add3A_341, %and3A_343 : vector<16xi32>
      %add3A_345 = arith.addi %mul3A_332, %and3A_344 : vector<16xi32>
      %gather3A = tpu.vector_load_idx %arg5[%add3A_345] : memref<32768xf32, #tpu.memory_space<vmem>>[vector<16xi32>], vector<16xf32>,
      %convert_element_type3A_346 = arith.fptosi %gather3A : vector<16xf32> to vector<16xi32>
      %convert_element_type3A_347 = arith.sitofp %convert_element_type3A_346 : vector<16xi32> to vector<16xf32>
      %add3A_348 = arith.addf %broadcast_in_dim3A_334, %convert_element_type3A_347 : vector<16xf32>
      %sub3A_349 = arith.subf %gather3A, %convert_element_type3A_347 : vector<16xf32>
      %mul3A_350 = arith.constant 4.096000e+03 : f32
      %mul3A_351 = vector.broadcast %mul3A_350 : f32 to vector<16xf32>
      %mul3A_352 = arith.mulf %sub3A_349, %mul3A_351 : vector<16xf32>
      %add3A_353 = arith.addf %broadcast_in_dim3A_336, %mul3A_352 : vector<16xf32>
      %gather3A_354 = tpu.vector_load_idx %arg6[%add3A_345] : memref<32768xf32, #tpu.memory_space<vmem>>[vector<16xi32>], vector<16xf32>,
      %add3A_355 = arith.addf %broadcast_in_dim3A_338, %gather3A_354 : vector<16xf32>
      %add3A_356 = arith.constant 1 : i32
      %add3A_357 = vector.broadcast %add3A_356 : i32 to vector<16xi32>
      %add3A_358 = arith.addi %iota3A, %add3A_357 : vector<16xi32>
      %and3A_359 = arith.constant 15 : i32
      %and3A_360 = vector.broadcast %and3A_359 : i32 to vector<16xi32>
      %and3A_361 = arith.andi %add3A_358, %and3A_360 : vector<16xi32>
      %add3A_362 = arith.addi %mul3A_332, %and3A_361 : vector<16xi32>
      %gather3A_363 = tpu.vector_load_idx %arg5[%add3A_362] : memref<32768xf32, #tpu.memory_space<vmem>>[vector<16xi32>], vector<16xf32>,
      %convert_element_type3A_364 = arith.fptosi %gather3A_363 : vector<16xf32> to vector<16xi32>
      %convert_element_type3A_365 = arith.sitofp %convert_element_type3A_364 : vector<16xi32> to vector<16xf32>
      %add3A_366 = arith.addf %add3A_348, %convert_element_type3A_365 : vector<16xf32>
      %sub3A_367 = arith.subf %gather3A_363, %convert_element_type3A_365 : vector<16xf32>
      %mul3A_368 = arith.constant 4.096000e+03 : f32
      %mul3A_369 = vector.broadcast %mul3A_368 : f32 to vector<16xf32>
      %mul3A_370 = arith.mulf %sub3A_367, %mul3A_369 : vector<16xf32>
      %add3A_371 = arith.addf %add3A_353, %mul3A_370 : vector<16xf32>
      %gather3A_372 = tpu.vector_load_idx %arg6[%add3A_362] : memref<32768xf32, #tpu.memory_space<vmem>>[vector<16xi32>], vector<16xf32>,
      %add3A_373 = arith.addf %add3A_355, %gather3A_372 : vector<16xf32>
      %add3A_374 = arith.constant 2 : i32
      %add3A_375 = vector.broadcast %add3A_374 : i32 to vector<16xi32>
      %add3A_376 = arith.addi %iota3A, %add3A_375 : vector<16xi32>
      %and3A_377 = arith.constant 15 : i32
      %and3A_378 = vector.broadcast %and3A_377 : i32 to vector<16xi32>
      %and3A_379 = arith.andi %add3A_376, %and3A_378 : vector<16xi32>
      %add3A_380 = arith.addi %mul3A_332, %and3A_379 : vector<16xi32>
      %gather3A_381 = tpu.vector_load_idx %arg5[%add3A_380] : memref<32768xf32, #tpu.memory_space<vmem>>[vector<16xi32>], vector<16xf32>,
      %convert_element_type3A_382 = arith.fptosi %gather3A_381 : vector<16xf32> to vector<16xi32>
      %convert_element_type3A_383 = arith.sitofp %convert_element_type3A_382 : vector<16xi32> to vector<16xf32>
      %add3A_384 = arith.addf %add3A_366, %convert_element_type3A_383 : vector<16xf32>
      %sub3A_385 = arith.subf %gather3A_381, %convert_element_type3A_383 : vector<16xf32>
      %mul3A_386 = arith.constant 4.096000e+03 : f32
      %mul3A_387 = vector.broadcast %mul3A_386 : f32 to vector<16xf32>
      %mul3A_388 = arith.mulf %sub3A_385, %mul3A_387 : vector<16xf32>
      %add3A_389 = arith.addf %add3A_371, %mul3A_388 : vector<16xf32>
      %gather3A_390 = tpu.vector_load_idx %arg6[%add3A_380] : memref<32768xf32, #tpu.memory_space<vmem>>[vector<16xi32>], vector<16xf32>,
      %add3A_391 = arith.addf %add3A_373, %gather3A_390 : vector<16xf32>
      %add3A_392 = arith.constant 3 : i32
      %add3A_393 = vector.broadcast %add3A_392 : i32 to vector<16xi32>
      %add3A_394 = arith.addi %iota3A, %add3A_393 : vector<16xi32>
      %and3A_395 = arith.constant 15 : i32
      %and3A_396 = vector.broadcast %and3A_395 : i32 to vector<16xi32>
      %and3A_397 = arith.andi %add3A_394, %and3A_396 : vector<16xi32>
      %add3A_398 = arith.addi %mul3A_332, %and3A_397 : vector<16xi32>
      %gather3A_399 = tpu.vector_load_idx %arg5[%add3A_398] : memref<32768xf32, #tpu.memory_space<vmem>>[vector<16xi32>], vector<16xf32>,
      %convert_element_type3A_400 = arith.fptosi %gather3A_399 : vector<16xf32> to vector<16xi32>
      %convert_element_type3A_401 = arith.sitofp %convert_element_type3A_400 : vector<16xi32> to vector<16xf32>
      %add3A_402 = arith.addf %add3A_384, %convert_element_type3A_401 : vector<16xf32>
      %sub3A_403 = arith.subf %gather3A_399, %convert_element_type3A_401 : vector<16xf32>
      %mul3A_404 = arith.constant 4.096000e+03 : f32
      %mul3A_405 = vector.broadcast %mul3A_404 : f32 to vector<16xf32>
      %mul3A_406 = arith.mulf %sub3A_403, %mul3A_405 : vector<16xf32>
      %add3A_407 = arith.addf %add3A_389, %mul3A_406 : vector<16xf32>
      %gather3A_408 = tpu.vector_load_idx %arg6[%add3A_398] : memref<32768xf32, #tpu.memory_space<vmem>>[vector<16xi32>], vector<16xf32>,
      %add3A_409 = arith.addf %add3A_391, %gather3A_408 : vector<16xf32>
      %add3A_410 = arith.constant 4 : i32
      %add3A_411 = vector.broadcast %add3A_410 : i32 to vector<16xi32>
      %add3A_412 = arith.addi %iota3A, %add3A_411 : vector<16xi32>
      %and3A_413 = arith.constant 15 : i32
      %and3A_414 = vector.broadcast %and3A_413 : i32 to vector<16xi32>
      %and3A_415 = arith.andi %add3A_412, %and3A_414 : vector<16xi32>
      %add3A_416 = arith.addi %mul3A_332, %and3A_415 : vector<16xi32>
      %gather3A_417 = tpu.vector_load_idx %arg5[%add3A_416] : memref<32768xf32, #tpu.memory_space<vmem>>[vector<16xi32>], vector<16xf32>,
      %convert_element_type3A_418 = arith.fptosi %gather3A_417 : vector<16xf32> to vector<16xi32>
      %convert_element_type3A_419 = arith.sitofp %convert_element_type3A_418 : vector<16xi32> to vector<16xf32>
      %add3A_420 = arith.addf %add3A_402, %convert_element_type3A_419 : vector<16xf32>
      %sub3A_421 = arith.subf %gather3A_417, %convert_element_type3A_419 : vector<16xf32>
      %mul3A_422 = arith.constant 4.096000e+03 : f32
      %mul3A_423 = vector.broadcast %mul3A_422 : f32 to vector<16xf32>
      %mul3A_424 = arith.mulf %sub3A_421, %mul3A_423 : vector<16xf32>
      %add3A_425 = arith.addf %add3A_407, %mul3A_424 : vector<16xf32>
      %gather3A_426 = tpu.vector_load_idx %arg6[%add3A_416] : memref<32768xf32, #tpu.memory_space<vmem>>[vector<16xi32>], vector<16xf32>,
      %add3A_427 = arith.addf %add3A_409, %gather3A_426 : vector<16xf32>
      %add3A_428 = arith.constant 5 : i32
      %add3A_429 = vector.broadcast %add3A_428 : i32 to vector<16xi32>
      %add3A_430 = arith.addi %iota3A, %add3A_429 : vector<16xi32>
      %and3A_431 = arith.constant 15 : i32
      %and3A_432 = vector.broadcast %and3A_431 : i32 to vector<16xi32>
      %and3A_433 = arith.andi %add3A_430, %and3A_432 : vector<16xi32>
      %add3A_434 = arith.addi %mul3A_332, %and3A_433 : vector<16xi32>
      %gather3A_435 = tpu.vector_load_idx %arg5[%add3A_434] : memref<32768xf32, #tpu.memory_space<vmem>>[vector<16xi32>], vector<16xf32>,
      %convert_element_type3A_436 = arith.fptosi %gather3A_435 : vector<16xf32> to vector<16xi32>
      %convert_element_type3A_437 = arith.sitofp %convert_element_type3A_436 : vector<16xi32> to vector<16xf32>
      %add3A_438 = arith.addf %add3A_420, %convert_element_type3A_437 : vector<16xf32>
      %sub3A_439 = arith.subf %gather3A_435, %convert_element_type3A_437 : vector<16xf32>
      %mul3A_440 = arith.constant 4.096000e+03 : f32
      %mul3A_441 = vector.broadcast %mul3A_440 : f32 to vector<16xf32>
      %mul3A_442 = arith.mulf %sub3A_439, %mul3A_441 : vector<16xf32>
      %add3A_443 = arith.addf %add3A_425, %mul3A_442 : vector<16xf32>
      %gather3A_444 = tpu.vector_load_idx %arg6[%add3A_434] : memref<32768xf32, #tpu.memory_space<vmem>>[vector<16xi32>], vector<16xf32>,
      %add3A_445 = arith.addf %add3A_427, %gather3A_444 : vector<16xf32>
      %add3A_446 = arith.constant 6 : i32
      %add3A_447 = vector.broadcast %add3A_446 : i32 to vector<16xi32>
      %add3A_448 = arith.addi %iota3A, %add3A_447 : vector<16xi32>
      %and3A_449 = arith.constant 15 : i32
      %and3A_450 = vector.broadcast %and3A_449 : i32 to vector<16xi32>
      %and3A_451 = arith.andi %add3A_448, %and3A_450 : vector<16xi32>
      %add3A_452 = arith.addi %mul3A_332, %and3A_451 : vector<16xi32>
      %gather3A_453 = tpu.vector_load_idx %arg5[%add3A_452] : memref<32768xf32, #tpu.memory_space<vmem>>[vector<16xi32>], vector<16xf32>,
      %convert_element_type3A_454 = arith.fptosi %gather3A_453 : vector<16xf32> to vector<16xi32>
      %convert_element_type3A_455 = arith.sitofp %convert_element_type3A_454 : vector<16xi32> to vector<16xf32>
      %add3A_456 = arith.addf %add3A_438, %convert_element_type3A_455 : vector<16xf32>
      %sub3A_457 = arith.subf %gather3A_453, %convert_element_type3A_455 : vector<16xf32>
      %mul3A_458 = arith.constant 4.096000e+03 : f32
      %mul3A_459 = vector.broadcast %mul3A_458 : f32 to vector<16xf32>
      %mul3A_460 = arith.mulf %sub3A_457, %mul3A_459 : vector<16xf32>
      %add3A_461 = arith.addf %add3A_443, %mul3A_460 : vector<16xf32>
      %gather3A_462 = tpu.vector_load_idx %arg6[%add3A_452] : memref<32768xf32, #tpu.memory_space<vmem>>[vector<16xi32>], vector<16xf32>,
      %add3A_463 = arith.addf %add3A_445, %gather3A_462 : vector<16xf32>
      %add3A_464 = arith.constant 7 : i32
      %add3A_465 = vector.broadcast %add3A_464 : i32 to vector<16xi32>
      %add3A_466 = arith.addi %iota3A, %add3A_465 : vector<16xi32>
      %and3A_467 = arith.constant 15 : i32
      %and3A_468 = vector.broadcast %and3A_467 : i32 to vector<16xi32>
      %and3A_469 = arith.andi %add3A_466, %and3A_468 : vector<16xi32>
      %add3A_470 = arith.addi %mul3A_332, %and3A_469 : vector<16xi32>
      %gather3A_471 = tpu.vector_load_idx %arg5[%add3A_470] : memref<32768xf32, #tpu.memory_space<vmem>>[vector<16xi32>], vector<16xf32>,
      %convert_element_type3A_472 = arith.fptosi %gather3A_471 : vector<16xf32> to vector<16xi32>
      %convert_element_type3A_473 = arith.sitofp %convert_element_type3A_472 : vector<16xi32> to vector<16xf32>
      %add3A_474 = arith.addf %add3A_456, %convert_element_type3A_473 : vector<16xf32>
      %sub3A_475 = arith.subf %gather3A_471, %convert_element_type3A_473 : vector<16xf32>
      %mul3A_476 = arith.constant 4.096000e+03 : f32
      %mul3A_477 = vector.broadcast %mul3A_476 : f32 to vector<16xf32>
      %mul3A_478 = arith.mulf %sub3A_475, %mul3A_477 : vector<16xf32>
      %add3A_479 = arith.addf %add3A_461, %mul3A_478 : vector<16xf32>
      %gather3A_480 = tpu.vector_load_idx %arg6[%add3A_470] : memref<32768xf32, #tpu.memory_space<vmem>>[vector<16xi32>], vector<16xf32>,
      %add3A_481 = arith.addf %add3A_463, %gather3A_480 : vector<16xf32>
      %add3A_482 = arith.constant 8 : i32
      %add3A_483 = vector.broadcast %add3A_482 : i32 to vector<16xi32>
      %add3A_484 = arith.addi %iota3A, %add3A_483 : vector<16xi32>
      %and3A_485 = arith.constant 15 : i32
      %and3A_486 = vector.broadcast %and3A_485 : i32 to vector<16xi32>
      %and3A_487 = arith.andi %add3A_484, %and3A_486 : vector<16xi32>
      %add3A_488 = arith.addi %mul3A_332, %and3A_487 : vector<16xi32>
      %gather3A_489 = tpu.vector_load_idx %arg5[%add3A_488] : memref<32768xf32, #tpu.memory_space<vmem>>[vector<16xi32>], vector<16xf32>,
      %convert_element_type3A_490 = arith.fptosi %gather3A_489 : vector<16xf32> to vector<16xi32>
      %convert_element_type3A_491 = arith.sitofp %convert_element_type3A_490 : vector<16xi32> to vector<16xf32>
      %add3A_492 = arith.addf %add3A_474, %convert_element_type3A_491 : vector<16xf32>
      %sub3A_493 = arith.subf %gather3A_489, %convert_element_type3A_491 : vector<16xf32>
      %mul3A_494 = arith.constant 4.096000e+03 : f32
      %mul3A_495 = vector.broadcast %mul3A_494 : f32 to vector<16xf32>
      %mul3A_496 = arith.mulf %sub3A_493, %mul3A_495 : vector<16xf32>
      %add3A_497 = arith.addf %add3A_479, %mul3A_496 : vector<16xf32>
      %gather3A_498 = tpu.vector_load_idx %arg6[%add3A_488] : memref<32768xf32, #tpu.memory_space<vmem>>[vector<16xi32>], vector<16xf32>,
      %add3A_499 = arith.addf %add3A_481, %gather3A_498 : vector<16xf32>
      %add3A_500 = arith.constant 9 : i32
      %add3A_501 = vector.broadcast %add3A_500 : i32 to vector<16xi32>
      %add3A_502 = arith.addi %iota3A, %add3A_501 : vector<16xi32>
      %and3A_503 = arith.constant 15 : i32
      %and3A_504 = vector.broadcast %and3A_503 : i32 to vector<16xi32>
      %and3A_505 = arith.andi %add3A_502, %and3A_504 : vector<16xi32>
      %add3A_506 = arith.addi %mul3A_332, %and3A_505 : vector<16xi32>
      %gather3A_507 = tpu.vector_load_idx %arg5[%add3A_506] : memref<32768xf32, #tpu.memory_space<vmem>>[vector<16xi32>], vector<16xf32>,
      %convert_element_type3A_508 = arith.fptosi %gather3A_507 : vector<16xf32> to vector<16xi32>
      %convert_element_type3A_509 = arith.sitofp %convert_element_type3A_508 : vector<16xi32> to vector<16xf32>
      %add3A_510 = arith.addf %add3A_492, %convert_element_type3A_509 : vector<16xf32>
      %sub3A_511 = arith.subf %gather3A_507, %convert_element_type3A_509 : vector<16xf32>
      %mul3A_512 = arith.constant 4.096000e+03 : f32
      %mul3A_513 = vector.broadcast %mul3A_512 : f32 to vector<16xf32>
      %mul3A_514 = arith.mulf %sub3A_511, %mul3A_513 : vector<16xf32>
      %add3A_515 = arith.addf %add3A_497, %mul3A_514 : vector<16xf32>
      %gather3A_516 = tpu.vector_load_idx %arg6[%add3A_506] : memref<32768xf32, #tpu.memory_space<vmem>>[vector<16xi32>], vector<16xf32>,
      %add3A_517 = arith.addf %add3A_499, %gather3A_516 : vector<16xf32>
      %add3A_518 = arith.constant 10 : i32
      %add3A_519 = vector.broadcast %add3A_518 : i32 to vector<16xi32>
      %add3A_520 = arith.addi %iota3A, %add3A_519 : vector<16xi32>
      %and3A_521 = arith.constant 15 : i32
      %and3A_522 = vector.broadcast %and3A_521 : i32 to vector<16xi32>
      %and3A_523 = arith.andi %add3A_520, %and3A_522 : vector<16xi32>
      %add3A_524 = arith.addi %mul3A_332, %and3A_523 : vector<16xi32>
      %gather3A_525 = tpu.vector_load_idx %arg5[%add3A_524] : memref<32768xf32, #tpu.memory_space<vmem>>[vector<16xi32>], vector<16xf32>,
      %convert_element_type3A_526 = arith.fptosi %gather3A_525 : vector<16xf32> to vector<16xi32>
      %convert_element_type3A_527 = arith.sitofp %convert_element_type3A_526 : vector<16xi32> to vector<16xf32>
      %add3A_528 = arith.addf %add3A_510, %convert_element_type3A_527 : vector<16xf32>
      %sub3A_529 = arith.subf %gather3A_525, %convert_element_type3A_527 : vector<16xf32>
      %mul3A_530 = arith.constant 4.096000e+03 : f32
      %mul3A_531 = vector.broadcast %mul3A_530 : f32 to vector<16xf32>
      %mul3A_532 = arith.mulf %sub3A_529, %mul3A_531 : vector<16xf32>
      %add3A_533 = arith.addf %add3A_515, %mul3A_532 : vector<16xf32>
      %gather3A_534 = tpu.vector_load_idx %arg6[%add3A_524] : memref<32768xf32, #tpu.memory_space<vmem>>[vector<16xi32>], vector<16xf32>,
      %add3A_535 = arith.addf %add3A_517, %gather3A_534 : vector<16xf32>
      %add3A_536 = arith.constant 11 : i32
      %add3A_537 = vector.broadcast %add3A_536 : i32 to vector<16xi32>
      %add3A_538 = arith.addi %iota3A, %add3A_537 : vector<16xi32>
      %and3A_539 = arith.constant 15 : i32
      %and3A_540 = vector.broadcast %and3A_539 : i32 to vector<16xi32>
      %and3A_541 = arith.andi %add3A_538, %and3A_540 : vector<16xi32>
      %add3A_542 = arith.addi %mul3A_332, %and3A_541 : vector<16xi32>
      %gather3A_543 = tpu.vector_load_idx %arg5[%add3A_542] : memref<32768xf32, #tpu.memory_space<vmem>>[vector<16xi32>], vector<16xf32>,
      %convert_element_type3A_544 = arith.fptosi %gather3A_543 : vector<16xf32> to vector<16xi32>
      %convert_element_type3A_545 = arith.sitofp %convert_element_type3A_544 : vector<16xi32> to vector<16xf32>
      %add3A_546 = arith.addf %add3A_528, %convert_element_type3A_545 : vector<16xf32>
      %sub3A_547 = arith.subf %gather3A_543, %convert_element_type3A_545 : vector<16xf32>
      %mul3A_548 = arith.constant 4.096000e+03 : f32
      %mul3A_549 = vector.broadcast %mul3A_548 : f32 to vector<16xf32>
      %mul3A_550 = arith.mulf %sub3A_547, %mul3A_549 : vector<16xf32>
      %add3A_551 = arith.addf %add3A_533, %mul3A_550 : vector<16xf32>
      %gather3A_552 = tpu.vector_load_idx %arg6[%add3A_542] : memref<32768xf32, #tpu.memory_space<vmem>>[vector<16xi32>], vector<16xf32>,
      %add3A_553 = arith.addf %add3A_535, %gather3A_552 : vector<16xf32>
      %add3A_554 = arith.constant 12 : i32
      %add3A_555 = vector.broadcast %add3A_554 : i32 to vector<16xi32>
      %add3A_556 = arith.addi %iota3A, %add3A_555 : vector<16xi32>
      %and3A_557 = arith.constant 15 : i32
      %and3A_558 = vector.broadcast %and3A_557 : i32 to vector<16xi32>
      %and3A_559 = arith.andi %add3A_556, %and3A_558 : vector<16xi32>
      %add3A_560 = arith.addi %mul3A_332, %and3A_559 : vector<16xi32>
      %gather3A_561 = tpu.vector_load_idx %arg5[%add3A_560] : memref<32768xf32, #tpu.memory_space<vmem>>[vector<16xi32>], vector<16xf32>,
      %convert_element_type3A_562 = arith.fptosi %gather3A_561 : vector<16xf32> to vector<16xi32>
      %convert_element_type3A_563 = arith.sitofp %convert_element_type3A_562 : vector<16xi32> to vector<16xf32>
      %add3A_564 = arith.addf %add3A_546, %convert_element_type3A_563 : vector<16xf32>
      %sub3A_565 = arith.subf %gather3A_561, %convert_element_type3A_563 : vector<16xf32>
      %mul3A_566 = arith.constant 4.096000e+03 : f32
      %mul3A_567 = vector.broadcast %mul3A_566 : f32 to vector<16xf32>
      %mul3A_568 = arith.mulf %sub3A_565, %mul3A_567 : vector<16xf32>
      %add3A_569 = arith.addf %add3A_551, %mul3A_568 : vector<16xf32>
      %gather3A_570 = tpu.vector_load_idx %arg6[%add3A_560] : memref<32768xf32, #tpu.memory_space<vmem>>[vector<16xi32>], vector<16xf32>,
      %add3A_571 = arith.addf %add3A_553, %gather3A_570 : vector<16xf32>
      %add3A_572 = arith.constant 13 : i32
      %add3A_573 = vector.broadcast %add3A_572 : i32 to vector<16xi32>
      %add3A_574 = arith.addi %iota3A, %add3A_573 : vector<16xi32>
      %and3A_575 = arith.constant 15 : i32
      %and3A_576 = vector.broadcast %and3A_575 : i32 to vector<16xi32>
      %and3A_577 = arith.andi %add3A_574, %and3A_576 : vector<16xi32>
      %add3A_578 = arith.addi %mul3A_332, %and3A_577 : vector<16xi32>
      %gather3A_579 = tpu.vector_load_idx %arg5[%add3A_578] : memref<32768xf32, #tpu.memory_space<vmem>>[vector<16xi32>], vector<16xf32>,
      %convert_element_type3A_580 = arith.fptosi %gather3A_579 : vector<16xf32> to vector<16xi32>
      %convert_element_type3A_581 = arith.sitofp %convert_element_type3A_580 : vector<16xi32> to vector<16xf32>
      %add3A_582 = arith.addf %add3A_564, %convert_element_type3A_581 : vector<16xf32>
      %sub3A_583 = arith.subf %gather3A_579, %convert_element_type3A_581 : vector<16xf32>
      %mul3A_584 = arith.constant 4.096000e+03 : f32
      %mul3A_585 = vector.broadcast %mul3A_584 : f32 to vector<16xf32>
      %mul3A_586 = arith.mulf %sub3A_583, %mul3A_585 : vector<16xf32>
      %add3A_587 = arith.addf %add3A_569, %mul3A_586 : vector<16xf32>
      %gather3A_588 = tpu.vector_load_idx %arg6[%add3A_578] : memref<32768xf32, #tpu.memory_space<vmem>>[vector<16xi32>], vector<16xf32>,
      %add3A_589 = arith.addf %add3A_571, %gather3A_588 : vector<16xf32>
      %add3A_590 = arith.constant 14 : i32
      %add3A_591 = vector.broadcast %add3A_590 : i32 to vector<16xi32>
      %add3A_592 = arith.addi %iota3A, %add3A_591 : vector<16xi32>
      %and3A_593 = arith.constant 15 : i32
      %and3A_594 = vector.broadcast %and3A_593 : i32 to vector<16xi32>
      %and3A_595 = arith.andi %add3A_592, %and3A_594 : vector<16xi32>
      %add3A_596 = arith.addi %mul3A_332, %and3A_595 : vector<16xi32>
      %gather3A_597 = tpu.vector_load_idx %arg5[%add3A_596] : memref<32768xf32, #tpu.memory_space<vmem>>[vector<16xi32>], vector<16xf32>,
      %convert_element_type3A_598 = arith.fptosi %gather3A_597 : vector<16xf32> to vector<16xi32>
      %convert_element_type3A_599 = arith.sitofp %convert_element_type3A_598 : vector<16xi32> to vector<16xf32>
      %add3A_600 = arith.addf %add3A_582, %convert_element_type3A_599 : vector<16xf32>
      %sub3A_601 = arith.subf %gather3A_597, %convert_element_type3A_599 : vector<16xf32>
      %mul3A_602 = arith.constant 4.096000e+03 : f32
      %mul3A_603 = vector.broadcast %mul3A_602 : f32 to vector<16xf32>
      %mul3A_604 = arith.mulf %sub3A_601, %mul3A_603 : vector<16xf32>
      %add3A_605 = arith.addf %add3A_587, %mul3A_604 : vector<16xf32>
      %gather3A_606 = tpu.vector_load_idx %arg6[%add3A_596] : memref<32768xf32, #tpu.memory_space<vmem>>[vector<16xi32>], vector<16xf32>,
      %add3A_607 = arith.addf %add3A_589, %gather3A_606 : vector<16xf32>
      %add3A_608 = arith.constant 15 : i32
      %add3A_609 = vector.broadcast %add3A_608 : i32 to vector<16xi32>
      %add3A_610 = arith.addi %iota3A, %add3A_609 : vector<16xi32>
      %and3A_611 = arith.constant 15 : i32
      %and3A_612 = vector.broadcast %and3A_611 : i32 to vector<16xi32>
      %and3A_613 = arith.andi %add3A_610, %and3A_612 : vector<16xi32>
      %add3A_614 = arith.addi %mul3A_332, %and3A_613 : vector<16xi32>
      %gather3A_615 = tpu.vector_load_idx %arg5[%add3A_614] : memref<32768xf32, #tpu.memory_space<vmem>>[vector<16xi32>], vector<16xf32>,
      %convert_element_type3A_616 = arith.fptosi %gather3A_615 : vector<16xf32> to vector<16xi32>
      %convert_element_type3A_617 = arith.sitofp %convert_element_type3A_616 : vector<16xi32> to vector<16xf32>
      %add3A_618 = arith.addf %add3A_600, %convert_element_type3A_617 : vector<16xf32>
      %sub3A_619 = arith.subf %gather3A_615, %convert_element_type3A_617 : vector<16xf32>
      %mul3A_620 = arith.constant 4.096000e+03 : f32
      %mul3A_621 = vector.broadcast %mul3A_620 : f32 to vector<16xf32>
      %mul3A_622 = arith.mulf %sub3A_619, %mul3A_621 : vector<16xf32>
      %add3A_623 = arith.addf %add3A_605, %mul3A_622 : vector<16xf32>
      %gather3A_624 = tpu.vector_load_idx %arg6[%add3A_614] : memref<32768xf32, #tpu.memory_space<vmem>>[vector<16xi32>], vector<16xf32>,
      %add3A_625 = arith.addf %add3A_607, %gather3A_624 : vector<16xf32>
      %mul3A_626 = arith.constant 16 : i32
      %mul3A_627 = arith.muli %scan3A_324, %mul3A_626 : i32
      %swap3A_628 = arith.index_cast %mul3A_627 : i32 to index
      %swap3A_629 = tpu.vector_load %arg7[%swap3A_628] {strides = array<i32>} : memref<2048xf32, #tpu.memory_space<vmem>>, vector<16xf32>,
      tpu.vector_store %arg7[%swap3A_628], %add3A_618 {strides = array<i32>} : memref<2048xf32, #tpu.memory_space<vmem>>, vector<16xf32>,
      %mul3A_630 = arith.constant 16 : i32
      %mul3A_631 = arith.muli %scan3A_324, %mul3A_630 : i32
      %swap3A_632 = arith.index_cast %mul3A_631 : i32 to index
      %swap3A_633 = tpu.vector_load %arg8[%swap3A_632] {strides = array<i32>} : memref<2048xf32, #tpu.memory_space<vmem>>, vector<16xf32>,
      tpu.vector_store %arg8[%swap3A_632], %add3A_623 {strides = array<i32>} : memref<2048xf32, #tpu.memory_space<vmem>>, vector<16xf32>,
      %mul3A_634 = arith.constant 16 : i32
      %mul3A_635 = arith.muli %scan3A_324, %mul3A_634 : i32
      %swap3A_636 = arith.index_cast %mul3A_635 : i32 to index
      %swap3A_637 = tpu.vector_load %arg9[%swap3A_636] {strides = array<i32>} : memref<2048xf32, #tpu.memory_space<vmem>>, vector<16xf32>,
      tpu.vector_store %arg9[%swap3A_636], %add3A_625 {strides = array<i32>} : memref<2048xf32, #tpu.memory_space<vmem>>, vector<16xf32>,
      %scan3A_638 = arith.constant 0 : i32
      scf.yield %scan3A_638 : i32
    }
    %scan3A_83 = arith.constant 128 : i32
    %swap3A = arith.constant 0 : i32
    %swap3A_84 = arith.index_cast %swap3A : i32 to index
    %swap3A_85 = arith.constant 0 : index
    %swap3A_86 = tpu.vector_load %arg11[%swap3A_84, %swap3A_85] {strides = array<i32>} : memref<8x512xf32, #tpu.memory_space<vmem>>, vector<16xf32>,
    tpu.vector_store %arg11[%swap3A_84, %swap3A_85], %scan3A_75 {strides = array<i32>} : memref<8x512xf32, #tpu.memory_space<vmem>>, vector<16xf32>,
    %mul3A_87 = arith.constant 2048 : i32
    %mul3A_88 = arith.muli %arg1, %mul3A_87 : i32
    "tpu.region"() ({
      %run_scoped3A_324 = tpu.sem_alloc : memref<!tpu.dma_semaphore, #tpu.memory_space<semaphore_mem>>
      %dma_start3A_325 = tpu.memref_slice %arg14[%mul3A_88] : memref<32768xf32, #tpu.memory_space<vmem_shared>> -> memref<2048xf32, #tpu.memory_space<vmem_shared>>
      %dma_start3A_326 = tpu.memref_slice %arg14[%mul3A_88] : memref<32768xf32, #tpu.memory_space<vmem_shared>> -> memref<2048xf32, #tpu.memory_space<vmem_shared>>
      tpu.enqueue_dma source(%arg7 : memref<2048xf32, #tpu.memory_space<vmem>>) target(%dma_start3A_326 : memref<2048xf32, #tpu.memory_space<vmem_shared>>) target_semaphore(%run_scoped3A_324 : memref<!tpu.dma_semaphore, #tpu.memory_space<semaphore_mem>>)
      %dma_wait3A = tpu.memref_slice %arg14[%mul3A_88] : memref<32768xf32, #tpu.memory_space<vmem_shared>> -> memref<2048xf32, #tpu.memory_space<vmem_shared>>
      %dma_wait3A_327 = tpu.memref_slice %arg14[%mul3A_88] : memref<32768xf32, #tpu.memory_space<vmem_shared>> -> memref<2048xf32, #tpu.memory_space<vmem_shared>>
      tpu.wait_dma2 semaphore(%run_scoped3A_324 : memref<!tpu.dma_semaphore, #tpu.memory_space<semaphore_mem>>) src(%arg7 : memref<2048xf32, #tpu.memory_space<vmem>>) dst(%dma_wait3A_327 : memref<2048xf32, #tpu.memory_space<vmem_shared>>)
      tpu.yield
    }) : () -> ()
    %mul3A_89 = arith.constant 2048 : i32
    %mul3A_90 = arith.muli %arg1, %mul3A_89 : i32
    "tpu.region"() ({
      %run_scoped3A_324 = tpu.sem_alloc : memref<!tpu.dma_semaphore, #tpu.memory_space<semaphore_mem>>
      %dma_start3A_325 = tpu.memref_slice %arg15[%mul3A_90] : memref<32768xf32, #tpu.memory_space<vmem_shared>> -> memref<2048xf32, #tpu.memory_space<vmem_shared>>
      %dma_start3A_326 = tpu.memref_slice %arg15[%mul3A_90] : memref<32768xf32, #tpu.memory_space<vmem_shared>> -> memref<2048xf32, #tpu.memory_space<vmem_shared>>
      tpu.enqueue_dma source(%arg8 : memref<2048xf32, #tpu.memory_space<vmem>>) target(%dma_start3A_326 : memref<2048xf32, #tpu.memory_space<vmem_shared>>) target_semaphore(%run_scoped3A_324 : memref<!tpu.dma_semaphore, #tpu.memory_space<semaphore_mem>>)
      %dma_wait3A = tpu.memref_slice %arg15[%mul3A_90] : memref<32768xf32, #tpu.memory_space<vmem_shared>> -> memref<2048xf32, #tpu.memory_space<vmem_shared>>
      %dma_wait3A_327 = tpu.memref_slice %arg15[%mul3A_90] : memref<32768xf32, #tpu.memory_space<vmem_shared>> -> memref<2048xf32, #tpu.memory_space<vmem_shared>>
      tpu.wait_dma2 semaphore(%run_scoped3A_324 : memref<!tpu.dma_semaphore, #tpu.memory_space<semaphore_mem>>) src(%arg8 : memref<2048xf32, #tpu.memory_space<vmem>>) dst(%dma_wait3A_327 : memref<2048xf32, #tpu.memory_space<vmem_shared>>)
      tpu.yield
    }) : () -> ()
    %mul3A_91 = arith.constant 2048 : i32
    %mul3A_92 = arith.muli %arg1, %mul3A_91 : i32
    "tpu.region"() ({
      %run_scoped3A_324 = tpu.sem_alloc : memref<!tpu.dma_semaphore, #tpu.memory_space<semaphore_mem>>
      %dma_start3A_325 = tpu.memref_slice %arg16[%mul3A_92] : memref<32768xf32, #tpu.memory_space<vmem_shared>> -> memref<2048xf32, #tpu.memory_space<vmem_shared>>
      %dma_start3A_326 = tpu.memref_slice %arg16[%mul3A_92] : memref<32768xf32, #tpu.memory_space<vmem_shared>> -> memref<2048xf32, #tpu.memory_space<vmem_shared>>
      tpu.enqueue_dma source(%arg9 : memref<2048xf32, #tpu.memory_space<vmem>>) target(%dma_start3A_326 : memref<2048xf32, #tpu.memory_space<vmem_shared>>) target_semaphore(%run_scoped3A_324 : memref<!tpu.dma_semaphore, #tpu.memory_space<semaphore_mem>>)
      %dma_wait3A = tpu.memref_slice %arg16[%mul3A_92] : memref<32768xf32, #tpu.memory_space<vmem_shared>> -> memref<2048xf32, #tpu.memory_space<vmem_shared>>
      %dma_wait3A_327 = tpu.memref_slice %arg16[%mul3A_92] : memref<32768xf32, #tpu.memory_space<vmem_shared>> -> memref<2048xf32, #tpu.memory_space<vmem_shared>>
      tpu.wait_dma2 semaphore(%run_scoped3A_324 : memref<!tpu.dma_semaphore, #tpu.memory_space<semaphore_mem>>) src(%arg9 : memref<2048xf32, #tpu.memory_space<vmem>>) dst(%dma_wait3A_327 : memref<2048xf32, #tpu.memory_space<vmem_shared>>)
      tpu.yield
    }) : () -> ()
    %mul3A_93 = arith.constant 16 : i32
    %mul3A_94 = arith.muli %arg1, %mul3A_93 : i32
    %run_scoped3A = arith.constant 0 : i32
    "tpu.region"() ({
      %run_scoped3A_324 = tpu.sem_alloc : memref<!tpu.dma_semaphore, #tpu.memory_space<semaphore_mem>>
      %dma_start3A_325 = arith.constant 0 : i32
      %dma_start3A_326 = tpu.memref_slice %arg11[%run_scoped3A, %dma_start3A_325] : memref<8x512xf32, #tpu.memory_space<vmem>> -> memref<1x16xf32, #tpu.memory_space<vmem>>
      %dma_start3A_327 = tpu.memref_squeeze %dma_start3A_326 : memref<1x16xf32, #tpu.memory_space<vmem>> -> memref<16xf32, #tpu.memory_space<vmem>>
      %dma_start3A_328 = tpu.memref_slice %arg17[%mul3A_94] : memref<256xf32, #tpu.memory_space<vmem_shared>> -> memref<16xf32, #tpu.memory_space<vmem_shared>>
      %dma_start3A_329 = tpu.memref_slice %arg17[%mul3A_94] : memref<256xf32, #tpu.memory_space<vmem_shared>> -> memref<16xf32, #tpu.memory_space<vmem_shared>>
      %dma_start3A_330 = arith.constant 0 : i32
      %dma_start3A_331 = tpu.memref_slice %arg11[%run_scoped3A, %dma_start3A_330] : memref<8x512xf32, #tpu.memory_space<vmem>> -> memref<1x16xf32, #tpu.memory_space<vmem>>
      %dma_start3A_332 = tpu.memref_squeeze %dma_start3A_331 : memref<1x16xf32, #tpu.memory_space<vmem>> -> memref<16xf32, #tpu.memory_space<vmem>>
      tpu.enqueue_dma source(%dma_start3A_332 : memref<16xf32, #tpu.memory_space<vmem>>) target(%dma_start3A_329 : memref<16xf32, #tpu.memory_space<vmem_shared>>) target_semaphore(%run_scoped3A_324 : memref<!tpu.dma_semaphore, #tpu.memory_space<semaphore_mem>>)
      %dma_wait3A = arith.constant 0 : i32
      %dma_wait3A_333 = tpu.memref_slice %arg11[%run_scoped3A, %dma_wait3A] : memref<8x512xf32, #tpu.memory_space<vmem>> -> memref<1x16xf32, #tpu.memory_space<vmem>>
      %dma_wait3A_334 = tpu.memref_squeeze %dma_wait3A_333 : memref<1x16xf32, #tpu.memory_space<vmem>> -> memref<16xf32, #tpu.memory_space<vmem>>
      %dma_wait3A_335 = tpu.memref_slice %arg17[%mul3A_94] : memref<256xf32, #tpu.memory_space<vmem_shared>> -> memref<16xf32, #tpu.memory_space<vmem_shared>>
      %dma_wait3A_336 = tpu.memref_slice %arg17[%mul3A_94] : memref<256xf32, #tpu.memory_space<vmem_shared>> -> memref<16xf32, #tpu.memory_space<vmem_shared>>
      %dma_wait3A_337 = arith.constant 0 : i32
      %dma_wait3A_338 = tpu.memref_slice %arg11[%run_scoped3A, %dma_wait3A_337] : memref<8x512xf32, #tpu.memory_space<vmem>> -> memref<1x16xf32, #tpu.memory_space<vmem>>
      %dma_wait3A_339 = tpu.memref_squeeze %dma_wait3A_338 : memref<1x16xf32, #tpu.memory_space<vmem>> -> memref<16xf32, #tpu.memory_space<vmem>>
      tpu.wait_dma2 semaphore(%run_scoped3A_324 : memref<!tpu.dma_semaphore, #tpu.memory_space<semaphore_mem>>) src(%dma_wait3A_339 : memref<16xf32, #tpu.memory_space<vmem>>) dst(%dma_wait3A_336 : memref<16xf32, #tpu.memory_space<vmem_shared>>)
      tpu.yield
    }) : () -> ()
    %barrier3A = arith.constant 0 : index
    tpu.barrier barrier_id(%barrier3A)
    %sub3A_95 = arith.subi %arg1, %select_n3A_30 : i32
    %mul3A_96 = arith.constant 512 : i32
    %mul3A_97 = arith.muli %select_n3A_30, %mul3A_96 : i32
    %mul3A_98 = arith.constant 16 : i32
    %mul3A_99 = arith.muli %sub3A_95, %mul3A_98 : i32
    %run_scoped3A_100 = arith.constant 0 : i32
    "tpu.region"() ({
      %run_scoped3A_324 = tpu.sem_alloc : memref<!tpu.dma_semaphore, #tpu.memory_space<semaphore_mem>>
      %dma_start3A_325 = arith.constant 0 : i32
      %dma_start3A_326 = tpu.memref_slice %arg10[%run_scoped3A_100, %dma_start3A_325] : memref<8x512xf32, #tpu.memory_space<vmem>> -> memref<1x64xf32, #tpu.memory_space<vmem>>
      %dma_start3A_327 = tpu.memref_squeeze %dma_start3A_326 : memref<1x64xf32, #tpu.memory_space<vmem>> -> memref<64xf32, #tpu.memory_space<vmem>>
      %dma_start3A_328 = tpu.memref_slice %arg17[%mul3A_99] : memref<256xf32, #tpu.memory_space<vmem_shared>> -> memref<64xf32, #tpu.memory_space<vmem_shared>>
      %dma_start3A_329 = arith.constant 0 : i32
      %dma_start3A_330 = tpu.memref_slice %arg10[%run_scoped3A_100, %dma_start3A_329] : memref<8x512xf32, #tpu.memory_space<vmem>> -> memref<1x64xf32, #tpu.memory_space<vmem>>
      %dma_start3A_331 = tpu.memref_squeeze %dma_start3A_330 : memref<1x64xf32, #tpu.memory_space<vmem>> -> memref<64xf32, #tpu.memory_space<vmem>>
      %dma_start3A_332 = tpu.memref_slice %arg17[%mul3A_99] : memref<256xf32, #tpu.memory_space<vmem_shared>> -> memref<64xf32, #tpu.memory_space<vmem_shared>>
      tpu.enqueue_dma source(%dma_start3A_332 : memref<64xf32, #tpu.memory_space<vmem_shared>>) target(%dma_start3A_331 : memref<64xf32, #tpu.memory_space<vmem>>) target_semaphore(%run_scoped3A_324 : memref<!tpu.dma_semaphore, #tpu.memory_space<semaphore_mem>>)
      %dma_wait3A = arith.constant 0 : i32
      %dma_wait3A_333 = tpu.memref_slice %arg10[%run_scoped3A_100, %dma_wait3A] : memref<8x512xf32, #tpu.memory_space<vmem>> -> memref<1x64xf32, #tpu.memory_space<vmem>>
      %dma_wait3A_334 = tpu.memref_squeeze %dma_wait3A_333 : memref<1x64xf32, #tpu.memory_space<vmem>> -> memref<64xf32, #tpu.memory_space<vmem>>
      %dma_wait3A_335 = tpu.memref_slice %arg17[%mul3A_99] : memref<256xf32, #tpu.memory_space<vmem_shared>> -> memref<64xf32, #tpu.memory_space<vmem_shared>>
      %dma_wait3A_336 = arith.constant 0 : i32
      %dma_wait3A_337 = tpu.memref_slice %arg10[%run_scoped3A_100, %dma_wait3A_336] : memref<8x512xf32, #tpu.memory_space<vmem>> -> memref<1x64xf32, #tpu.memory_space<vmem>>
      %dma_wait3A_338 = tpu.memref_squeeze %dma_wait3A_337 : memref<1x64xf32, #tpu.memory_space<vmem>> -> memref<64xf32, #tpu.memory_space<vmem>>
      %dma_wait3A_339 = tpu.memref_slice %arg17[%mul3A_99] : memref<256xf32, #tpu.memory_space<vmem_shared>> -> memref<64xf32, #tpu.memory_space<vmem_shared>>
      tpu.wait_dma2 semaphore(%run_scoped3A_324 : memref<!tpu.dma_semaphore, #tpu.memory_space<semaphore_mem>>) src(%dma_wait3A_339 : memref<64xf32, #tpu.memory_space<vmem_shared>>) dst(%dma_wait3A_338 : memref<64xf32, #tpu.memory_space<vmem>>)
      tpu.yield
    }) : () -> ()
    %get3A = arith.constant 0 : i32
    %get3A_101 = arith.index_cast %get3A : i32 to index
    %get3A_102 = arith.constant 0 : index
    %get3A_103 = tpu.vector_load %arg10[%get3A_101, %get3A_102] {strides = array<i32>} : memref<8x512xf32, #tpu.memory_space<vmem>>, vector<16xf32>,
    %get3A_104 = arith.constant 0 : i32
    %get3A_105 = arith.index_cast %get3A_104 : i32 to index
    %get3A_106 = arith.constant 16 : index
    %get3A_107 = tpu.vector_load %arg10[%get3A_105, %get3A_106] {strides = array<i32>} : memref<8x512xf32, #tpu.memory_space<vmem>>, vector<16xf32>,
    %add3A_108 = arith.addf %get3A_103, %get3A_107 : vector<16xf32>
    %get3A_109 = arith.constant 0 : i32
    %get3A_110 = arith.index_cast %get3A_109 : i32 to index
    %get3A_111 = arith.constant 32 : index
    %get3A_112 = tpu.vector_load %arg10[%get3A_110, %get3A_111] {strides = array<i32>} : memref<8x512xf32, #tpu.memory_space<vmem>>, vector<16xf32>,
    %add3A_113 = arith.addf %add3A_108, %get3A_112 : vector<16xf32>
    %get3A_114 = arith.constant 0 : i32
    %get3A_115 = arith.index_cast %get3A_114 : i32 to index
    %get3A_116 = arith.constant 48 : index
    %get3A_117 = tpu.vector_load %arg10[%get3A_115, %get3A_116] {strides = array<i32>} : memref<8x512xf32, #tpu.memory_space<vmem>>, vector<16xf32>,
    %add3A_118 = arith.addf %add3A_113, %get3A_117 : vector<16xf32>
    %reduce_sum3A = arith.constant true
    %reduce_sum3A_119 = vector.broadcast %reduce_sum3A : i1 to vector<16xi1>
    %reduce_sum3A_120 = tpu.scan <sum>, %add3A_118 masked %reduce_sum3A_119 : vector<16xf32>, vector<16xi1> -> vector<16xf32>
    %reduce_sum3A_121 = vector.extract %reduce_sum3A_120[15] : f32 from vector<16xf32>
    %mul3A_122 = arith.constant 2048 : i32
    %mul3A_123 = arith.muli %sub3A_95, %mul3A_122 : i32
    %add3A_124 = arith.addi %mul3A_123, %mul3A_97 : i32
    "tpu.region"() ({
      %run_scoped3A_324 = tpu.sem_alloc : memref<!tpu.dma_semaphore, #tpu.memory_space<semaphore_mem>>
      %dma_start3A_325 = arith.constant 0 : i32
      %dma_start3A_326 = tpu.memref_slice %arg7[%dma_start3A_325] : memref<2048xf32, #tpu.memory_space<vmem>> -> memref<512xf32, #tpu.memory_space<vmem>>
      %dma_start3A_327 = tpu.memref_slice %arg14[%add3A_124] : memref<32768xf32, #tpu.memory_space<vmem_shared>> -> memref<512xf32, #tpu.memory_space<vmem_shared>>
      %dma_start3A_328 = arith.constant 0 : i32
      %dma_start3A_329 = tpu.memref_slice %arg7[%dma_start3A_328] : memref<2048xf32, #tpu.memory_space<vmem>> -> memref<512xf32, #tpu.memory_space<vmem>>
      %dma_start3A_330 = tpu.memref_slice %arg14[%add3A_124] : memref<32768xf32, #tpu.memory_space<vmem_shared>> -> memref<512xf32, #tpu.memory_space<vmem_shared>>
      tpu.enqueue_dma source(%dma_start3A_330 : memref<512xf32, #tpu.memory_space<vmem_shared>>) target(%dma_start3A_329 : memref<512xf32, #tpu.memory_space<vmem>>) target_semaphore(%run_scoped3A_324 : memref<!tpu.dma_semaphore, #tpu.memory_space<semaphore_mem>>)
      %dma_wait3A = arith.constant 0 : i32
      %dma_wait3A_331 = tpu.memref_slice %arg7[%dma_wait3A] : memref<2048xf32, #tpu.memory_space<vmem>> -> memref<512xf32, #tpu.memory_space<vmem>>
      %dma_wait3A_332 = tpu.memref_slice %arg14[%add3A_124] : memref<32768xf32, #tpu.memory_space<vmem_shared>> -> memref<512xf32, #tpu.memory_space<vmem_shared>>
      %dma_wait3A_333 = arith.constant 0 : i32
      %dma_wait3A_334 = tpu.memref_slice %arg7[%dma_wait3A_333] : memref<2048xf32, #tpu.memory_space<vmem>> -> memref<512xf32, #tpu.memory_space<vmem>>
      %dma_wait3A_335 = tpu.memref_slice %arg14[%add3A_124] : memref<32768xf32, #tpu.memory_space<vmem_shared>> -> memref<512xf32, #tpu.memory_space<vmem_shared>>
      tpu.wait_dma2 semaphore(%run_scoped3A_324 : memref<!tpu.dma_semaphore, #tpu.memory_space<semaphore_mem>>) src(%dma_wait3A_335 : memref<512xf32, #tpu.memory_space<vmem_shared>>) dst(%dma_wait3A_334 : memref<512xf32, #tpu.memory_space<vmem>>)
      tpu.yield
    }) : () -> ()
    %mul3A_125 = arith.constant 2048 : i32
    %mul3A_126 = arith.muli %sub3A_95, %mul3A_125 : i32
    %add3A_127 = arith.addi %mul3A_126, %mul3A_97 : i32
    "tpu.region"() ({
      %run_scoped3A_324 = tpu.sem_alloc : memref<!tpu.dma_semaphore, #tpu.memory_space<semaphore_mem>>
      %dma_start3A_325 = arith.constant 0 : i32
      %dma_start3A_326 = tpu.memref_slice %arg8[%dma_start3A_325] : memref<2048xf32, #tpu.memory_space<vmem>> -> memref<512xf32, #tpu.memory_space<vmem>>
      %dma_start3A_327 = tpu.memref_slice %arg15[%add3A_127] : memref<32768xf32, #tpu.memory_space<vmem_shared>> -> memref<512xf32, #tpu.memory_space<vmem_shared>>
      %dma_start3A_328 = arith.constant 0 : i32
      %dma_start3A_329 = tpu.memref_slice %arg8[%dma_start3A_328] : memref<2048xf32, #tpu.memory_space<vmem>> -> memref<512xf32, #tpu.memory_space<vmem>>
      %dma_start3A_330 = tpu.memref_slice %arg15[%add3A_127] : memref<32768xf32, #tpu.memory_space<vmem_shared>> -> memref<512xf32, #tpu.memory_space<vmem_shared>>
      tpu.enqueue_dma source(%dma_start3A_330 : memref<512xf32, #tpu.memory_space<vmem_shared>>) target(%dma_start3A_329 : memref<512xf32, #tpu.memory_space<vmem>>) target_semaphore(%run_scoped3A_324 : memref<!tpu.dma_semaphore, #tpu.memory_space<semaphore_mem>>)
      %dma_wait3A = arith.constant 0 : i32
      %dma_wait3A_331 = tpu.memref_slice %arg8[%dma_wait3A] : memref<2048xf32, #tpu.memory_space<vmem>> -> memref<512xf32, #tpu.memory_space<vmem>>
      %dma_wait3A_332 = tpu.memref_slice %arg15[%add3A_127] : memref<32768xf32, #tpu.memory_space<vmem_shared>> -> memref<512xf32, #tpu.memory_space<vmem_shared>>
      %dma_wait3A_333 = arith.constant 0 : i32
      %dma_wait3A_334 = tpu.memref_slice %arg8[%dma_wait3A_333] : memref<2048xf32, #tpu.memory_space<vmem>> -> memref<512xf32, #tpu.memory_space<vmem>>
      %dma_wait3A_335 = tpu.memref_slice %arg15[%add3A_127] : memref<32768xf32, #tpu.memory_space<vmem_shared>> -> memref<512xf32, #tpu.memory_space<vmem_shared>>
      tpu.wait_dma2 semaphore(%run_scoped3A_324 : memref<!tpu.dma_semaphore, #tpu.memory_space<semaphore_mem>>) src(%dma_wait3A_335 : memref<512xf32, #tpu.memory_space<vmem_shared>>) dst(%dma_wait3A_334 : memref<512xf32, #tpu.memory_space<vmem>>)
      tpu.yield
    }) : () -> ()
    %mul3A_128 = arith.constant 2048 : i32
    %mul3A_129 = arith.muli %sub3A_95, %mul3A_128 : i32
    %add3A_130 = arith.addi %mul3A_129, %mul3A_97 : i32
    "tpu.region"() ({
      %run_scoped3A_324 = tpu.sem_alloc : memref<!tpu.dma_semaphore, #tpu.memory_space<semaphore_mem>>
      %dma_start3A_325 = arith.constant 0 : i32
      %dma_start3A_326 = tpu.memref_slice %arg9[%dma_start3A_325] : memref<2048xf32, #tpu.memory_space<vmem>> -> memref<512xf32, #tpu.memory_space<vmem>>
      %dma_start3A_327 = tpu.memref_slice %arg16[%add3A_130] : memref<32768xf32, #tpu.memory_space<vmem_shared>> -> memref<512xf32, #tpu.memory_space<vmem_shared>>
      %dma_start3A_328 = arith.constant 0 : i32
      %dma_start3A_329 = tpu.memref_slice %arg9[%dma_start3A_328] : memref<2048xf32, #tpu.memory_space<vmem>> -> memref<512xf32, #tpu.memory_space<vmem>>
      %dma_start3A_330 = tpu.memref_slice %arg16[%add3A_130] : memref<32768xf32, #tpu.memory_space<vmem_shared>> -> memref<512xf32, #tpu.memory_space<vmem_shared>>
      tpu.enqueue_dma source(%dma_start3A_330 : memref<512xf32, #tpu.memory_space<vmem_shared>>) target(%dma_start3A_329 : memref<512xf32, #tpu.memory_space<vmem>>) target_semaphore(%run_scoped3A_324 : memref<!tpu.dma_semaphore, #tpu.memory_space<semaphore_mem>>)
      %dma_wait3A = arith.constant 0 : i32
      %dma_wait3A_331 = tpu.memref_slice %arg9[%dma_wait3A] : memref<2048xf32, #tpu.memory_space<vmem>> -> memref<512xf32, #tpu.memory_space<vmem>>
      %dma_wait3A_332 = tpu.memref_slice %arg16[%add3A_130] : memref<32768xf32, #tpu.memory_space<vmem_shared>> -> memref<512xf32, #tpu.memory_space<vmem_shared>>
      %dma_wait3A_333 = arith.constant 0 : i32
      %dma_wait3A_334 = tpu.memref_slice %arg9[%dma_wait3A_333] : memref<2048xf32, #tpu.memory_space<vmem>> -> memref<512xf32, #tpu.memory_space<vmem>>
      %dma_wait3A_335 = tpu.memref_slice %arg16[%add3A_130] : memref<32768xf32, #tpu.memory_space<vmem_shared>> -> memref<512xf32, #tpu.memory_space<vmem_shared>>
      tpu.wait_dma2 semaphore(%run_scoped3A_324 : memref<!tpu.dma_semaphore, #tpu.memory_space<semaphore_mem>>) src(%dma_wait3A_335 : memref<512xf32, #tpu.memory_space<vmem_shared>>) dst(%dma_wait3A_334 : memref<512xf32, #tpu.memory_space<vmem>>)
      tpu.yield
    }) : () -> ()
    %add3A_131 = arith.constant 1 : i32
    %add3A_132 = arith.addi %sub3A_95, %add3A_131 : i32
    %mul3A_133 = arith.constant 2048 : i32
    %mul3A_134 = arith.muli %add3A_132, %mul3A_133 : i32
    %add3A_135 = arith.addi %mul3A_134, %mul3A_97 : i32
    %run_scoped3A_136 = arith.constant 0 : i32
    "tpu.region"() ({
      %run_scoped3A_324 = tpu.sem_alloc : memref<!tpu.dma_semaphore, #tpu.memory_space<semaphore_mem>>
      %dma_start3A_325 = arith.constant 0 : i32
      %dma_start3A_326 = tpu.memref_slice %arg10[%run_scoped3A_136, %dma_start3A_325] : memref<8x512xf32, #tpu.memory_space<vmem>> -> memref<1x512xf32, #tpu.memory_space<vmem>>
      %dma_start3A_327 = tpu.memref_squeeze %dma_start3A_326 : memref<1x512xf32, #tpu.memory_space<vmem>> -> memref<512xf32, #tpu.memory_space<vmem>>
      %dma_start3A_328 = tpu.memref_slice %arg14[%add3A_135] : memref<32768xf32, #tpu.memory_space<vmem_shared>> -> memref<512xf32, #tpu.memory_space<vmem_shared>>
      %dma_start3A_329 = arith.constant 0 : i32
      %dma_start3A_330 = tpu.memref_slice %arg10[%run_scoped3A_136, %dma_start3A_329] : memref<8x512xf32, #tpu.memory_space<vmem>> -> memref<1x512xf32, #tpu.memory_space<vmem>>
      %dma_start3A_331 = tpu.memref_squeeze %dma_start3A_330 : memref<1x512xf32, #tpu.memory_space<vmem>> -> memref<512xf32, #tpu.memory_space<vmem>>
      %dma_start3A_332 = tpu.memref_slice %arg14[%add3A_135] : memref<32768xf32, #tpu.memory_space<vmem_shared>> -> memref<512xf32, #tpu.memory_space<vmem_shared>>
      tpu.enqueue_dma source(%dma_start3A_332 : memref<512xf32, #tpu.memory_space<vmem_shared>>) target(%dma_start3A_331 : memref<512xf32, #tpu.memory_space<vmem>>) target_semaphore(%run_scoped3A_324 : memref<!tpu.dma_semaphore, #tpu.memory_space<semaphore_mem>>)
      %dma_wait3A = arith.constant 0 : i32
      %dma_wait3A_333 = tpu.memref_slice %arg10[%run_scoped3A_136, %dma_wait3A] : memref<8x512xf32, #tpu.memory_space<vmem>> -> memref<1x512xf32, #tpu.memory_space<vmem>>
      %dma_wait3A_334 = tpu.memref_squeeze %dma_wait3A_333 : memref<1x512xf32, #tpu.memory_space<vmem>> -> memref<512xf32, #tpu.memory_space<vmem>>
      %dma_wait3A_335 = tpu.memref_slice %arg14[%add3A_135] : memref<32768xf32, #tpu.memory_space<vmem_shared>> -> memref<512xf32, #tpu.memory_space<vmem_shared>>
      %dma_wait3A_336 = arith.constant 0 : i32
      %dma_wait3A_337 = tpu.memref_slice %arg10[%run_scoped3A_136, %dma_wait3A_336] : memref<8x512xf32, #tpu.memory_space<vmem>> -> memref<1x512xf32, #tpu.memory_space<vmem>>
      %dma_wait3A_338 = tpu.memref_squeeze %dma_wait3A_337 : memref<1x512xf32, #tpu.memory_space<vmem>> -> memref<512xf32, #tpu.memory_space<vmem>>
      %dma_wait3A_339 = tpu.memref_slice %arg14[%add3A_135] : memref<32768xf32, #tpu.memory_space<vmem_shared>> -> memref<512xf32, #tpu.memory_space<vmem_shared>>
      tpu.wait_dma2 semaphore(%run_scoped3A_324 : memref<!tpu.dma_semaphore, #tpu.memory_space<semaphore_mem>>) src(%dma_wait3A_339 : memref<512xf32, #tpu.memory_space<vmem_shared>>) dst(%dma_wait3A_338 : memref<512xf32, #tpu.memory_space<vmem>>)
      tpu.yield
    }) : () -> ()
    %add3A_137 = arith.constant 1 : i32
    %add3A_138 = arith.addi %sub3A_95, %add3A_137 : i32
    %mul3A_139 = arith.constant 2048 : i32
    %mul3A_140 = arith.muli %add3A_138, %mul3A_139 : i32
    %add3A_141 = arith.addi %mul3A_140, %mul3A_97 : i32
    %run_scoped3A_142 = arith.constant 0 : i32
    "tpu.region"() ({
      %run_scoped3A_324 = tpu.sem_alloc : memref<!tpu.dma_semaphore, #tpu.memory_space<semaphore_mem>>
      %dma_start3A_325 = arith.constant 0 : i32
      %dma_start3A_326 = tpu.memref_slice %arg11[%run_scoped3A_142, %dma_start3A_325] : memref<8x512xf32, #tpu.memory_space<vmem>> -> memref<1x512xf32, #tpu.memory_space<vmem>>
      %dma_start3A_327 = tpu.memref_squeeze %dma_start3A_326 : memref<1x512xf32, #tpu.memory_space<vmem>> -> memref<512xf32, #tpu.memory_space<vmem>>
      %dma_start3A_328 = tpu.memref_slice %arg15[%add3A_141] : memref<32768xf32, #tpu.memory_space<vmem_shared>> -> memref<512xf32, #tpu.memory_space<vmem_shared>>
      %dma_start3A_329 = arith.constant 0 : i32
      %dma_start3A_330 = tpu.memref_slice %arg11[%run_scoped3A_142, %dma_start3A_329] : memref<8x512xf32, #tpu.memory_space<vmem>> -> memref<1x512xf32, #tpu.memory_space<vmem>>
      %dma_start3A_331 = tpu.memref_squeeze %dma_start3A_330 : memref<1x512xf32, #tpu.memory_space<vmem>> -> memref<512xf32, #tpu.memory_space<vmem>>
      %dma_start3A_332 = tpu.memref_slice %arg15[%add3A_141] : memref<32768xf32, #tpu.memory_space<vmem_shared>> -> memref<512xf32, #tpu.memory_space<vmem_shared>>
      tpu.enqueue_dma source(%dma_start3A_332 : memref<512xf32, #tpu.memory_space<vmem_shared>>) target(%dma_start3A_331 : memref<512xf32, #tpu.memory_space<vmem>>) target_semaphore(%run_scoped3A_324 : memref<!tpu.dma_semaphore, #tpu.memory_space<semaphore_mem>>)
      %dma_wait3A = arith.constant 0 : i32
      %dma_wait3A_333 = tpu.memref_slice %arg11[%run_scoped3A_142, %dma_wait3A] : memref<8x512xf32, #tpu.memory_space<vmem>> -> memref<1x512xf32, #tpu.memory_space<vmem>>
      %dma_wait3A_334 = tpu.memref_squeeze %dma_wait3A_333 : memref<1x512xf32, #tpu.memory_space<vmem>> -> memref<512xf32, #tpu.memory_space<vmem>>
      %dma_wait3A_335 = tpu.memref_slice %arg15[%add3A_141] : memref<32768xf32, #tpu.memory_space<vmem_shared>> -> memref<512xf32, #tpu.memory_space<vmem_shared>>
      %dma_wait3A_336 = arith.constant 0 : i32
      %dma_wait3A_337 = tpu.memref_slice %arg11[%run_scoped3A_142, %dma_wait3A_336] : memref<8x512xf32, #tpu.memory_space<vmem>> -> memref<1x512xf32, #tpu.memory_space<vmem>>
      %dma_wait3A_338 = tpu.memref_squeeze %dma_wait3A_337 : memref<1x512xf32, #tpu.memory_space<vmem>> -> memref<512xf32, #tpu.memory_space<vmem>>
      %dma_wait3A_339 = tpu.memref_slice %arg15[%add3A_141] : memref<32768xf32, #tpu.memory_space<vmem_shared>> -> memref<512xf32, #tpu.memory_space<vmem_shared>>
      tpu.wait_dma2 semaphore(%run_scoped3A_324 : memref<!tpu.dma_semaphore, #tpu.memory_space<semaphore_mem>>) src(%dma_wait3A_339 : memref<512xf32, #tpu.memory_space<vmem_shared>>) dst(%dma_wait3A_338 : memref<512xf32, #tpu.memory_space<vmem>>)
      tpu.yield
    }) : () -> ()
    %add3A_143 = arith.constant 1 : i32
    %add3A_144 = arith.addi %sub3A_95, %add3A_143 : i32
    %mul3A_145 = arith.constant 2048 : i32
    %mul3A_146 = arith.muli %add3A_144, %mul3A_145 : i32
    %add3A_147 = arith.addi %mul3A_146, %mul3A_97 : i32
    %run_scoped3A_148 = arith.constant 0 : i32
    "tpu.region"() ({
      %run_scoped3A_324 = tpu.sem_alloc : memref<!tpu.dma_semaphore, #tpu.memory_space<semaphore_mem>>
      %dma_start3A_325 = arith.constant 0 : i32
      %dma_start3A_326 = tpu.memref_slice %arg12[%run_scoped3A_148, %dma_start3A_325] : memref<8x512xf32, #tpu.memory_space<vmem>> -> memref<1x512xf32, #tpu.memory_space<vmem>>
      %dma_start3A_327 = tpu.memref_squeeze %dma_start3A_326 : memref<1x512xf32, #tpu.memory_space<vmem>> -> memref<512xf32, #tpu.memory_space<vmem>>
      %dma_start3A_328 = tpu.memref_slice %arg16[%add3A_147] : memref<32768xf32, #tpu.memory_space<vmem_shared>> -> memref<512xf32, #tpu.memory_space<vmem_shared>>
      %dma_start3A_329 = arith.constant 0 : i32
      %dma_start3A_330 = tpu.memref_slice %arg12[%run_scoped3A_148, %dma_start3A_329] : memref<8x512xf32, #tpu.memory_space<vmem>> -> memref<1x512xf32, #tpu.memory_space<vmem>>
      %dma_start3A_331 = tpu.memref_squeeze %dma_start3A_330 : memref<1x512xf32, #tpu.memory_space<vmem>> -> memref<512xf32, #tpu.memory_space<vmem>>
      %dma_start3A_332 = tpu.memref_slice %arg16[%add3A_147] : memref<32768xf32, #tpu.memory_space<vmem_shared>> -> memref<512xf32, #tpu.memory_space<vmem_shared>>
      tpu.enqueue_dma source(%dma_start3A_332 : memref<512xf32, #tpu.memory_space<vmem_shared>>) target(%dma_start3A_331 : memref<512xf32, #tpu.memory_space<vmem>>) target_semaphore(%run_scoped3A_324 : memref<!tpu.dma_semaphore, #tpu.memory_space<semaphore_mem>>)
      %dma_wait3A = arith.constant 0 : i32
      %dma_wait3A_333 = tpu.memref_slice %arg12[%run_scoped3A_148, %dma_wait3A] : memref<8x512xf32, #tpu.memory_space<vmem>> -> memref<1x512xf32, #tpu.memory_space<vmem>>
      %dma_wait3A_334 = tpu.memref_squeeze %dma_wait3A_333 : memref<1x512xf32, #tpu.memory_space<vmem>> -> memref<512xf32, #tpu.memory_space<vmem>>
      %dma_wait3A_335 = tpu.memref_slice %arg16[%add3A_147] : memref<32768xf32, #tpu.memory_space<vmem_shared>> -> memref<512xf32, #tpu.memory_space<vmem_shared>>
      %dma_wait3A_336 = arith.constant 0 : i32
      %dma_wait3A_337 = tpu.memref_slice %arg12[%run_scoped3A_148, %dma_wait3A_336] : memref<8x512xf32, #tpu.memory_space<vmem>> -> memref<1x512xf32, #tpu.memory_space<vmem>>
      %dma_wait3A_338 = tpu.memref_squeeze %dma_wait3A_337 : memref<1x512xf32, #tpu.memory_space<vmem>> -> memref<512xf32, #tpu.memory_space<vmem>>
      %dma_wait3A_339 = tpu.memref_slice %arg16[%add3A_147] : memref<32768xf32, #tpu.memory_space<vmem_shared>> -> memref<512xf32, #tpu.memory_space<vmem_shared>>
      tpu.wait_dma2 semaphore(%run_scoped3A_324 : memref<!tpu.dma_semaphore, #tpu.memory_space<semaphore_mem>>) src(%dma_wait3A_339 : memref<512xf32, #tpu.memory_space<vmem_shared>>) dst(%dma_wait3A_338 : memref<512xf32, #tpu.memory_space<vmem>>)
      tpu.yield
    }) : () -> ()
    %scan3A_149 = arith.constant 0 : i32
    %scan3A_150 = arith.constant 0 : i32
    %scan3A_151 = arith.constant 32 : i32
    %scan3A_152 = arith.addi %scan3A_150, %scan3A_151 : i32
    %scan3A_153 = arith.constant 1 : i32
    %scan3A_154 = scf.for %scan3A_324 = %scan3A_150 to %scan3A_152 step %scan3A_153 iter_args(%scan3A_325 = %scan3A_149) -> (i32)  : i32 {
      %mul3A_326 = arith.constant 16 : i32
      %mul3A_327 = arith.muli %scan3A_324, %mul3A_326 : i32
      %get3A_328 = arith.index_cast %mul3A_327 : i32 to index
      %get3A_329 = tpu.vector_load %arg7[%get3A_328] {strides = array<i32>} : memref<2048xf32, #tpu.memory_space<vmem>>, vector<16xf32>,
      %get3A_330 = arith.constant 0 : i32
      %get3A_331 = arith.index_cast %get3A_330 : i32 to index
      %get3A_332 = arith.index_cast %mul3A_327 : i32 to index
      %get3A_333 = tpu.vector_load %arg10[%get3A_331, %get3A_332] {strides = array<i32>} : memref<8x512xf32, #tpu.memory_space<vmem>>, vector<16xf32>,
      %add3A_334 = arith.addf %get3A_329, %get3A_333 : vector<16xf32>
      %swap3A_335 = arith.index_cast %mul3A_327 : i32 to index
      %swap3A_336 = tpu.vector_load %arg7[%swap3A_335] {strides = array<i32>} : memref<2048xf32, #tpu.memory_space<vmem>>, vector<16xf32>,
      tpu.vector_store %arg7[%swap3A_335], %add3A_334 {strides = array<i32>} : memref<2048xf32, #tpu.memory_space<vmem>>, vector<16xf32>,
      %get3A_337 = arith.index_cast %mul3A_327 : i32 to index
      %get3A_338 = tpu.vector_load %arg8[%get3A_337] {strides = array<i32>} : memref<2048xf32, #tpu.memory_space<vmem>>, vector<16xf32>,
      %get3A_339 = arith.constant 0 : i32
      %get3A_340 = arith.index_cast %get3A_339 : i32 to index
      %get3A_341 = arith.index_cast %mul3A_327 : i32 to index
      %get3A_342 = tpu.vector_load %arg11[%get3A_340, %get3A_341] {strides = array<i32>} : memref<8x512xf32, #tpu.memory_space<vmem>>, vector<16xf32>,
      %add3A_343 = arith.addf %get3A_338, %get3A_342 : vector<16xf32>
      %swap3A_344 = arith.index_cast %mul3A_327 : i32 to index
      %swap3A_345 = tpu.vector_load %arg8[%swap3A_344] {strides = array<i32>} : memref<2048xf32, #tpu.memory_space<vmem>>, vector<16xf32>,
      tpu.vector_store %arg8[%swap3A_344], %add3A_343 {strides = array<i32>} : memref<2048xf32, #tpu.memory_space<vmem>>, vector<16xf32>,
      %get3A_346 = arith.index_cast %mul3A_327 : i32 to index
      %get3A_347 = tpu.vector_load %arg9[%get3A_346] {strides = array<i32>} : memref<2048xf32, #tpu.memory_space<vmem>>, vector<16xf32>,
      %get3A_348 = arith.constant 0 : i32
      %get3A_349 = arith.index_cast %get3A_348 : i32 to index
      %get3A_350 = arith.index_cast %mul3A_327 : i32 to index
      %get3A_351 = tpu.vector_load %arg12[%get3A_349, %get3A_350] {strides = array<i32>} : memref<8x512xf32, #tpu.memory_space<vmem>>, vector<16xf32>,
      %add3A_352 = arith.addf %get3A_347, %get3A_351 : vector<16xf32>
      %swap3A_353 = arith.index_cast %mul3A_327 : i32 to index
      %swap3A_354 = tpu.vector_load %arg9[%swap3A_353] {strides = array<i32>} : memref<2048xf32, #tpu.memory_space<vmem>>, vector<16xf32>,
      tpu.vector_store %arg9[%swap3A_353], %add3A_352 {strides = array<i32>} : memref<2048xf32, #tpu.memory_space<vmem>>, vector<16xf32>,
      %scan3A_355 = arith.constant 0 : i32
      scf.yield %scan3A_355 : i32
    }
    %scan3A_155 = arith.constant 32 : i32
    %add3A_156 = arith.constant 2 : i32
    %add3A_157 = arith.addi %sub3A_95, %add3A_156 : i32
    %mul3A_158 = arith.constant 2048 : i32
    %mul3A_159 = arith.muli %add3A_157, %mul3A_158 : i32
    %add3A_160 = arith.addi %mul3A_159, %mul3A_97 : i32
    %run_scoped3A_161 = arith.constant 0 : i32
    "tpu.region"() ({
      %run_scoped3A_324 = tpu.sem_alloc : memref<!tpu.dma_semaphore, #tpu.memory_space<semaphore_mem>>
      %dma_start3A_325 = arith.constant 0 : i32
      %dma_start3A_326 = tpu.memref_slice %arg10[%run_scoped3A_161, %dma_start3A_325] : memref<8x512xf32, #tpu.memory_space<vmem>> -> memref<1x512xf32, #tpu.memory_space<vmem>>
      %dma_start3A_327 = tpu.memref_squeeze %dma_start3A_326 : memref<1x512xf32, #tpu.memory_space<vmem>> -> memref<512xf32, #tpu.memory_space<vmem>>
      %dma_start3A_328 = tpu.memref_slice %arg14[%add3A_160] : memref<32768xf32, #tpu.memory_space<vmem_shared>> -> memref<512xf32, #tpu.memory_space<vmem_shared>>
      %dma_start3A_329 = arith.constant 0 : i32
      %dma_start3A_330 = tpu.memref_slice %arg10[%run_scoped3A_161, %dma_start3A_329] : memref<8x512xf32, #tpu.memory_space<vmem>> -> memref<1x512xf32, #tpu.memory_space<vmem>>
      %dma_start3A_331 = tpu.memref_squeeze %dma_start3A_330 : memref<1x512xf32, #tpu.memory_space<vmem>> -> memref<512xf32, #tpu.memory_space<vmem>>
      %dma_start3A_332 = tpu.memref_slice %arg14[%add3A_160] : memref<32768xf32, #tpu.memory_space<vmem_shared>> -> memref<512xf32, #tpu.memory_space<vmem_shared>>
      tpu.enqueue_dma source(%dma_start3A_332 : memref<512xf32, #tpu.memory_space<vmem_shared>>) target(%dma_start3A_331 : memref<512xf32, #tpu.memory_space<vmem>>) target_semaphore(%run_scoped3A_324 : memref<!tpu.dma_semaphore, #tpu.memory_space<semaphore_mem>>)
      %dma_wait3A = arith.constant 0 : i32
      %dma_wait3A_333 = tpu.memref_slice %arg10[%run_scoped3A_161, %dma_wait3A] : memref<8x512xf32, #tpu.memory_space<vmem>> -> memref<1x512xf32, #tpu.memory_space<vmem>>
      %dma_wait3A_334 = tpu.memref_squeeze %dma_wait3A_333 : memref<1x512xf32, #tpu.memory_space<vmem>> -> memref<512xf32, #tpu.memory_space<vmem>>
      %dma_wait3A_335 = tpu.memref_slice %arg14[%add3A_160] : memref<32768xf32, #tpu.memory_space<vmem_shared>> -> memref<512xf32, #tpu.memory_space<vmem_shared>>
      %dma_wait3A_336 = arith.constant 0 : i32
      %dma_wait3A_337 = tpu.memref_slice %arg10[%run_scoped3A_161, %dma_wait3A_336] : memref<8x512xf32, #tpu.memory_space<vmem>> -> memref<1x512xf32, #tpu.memory_space<vmem>>
      %dma_wait3A_338 = tpu.memref_squeeze %dma_wait3A_337 : memref<1x512xf32, #tpu.memory_space<vmem>> -> memref<512xf32, #tpu.memory_space<vmem>>
      %dma_wait3A_339 = tpu.memref_slice %arg14[%add3A_160] : memref<32768xf32, #tpu.memory_space<vmem_shared>> -> memref<512xf32, #tpu.memory_space<vmem_shared>>
      tpu.wait_dma2 semaphore(%run_scoped3A_324 : memref<!tpu.dma_semaphore, #tpu.memory_space<semaphore_mem>>) src(%dma_wait3A_339 : memref<512xf32, #tpu.memory_space<vmem_shared>>) dst(%dma_wait3A_338 : memref<512xf32, #tpu.memory_space<vmem>>)
      tpu.yield
    }) : () -> ()
    %add3A_162 = arith.constant 2 : i32
    %add3A_163 = arith.addi %sub3A_95, %add3A_162 : i32
    %mul3A_164 = arith.constant 2048 : i32
    %mul3A_165 = arith.muli %add3A_163, %mul3A_164 : i32
    %add3A_166 = arith.addi %mul3A_165, %mul3A_97 : i32
    %run_scoped3A_167 = arith.constant 0 : i32
    "tpu.region"() ({
      %run_scoped3A_324 = tpu.sem_alloc : memref<!tpu.dma_semaphore, #tpu.memory_space<semaphore_mem>>
      %dma_start3A_325 = arith.constant 0 : i32
      %dma_start3A_326 = tpu.memref_slice %arg11[%run_scoped3A_167, %dma_start3A_325] : memref<8x512xf32, #tpu.memory_space<vmem>> -> memref<1x512xf32, #tpu.memory_space<vmem>>
      %dma_start3A_327 = tpu.memref_squeeze %dma_start3A_326 : memref<1x512xf32, #tpu.memory_space<vmem>> -> memref<512xf32, #tpu.memory_space<vmem>>
      %dma_start3A_328 = tpu.memref_slice %arg15[%add3A_166] : memref<32768xf32, #tpu.memory_space<vmem_shared>> -> memref<512xf32, #tpu.memory_space<vmem_shared>>
      %dma_start3A_329 = arith.constant 0 : i32
      %dma_start3A_330 = tpu.memref_slice %arg11[%run_scoped3A_167, %dma_start3A_329] : memref<8x512xf32, #tpu.memory_space<vmem>> -> memref<1x512xf32, #tpu.memory_space<vmem>>
      %dma_start3A_331 = tpu.memref_squeeze %dma_start3A_330 : memref<1x512xf32, #tpu.memory_space<vmem>> -> memref<512xf32, #tpu.memory_space<vmem>>
      %dma_start3A_332 = tpu.memref_slice %arg15[%add3A_166] : memref<32768xf32, #tpu.memory_space<vmem_shared>> -> memref<512xf32, #tpu.memory_space<vmem_shared>>
      tpu.enqueue_dma source(%dma_start3A_332 : memref<512xf32, #tpu.memory_space<vmem_shared>>) target(%dma_start3A_331 : memref<512xf32, #tpu.memory_space<vmem>>) target_semaphore(%run_scoped3A_324 : memref<!tpu.dma_semaphore, #tpu.memory_space<semaphore_mem>>)
      %dma_wait3A = arith.constant 0 : i32
      %dma_wait3A_333 = tpu.memref_slice %arg11[%run_scoped3A_167, %dma_wait3A] : memref<8x512xf32, #tpu.memory_space<vmem>> -> memref<1x512xf32, #tpu.memory_space<vmem>>
      %dma_wait3A_334 = tpu.memref_squeeze %dma_wait3A_333 : memref<1x512xf32, #tpu.memory_space<vmem>> -> memref<512xf32, #tpu.memory_space<vmem>>
      %dma_wait3A_335 = tpu.memref_slice %arg15[%add3A_166] : memref<32768xf32, #tpu.memory_space<vmem_shared>> -> memref<512xf32, #tpu.memory_space<vmem_shared>>
      %dma_wait3A_336 = arith.constant 0 : i32
      %dma_wait3A_337 = tpu.memref_slice %arg11[%run_scoped3A_167, %dma_wait3A_336] : memref<8x512xf32, #tpu.memory_space<vmem>> -> memref<1x512xf32, #tpu.memory_space<vmem>>
      %dma_wait3A_338 = tpu.memref_squeeze %dma_wait3A_337 : memref<1x512xf32, #tpu.memory_space<vmem>> -> memref<512xf32, #tpu.memory_space<vmem>>
      %dma_wait3A_339 = tpu.memref_slice %arg15[%add3A_166] : memref<32768xf32, #tpu.memory_space<vmem_shared>> -> memref<512xf32, #tpu.memory_space<vmem_shared>>
      tpu.wait_dma2 semaphore(%run_scoped3A_324 : memref<!tpu.dma_semaphore, #tpu.memory_space<semaphore_mem>>) src(%dma_wait3A_339 : memref<512xf32, #tpu.memory_space<vmem_shared>>) dst(%dma_wait3A_338 : memref<512xf32, #tpu.memory_space<vmem>>)
      tpu.yield
    }) : () -> ()
    %add3A_168 = arith.constant 2 : i32
    %add3A_169 = arith.addi %sub3A_95, %add3A_168 : i32
    %mul3A_170 = arith.constant 2048 : i32
    %mul3A_171 = arith.muli %add3A_169, %mul3A_170 : i32
    %add3A_172 = arith.addi %mul3A_171, %mul3A_97 : i32
    %run_scoped3A_173 = arith.constant 0 : i32
    "tpu.region"() ({
      %run_scoped3A_324 = tpu.sem_alloc : memref<!tpu.dma_semaphore, #tpu.memory_space<semaphore_mem>>
      %dma_start3A_325 = arith.constant 0 : i32
      %dma_start3A_326 = tpu.memref_slice %arg12[%run_scoped3A_173, %dma_start3A_325] : memref<8x512xf32, #tpu.memory_space<vmem>> -> memref<1x512xf32, #tpu.memory_space<vmem>>
      %dma_start3A_327 = tpu.memref_squeeze %dma_start3A_326 : memref<1x512xf32, #tpu.memory_space<vmem>> -> memref<512xf32, #tpu.memory_space<vmem>>
      %dma_start3A_328 = tpu.memref_slice %arg16[%add3A_172] : memref<32768xf32, #tpu.memory_space<vmem_shared>> -> memref<512xf32, #tpu.memory_space<vmem_shared>>
      %dma_start3A_329 = arith.constant 0 : i32
      %dma_start3A_330 = tpu.memref_slice %arg12[%run_scoped3A_173, %dma_start3A_329] : memref<8x512xf32, #tpu.memory_space<vmem>> -> memref<1x512xf32, #tpu.memory_space<vmem>>
      %dma_start3A_331 = tpu.memref_squeeze %dma_start3A_330 : memref<1x512xf32, #tpu.memory_space<vmem>> -> memref<512xf32, #tpu.memory_space<vmem>>
      %dma_start3A_332 = tpu.memref_slice %arg16[%add3A_172] : memref<32768xf32, #tpu.memory_space<vmem_shared>> -> memref<512xf32, #tpu.memory_space<vmem_shared>>
      tpu.enqueue_dma source(%dma_start3A_332 : memref<512xf32, #tpu.memory_space<vmem_shared>>) target(%dma_start3A_331 : memref<512xf32, #tpu.memory_space<vmem>>) target_semaphore(%run_scoped3A_324 : memref<!tpu.dma_semaphore, #tpu.memory_space<semaphore_mem>>)
      %dma_wait3A = arith.constant 0 : i32
      %dma_wait3A_333 = tpu.memref_slice %arg12[%run_scoped3A_173, %dma_wait3A] : memref<8x512xf32, #tpu.memory_space<vmem>> -> memref<1x512xf32, #tpu.memory_space<vmem>>
      %dma_wait3A_334 = tpu.memref_squeeze %dma_wait3A_333 : memref<1x512xf32, #tpu.memory_space<vmem>> -> memref<512xf32, #tpu.memory_space<vmem>>
      %dma_wait3A_335 = tpu.memref_slice %arg16[%add3A_172] : memref<32768xf32, #tpu.memory_space<vmem_shared>> -> memref<512xf32, #tpu.memory_space<vmem_shared>>
      %dma_wait3A_336 = arith.constant 0 : i32
      %dma_wait3A_337 = tpu.memref_slice %arg12[%run_scoped3A_173, %dma_wait3A_336] : memref<8x512xf32, #tpu.memory_space<vmem>> -> memref<1x512xf32, #tpu.memory_space<vmem>>
      %dma_wait3A_338 = tpu.memref_squeeze %dma_wait3A_337 : memref<1x512xf32, #tpu.memory_space<vmem>> -> memref<512xf32, #tpu.memory_space<vmem>>
      %dma_wait3A_339 = tpu.memref_slice %arg16[%add3A_172] : memref<32768xf32, #tpu.memory_space<vmem_shared>> -> memref<512xf32, #tpu.memory_space<vmem_shared>>
      tpu.wait_dma2 semaphore(%run_scoped3A_324 : memref<!tpu.dma_semaphore, #tpu.memory_space<semaphore_mem>>) src(%dma_wait3A_339 : memref<512xf32, #tpu.memory_space<vmem_shared>>) dst(%dma_wait3A_338 : memref<512xf32, #tpu.memory_space<vmem>>)
      tpu.yield
    }) : () -> ()
    %scan3A_174 = arith.constant 0 : i32
    %scan3A_175 = arith.constant 0 : i32
    %scan3A_176 = arith.constant 32 : i32
    %scan3A_177 = arith.addi %scan3A_175, %scan3A_176 : i32
    %scan3A_178 = arith.constant 1 : i32
    %scan3A_179 = scf.for %scan3A_324 = %scan3A_175 to %scan3A_177 step %scan3A_178 iter_args(%scan3A_325 = %scan3A_174) -> (i32)  : i32 {
      %mul3A_326 = arith.constant 16 : i32
      %mul3A_327 = arith.muli %scan3A_324, %mul3A_326 : i32
      %get3A_328 = arith.index_cast %mul3A_327 : i32 to index
      %get3A_329 = tpu.vector_load %arg7[%get3A_328] {strides = array<i32>} : memref<2048xf32, #tpu.memory_space<vmem>>, vector<16xf32>,
      %get3A_330 = arith.constant 0 : i32
      %get3A_331 = arith.index_cast %get3A_330 : i32 to index
      %get3A_332 = arith.index_cast %mul3A_327 : i32 to index
      %get3A_333 = tpu.vector_load %arg10[%get3A_331, %get3A_332] {strides = array<i32>} : memref<8x512xf32, #tpu.memory_space<vmem>>, vector<16xf32>,
      %add3A_334 = arith.addf %get3A_329, %get3A_333 : vector<16xf32>
      %swap3A_335 = arith.index_cast %mul3A_327 : i32 to index
      %swap3A_336 = tpu.vector_load %arg7[%swap3A_335] {strides = array<i32>} : memref<2048xf32, #tpu.memory_space<vmem>>, vector<16xf32>,
      tpu.vector_store %arg7[%swap3A_335], %add3A_334 {strides = array<i32>} : memref<2048xf32, #tpu.memory_space<vmem>>, vector<16xf32>,
      %get3A_337 = arith.index_cast %mul3A_327 : i32 to index
      %get3A_338 = tpu.vector_load %arg8[%get3A_337] {strides = array<i32>} : memref<2048xf32, #tpu.memory_space<vmem>>, vector<16xf32>,
      %get3A_339 = arith.constant 0 : i32
      %get3A_340 = arith.index_cast %get3A_339 : i32 to index
      %get3A_341 = arith.index_cast %mul3A_327 : i32 to index
      %get3A_342 = tpu.vector_load %arg11[%get3A_340, %get3A_341] {strides = array<i32>} : memref<8x512xf32, #tpu.memory_space<vmem>>, vector<16xf32>,
      %add3A_343 = arith.addf %get3A_338, %get3A_342 : vector<16xf32>
      %swap3A_344 = arith.index_cast %mul3A_327 : i32 to index
      %swap3A_345 = tpu.vector_load %arg8[%swap3A_344] {strides = array<i32>} : memref<2048xf32, #tpu.memory_space<vmem>>, vector<16xf32>,
      tpu.vector_store %arg8[%swap3A_344], %add3A_343 {strides = array<i32>} : memref<2048xf32, #tpu.memory_space<vmem>>, vector<16xf32>,
      %get3A_346 = arith.index_cast %mul3A_327 : i32 to index
      %get3A_347 = tpu.vector_load %arg9[%get3A_346] {strides = array<i32>} : memref<2048xf32, #tpu.memory_space<vmem>>, vector<16xf32>,
      %get3A_348 = arith.constant 0 : i32
      %get3A_349 = arith.index_cast %get3A_348 : i32 to index
      %get3A_350 = arith.index_cast %mul3A_327 : i32 to index
      %get3A_351 = tpu.vector_load %arg12[%get3A_349, %get3A_350] {strides = array<i32>} : memref<8x512xf32, #tpu.memory_space<vmem>>, vector<16xf32>,
      %add3A_352 = arith.addf %get3A_347, %get3A_351 : vector<16xf32>
      %swap3A_353 = arith.index_cast %mul3A_327 : i32 to index
      %swap3A_354 = tpu.vector_load %arg9[%swap3A_353] {strides = array<i32>} : memref<2048xf32, #tpu.memory_space<vmem>>, vector<16xf32>,
      tpu.vector_store %arg9[%swap3A_353], %add3A_352 {strides = array<i32>} : memref<2048xf32, #tpu.memory_space<vmem>>, vector<16xf32>,
      %scan3A_355 = arith.constant 0 : i32
      scf.yield %scan3A_355 : i32
    }
    %scan3A_180 = arith.constant 32 : i32
    %add3A_181 = arith.constant 3 : i32
    %add3A_182 = arith.addi %sub3A_95, %add3A_181 : i32
    %mul3A_183 = arith.constant 2048 : i32
    %mul3A_184 = arith.muli %add3A_182, %mul3A_183 : i32
    %add3A_185 = arith.addi %mul3A_184, %mul3A_97 : i32
    %run_scoped3A_186 = arith.constant 0 : i32
    "tpu.region"() ({
      %run_scoped3A_324 = tpu.sem_alloc : memref<!tpu.dma_semaphore, #tpu.memory_space<semaphore_mem>>
      %dma_start3A_325 = arith.constant 0 : i32
      %dma_start3A_326 = tpu.memref_slice %arg10[%run_scoped3A_186, %dma_start3A_325] : memref<8x512xf32, #tpu.memory_space<vmem>> -> memref<1x512xf32, #tpu.memory_space<vmem>>
      %dma_start3A_327 = tpu.memref_squeeze %dma_start3A_326 : memref<1x512xf32, #tpu.memory_space<vmem>> -> memref<512xf32, #tpu.memory_space<vmem>>
      %dma_start3A_328 = tpu.memref_slice %arg14[%add3A_185] : memref<32768xf32, #tpu.memory_space<vmem_shared>> -> memref<512xf32, #tpu.memory_space<vmem_shared>>
      %dma_start3A_329 = arith.constant 0 : i32
      %dma_start3A_330 = tpu.memref_slice %arg10[%run_scoped3A_186, %dma_start3A_329] : memref<8x512xf32, #tpu.memory_space<vmem>> -> memref<1x512xf32, #tpu.memory_space<vmem>>
      %dma_start3A_331 = tpu.memref_squeeze %dma_start3A_330 : memref<1x512xf32, #tpu.memory_space<vmem>> -> memref<512xf32, #tpu.memory_space<vmem>>
      %dma_start3A_332 = tpu.memref_slice %arg14[%add3A_185] : memref<32768xf32, #tpu.memory_space<vmem_shared>> -> memref<512xf32, #tpu.memory_space<vmem_shared>>
      tpu.enqueue_dma source(%dma_start3A_332 : memref<512xf32, #tpu.memory_space<vmem_shared>>) target(%dma_start3A_331 : memref<512xf32, #tpu.memory_space<vmem>>) target_semaphore(%run_scoped3A_324 : memref<!tpu.dma_semaphore, #tpu.memory_space<semaphore_mem>>)
      %dma_wait3A = arith.constant 0 : i32
      %dma_wait3A_333 = tpu.memref_slice %arg10[%run_scoped3A_186, %dma_wait3A] : memref<8x512xf32, #tpu.memory_space<vmem>> -> memref<1x512xf32, #tpu.memory_space<vmem>>
      %dma_wait3A_334 = tpu.memref_squeeze %dma_wait3A_333 : memref<1x512xf32, #tpu.memory_space<vmem>> -> memref<512xf32, #tpu.memory_space<vmem>>
      %dma_wait3A_335 = tpu.memref_slice %arg14[%add3A_185] : memref<32768xf32, #tpu.memory_space<vmem_shared>> -> memref<512xf32, #tpu.memory_space<vmem_shared>>
      %dma_wait3A_336 = arith.constant 0 : i32
      %dma_wait3A_337 = tpu.memref_slice %arg10[%run_scoped3A_186, %dma_wait3A_336] : memref<8x512xf32, #tpu.memory_space<vmem>> -> memref<1x512xf32, #tpu.memory_space<vmem>>
      %dma_wait3A_338 = tpu.memref_squeeze %dma_wait3A_337 : memref<1x512xf32, #tpu.memory_space<vmem>> -> memref<512xf32, #tpu.memory_space<vmem>>
      %dma_wait3A_339 = tpu.memref_slice %arg14[%add3A_185] : memref<32768xf32, #tpu.memory_space<vmem_shared>> -> memref<512xf32, #tpu.memory_space<vmem_shared>>
      tpu.wait_dma2 semaphore(%run_scoped3A_324 : memref<!tpu.dma_semaphore, #tpu.memory_space<semaphore_mem>>) src(%dma_wait3A_339 : memref<512xf32, #tpu.memory_space<vmem_shared>>) dst(%dma_wait3A_338 : memref<512xf32, #tpu.memory_space<vmem>>)
      tpu.yield
    }) : () -> ()
    %add3A_187 = arith.constant 3 : i32
    %add3A_188 = arith.addi %sub3A_95, %add3A_187 : i32
    %mul3A_189 = arith.constant 2048 : i32
    %mul3A_190 = arith.muli %add3A_188, %mul3A_189 : i32
    %add3A_191 = arith.addi %mul3A_190, %mul3A_97 : i32
    %run_scoped3A_192 = arith.constant 0 : i32
    "tpu.region"() ({
      %run_scoped3A_324 = tpu.sem_alloc : memref<!tpu.dma_semaphore, #tpu.memory_space<semaphore_mem>>
      %dma_start3A_325 = arith.constant 0 : i32
      %dma_start3A_326 = tpu.memref_slice %arg11[%run_scoped3A_192, %dma_start3A_325] : memref<8x512xf32, #tpu.memory_space<vmem>> -> memref<1x512xf32, #tpu.memory_space<vmem>>
      %dma_start3A_327 = tpu.memref_squeeze %dma_start3A_326 : memref<1x512xf32, #tpu.memory_space<vmem>> -> memref<512xf32, #tpu.memory_space<vmem>>
      %dma_start3A_328 = tpu.memref_slice %arg15[%add3A_191] : memref<32768xf32, #tpu.memory_space<vmem_shared>> -> memref<512xf32, #tpu.memory_space<vmem_shared>>
      %dma_start3A_329 = arith.constant 0 : i32
      %dma_start3A_330 = tpu.memref_slice %arg11[%run_scoped3A_192, %dma_start3A_329] : memref<8x512xf32, #tpu.memory_space<vmem>> -> memref<1x512xf32, #tpu.memory_space<vmem>>
      %dma_start3A_331 = tpu.memref_squeeze %dma_start3A_330 : memref<1x512xf32, #tpu.memory_space<vmem>> -> memref<512xf32, #tpu.memory_space<vmem>>
      %dma_start3A_332 = tpu.memref_slice %arg15[%add3A_191] : memref<32768xf32, #tpu.memory_space<vmem_shared>> -> memref<512xf32, #tpu.memory_space<vmem_shared>>
      tpu.enqueue_dma source(%dma_start3A_332 : memref<512xf32, #tpu.memory_space<vmem_shared>>) target(%dma_start3A_331 : memref<512xf32, #tpu.memory_space<vmem>>) target_semaphore(%run_scoped3A_324 : memref<!tpu.dma_semaphore, #tpu.memory_space<semaphore_mem>>)
      %dma_wait3A = arith.constant 0 : i32
      %dma_wait3A_333 = tpu.memref_slice %arg11[%run_scoped3A_192, %dma_wait3A] : memref<8x512xf32, #tpu.memory_space<vmem>> -> memref<1x512xf32, #tpu.memory_space<vmem>>
      %dma_wait3A_334 = tpu.memref_squeeze %dma_wait3A_333 : memref<1x512xf32, #tpu.memory_space<vmem>> -> memref<512xf32, #tpu.memory_space<vmem>>
      %dma_wait3A_335 = tpu.memref_slice %arg15[%add3A_191] : memref<32768xf32, #tpu.memory_space<vmem_shared>> -> memref<512xf32, #tpu.memory_space<vmem_shared>>
      %dma_wait3A_336 = arith.constant 0 : i32
      %dma_wait3A_337 = tpu.memref_slice %arg11[%run_scoped3A_192, %dma_wait3A_336] : memref<8x512xf32, #tpu.memory_space<vmem>> -> memref<1x512xf32, #tpu.memory_space<vmem>>
      %dma_wait3A_338 = tpu.memref_squeeze %dma_wait3A_337 : memref<1x512xf32, #tpu.memory_space<vmem>> -> memref<512xf32, #tpu.memory_space<vmem>>
      %dma_wait3A_339 = tpu.memref_slice %arg15[%add3A_191] : memref<32768xf32, #tpu.memory_space<vmem_shared>> -> memref<512xf32, #tpu.memory_space<vmem_shared>>
      tpu.wait_dma2 semaphore(%run_scoped3A_324 : memref<!tpu.dma_semaphore, #tpu.memory_space<semaphore_mem>>) src(%dma_wait3A_339 : memref<512xf32, #tpu.memory_space<vmem_shared>>) dst(%dma_wait3A_338 : memref<512xf32, #tpu.memory_space<vmem>>)
      tpu.yield
    }) : () -> ()
    %add3A_193 = arith.constant 3 : i32
    %add3A_194 = arith.addi %sub3A_95, %add3A_193 : i32
    %mul3A_195 = arith.constant 2048 : i32
    %mul3A_196 = arith.muli %add3A_194, %mul3A_195 : i32
    %add3A_197 = arith.addi %mul3A_196, %mul3A_97 : i32
    %run_scoped3A_198 = arith.constant 0 : i32
    "tpu.region"() ({
      %run_scoped3A_324 = tpu.sem_alloc : memref<!tpu.dma_semaphore, #tpu.memory_space<semaphore_mem>>
      %dma_start3A_325 = arith.constant 0 : i32
      %dma_start3A_326 = tpu.memref_slice %arg12[%run_scoped3A_198, %dma_start3A_325] : memref<8x512xf32, #tpu.memory_space<vmem>> -> memref<1x512xf32, #tpu.memory_space<vmem>>
      %dma_start3A_327 = tpu.memref_squeeze %dma_start3A_326 : memref<1x512xf32, #tpu.memory_space<vmem>> -> memref<512xf32, #tpu.memory_space<vmem>>
      %dma_start3A_328 = tpu.memref_slice %arg16[%add3A_197] : memref<32768xf32, #tpu.memory_space<vmem_shared>> -> memref<512xf32, #tpu.memory_space<vmem_shared>>
      %dma_start3A_329 = arith.constant 0 : i32
      %dma_start3A_330 = tpu.memref_slice %arg12[%run_scoped3A_198, %dma_start3A_329] : memref<8x512xf32, #tpu.memory_space<vmem>> -> memref<1x512xf32, #tpu.memory_space<vmem>>
      %dma_start3A_331 = tpu.memref_squeeze %dma_start3A_330 : memref<1x512xf32, #tpu.memory_space<vmem>> -> memref<512xf32, #tpu.memory_space<vmem>>
      %dma_start3A_332 = tpu.memref_slice %arg16[%add3A_197] : memref<32768xf32, #tpu.memory_space<vmem_shared>> -> memref<512xf32, #tpu.memory_space<vmem_shared>>
      tpu.enqueue_dma source(%dma_start3A_332 : memref<512xf32, #tpu.memory_space<vmem_shared>>) target(%dma_start3A_331 : memref<512xf32, #tpu.memory_space<vmem>>) target_semaphore(%run_scoped3A_324 : memref<!tpu.dma_semaphore, #tpu.memory_space<semaphore_mem>>)
      %dma_wait3A = arith.constant 0 : i32
      %dma_wait3A_333 = tpu.memref_slice %arg12[%run_scoped3A_198, %dma_wait3A] : memref<8x512xf32, #tpu.memory_space<vmem>> -> memref<1x512xf32, #tpu.memory_space<vmem>>
      %dma_wait3A_334 = tpu.memref_squeeze %dma_wait3A_333 : memref<1x512xf32, #tpu.memory_space<vmem>> -> memref<512xf32, #tpu.memory_space<vmem>>
      %dma_wait3A_335 = tpu.memref_slice %arg16[%add3A_197] : memref<32768xf32, #tpu.memory_space<vmem_shared>> -> memref<512xf32, #tpu.memory_space<vmem_shared>>
      %dma_wait3A_336 = arith.constant 0 : i32
      %dma_wait3A_337 = tpu.memref_slice %arg12[%run_scoped3A_198, %dma_wait3A_336] : memref<8x512xf32, #tpu.memory_space<vmem>> -> memref<1x512xf32, #tpu.memory_space<vmem>>
      %dma_wait3A_338 = tpu.memref_squeeze %dma_wait3A_337 : memref<1x512xf32, #tpu.memory_space<vmem>> -> memref<512xf32, #tpu.memory_space<vmem>>
      %dma_wait3A_339 = tpu.memref_slice %arg16[%add3A_197] : memref<32768xf32, #tpu.memory_space<vmem_shared>> -> memref<512xf32, #tpu.memory_space<vmem_shared>>
      tpu.wait_dma2 semaphore(%run_scoped3A_324 : memref<!tpu.dma_semaphore, #tpu.memory_space<semaphore_mem>>) src(%dma_wait3A_339 : memref<512xf32, #tpu.memory_space<vmem_shared>>) dst(%dma_wait3A_338 : memref<512xf32, #tpu.memory_space<vmem>>)
      tpu.yield
    }) : () -> ()
    %scan3A_199 = arith.constant 0 : i32
    %scan3A_200 = arith.constant 0 : i32
    %scan3A_201 = arith.constant 32 : i32
    %scan3A_202 = arith.addi %scan3A_200, %scan3A_201 : i32
    %scan3A_203 = arith.constant 1 : i32
    %scan3A_204 = scf.for %scan3A_324 = %scan3A_200 to %scan3A_202 step %scan3A_203 iter_args(%scan3A_325 = %scan3A_199) -> (i32)  : i32 {
      %mul3A_326 = arith.constant 16 : i32
      %mul3A_327 = arith.muli %scan3A_324, %mul3A_326 : i32
      %get3A_328 = arith.index_cast %mul3A_327 : i32 to index
      %get3A_329 = tpu.vector_load %arg7[%get3A_328] {strides = array<i32>} : memref<2048xf32, #tpu.memory_space<vmem>>, vector<16xf32>,
      %get3A_330 = arith.constant 0 : i32
      %get3A_331 = arith.index_cast %get3A_330 : i32 to index
      %get3A_332 = arith.index_cast %mul3A_327 : i32 to index
      %get3A_333 = tpu.vector_load %arg10[%get3A_331, %get3A_332] {strides = array<i32>} : memref<8x512xf32, #tpu.memory_space<vmem>>, vector<16xf32>,
      %add3A_334 = arith.addf %get3A_329, %get3A_333 : vector<16xf32>
      %swap3A_335 = arith.index_cast %mul3A_327 : i32 to index
      %swap3A_336 = tpu.vector_load %arg7[%swap3A_335] {strides = array<i32>} : memref<2048xf32, #tpu.memory_space<vmem>>, vector<16xf32>,
      tpu.vector_store %arg7[%swap3A_335], %add3A_334 {strides = array<i32>} : memref<2048xf32, #tpu.memory_space<vmem>>, vector<16xf32>,
      %get3A_337 = arith.index_cast %mul3A_327 : i32 to index
      %get3A_338 = tpu.vector_load %arg8[%get3A_337] {strides = array<i32>} : memref<2048xf32, #tpu.memory_space<vmem>>, vector<16xf32>,
      %get3A_339 = arith.constant 0 : i32
      %get3A_340 = arith.index_cast %get3A_339 : i32 to index
      %get3A_341 = arith.index_cast %mul3A_327 : i32 to index
      %get3A_342 = tpu.vector_load %arg11[%get3A_340, %get3A_341] {strides = array<i32>} : memref<8x512xf32, #tpu.memory_space<vmem>>, vector<16xf32>,
      %add3A_343 = arith.addf %get3A_338, %get3A_342 : vector<16xf32>
      %swap3A_344 = arith.index_cast %mul3A_327 : i32 to index
      %swap3A_345 = tpu.vector_load %arg8[%swap3A_344] {strides = array<i32>} : memref<2048xf32, #tpu.memory_space<vmem>>, vector<16xf32>,
      tpu.vector_store %arg8[%swap3A_344], %add3A_343 {strides = array<i32>} : memref<2048xf32, #tpu.memory_space<vmem>>, vector<16xf32>,
      %get3A_346 = arith.index_cast %mul3A_327 : i32 to index
      %get3A_347 = tpu.vector_load %arg9[%get3A_346] {strides = array<i32>} : memref<2048xf32, #tpu.memory_space<vmem>>, vector<16xf32>,
      %get3A_348 = arith.constant 0 : i32
      %get3A_349 = arith.index_cast %get3A_348 : i32 to index
      %get3A_350 = arith.index_cast %mul3A_327 : i32 to index
      %get3A_351 = tpu.vector_load %arg12[%get3A_349, %get3A_350] {strides = array<i32>} : memref<8x512xf32, #tpu.memory_space<vmem>>, vector<16xf32>,
      %add3A_352 = arith.addf %get3A_347, %get3A_351 : vector<16xf32>
      %swap3A_353 = arith.index_cast %mul3A_327 : i32 to index
      %swap3A_354 = tpu.vector_load %arg9[%swap3A_353] {strides = array<i32>} : memref<2048xf32, #tpu.memory_space<vmem>>, vector<16xf32>,
      tpu.vector_store %arg9[%swap3A_353], %add3A_352 {strides = array<i32>} : memref<2048xf32, #tpu.memory_space<vmem>>, vector<16xf32>,
      %scan3A_355 = arith.constant 0 : i32
      scf.yield %scan3A_355 : i32
    }
    %scan3A_205 = arith.constant 32 : i32
    %scan3A_206 = arith.constant 0 : i32
    %scan3A_207 = arith.constant 32 : i32
    %scan3A_208 = arith.addi %scan3A_206, %scan3A_207 : i32
    %scan3A_209 = arith.constant 1 : i32
    %scan3A_210:2 = scf.for %scan3A_324 = %scan3A_206 to %scan3A_208 step %scan3A_209 iter_args(%scan3A_325 = %broadcast_in_dim3A_33, %scan3A_326 = %broadcast_in_dim3A_33) -> (vector<16xf32>, vector<16xf32>)  : i32 {
      %mul3A_327 = arith.constant 16 : i32
      %mul3A_328 = arith.muli %scan3A_324, %mul3A_327 : i32
      %get3A_329 = arith.index_cast %mul3A_328 : i32 to index
      %get3A_330 = tpu.vector_load %arg7[%get3A_329] {strides = array<i32>} : memref<2048xf32, #tpu.memory_space<vmem>>, vector<16xf32>,
      %add3A_331 = arith.addf %scan3A_325, %get3A_330 : vector<16xf32>
      %get3A_332 = arith.index_cast %mul3A_328 : i32 to index
      %get3A_333 = tpu.vector_load %arg8[%get3A_332] {strides = array<i32>} : memref<2048xf32, #tpu.memory_space<vmem>>, vector<16xf32>,
      %add3A_334 = arith.addf %scan3A_326, %get3A_333 : vector<16xf32>
      scf.yield %add3A_331, %add3A_334 : vector<16xf32>, vector<16xf32>
    }
    %scan3A_211 = arith.constant 32 : i32
    %reduce_sum3A_212 = arith.constant true
    %reduce_sum3A_213 = vector.broadcast %reduce_sum3A_212 : i1 to vector<16xi1>
    %reduce_sum3A_214 = tpu.scan <sum>, %scan3A_210#0 masked %reduce_sum3A_213 : vector<16xf32>, vector<16xi1> -> vector<16xf32>
    %reduce_sum3A_215 = vector.extract %reduce_sum3A_214[15] : f32 from vector<16xf32>
    %reduce_sum3A_216 = arith.constant true
    %reduce_sum3A_217 = vector.broadcast %reduce_sum3A_216 : i1 to vector<16xi1>
    %reduce_sum3A_218 = tpu.scan <sum>, %scan3A_210#1 masked %reduce_sum3A_217 : vector<16xf32>, vector<16xi1> -> vector<16xf32>
    %reduce_sum3A_219 = vector.extract %reduce_sum3A_218[15] : f32 from vector<16xf32>
    %eq3A_220 = arith.constant 0 : i32
    %eq3A_221 = vector.broadcast %eq3A_220 : i32 to vector<16xi32>
    %eq3A_222 = arith.cmpi eq, %iota3A, %eq3A_221 : vector<16xi32>
    %eq3A_223 = arith.constant 1 : i32
    %eq3A_224 = vector.broadcast %eq3A_223 : i32 to vector<16xi32>
    %eq3A_225 = arith.cmpi eq, %iota3A, %eq3A_224 : vector<16xi32>
    %jit3A_226 = arith.constant 0.000000e+00 : f32
    %broadcast_in_dim3A_227 = vector.broadcast %reduce_sum3A_219 : f32 to vector<16xf32>
    %broadcast_in_dim3A_228 = vector.broadcast %jit3A_226 : f32 to vector<16xf32>
    %select_n3A_229 = arith.select %eq3A_225, %broadcast_in_dim3A_227, %broadcast_in_dim3A_228 : vector<16xi1>, vector<16xf32>
    %broadcast_in_dim3A_230 = vector.broadcast %reduce_sum3A_215 : f32 to vector<16xf32>
    %select_n3A_231 = arith.select %eq3A_222, %broadcast_in_dim3A_230, %select_n3A_229 : vector<16xi1>, vector<16xf32>
    %swap3A_232 = arith.constant 0 : i32
    %swap3A_233 = arith.index_cast %swap3A_232 : i32 to index
    %swap3A_234 = arith.constant 0 : index
    %swap3A_235 = tpu.vector_load %arg11[%swap3A_233, %swap3A_234] {strides = array<i32>} : memref<8x512xf32, #tpu.memory_space<vmem>>, vector<16xf32>,
    tpu.vector_store %arg11[%swap3A_233, %swap3A_234], %select_n3A_231 {strides = array<i32>} : memref<8x512xf32, #tpu.memory_space<vmem>>, vector<16xf32>,
    %mul3A_236 = arith.constant 16 : i32
    %mul3A_237 = arith.muli %arg1, %mul3A_236 : i32
    %run_scoped3A_238 = arith.constant 0 : i32
    "tpu.region"() ({
      %run_scoped3A_324 = tpu.sem_alloc : memref<!tpu.dma_semaphore, #tpu.memory_space<semaphore_mem>>
      %dma_start3A_325 = arith.constant 0 : i32
      %dma_start3A_326 = tpu.memref_slice %arg11[%run_scoped3A_238, %dma_start3A_325] : memref<8x512xf32, #tpu.memory_space<vmem>> -> memref<1x16xf32, #tpu.memory_space<vmem>>
      %dma_start3A_327 = tpu.memref_squeeze %dma_start3A_326 : memref<1x16xf32, #tpu.memory_space<vmem>> -> memref<16xf32, #tpu.memory_space<vmem>>
      %dma_start3A_328 = tpu.memref_slice %arg18[%mul3A_237] : memref<256xf32, #tpu.memory_space<vmem_shared>> -> memref<16xf32, #tpu.memory_space<vmem_shared>>
      %dma_start3A_329 = tpu.memref_slice %arg18[%mul3A_237] : memref<256xf32, #tpu.memory_space<vmem_shared>> -> memref<16xf32, #tpu.memory_space<vmem_shared>>
      %dma_start3A_330 = arith.constant 0 : i32
      %dma_start3A_331 = tpu.memref_slice %arg11[%run_scoped3A_238, %dma_start3A_330] : memref<8x512xf32, #tpu.memory_space<vmem>> -> memref<1x16xf32, #tpu.memory_space<vmem>>
      %dma_start3A_332 = tpu.memref_squeeze %dma_start3A_331 : memref<1x16xf32, #tpu.memory_space<vmem>> -> memref<16xf32, #tpu.memory_space<vmem>>
      tpu.enqueue_dma source(%dma_start3A_332 : memref<16xf32, #tpu.memory_space<vmem>>) target(%dma_start3A_329 : memref<16xf32, #tpu.memory_space<vmem_shared>>) target_semaphore(%run_scoped3A_324 : memref<!tpu.dma_semaphore, #tpu.memory_space<semaphore_mem>>)
      %dma_wait3A = arith.constant 0 : i32
      %dma_wait3A_333 = tpu.memref_slice %arg11[%run_scoped3A_238, %dma_wait3A] : memref<8x512xf32, #tpu.memory_space<vmem>> -> memref<1x16xf32, #tpu.memory_space<vmem>>
      %dma_wait3A_334 = tpu.memref_squeeze %dma_wait3A_333 : memref<1x16xf32, #tpu.memory_space<vmem>> -> memref<16xf32, #tpu.memory_space<vmem>>
      %dma_wait3A_335 = tpu.memref_slice %arg18[%mul3A_237] : memref<256xf32, #tpu.memory_space<vmem_shared>> -> memref<16xf32, #tpu.memory_space<vmem_shared>>
      %dma_wait3A_336 = tpu.memref_slice %arg18[%mul3A_237] : memref<256xf32, #tpu.memory_space<vmem_shared>> -> memref<16xf32, #tpu.memory_space<vmem_shared>>
      %dma_wait3A_337 = arith.constant 0 : i32
      %dma_wait3A_338 = tpu.memref_slice %arg11[%run_scoped3A_238, %dma_wait3A_337] : memref<8x512xf32, #tpu.memory_space<vmem>> -> memref<1x16xf32, #tpu.memory_space<vmem>>
      %dma_wait3A_339 = tpu.memref_squeeze %dma_wait3A_338 : memref<1x16xf32, #tpu.memory_space<vmem>> -> memref<16xf32, #tpu.memory_space<vmem>>
      tpu.wait_dma2 semaphore(%run_scoped3A_324 : memref<!tpu.dma_semaphore, #tpu.memory_space<semaphore_mem>>) src(%dma_wait3A_339 : memref<16xf32, #tpu.memory_space<vmem>>) dst(%dma_wait3A_336 : memref<16xf32, #tpu.memory_space<vmem_shared>>)
      tpu.yield
    }) : () -> ()
    %barrier3A_239 = arith.constant 0 : index
    tpu.barrier barrier_id(%barrier3A_239)
    %mul3A_240 = arith.constant 16 : i32
    %mul3A_241 = arith.muli %sub3A_95, %mul3A_240 : i32
    %run_scoped3A_242 = arith.constant 0 : i32
    "tpu.region"() ({
      %run_scoped3A_324 = tpu.sem_alloc : memref<!tpu.dma_semaphore, #tpu.memory_space<semaphore_mem>>
      %dma_start3A_325 = arith.constant 0 : i32
      %dma_start3A_326 = tpu.memref_slice %arg10[%run_scoped3A_242, %dma_start3A_325] : memref<8x512xf32, #tpu.memory_space<vmem>> -> memref<1x64xf32, #tpu.memory_space<vmem>>
      %dma_start3A_327 = tpu.memref_squeeze %dma_start3A_326 : memref<1x64xf32, #tpu.memory_space<vmem>> -> memref<64xf32, #tpu.memory_space<vmem>>
      %dma_start3A_328 = tpu.memref_slice %arg18[%mul3A_241] : memref<256xf32, #tpu.memory_space<vmem_shared>> -> memref<64xf32, #tpu.memory_space<vmem_shared>>
      %dma_start3A_329 = arith.constant 0 : i32
      %dma_start3A_330 = tpu.memref_slice %arg10[%run_scoped3A_242, %dma_start3A_329] : memref<8x512xf32, #tpu.memory_space<vmem>> -> memref<1x64xf32, #tpu.memory_space<vmem>>
      %dma_start3A_331 = tpu.memref_squeeze %dma_start3A_330 : memref<1x64xf32, #tpu.memory_space<vmem>> -> memref<64xf32, #tpu.memory_space<vmem>>
      %dma_start3A_332 = tpu.memref_slice %arg18[%mul3A_241] : memref<256xf32, #tpu.memory_space<vmem_shared>> -> memref<64xf32, #tpu.memory_space<vmem_shared>>
      tpu.enqueue_dma source(%dma_start3A_332 : memref<64xf32, #tpu.memory_space<vmem_shared>>) target(%dma_start3A_331 : memref<64xf32, #tpu.memory_space<vmem>>) target_semaphore(%run_scoped3A_324 : memref<!tpu.dma_semaphore, #tpu.memory_space<semaphore_mem>>)
      %dma_wait3A = arith.constant 0 : i32
      %dma_wait3A_333 = tpu.memref_slice %arg10[%run_scoped3A_242, %dma_wait3A] : memref<8x512xf32, #tpu.memory_space<vmem>> -> memref<1x64xf32, #tpu.memory_space<vmem>>
      %dma_wait3A_334 = tpu.memref_squeeze %dma_wait3A_333 : memref<1x64xf32, #tpu.memory_space<vmem>> -> memref<64xf32, #tpu.memory_space<vmem>>
      %dma_wait3A_335 = tpu.memref_slice %arg18[%mul3A_241] : memref<256xf32, #tpu.memory_space<vmem_shared>> -> memref<64xf32, #tpu.memory_space<vmem_shared>>
      %dma_wait3A_336 = arith.constant 0 : i32
      %dma_wait3A_337 = tpu.memref_slice %arg10[%run_scoped3A_242, %dma_wait3A_336] : memref<8x512xf32, #tpu.memory_space<vmem>> -> memref<1x64xf32, #tpu.memory_space<vmem>>
      %dma_wait3A_338 = tpu.memref_squeeze %dma_wait3A_337 : memref<1x64xf32, #tpu.memory_space<vmem>> -> memref<64xf32, #tpu.memory_space<vmem>>
      %dma_wait3A_339 = tpu.memref_slice %arg18[%mul3A_241] : memref<256xf32, #tpu.memory_space<vmem_shared>> -> memref<64xf32, #tpu.memory_space<vmem_shared>>
      tpu.wait_dma2 semaphore(%run_scoped3A_324 : memref<!tpu.dma_semaphore, #tpu.memory_space<semaphore_mem>>) src(%dma_wait3A_339 : memref<64xf32, #tpu.memory_space<vmem_shared>>) dst(%dma_wait3A_338 : memref<64xf32, #tpu.memory_space<vmem>>)
      tpu.yield
    }) : () -> ()
    %lt3A_243 = arith.constant 0 : i32
    %lt3A_244 = arith.cmpi slt, %select_n3A_30, %lt3A_243 : i32
    %get3A_245 = arith.constant 0 : i32
    %get3A_246 = arith.index_cast %get3A_245 : i32 to index
    %get3A_247 = arith.constant 0 : index
    %get3A_248 = tpu.vector_load %arg10[%get3A_246, %get3A_247] {strides = array<i32>} : memref<8x512xf32, #tpu.memory_space<vmem>>, vector<16xf32>,
    %slice3A = vector.extract_strided_slice %get3A_248 {offsets = [0], sizes = [1], strides = [1]} : vector<16xf32> to vector<1xf32>
    %squeeze3A = vector.extract %slice3A[0] : f32 from vector<1xf32>
    %jit3A_249 = arith.constant 0.000000e+00 : f32
    %select_n3A_250 = arith.select %lt3A_244, %squeeze3A, %jit3A_249 : f32
    %add3A_251 = arith.constant 0.000000e+00 : f32
    %add3A_252 = arith.addf %add3A_251, %select_n3A_250 : f32
    %slice3A_253 = vector.extract_strided_slice %get3A_248 {offsets = [1], sizes = [1], strides = [1]} : vector<16xf32> to vector<1xf32>
    %squeeze3A_254 = vector.extract %slice3A_253[0] : f32 from vector<1xf32>
    %jit3A_255 = arith.constant 0.000000e+00 : f32
    %select_n3A_256 = arith.select %lt3A_244, %squeeze3A_254, %jit3A_255 : f32
    %add3A_257 = arith.constant 0.000000e+00 : f32
    %add3A_258 = arith.addf %add3A_257, %select_n3A_256 : f32
    %lt3A_259 = arith.constant 1 : i32
    %lt3A_260 = arith.cmpi slt, %select_n3A_30, %lt3A_259 : i32
    %get3A_261 = arith.constant 0 : i32
    %get3A_262 = arith.index_cast %get3A_261 : i32 to index
    %get3A_263 = arith.constant 16 : index
    %get3A_264 = tpu.vector_load %arg10[%get3A_262, %get3A_263] {strides = array<i32>} : memref<8x512xf32, #tpu.memory_space<vmem>>, vector<16xf32>,
    %slice3A_265 = vector.extract_strided_slice %get3A_264 {offsets = [0], sizes = [1], strides = [1]} : vector<16xf32> to vector<1xf32>
    %squeeze3A_266 = vector.extract %slice3A_265[0] : f32 from vector<1xf32>
    %jit3A_267 = arith.constant 0.000000e+00 : f32
    %select_n3A_268 = arith.select %lt3A_260, %squeeze3A_266, %jit3A_267 : f32
    %add3A_269 = arith.addf %add3A_252, %select_n3A_268 : f32
    %slice3A_270 = vector.extract_strided_slice %get3A_264 {offsets = [1], sizes = [1], strides = [1]} : vector<16xf32> to vector<1xf32>
    %squeeze3A_271 = vector.extract %slice3A_270[0] : f32 from vector<1xf32>
    %jit3A_272 = arith.constant 0.000000e+00 : f32
    %select_n3A_273 = arith.select %lt3A_260, %squeeze3A_271, %jit3A_272 : f32
    %add3A_274 = arith.addf %add3A_258, %select_n3A_273 : f32
    %lt3A_275 = arith.constant 2 : i32
    %lt3A_276 = arith.cmpi slt, %select_n3A_30, %lt3A_275 : i32
    %get3A_277 = arith.constant 0 : i32
    %get3A_278 = arith.index_cast %get3A_277 : i32 to index
    %get3A_279 = arith.constant 32 : index
    %get3A_280 = tpu.vector_load %arg10[%get3A_278, %get3A_279] {strides = array<i32>} : memref<8x512xf32, #tpu.memory_space<vmem>>, vector<16xf32>,
    %slice3A_281 = vector.extract_strided_slice %get3A_280 {offsets = [0], sizes = [1], strides = [1]} : vector<16xf32> to vector<1xf32>
    %squeeze3A_282 = vector.extract %slice3A_281[0] : f32 from vector<1xf32>
    %jit3A_283 = arith.constant 0.000000e+00 : f32
    %select_n3A_284 = arith.select %lt3A_276, %squeeze3A_282, %jit3A_283 : f32
    %add3A_285 = arith.addf %add3A_269, %select_n3A_284 : f32
    %slice3A_286 = vector.extract_strided_slice %get3A_280 {offsets = [1], sizes = [1], strides = [1]} : vector<16xf32> to vector<1xf32>
    %squeeze3A_287 = vector.extract %slice3A_286[0] : f32 from vector<1xf32>
    %jit3A_288 = arith.constant 0.000000e+00 : f32
    %select_n3A_289 = arith.select %lt3A_276, %squeeze3A_287, %jit3A_288 : f32
    %add3A_290 = arith.addf %add3A_274, %select_n3A_289 : f32
    %lt3A_291 = arith.constant 3 : i32
    %lt3A_292 = arith.cmpi slt, %select_n3A_30, %lt3A_291 : i32
    %get3A_293 = arith.constant 0 : i32
    %get3A_294 = arith.index_cast %get3A_293 : i32 to index
    %get3A_295 = arith.constant 48 : index
    %get3A_296 = tpu.vector_load %arg10[%get3A_294, %get3A_295] {strides = array<i32>} : memref<8x512xf32, #tpu.memory_space<vmem>>, vector<16xf32>,
    %slice3A_297 = vector.extract_strided_slice %get3A_296 {offsets = [0], sizes = [1], strides = [1]} : vector<16xf32> to vector<1xf32>
    %squeeze3A_298 = vector.extract %slice3A_297[0] : f32 from vector<1xf32>
    %jit3A_299 = arith.constant 0.000000e+00 : f32
    %select_n3A_300 = arith.select %lt3A_292, %squeeze3A_298, %jit3A_299 : f32
    %add3A_301 = arith.addf %add3A_285, %select_n3A_300 : f32
    %slice3A_302 = vector.extract_strided_slice %get3A_296 {offsets = [1], sizes = [1], strides = [1]} : vector<16xf32> to vector<1xf32>
    %squeeze3A_303 = vector.extract %slice3A_302[0] : f32 from vector<1xf32>
    %jit3A_304 = arith.constant 0.000000e+00 : f32
    %select_n3A_305 = arith.select %lt3A_292, %squeeze3A_303, %jit3A_304 : f32
    %add3A_306 = arith.addf %add3A_290, %select_n3A_305 : f32
    %scan3A_307 = arith.constant 0 : i32
    %scan3A_308 = arith.constant 32 : i32
    %scan3A_309 = arith.addi %scan3A_307, %scan3A_308 : i32
    %scan3A_310 = arith.constant 1 : i32
    %scan3A_311:3 = scf.for %scan3A_324 = %scan3A_307 to %scan3A_309 step %scan3A_310 iter_args(%scan3A_325 = %add3A_301, %scan3A_326 = %add3A_306, %scan3A_327 = %broadcast_in_dim3A_33) -> (f32, f32, vector<16xf32>)  : i32 {
      %sub3A_328 = arith.constant 31 : i32
      %sub3A_329 = arith.subi %sub3A_328, %scan3A_324 : i32
      %mul3A_330 = arith.constant 16 : i32
      %mul3A_331 = arith.muli %sub3A_329, %mul3A_330 : i32
      %get3A_332 = arith.index_cast %mul3A_331 : i32 to index
      %get3A_333 = tpu.vector_load %arg7[%get3A_332] {strides = array<i32>} : memref<2048xf32, #tpu.memory_space<vmem>>, vector<16xf32>,
      %get3A_334 = arith.index_cast %mul3A_331 : i32 to index
      %get3A_335 = tpu.vector_load %arg8[%get3A_334] {strides = array<i32>} : memref<2048xf32, #tpu.memory_space<vmem>>, vector<16xf32>,
      %get3A_336 = arith.index_cast %mul3A_331 : i32 to index
      %get3A_337 = tpu.vector_load %arg9[%get3A_336] {strides = array<i32>} : memref<2048xf32, #tpu.memory_space<vmem>>, vector<16xf32>,
      %reduce_sum3A_338 = arith.constant true
      %reduce_sum3A_339 = vector.broadcast %reduce_sum3A_338 : i1 to vector<16xi1>
      %reduce_sum3A_340 = tpu.scan <sum>, %get3A_333 masked %reduce_sum3A_339 : vector<16xf32>, vector<16xi1> -> vector<16xf32>
      %reduce_sum3A_341 = vector.extract %reduce_sum3A_340[15] : f32 from vector<16xf32>
      %reduce_sum3A_342 = arith.constant true
      %reduce_sum3A_343 = vector.broadcast %reduce_sum3A_342 : i1 to vector<16xi1>
      %reduce_sum3A_344 = tpu.scan <sum>, %get3A_335 masked %reduce_sum3A_343 : vector<16xf32>, vector<16xi1> -> vector<16xf32>
      %reduce_sum3A_345 = vector.extract %reduce_sum3A_344[15] : f32 from vector<16xf32>
      %cumsum3A = arith.constant true
      %cumsum3A_346 = vector.broadcast %cumsum3A : i1 to vector<16xi1>
      %cumsum3A_347 = tpu.scan <sum>, %get3A_333 masked %cumsum3A_346 : vector<16xf32>, vector<16xi1> -> vector<16xf32>
      %cumsum3A_348 = arith.constant true
      %cumsum3A_349 = vector.broadcast %cumsum3A_348 : i1 to vector<16xi1>
      %cumsum3A_350 = tpu.scan <sum>, %get3A_335 masked %cumsum3A_349 : vector<16xf32>, vector<16xi1> -> vector<16xf32>
      %add3A_351 = arith.addf %scan3A_325, %reduce_sum3A_341 : f32
      %sub3A_352 = vector.broadcast %add3A_351 : f32 to vector<16xf32>
      %sub3A_353 = arith.subf %sub3A_352, %cumsum3A_347 : vector<16xf32>
      %add3A_354 = arith.addf %scan3A_326, %reduce_sum3A_345 : f32
      %sub3A_355 = vector.broadcast %add3A_354 : f32 to vector<16xf32>
      %sub3A_356 = arith.subf %sub3A_355, %cumsum3A_350 : vector<16xf32>
      %add3A_357 = arith.addf %sub3A_353, %get3A_333 : vector<16xf32>
      %add3A_358 = arith.addf %sub3A_356, %get3A_335 : vector<16xf32>
      %max3A = arith.constant 1.000000e+00 : f32
      %max3A_359 = vector.broadcast %max3A : f32 to vector<16xf32>
      %max3A_360 = arith.maximumf %get3A_333, %max3A_359 : vector<16xf32>
      %div3A_361 = arith.divf %get3A_337, %max3A_360 : vector<16xf32>
      %add3A_362 = vector.broadcast %reduce_sum3A_121 : f32 to vector<16xf32>
      %add3A_363 = arith.addf %add3A_362, %add3A_357 : vector<16xf32>
      %sub3A_364 = arith.subf %add3A_363, %add3A_358 : vector<16xf32>
      %max3A_365 = arith.constant 1.000000e+00 : f32
      %max3A_366 = vector.broadcast %max3A_365 : f32 to vector<16xf32>
      %max3A_367 = arith.maximumf %sub3A_364, %max3A_366 : vector<16xf32>
      %gt3A = arith.constant 0.000000e+00 : f32
      %gt3A_368 = vector.broadcast %gt3A : f32 to vector<16xf32>
      %gt3A_369 = arith.cmpf ogt, %add3A_357, %gt3A_368 : vector<16xf32>
      %sub3A_370 = vector.broadcast %reduce_sum3A_121 : f32 to vector<16xf32>
      %sub3A_371 = arith.subf %sub3A_370, %add3A_358 : vector<16xf32>
      %div3A_372 = arith.divf %sub3A_371, %max3A_367 : vector<16xf32>
      %sub3A_373 = arith.constant 1.000000e+00 : f32
      %sub3A_374 = vector.broadcast %sub3A_373 : f32 to vector<16xf32>
      %sub3A_375 = arith.subf %sub3A_374, %div3A_372 : vector<16xf32>
      %jit3A_376 = arith.constant 0.000000e+00 : f32
      %broadcast_in_dim3A_377 = vector.broadcast %jit3A_376 : f32 to vector<16xf32>
      %select_n3A_378 = arith.select %gt3A_369, %sub3A_375, %broadcast_in_dim3A_377 : vector<16xi1>, vector<16xf32>
      %add3A_379 = vector.broadcast %reduce_sum3A_121 : f32 to vector<16xf32>
      %add3A_380 = arith.addf %add3A_379, %sub3A_353 : vector<16xf32>
      %sub3A_381 = arith.subf %add3A_380, %sub3A_356 : vector<16xf32>
      %max3A_382 = arith.constant 1.000000e+00 : f32
      %max3A_383 = vector.broadcast %max3A_382 : f32 to vector<16xf32>
      %max3A_384 = arith.maximumf %sub3A_381, %max3A_383 : vector<16xf32>
      %gt3A_385 = arith.constant 0.000000e+00 : f32
      %gt3A_386 = vector.broadcast %gt3A_385 : f32 to vector<16xf32>
      %gt3A_387 = arith.cmpf ogt, %sub3A_353, %gt3A_386 : vector<16xf32>
      %sub3A_388 = vector.broadcast %reduce_sum3A_121 : f32 to vector<16xf32>
      %sub3A_389 = arith.subf %sub3A_388, %sub3A_356 : vector<16xf32>
      %div3A_390 = arith.divf %sub3A_389, %max3A_384 : vector<16xf32>
      %sub3A_391 = arith.constant 1.000000e+00 : f32
      %sub3A_392 = vector.broadcast %sub3A_391 : f32 to vector<16xf32>
      %sub3A_393 = arith.subf %sub3A_392, %div3A_390 : vector<16xf32>
      %jit3A_394 = arith.constant 0.000000e+00 : f32
      %broadcast_in_dim3A_395 = vector.broadcast %jit3A_394 : f32 to vector<16xf32>
      %select_n3A_396 = arith.select %gt3A_387, %sub3A_393, %broadcast_in_dim3A_395 : vector<16xi1>, vector<16xf32>
      %sub3A_397 = arith.subf %select_n3A_378, %select_n3A_396 : vector<16xf32>
      %mul3A_398 = arith.mulf %div3A_361, %sub3A_397 : vector<16xf32>
      %add3A_399 = arith.addf %scan3A_327, %mul3A_398 : vector<16xf32>
      %add3A_400 = arith.addf %scan3A_325, %reduce_sum3A_341 : f32
      %add3A_401 = arith.addf %scan3A_326, %reduce_sum3A_345 : f32
      scf.yield %add3A_400, %add3A_401, %add3A_399 : f32, f32, vector<16xf32>
    }
    %scan3A_312 = arith.constant 32 : i32
    %swap3A_313 = arith.constant 0 : i32
    %swap3A_314 = arith.index_cast %swap3A_313 : i32 to index
    %swap3A_315 = arith.constant 0 : index
    %swap3A_316 = tpu.vector_load %arg11[%swap3A_314, %swap3A_315] {strides = array<i32>} : memref<8x512xf32, #tpu.memory_space<vmem>>, vector<16xf32>,
    tpu.vector_store %arg11[%swap3A_314, %swap3A_315], %scan3A_311#2 {strides = array<i32>} : memref<8x512xf32, #tpu.memory_space<vmem>>, vector<16xf32>,
    %mul3A_317 = arith.constant 16 : i32
    %mul3A_318 = arith.muli %arg1, %mul3A_317 : i32
    %run_scoped3A_319 = arith.constant 0 : i32
    "tpu.region"() ({
      %run_scoped3A_324 = tpu.sem_alloc : memref<!tpu.dma_semaphore, #tpu.memory_space<semaphore_mem>>
      %dma_start3A_325 = arith.constant 0 : i32
      %dma_start3A_326 = tpu.memref_slice %arg11[%run_scoped3A_319, %dma_start3A_325] : memref<8x512xf32, #tpu.memory_space<vmem>> -> memref<1x16xf32, #tpu.memory_space<vmem>>
      %dma_start3A_327 = tpu.memref_squeeze %dma_start3A_326 : memref<1x16xf32, #tpu.memory_space<vmem>> -> memref<16xf32, #tpu.memory_space<vmem>>
      %dma_start3A_328 = tpu.memref_slice %arg17[%mul3A_318] : memref<256xf32, #tpu.memory_space<vmem_shared>> -> memref<16xf32, #tpu.memory_space<vmem_shared>>
      %dma_start3A_329 = tpu.memref_slice %arg17[%mul3A_318] : memref<256xf32, #tpu.memory_space<vmem_shared>> -> memref<16xf32, #tpu.memory_space<vmem_shared>>
      %dma_start3A_330 = arith.constant 0 : i32
      %dma_start3A_331 = tpu.memref_slice %arg11[%run_scoped3A_319, %dma_start3A_330] : memref<8x512xf32, #tpu.memory_space<vmem>> -> memref<1x16xf32, #tpu.memory_space<vmem>>
      %dma_start3A_332 = tpu.memref_squeeze %dma_start3A_331 : memref<1x16xf32, #tpu.memory_space<vmem>> -> memref<16xf32, #tpu.memory_space<vmem>>
      tpu.enqueue_dma source(%dma_start3A_332 : memref<16xf32, #tpu.memory_space<vmem>>) target(%dma_start3A_329 : memref<16xf32, #tpu.memory_space<vmem_shared>>) target_semaphore(%run_scoped3A_324 : memref<!tpu.dma_semaphore, #tpu.memory_space<semaphore_mem>>)
      %dma_wait3A = arith.constant 0 : i32
      %dma_wait3A_333 = tpu.memref_slice %arg11[%run_scoped3A_319, %dma_wait3A] : memref<8x512xf32, #tpu.memory_space<vmem>> -> memref<1x16xf32, #tpu.memory_space<vmem>>
      %dma_wait3A_334 = tpu.memref_squeeze %dma_wait3A_333 : memref<1x16xf32, #tpu.memory_space<vmem>> -> memref<16xf32, #tpu.memory_space<vmem>>
      %dma_wait3A_335 = tpu.memref_slice %arg17[%mul3A_318] : memref<256xf32, #tpu.memory_space<vmem_shared>> -> memref<16xf32, #tpu.memory_space<vmem_shared>>
      %dma_wait3A_336 = tpu.memref_slice %arg17[%mul3A_318] : memref<256xf32, #tpu.memory_space<vmem_shared>> -> memref<16xf32, #tpu.memory_space<vmem_shared>>
      %dma_wait3A_337 = arith.constant 0 : i32
      %dma_wait3A_338 = tpu.memref_slice %arg11[%run_scoped3A_319, %dma_wait3A_337] : memref<8x512xf32, #tpu.memory_space<vmem>> -> memref<1x16xf32, #tpu.memory_space<vmem>>
      %dma_wait3A_339 = tpu.memref_squeeze %dma_wait3A_338 : memref<1x16xf32, #tpu.memory_space<vmem>> -> memref<16xf32, #tpu.memory_space<vmem>>
      tpu.wait_dma2 semaphore(%run_scoped3A_324 : memref<!tpu.dma_semaphore, #tpu.memory_space<semaphore_mem>>) src(%dma_wait3A_339 : memref<16xf32, #tpu.memory_space<vmem>>) dst(%dma_wait3A_336 : memref<16xf32, #tpu.memory_space<vmem_shared>>)
      tpu.yield
    }) : () -> ()
    %barrier3A_320 = arith.constant 0 : index
    tpu.barrier barrier_id(%barrier3A_320)
    %eq3A_321 = arith.constant 0 : i32
    %eq3A_322 = arith.cmpi eq, %select_n3A_30, %eq3A_321 : i32
    %convert_element_type3A = arith.extui %eq3A_322 : i1 to i32
    %cond3A = arith.constant 0 : i32
    %cond3A_323 = arith.cmpi ne, %convert_element_type3A, %cond3A : i32
    scf.if %cond3A_323 {
      %mul3A_324 = arith.constant 16 : i32
      %mul3A_325 = arith.muli %arg1, %mul3A_324 : i32
      %run_scoped3A_326 = arith.constant 0 : i32
      "tpu.region"() ({
        %run_scoped3A_359 = tpu.sem_alloc : memref<!tpu.dma_semaphore, #tpu.memory_space<semaphore_mem>>
        %dma_start3A_360 = arith.constant 0 : i32
        %dma_start3A_361 = tpu.memref_slice %arg10[%run_scoped3A_326, %dma_start3A_360] : memref<8x512xf32, #tpu.memory_space<vmem>> -> memref<1x64xf32, #tpu.memory_space<vmem>>
        %dma_start3A_362 = tpu.memref_squeeze %dma_start3A_361 : memref<1x64xf32, #tpu.memory_space<vmem>> -> memref<64xf32, #tpu.memory_space<vmem>>
        %dma_start3A_363 = tpu.memref_slice %arg17[%mul3A_325] : memref<256xf32, #tpu.memory_space<vmem_shared>> -> memref<64xf32, #tpu.memory_space<vmem_shared>>
        %dma_start3A_364 = arith.constant 0 : i32
        %dma_start3A_365 = tpu.memref_slice %arg10[%run_scoped3A_326, %dma_start3A_364] : memref<8x512xf32, #tpu.memory_space<vmem>> -> memref<1x64xf32, #tpu.memory_space<vmem>>
        %dma_start3A_366 = tpu.memref_squeeze %dma_start3A_365 : memref<1x64xf32, #tpu.memory_space<vmem>> -> memref<64xf32, #tpu.memory_space<vmem>>
        %dma_start3A_367 = tpu.memref_slice %arg17[%mul3A_325] : memref<256xf32, #tpu.memory_space<vmem_shared>> -> memref<64xf32, #tpu.memory_space<vmem_shared>>
        tpu.enqueue_dma source(%dma_start3A_367 : memref<64xf32, #tpu.memory_space<vmem_shared>>) target(%dma_start3A_366 : memref<64xf32, #tpu.memory_space<vmem>>) target_semaphore(%run_scoped3A_359 : memref<!tpu.dma_semaphore, #tpu.memory_space<semaphore_mem>>)
        %dma_wait3A = arith.constant 0 : i32
        %dma_wait3A_368 = tpu.memref_slice %arg10[%run_scoped3A_326, %dma_wait3A] : memref<8x512xf32, #tpu.memory_space<vmem>> -> memref<1x64xf32, #tpu.memory_space<vmem>>
        %dma_wait3A_369 = tpu.memref_squeeze %dma_wait3A_368 : memref<1x64xf32, #tpu.memory_space<vmem>> -> memref<64xf32, #tpu.memory_space<vmem>>
        %dma_wait3A_370 = tpu.memref_slice %arg17[%mul3A_325] : memref<256xf32, #tpu.memory_space<vmem_shared>> -> memref<64xf32, #tpu.memory_space<vmem_shared>>
        %dma_wait3A_371 = arith.constant 0 : i32
        %dma_wait3A_372 = tpu.memref_slice %arg10[%run_scoped3A_326, %dma_wait3A_371] : memref<8x512xf32, #tpu.memory_space<vmem>> -> memref<1x64xf32, #tpu.memory_space<vmem>>
        %dma_wait3A_373 = tpu.memref_squeeze %dma_wait3A_372 : memref<1x64xf32, #tpu.memory_space<vmem>> -> memref<64xf32, #tpu.memory_space<vmem>>
        %dma_wait3A_374 = tpu.memref_slice %arg17[%mul3A_325] : memref<256xf32, #tpu.memory_space<vmem_shared>> -> memref<64xf32, #tpu.memory_space<vmem_shared>>
        tpu.wait_dma2 semaphore(%run_scoped3A_359 : memref<!tpu.dma_semaphore, #tpu.memory_space<semaphore_mem>>) src(%dma_wait3A_374 : memref<64xf32, #tpu.memory_space<vmem_shared>>) dst(%dma_wait3A_373 : memref<64xf32, #tpu.memory_space<vmem>>)
        tpu.yield
      }) : () -> ()
      %get3A_327 = arith.constant 0 : i32
      %get3A_328 = arith.index_cast %get3A_327 : i32 to index
      %get3A_329 = arith.constant 0 : index
      %get3A_330 = tpu.vector_load %arg10[%get3A_328, %get3A_329] {strides = array<i32>} : memref<8x512xf32, #tpu.memory_space<vmem>>, vector<16xf32>,
      %get3A_331 = arith.constant 0 : i32
      %get3A_332 = arith.index_cast %get3A_331 : i32 to index
      %get3A_333 = arith.constant 16 : index
      %get3A_334 = tpu.vector_load %arg10[%get3A_332, %get3A_333] {strides = array<i32>} : memref<8x512xf32, #tpu.memory_space<vmem>>, vector<16xf32>,
      %add3A_335 = arith.addf %get3A_330, %get3A_334 : vector<16xf32>
      %get3A_336 = arith.constant 0 : i32
      %get3A_337 = arith.index_cast %get3A_336 : i32 to index
      %get3A_338 = arith.constant 32 : index
      %get3A_339 = tpu.vector_load %arg10[%get3A_337, %get3A_338] {strides = array<i32>} : memref<8x512xf32, #tpu.memory_space<vmem>>, vector<16xf32>,
      %add3A_340 = arith.addf %add3A_335, %get3A_339 : vector<16xf32>
      %get3A_341 = arith.constant 0 : i32
      %get3A_342 = arith.index_cast %get3A_341 : i32 to index
      %get3A_343 = arith.constant 48 : index
      %get3A_344 = tpu.vector_load %arg10[%get3A_342, %get3A_343] {strides = array<i32>} : memref<8x512xf32, #tpu.memory_space<vmem>>, vector<16xf32>,
      %add3A_345 = arith.addf %add3A_340, %get3A_344 : vector<16xf32>
      %reduce_sum3A_346 = arith.constant true
      %reduce_sum3A_347 = vector.broadcast %reduce_sum3A_346 : i1 to vector<16xi1>
      %reduce_sum3A_348 = tpu.scan <sum>, %add3A_345 masked %reduce_sum3A_347 : vector<16xf32>, vector<16xi1> -> vector<16xf32>
      %reduce_sum3A_349 = vector.extract %reduce_sum3A_348[15] : f32 from vector<16xf32>
      %add3A_350 = vector.broadcast %reduce_sum3A_349 : f32 to vector<16xf32>
      %add3A_351 = arith.addf %broadcast_in_dim3A_33, %add3A_350 : vector<16xf32>
      %swap3A_352 = arith.constant 0 : i32
      %swap3A_353 = arith.index_cast %swap3A_352 : i32 to index
      %swap3A_354 = arith.constant 0 : index
      %swap3A_355 = tpu.vector_load %arg11[%swap3A_353, %swap3A_354] {strides = array<i32>} : memref<8x512xf32, #tpu.memory_space<vmem>>, vector<16xf32>,
      tpu.vector_store %arg11[%swap3A_353, %swap3A_354], %add3A_351 {strides = array<i32>} : memref<8x512xf32, #tpu.memory_space<vmem>>, vector<16xf32>,
      %mul3A_356 = arith.constant 16 : i32
      %mul3A_357 = arith.muli %add3A, %mul3A_356 : i32
      %run_scoped3A_358 = arith.constant 0 : i32
      "tpu.region"() ({
        %run_scoped3A_359 = tpu.sem_alloc : memref<!tpu.dma_semaphore, #tpu.memory_space<semaphore_mem>>
        %dma_start3A_360 = arith.constant 0 : i32
        %dma_start3A_361 = tpu.memref_slice %arg11[%run_scoped3A_358, %dma_start3A_360] : memref<8x512xf32, #tpu.memory_space<vmem>> -> memref<1x16xf32, #tpu.memory_space<vmem>>
        %dma_start3A_362 = tpu.memref_squeeze %dma_start3A_361 : memref<1x16xf32, #tpu.memory_space<vmem>> -> memref<16xf32, #tpu.memory_space<vmem>>
        %dma_start3A_363 = tpu.memref_slice %arg4[%mul3A_357] : memref<128xf32, #tpu.memory_space<hbm>> -> memref<16xf32, #tpu.memory_space<hbm>>
        %dma_start3A_364 = tpu.memref_slice %arg4[%mul3A_357] : memref<128xf32, #tpu.memory_space<hbm>> -> memref<16xf32, #tpu.memory_space<hbm>>
        %dma_start3A_365 = arith.constant 0 : i32
        %dma_start3A_366 = tpu.memref_slice %arg11[%run_scoped3A_358, %dma_start3A_365] : memref<8x512xf32, #tpu.memory_space<vmem>> -> memref<1x16xf32, #tpu.memory_space<vmem>>
        %dma_start3A_367 = tpu.memref_squeeze %dma_start3A_366 : memref<1x16xf32, #tpu.memory_space<vmem>> -> memref<16xf32, #tpu.memory_space<vmem>>
        tpu.enqueue_dma source(%dma_start3A_367 : memref<16xf32, #tpu.memory_space<vmem>>) target(%dma_start3A_364 : memref<16xf32, #tpu.memory_space<hbm>>) target_semaphore(%run_scoped3A_359 : memref<!tpu.dma_semaphore, #tpu.memory_space<semaphore_mem>>)
        %dma_wait3A = arith.constant 0 : i32
        %dma_wait3A_368 = tpu.memref_slice %arg11[%run_scoped3A_358, %dma_wait3A] : memref<8x512xf32, #tpu.memory_space<vmem>> -> memref<1x16xf32, #tpu.memory_space<vmem>>
        %dma_wait3A_369 = tpu.memref_squeeze %dma_wait3A_368 : memref<1x16xf32, #tpu.memory_space<vmem>> -> memref<16xf32, #tpu.memory_space<vmem>>
        %dma_wait3A_370 = tpu.memref_slice %arg4[%mul3A_357] : memref<128xf32, #tpu.memory_space<hbm>> -> memref<16xf32, #tpu.memory_space<hbm>>
        %dma_wait3A_371 = tpu.memref_slice %arg4[%mul3A_357] : memref<128xf32, #tpu.memory_space<hbm>> -> memref<16xf32, #tpu.memory_space<hbm>>
        %dma_wait3A_372 = arith.constant 0 : i32
        %dma_wait3A_373 = tpu.memref_slice %arg11[%run_scoped3A_358, %dma_wait3A_372] : memref<8x512xf32, #tpu.memory_space<vmem>> -> memref<1x16xf32, #tpu.memory_space<vmem>>
        %dma_wait3A_374 = tpu.memref_squeeze %dma_wait3A_373 : memref<1x16xf32, #tpu.memory_space<vmem>> -> memref<16xf32, #tpu.memory_space<vmem>>
        tpu.wait_dma2 semaphore(%run_scoped3A_359 : memref<!tpu.dma_semaphore, #tpu.memory_space<semaphore_mem>>) src(%dma_wait3A_374 : memref<16xf32, #tpu.memory_space<vmem>>) dst(%dma_wait3A_371 : memref<16xf32, #tpu.memory_space<hbm>>)
        tpu.yield
      }) : () -> ()
    } else {
    }
    return
  }
}

</mosaic_0001>

<sc_bundles>
// kernel: _run.3.cloned.1.call-start
scs
__scs_entry_jumppad:
0x0: {  	(pc) =	sbr.rel $0x88, $3  }
0x1: {  	(tag) =	ssettag $0x0;
	lr =	simm.s32 $0x1  }
0x2: {  	[smem:$0x3F9F] =	sst lr;
	_ =	strace $0xD0000000  }
0x3: {  	_ = 	snop  }
0x4: {  	_ = 	snop  }
0x5: {  	_ = 	snop  }
0x6: {  	_ = 	snop  }
0x7: {  	_ = 	snop  }
__scs_overlays_trampoline_lowered:
0x8: {  	[smem:$0x3FAE] =	sst s0  }
0x9: {  	[smem:$0x3FAF] =	sst s1  }
0xa: {  	[smem:$0x3FB0] =	sst s2  }
0xb: {  	[smem:$0x3FB1] =	sst s3  }
0xc: {  	[smem:$0x3FB2] =	sst s4  }
0xd: {  	[smem:$0x3FB3] =	sst s5  }
0xe: {  	[smem:$0x3FB4] =	sst s6  }
0xf: {  	[smem:$0x3FB5] =	sst s7  }
0x10: {  	[smem:$0x3FB6] =	sst s8  }
0x11: {  	[smem:$0x3FB7] =	sst s9;
	s0 =	simm.s32 @!p0 $0x0  }
0x12: {  	s1 =	sld [smem:$0x3F9D];
	s0 =	simm.s32 @p0 $0x1  }
0x13: {  	[smem:$0x3FB8] =	sst s0;
	s0 =	simm.s32 @!p1 $0x0  }
0x14: {  	s2 =	sld [smem:$0x3F9C];
	s0 =	simm.s32 @p1 $0x1  }
0x15: {  	[smem:$0x3FB9] =	sst s0;
	s0 =	simm.s32 @!p2 $0x0  }
0x16: {  	s3 =	sld [smem:$0x3FDB];
	s0 =	simm.s32 @p2 $0x1  }
0x17: {  	s4 =	simm.s32 $0x1BF5;
	[smem:$0x3FBB] =	sst s0  }
0x18: {  	s0 =	sld [smem:$0x3F9E];
	_ =	swait.ge [sflag:s4], $0x0  }
0x19: {  	s7 =	sld [smem:$0x3F9F]  }
0x1a: {  	s8 =	sadd.s32 $0xFFFFE003, lr  }
0x1b: {  	s9 =	sadd.s32 $0xFFFFFEF7, lr;
	s5 =	simm.s32 $0xFFFFFFFF;
	p2 =	slt.u32 s8, $0xFFFFF086  }
0x1c: {  	p1 =	slt.u32 s9, $0xF7A;
	s5 =	simm.s32 @!p2 $0x0  }
0x1d: {  	s5 =	simm.s32 @p1 $0x1;
	p0 =	seq.s32 s7, s2  }
0x1e: {  	s7 =	smul.u32 @!p0 $0xF7A, s2;
	p2 =	seq.s32 @!p0 s5, $0x0  }
0x1f: {  	s9 =	smul.u32 $0xF7A, s1;
	s8 =	simm.s32 @!p0 $0x1BF5;
	p2 =	por !p2, p0  }
0x20: {  	[sflag:s8] =	ssyncset.s32 @!p0 $0xFFFFF086;
	s6 =	sadd.s32 @!p0 s3, s7;
	s7 =	simm.s32 @!p0 $0x108  }
0x21: {  	s3 =	sadd.s32 s3, s9;
	s6 =	sadd.s32 @!p0 $0x88, s6;
	s7 =	simm.s32 @p2 $0x1082  }
0x22: {  	[simem:s7], [sflag:s8] =	dma.local @!p0 [hbm:s6], $0xF7A  }
0x23: {  	s9 =	sor.u32 $0xD0000000, s2;
	s6 =	simm.s32 $0x108;
	_ =	swait.ge @!p0 [sflag:s8], $0x0  }
0x24: {  	s3 =	sadd.s32 $0x88, s3;
	s6 =	simm.s32 @!p1 $0x1082;
	[sflag:s4] =	ssyncset.s32 $0xFFFFF086  }
0x25: {  	[simem:s6], [sflag:s4] =	dma.local [hbm:s3], $0xF7A  }
0x26: {  	[smem:$0x3F9F] =	sst s1;
	(tag) =	ssettag s2;
	_ =	strace s9  }
0x27: {  	s1 =	sld [smem:$0x3FAF]  }
0x28: {  	s2 =	sld [smem:$0x3FB0]  }
0x29: {  	s4 =	sld [smem:$0x3FB2]  }
0x2a: {  	p0 =	seq.s32 s5, $0x0;
	s5 =	sld [smem:$0x3FB3]  }
0x2b: {  	s6 =	sld [smem:$0x3FB4]  }
0x2c: {  	s7 =	sld [smem:$0x3FB5]  }
0x2d: {  	s3 =	simm.s32 $0x108;
	s8 =	sld [smem:$0x3FB6]  }
0x2e: {  	s3 =	simm.s32 @!p0 $0x1082;
	s9 =	sld [smem:$0x3FB7]  }
0x2f: {  	lr =	sadd.s32 s0, s3;
	s0 =	sld [smem:$0x3FAE]  }
0x30: {  	s3 =	sld [smem:$0x3FB1]  }
0x31: {  	[smem:$0x3FBA] =	sst s10  }
0x32: {  	s10 =	sld [smem:$0x3FB8];
	_ =	sdelay $0x3  }
0x33: {  	p0 =	seq.s32 s10, $0x1;
	s10 =	sld [smem:$0x3FBA];
	_ =	sdelay $0x3  }
0x34: {  	[smem:$0x3FBA] =	sst s10  }
0x35: {  	s10 =	sld [smem:$0x3FB9];
	_ =	sdelay $0x3  }
0x36: {  	p1 =	seq.s32 s10, $0x1;
	s10 =	sld [smem:$0x3FBA];
	_ =	sdelay $0x3  }
0x37: {  	[smem:$0x3FBA] =	sst s10  }
0x38: {  	s10 =	sld [smem:$0x3FBB]  }
0x39: {  	_ = 	snop;
	(pc) =	sbr.ind lr, $3  }
0x3a: {  	_ = 	snop  }
0x3b: {  	_ = 	snop  }
0x3c: {  	p2 =	seq.s32 s10, $0x1;
	s10 =	sld [smem:$0x3FBA]  }
0x3d: {  	_ =	shalt  }
0x3e: {  	_ =	shalt  }
0x3f: {  	_ =	shalt  }
0x40: {  	_ =	shalt  }
0x41: {  	_ =	shalt  }
0x42: {  	_ =	shalt  }
0x43: {  	_ =	shalt  }
0x44: {  	_ =	shalt  }
0x45: {  	_ =	shalt  }
0x46: {  	_ =	shalt  }
0x47: {  	_ =	shalt  }
0x48: {  	_ =	shalt  }
0x49: {  	_ =	shalt  }
0x4a: {  	_ =	shalt  }
0x4b: {  	_ =	shalt  }
0x4c: {  	_ =	shalt  }
0x4d: {  	_ =	shalt  }
0x4e: {  	_ =	shalt  }
0x4f: {  	_ =	shalt  }
0x50: {  	_ =	shalt  }
0x51: {  	_ =	shalt  }
0x52: {  	_ =	shalt  }
0x53: {  	_ =	shalt  }
0x54: {  	_ =	shalt  }
0x55: {  	_ =	shalt  }
0x56: {  	_ =	shalt  }
0x57: {  	_ =	shalt  }
0x58: {  	_ =	shalt  }
0x59: {  	_ =	shalt  }
0x5a: {  	_ =	shalt  }
0x5b: {  	_ =	shalt  }
0x5c: {  	_ =	shalt  }
0x5d: {  	_ =	shalt  }
0x5e: {  	_ =	shalt  }
0x5f: {  	_ =	shalt  }
0x60: {  	_ =	shalt  }
0x61: {  	_ =	shalt  }
0x62: {  	_ =	shalt  }
0x63: {  	_ =	shalt  }
0x64: {  	_ =	shalt  }
0x65: {  	_ =	shalt  }
0x66: {  	_ =	shalt  }
0x67: {  	_ =	shalt  }
0x68: {  	_ =	shalt  }
0x69: {  	_ =	shalt  }
0x6a: {  	_ =	shalt  }
0x6b: {  	_ =	shalt  }
0x6c: {  	_ =	shalt  }
0x6d: {  	_ =	shalt  }
0x6e: {  	_ =	shalt  }
0x6f: {  	_ =	shalt  }
0x70: {  	_ =	shalt  }
0x71: {  	_ =	shalt  }
0x72: {  	_ =	shalt  }
0x73: {  	_ =	shalt  }
0x74: {  	_ =	shalt  }
0x75: {  	_ =	shalt  }
0x76: {  	_ =	shalt  }
0x77: {  	_ =	shalt  }
0x78: {  	_ =	shalt  }
0x79: {  	_ =	shalt  }
0x7a: {  	_ =	shalt  }
0x7b: {  	_ =	shalt  }
0x7c: {  	_ =	shalt  }
0x7d: {  	_ =	shalt  }
0x7e: {  	_ =	shalt  }
0x7f: {  	_ =	shalt  }
0x80: {  	_ =	shalt  }
0x81: {  	_ =	shalt  }
0x82: {  	_ =	shalt  }
0x83: {  	_ =	shalt  }
0x84: {  	_ =	shalt  }
0x85: {  	_ =	shalt  }
0x86: {  	_ =	shalt  }
0x87: {  	_ =	shalt  }
.Lfunc_end0:
.L_simem_size_0:
called_computation_lowered:
.L_overlay_start_0:
0x88: {  	s2 =	sld [smem:$0x3FD9]  }
0x89: {  	s3 =	sld [smem:$0x3FFE];
	_ =	sdelay $0x1  }
0x8a: {  	s1 =	srdreg.scid  }
0x8b: {  	s0 =	sand.u32 $0x1, s1  }
0x8c: {  	s18 =	sshll.u32 s0, $0xA;
	s2 =	sadd.s32 s3, s2  }
0x8d: {  	s2 =	sadd.s32 s2, s18  }
0x8e: {  	[smem:$0x3FC6] =	sst s2  }
0x8f: {  	_ = 	snop  }
0x90: {  	s2 =	sld [smem:$0x3FC9]  }
0x91: {  	s19 =	sld [smem:$0x3FC8]  }
0x92: {  	s4 =	sld [smem:$0x3FD0];
	(tm) =	ssettm $0x1  }
0x93: {  	s5 =	sld [smem:$0x3FFB];
	_ =	sdelay $0x3  }
0x94: {  	_ =	strace s5  }
0x95: {  	s5 =	sld [smem:$0x3FFC];
	_ =	sdelay $0x3  }
0x96: {  	_ =	strace s5  }
0x97: {  	s5 =	sld [smem:$0x3FFD];
	_ =	sdelay $0x3  }
0x98: {  	_ =	strace s5  }
0x99: {  	_ =	strace $0x8FFFFFFF  }
0x9a: {  	s20 =	sld [smem:$0x3FDB];
	_ =	sdelay $0x1  }
0x9b: {  	s6 =	simm.s32 $_scs_section_size  }
0x9c: {  	s7 =	simm.s32 $_size__tile_overlayer_lowered;
	s8 =	simm.s32 $_tile_overlayer_lowered  }
0x9d: {  	s23 =	simm.s32 $0x1BFF;
	s22 =	sshll.u32 s8, $0x1;
	s5 =	sadd.s32 s6, s20  }
0x9e: {  	s9 =	simm.s32 $0x0;
	s21 =	sshll.u32 s7, $0x1;
	s7 =	sadd.s32 s22, s5  }
0x9f: {  	[timem:s9], [sflag:s23] =	dma.local [hbm:s7], s21  }
0xa0: {  	_ =	swait.ge [sflag:s23], s21  }
0xa1: {  	s6 =	ssub.s32 $0x0, s21;
	[sflag:s23] =	ssyncset.done $0x0  }
0xa2: {  	[sflag:s23] =	ssyncadd.s32 s6;
	_ =	sdelay $0x1  }
0xa3: {  	s24 =	simm.s32 $0x1B8B  }
0xa4: {  	_ =	swait.ge [sflag:s24], $0x1  }
0xa5: {  	[sflag:s24] =	ssyncset.done $0x0  }
0xa6: {  	s25 =	simm.s32 $0x1B8E;
	[sflag:s24] =	ssyncadd.s32 $0xFFFFFFFF  }
0xa7: {  	s26 =	simm.s32 $execute0_lowered;
	[smem:$0x3FD2] =	sst s25  }
0xa8: {  	s6 =	sshll.u32 s26, $0x1;
	_ =	strace $0x80000046;
	[dreg:$0x1] =	wrdreg $0xFFFFFFFF  }
0xa9: {  	s28 =	simm.s32 $_size_execute0_lowered;
	s5 =	sadd.s32 s5, s6;
	[dreg:$0x0] =	wrdreg $0x0  }
0xaa: {  	s6 =	sshll.u32 s28, $0x1;
	[dreg:$0x2] =	wrdreg s5  }
0xab: {  	[dreg:$0x3] =	wrdreg s6  }
0xac: {  	[dreg:$0x4] =	wrdreg $0xC0  }
0xad: {  	_ =	task [dreg:s9], $0x5FFFF  }
0xae: {  	[dreg:$0x1] =	wrdreg $0xFFFFFFFF  }
0xaf: {  	[dreg:$0x0] =	wrdreg $0x60  }
0xb0: {  	[dreg:$0x2] =	wrdreg s2  }
0xb1: {  	[dreg:$0x3] =	wrdreg s19  }
0xb2: {  	[dreg:$0x4] =	wrdreg s4  }
0xb3: {  	[dreg:$0x5] =	wrdreg $0x158000  }
0xb4: {  	[dreg:$0x6] =	wrdreg $0x160000  }
0xb5: {  	[dreg:$0x7] =	wrdreg $0x168000  }
0xb6: {  	[dreg:$0x8] =	wrdreg $0x170000  }
0xb7: {  	[dreg:$0x9] =	wrdreg $0x170100  }
0xb8: {  	[dreg:$0xa] =	wrdreg $0x9  }
0xb9: {  	_ =	task.clear_ibuf [dreg:s9], $0xBFFFF;
	_ =	strace $0x90000046  }
0xba: {  	s29 =	simm.s32 $0x9;
	_ =	strace $0x80000048  }
0xbb: {  	_ =	swait.ge [sflag:s29], $0x1  }
0xbc: {  	[sflag:s29] =	ssyncadd.s32 $0xFFFFFFFF  }
0xbd: {  	_ =	strace $0x90000048  }
0xbe: {  	_ =	sfence  }
0xbf: {  	s30 =	sld [smem:$0x0];
	_ =	sdelay $0x2  }
0xc0: {  	s31 =	sshll.u32 s1, $0xD;
	s1 =	sshrl.u32 s1, $0x2  }
0xc1: {  	s3 =	sand.u32 $0x4000, s31;
	s1 =	sadd.s32 s1, s30  }
0xc2: {  	s0 =	sor.u32 s3, s0;
	s1 =	sshll.u32 s1, $0x11  }
0xc3: {  	s0 =	sor.u32 s1, s0  }
0xc4: {  	s0 =	sadd.s32 $0x8F2B, s0  }
0xc5: {  	[sflag:s0] =	ssyncadd.remote.s32 $0x1  }
0xc6: {  	_ =	sfence.sel $0xFFFF  }
0xc7: {  	[dreg:$0x0] =	wrdreg $0xFFFFFFFF;
	(pc) =	sbr.abs _section_cstart, $3  }
0xc8: {  	[dreg:$0x1] =	wrdreg $0xFFFFFFFF  }
0xc9: {  	_ =	task.clear_ibuf [dreg:s9], $0x2FFFF;
	_ =	strace $0x9FFFFFFF  }
0xca: {  	(tm) =	ssettm $0x7FFFFFFF  }
0xcb: {  	_ =	shalt  }
tec
execute0_lowered:
.L_overlay_start_1:
0x0: {  	(tag) =	ssettag $0x1  }
0x1: {  	s0 =	rddreg [dreg:$0x0]  }
0x2: {  	s1 =	rddreg [dreg:$0x3]  }
0x3: {  	s2 =	rddreg [dreg:$0x4]  }
0x4: {  	s3 =	rddreg [dreg:$0x5]  }
0x5: {  	s4 =	rddreg [dreg:$0x6];
	s5 =	srdreg.scid  }
0x6: {  	s6 =	rddreg [dreg:$0x7];
	s14 =	stileid.u32  }
0x7: {  	s5 =	sand.u32 $0x1, s5;
	s8 =	sshrl.u32 s14, $0x2;
	s10 =	sand.u32 $0x3, s14  }
0x8: {  	s20 =	sshll.u32 s14, $0xB;
	s11 =	sand.u32 $0xC, s14;
	s14 =	sshll.u32 s14, $0x4  }
0x9: {  	s7 =	ssub.s32 $0x2, s5;
	s5 =	sshll.u32 s5, $0x2;
	s18 =	sshll.u32 s10, $0x10  }
0xa: {  	s12 =	sadd.s32 s20, s1;
	s21 =	sshll.u32 s10, $0x9;
	s13 =	sshll.u32 s11, $0xB  }
0xb: {  	s15 =	sadd.s32 s20, s2;
	s22 =	sadd.s32 s20, s3;
	[dreg:$0x9] =	wrdreg s12  }
0xc: {  	s11 =	sshll.u32 s11, $0x4;
	s17 =	sadd.s32 s14, s4;
	[dreg:$0xa] =	wrdreg s15  }
0xd: {  	s9 =	sshrl.u32 s7, $0x1;
	s5 =	sor.u32 s8, s5;
	[dreg:$0xb] =	wrdreg s22  }
0xe: {  	s13 =	sor.u32 s21, s13;
	s7 =	ssub.s32 s7, s9;
	s19 =	sshll.u32 s5, $0x12  }
0xf: {  	s23 =	sadd.s32 s13, s1;
	s24 =	sadd.s32 s13, s2;
	s25 =	sadd.s32 s13, s3  }
0x10: {  	s26 =	sor.u32 $0x800, s13;
	s13 =	sor.u32 $0x1000, s13;
	[dreg:$0xc] =	wrdreg s23  }
0x11: {  	s9 =	sor.u32 s21, s20;
	s20 =	simm.s32 $0x0;
	[dreg:$0xd] =	wrdreg s24  }
0x12: {  	s8 =	sor.u32 s18, s19;
	[dreg:$0xe] =	wrdreg s25;
	s18 =	sadd.s32 s26, s2  }
0x13: {  	s15 =	sadd.s32 s26, s3;
	s19 =	sadd.s32 s13, s1;
	s12 =	sadd.s32 s13, s2  }
0x14: {  	s13 =	sadd.s32 s13, s3;
	s9 =	sor.u32 $0x1800, s9;
	[smem:$0x7FF] =	sst s20  }
0x15: {  	s24 =	rddreg [dreg:$0x1];
	s21 =	sadd.s32 s9, s1;
	s23 =	sadd.s32 s9, s2  }
0x16: {  	s3 =	sadd.s32 s9, s3;
	s2 =	sadd.s32 s11, s4;
	s9 =	rddreg [dreg:$0x2]  }
0x17: {  	s5 =	sshll.u32 s5, $0x1;
	s4 =	sadd.s32 s14, s6;
	[dreg:$0x18] =	wrdreg s2  }
0x18: {  	s16 =	sadd.s32 s26, s1;
	s14 =	sadd.s32 s11, s6;
	[dreg:$0x19] =	wrdreg s4  }
0x19: {  	s22 =	sshrl.u32 s8, $0x3;
	[dreg:$0x1a] =	wrdreg s14;
	s1 =	sadd.s32 s9, s5  }
0x1a: {  	s25 =	sor.u32 $0x200, s22;
	s26 =	sadd.s32 s0, s22;
	[dreg:$0x1b] =	wrdreg s1  }
0x1b: {  	s1 =	sadd.s32 s24, s22;
	_ =	strace $0x80000047;
	[dreg:$0x1c] =	wrdreg s26  }
0x1c: {  	s5 =	sadd.s32 s0, s25;
	[dreg:$0x1d] =	wrdreg s1  }
0x1d: {  	p0 =	seq.s32 s10, $0x3;
	s6 =	sadd.s32 s24, s25;
	[dreg:$0x1e] =	wrdreg s5  }
0x1e: {  	p1 =	slt.u32 s10, $0x2;
	s7 =	smax.u32 s7, $0x1;
	[dreg:$0x1f] =	wrdreg s6  }
0x1f: {  	p2 =	seq.s32 s10, $0x0;
	s9 =	sadd.s32 $0x80, s16;
	[smem:$0x7E2] =	sst s7  }
0x20: {  	p3 =	sne.s32 s10, $0x0;
	s10 =	sadd.s32 $0x100, s16;
	[smem:$0x7E3] =	sst s9  }
0x21: {  	[smem:$0x7E4] =	sst s10  }
0x22: {  	s11 =	sadd.s32 $0x180, s16;
	[dreg:$0xf] =	wrdreg s16  }
0x23: {  	s14 =	sadd.s32 $0x80, s18;
	[smem:$0x7E5] =	sst s11  }
0x24: {  	[smem:$0x7E6] =	sst s14  }
0x25: {  	s25 =	sadd.s32 $0x180, s18;
	[dreg:$0x10] =	wrdreg s18  }
0x26: {  	s2 =	sadd.s32 $0x100, s15;
	[smem:$0x7E8] =	sst s25  }
0x27: {  	[smem:$0x7EA] =	sst s2  }
0x28: {  	s4 =	sadd.s32 $0x180, s15;
	[dreg:$0x11] =	wrdreg s15  }
0x29: {  	s31 =	sor.u32 $0x2000, s8;
	[smem:$0x7EB] =	sst s4  }
0x2a: {  	s22 =	sor.u32 $0x3000, s8;
	s8 =	sadd.s32 $0x80, s12;
	[dreg:$0x12] =	wrdreg s19  }
0x2b: {  	[smem:$0x7EF] =	sst s8  }
0x2c: {  	[dreg:$0x13] =	wrdreg s12  }
0x2d: {  	[dreg:$0x14] =	wrdreg s13  }
0x2e: {  	[dreg:$0x15] =	wrdreg s21  }
0x2f: {  	[dreg:$0x16] =	wrdreg s23  }
0x30: {  	v0 =	vimm.s32 $0xFEDCBA9;
	v1 =	vimm.s32 $0x87654321;
	s16 =	sadd.s32 $0x100, s18;
	[dreg:$0x17] =	wrdreg s3  }
0x31: {  	v5 =	vimm.s32 $0x210FEDCB;
	v7 =	vimm.s32 $0x3210FEDC;
	s26 =	sadd.s32 $0x80, s15;
	[smem:$0x7E7] =	sst s16  }
0x32: {  	v8 =	vimm.s32 $0xBA987654;
	v9 =	vimm.s32 $0x43210FED;
	s5 =	sadd.s32 $0x80, s19;
	[smem:$0x7E9] =	sst s26  }
0x33: {  	v10 =	vimm.s32 $0xCBA98765;
	v11 =	vimm.s32 $0x543210FE;
	s6 =	sadd.s32 $0x100, s19;
	[smem:$0x7EC] =	sst s5  }
0x34: {  	v12 =	vimm.s32 $0xDCBA9876;
	v13 =	vimm.s32 $0xFEDCBA98;
	s7 =	sadd.s32 $0x180, s19;
	[smem:$0x7ED] =	sst s6  }
0x35: {  	v14 =	vimm.s32 $0x76543210;
	v15 =	vimm.s32 $0x6543210F;
	s9 =	sadd.s32 $0x100, s12;
	[smem:$0x7EE] =	sst s7  }
0x36: {  	v16 =	vimm.s32 $0xEDCBA987;
	vm0 =	vcmask $0x704;
	s10 =	sadd.s32 $0x180, s12;
	[smem:$0x7F0] =	sst s9  }
0x37: {  	s28 =	simm.s32 $0x13800;
	vm1 =	vcmask $0x3F04;
	v2 =	vunpack.c.l.s4.s8 v0;
	v3 =	vunpack.c.l.s4.s8 v1;
	s11 =	sadd.s32 $0x80, s13;
	[smem:$0x7F1] =	sst s10  }
0x38: {  	s29 =	simm.s32 $0x14800;
	v0 =	vimm.s32 $0x10FEDCBA;
	v1 =	vimm.s32 $0x98765432;
	v5 =	vunpack.c.l.s4.s8 v5;
	s12 =	sadd.s32 $0x100, s13;
	[smem:$0x7F2] =	sst s11  }
0x39: {  	s30 =	simm.s32 $0x1;
	v7 =	vunpack.c.l.s4.s8 v7;
	v8 =	vunpack.c.l.s4.s8 v8;
	v9 =	vunpack.c.l.s4.s8 v9;
	s13 =	sadd.s32 $0x180, s13;
	[smem:$0x7F3] =	sst s12  }
0x3a: {  	v10 =	vunpack.c.l.s4.s8 v10;
	v11 =	vunpack.c.l.s4.s8 v11;
	v12 =	vunpack.c.l.s4.s8 v12;
	s14 =	sadd.s32 $0x80, s21;
	s15 =	sadd.s32 $0x100, s21;
	[smem:$0x7F4] =	sst s13  }
0x3b: {  	v13 =	vunpack.c.l.s4.s8 v13;
	v14 =	vunpack.c.l.s4.s8 v14;
	v15 =	vunpack.c.l.s4.s8 v15;
	s18 =	sadd.s32 $0x80, s23;
	s19 =	sadd.s32 $0x100, s23;
	[smem:$0x7F5] =	sst s14  }
0x3c: {  	v16 =	vunpack.c.l.s4.s8 v16;
	v4 =	vunpack.c.l.s4.s8 v0;
	v0 =	vlaneseq.u32;
	s25 =	sadd.s32 $0x100, s3;
	s1 =	simm.s32 $0x2;
	[smem:$0x7F6] =	sst s15  }
0x3d: {  	v6 =	vunpack.c.l.s4.s8 v1;
	v1 =	vunpack.c.0.s8.s32 v2;
	v2 =	vunpack.c.0.s8.s32 v3;
	s2 =	simm.s32 $0x8000;
	s4 =	simm.s32 $0x4;
	[smem:$0x7F8] =	sst s18  }
0x3e: {  	v5 =	vunpack.c.0.s8.s32 v5;
	v7 =	vunpack.c.0.s8.s32 v7;
	v8 =	vunpack.c.0.s8.s32 v8;
	s8 =	simm.s32 $0x13C00;
	s16 =	sadd.s32 $0x180, s21;
	[smem:$0x7F9] =	sst s19  }
0x3f: {  	v9 =	vunpack.c.0.s8.s32 v9;
	v10 =	vunpack.c.0.s8.s32 v10;
	v17 =	vunpack.c.0.s8.s32 v13;
	s21 =	sadd.s32 $0x180, s23;
	s23 =	sadd.s32 $0x80, s3;
	[smem:$0x7FC] =	sst s25  }
0x40: {  	v3 =	vunpack.c.0.s8.s32 v4;
	v4 =	vunpack.c.0.s8.s32 v6;
	v6 =	vimm.s32 $0xA9876543;
	s26 =	sadd.s32 $0x180, s3;
	s25 =	simm.s32 $0x11800;
	[smem:$0x7F7] =	sst s16  }
0x41: {  	v11 =	vunpack.c.0.s8.s32 v11;
	v18 =	vunpack.c.0.s8.s32 v14;
	v6 =	vunpack.c.l.s4.s8 v6;
	s3 =	simm.s32 $0x3;
	s5 =	simm.s32 $0x5;
	[smem:$0x7FA] =	sst s21  }
0x42: {  	v12 =	vunpack.c.0.s8.s32 v12;
	v13 =	vunpack.c.0.s8.s32 v15;
	v15 =	vand.u32 $0xF, v17;
	s9 =	simm.s32 $0x14000;
	s10 =	simm.s32 $0x14400;
	[smem:$0x7FB] =	sst s23  }
0x43: {  	v14 =	vunpack.c.0.s8.s32 v16;
	v15 =	vcombine.low v15, v18;
	v6 =	vunpack.c.0.s8.s32 v6;
	s11 =	simm.s32 $0x0;
	[smem:$0x7FD] =	sst s26;
	s26 =	simm.s32 $0x12800  }
.LBB2_1:
0x44: {  	s6 =	rddreg [dreg:$0x1c]  }
0x45: {  	[tilespmem:s25], [sflag:$0x1] =	stream.linear.gather [hbm4b:s6+s20], $0x1000, $0x38;
	[tilespmem:$0x17020] =	vst v63  }
0x46: {  	s19 =	rddreg [dreg:$0x1d]  }
0x47: {  	[tilespmem:s26], [sflag:$0x2] =	stream.linear.gather [hbm4b:s19+s20], $0x1000, $0x38;
	[tilespmem:$0x17020] =	vst v63  }
0x48: {  	s21 =	rddreg [dreg:$0x1e]  }
0x49: {  	[tilespmem:s28], [sflag:$0x3] =	stream.linear.gather [hbm4b:s21+s20], $0x1000, $0x38;
	[tilespmem:$0x17020] =	vst v63  }
0x4a: {  	s23 =	rddreg [dreg:$0x1f];
	s7 =	simm.s32 $0x100;
	s6 =	simm.s32 $0x0  }
0x4b: {  	v16 =	vimm.f32 $0.0e+00;
	[tilespmem:s29], [sflag:$0x4] =	stream.linear.gather [hbm4b:s23+s20], $0x1000, $0x38;
	[tilespmem:$0x17020] =	vst v63  }
.LBB2_2:
0x4c: {  	p4 =	sne.s32 s7, $0x1FF00;
	[tilespmem:s6+$0x8030] =	vst v16  }
0x4d: {  	[tilespmem:s6+$0x0] =	vst v16  }
0x4e: {  	[tilespmem:s6+$0x8000] =	vst v16  }
.Ltmp0:
0x4f: {  	[tilespmem:s6+$0x10] =	vst v16;
	(pc) =	sbr.rel @p4 .LBB2_2-.Ltmp0, $4  }
0x50: {  	[tilespmem:s6+$0x8010] =	vst v16  }
0x51: {  	[tilespmem:s6+$0x20] =	vst v16  }
0x52: {  	[tilespmem:s6+$0x8020] =	vst v16  }
0x53: {  	[tilespmem:s6+$0x30] =	vst v16;
	s6 =	sshra.s32 s7, $0x2;
	s7 =	sadd.s32 $0x100, s7  }
0x54: {  	[tilespmem:s6+$0x8030] =	vst v16  }
0x55: {  	[tilespmem:s6+$0x0] =	vst v16  }
0x56: {  	[tilespmem:s6+$0x8000] =	vst v16  }
0x57: {  	[tilespmem:s6+$0x10] =	vst v16  }
0x58: {  	[tilespmem:s6+$0x8010] =	vst v16  }
0x59: {  	[tilespmem:s6+$0x20] =	vst v16  }
0x5a: {  	[tilespmem:s6+$0x8020] =	vst v16  }
0x5b: {  	s12 =	simm.s32 $0x0;
	[tilespmem:s6+$0x30] =	vst v16;
	s13 =	simm.s32 $0x0  }
.LBB2_4:
0x5c: {  	_ =	swait.ge [sflag:s30], $0x1000;
	s6 =	simm.s32 $0xFFFFFC00  }
0x5d: {  	s14 =	sand.u32 $0x3, s12;
	s7 =	simm.s32 $0x400;
	[sflag:s30] =	ssyncset.done $0x0  }
0x5e: {  	s15 =	simm.s32 $0x0;
	s16 =	sand.u32 $0xC00, s12;
	[sflag:s30] =	ssyncadd.s32 $0xFFFFF000  }
0x5f: {  	s18 =	simm.s32 $0x0;
	s14 =	sshll.u32 s14, $0xA;
	_ =	swait.ge [sflag:s1], $0x1000  }
0x60: {  	s15 =	sand.u32 $0x380, s15;
	s14 =	sadd.s32 $0x0, s14;
	[sflag:s1] =	ssyncset.done $0x0  }
0x61: {  	s15 =	sor.u32 s15, s16;
	s16 =	simm.s32 $0x0;
	[sflag:s1] =	ssyncadd.s32 $0xFFFFF000  }
.LBB2_5:
0x62: {  	s16 =	sadd.s32 $0x20, s16  }
0x63: {  	v21 =	vld [tilespmem:s15+$0x12820];
	s18 =	sadd.s32 $0x1, s18;
	s6 =	sadd.s32 $0x20, s6;
	s21 =	smov.u32 s7  }
0x64: {  	p4 =	sne.s32 s7, $0x7C00;
	s7 =	sadd.s32 $0x400, s7;
	s19 =	sand.u32 $0x3, s18;
	v22 =	vld [tilespmem:s15+$0x12800]  }
0x65: {  	s19 =	sshll.u32 s19, $0xA;
	v23 =	vld [tilespmem:s15+$0x12810]  }
0x66: {  	s19 =	sadd.s32 s19, s16;
	v17 =	vld [tilespmem:s15+$0x11820]  }
0x67: {  	v20 =	vld [tilespmem:s15+$0x11800]  }
0x68: {  	v18 =	vadd.f32 v21, v21;
	v24 =	vmul.f32 $2.441406250e-04, v21;
	v19 =	vld [tilespmem:s15+$0x12830]  }
0x69: {  	v25 =	vmul.f32 $4.000000000e+00, v22;
	v26 =	vadd.f32 v22, v22;
	v27 =	vmul.f32 $2.441406250e-04, v22;
	v28 =	vld [tilespmem:s15+$0x11810]  }
0x6a: {  	v30 =	vmul.f32 $4.000000000e+00, v21;
	v29 =	vadd.f32 v23, v23;
	v31 =	vadd.f32 $-1.000000000e+00, v18;
	v18 =	vld [tilespmem:s15+$0x12840]  }
0x6b: {  	v32 =	vmul.f32 $4.000000000e+00, v23;
	v25 =	vadd.f32 $1.000000000e+00, v25;
	v26 =	vadd.f32 $-1.000000000e+00, v26  }
0x6c: {  	v30 =	vadd.f32 $1.000000000e+00, v30;
	v29 =	vadd.f32 $-1.000000000e+00, v29;
	v31 =	vmul.f32 v31, v17;
	v33 =	vld [tilespmem:s15+$0x11830]  }
0x6d: {  	v32 =	vadd.f32 $1.000000000e+00, v32;
	v34 =	vmul.f32 $4.000000000e+00, v19;
	v35 =	vadd.f32 v19, v19;
	v17 =	vld [tilespmem:s15+$0x12850]  }
0x6e: {  	v20 =	vmul.f32 v26, v20;
	v26 =	vmul.f32 v29, v28;
	v28 =	vsub.f32 v30, v31  }
0x6f: {  	v27 =	vadd.f32 $1.000000000e+00, v27;
	v29 =	vmul.f32 $2.441406250e-04, v23;
	v30 =	vadd.f32 $-1.000000000e+00, v35;
	v31 =	vld [tilespmem:s15+$0x11840]  }
0x70: {  	v26 =	vsub.f32 v32, v26;
	v32 =	vadd.f32 v18, v18  }
0x71: {  	v25 =	vsub.f32 v25, v20;
	v34 =	vadd.f32 $1.000000000e+00, v34;
	v35 =	vmul.f32 $4.000000000e+00, v18  }
0x72: {  	s23 =	sadd.s32 $0x400, s6;
	v30 =	vmul.f32 v30, v33;
	v20 =	vmax.f32 v26, $0.0e+00;
	v32 =	vadd.f32 $-1.000000000e+00, v32  }
0x73: {  	s21 =	sand.u32 $0xC00, s21;
	s23 =	sand.u32 $0x380, s23;
	v33 =	vmax.f32 v25, $0.0e+00;
	v35 =	vadd.f32 $1.000000000e+00, v35;
	v36 =	vmul.f32 $4.000000000e+00, v17  }
0x74: {  	s21 =	sor.u32 s23, s21;
	v16 =	vadd.f32 v22, v16;
	v29 =	vadd.f32 $1.000000000e+00, v29;
	v22 =	vmul.f32 v32, v31  }
0x75: {  	v30 =	vsub.f32 v34, v30;
	v31 =	vmul.f32 $1.280000000e+02, v33;
	v32 =	vadd.f32 v17, v17  }
0x76: {  	v16 =	vadd.f32 v23, v16;
	v34 =	vmul.f32 $1.280000000e+02, v20;
	v23 =	vadd.f32 $1.000000000e+00, v36  }
0x77: {  	s23 =	sor.u32 $0x60, s14;
	vm2 =	vgt.f32 v26, $0.0e+00;
	v31 =	vtrunc.f32 v31;
	v32 =	vadd.f32 $-1.000000000e+00, v32;
	v26 =	vld [tilespmem:s15+$0x11850];
	s15 =	smov.u32 s21  }
0x78: {  	v36 =	vadd.f32 v21, v16;
	v34 =	vtrunc.f32 v34;
	v21 =	vmax.f32 v30, $0.0e+00;
	s21 =	sor.u32 $0x70, s14;
	s14 =	smov.u32 s19;
	v16 =	vld [tilespmem:s23+$0x12800]  }
0x79: {  	vm5 =	vgt.f32 v25, $0.0e+00;
	v25 =	vmul.f32 $2.441406250e-04, v19;
	v31 =	vcvt.f32.s32 v31;
	v37 =	vld [tilespmem:s21+$0x11800]  }
0x7a: {  	v38 =	vmax.f32 v28, $0.0e+00;
	v39 =	vmul.f32 $2.441406250e-04, v17;
	v35 =	vsub.f32 v35, v22;
	v22 =	vld [tilespmem:s21+$0x12800]  }
0x7b: {  	vm3 =	vgt.f32 v28, $0.0e+00;
	v28 =	vmul.f32 $1.280000000e+02, v21;
	vm4 =	vlt.s32 v31, $0x7FF;
	v40 =	vld [tilespmem:s23+$0x11800]  }
0x7c: {  	v41 =	vmax.f32 v35, $0.0e+00;
	v31 =	vnsel vm4, $0x7FF, v31;
	v26 =	vmul.f32 v32, v26  }
0x7d: {  	v28 =	vtrunc.f32 v28;
	vm4 =	vgt.f32 v30, $0.0e+00;
	v31 =	vshll.u32 v31, $0x4  }
0x7e: {  	v30 =	vmul.f32 $1.280000000e+02, v38;
	v23 =	vsub.f32 v23, v26;
	v26 =	vor.u32 v0, v31  }
0x7f: {  	v32 =	vmul.f32 $1.280000000e+02, v41;
	v31 =	vcvt.f32.s32 v34;
	v34 =	vadd.f32 v22, v22  }
0x80: {  	v30 =	vtrunc.f32 v30;
	v43 =	vmul.f32 $4.000000000e+00, v16;
	v42 =	vmax.f32 v23, $0.0e+00  }
0x81: {  	v45 =	vadd.f32 v16, v16;
	v44 =	vmul.f32 $1.280000000e+02, v42;
	v34 =	vadd.f32 $-1.000000000e+00, v34  }
0x82: {  	v24 =	vadd.f32 $1.000000000e+00, v24;
	v46 =	vmul.f32 $2.441406250e-04, v18;
	vm7 =	vlt.s32 v31, $0x7FF  }
0x83: {  	v28 =	vcvt.f32.s32 v28;
	v43 =	vadd.f32 $1.000000000e+00, v43;
	v44 =	vtrunc.f32 v44;
	[tilespmem:v26+s20+$0x0] =	vst.idx.add.f32.msk vm5, v27  }
0x84: {  	v27 =	vadd.f32 $1.000000000e+00, v46;
	v34 =	vmul.f32 v34, v37;
	v44 =	vcvt.f32.s32 v44;
	[tilespmem:v26+s2+$0x0] =	vst.idx.add.f32.msk vm5, v33  }
0x85: {  	vm5 =	vgt.f32 v35, $0.0e+00;
	v26 =	vadd.f32 $-1.000000000e+00, v45;
	v33 =	vmul.f32 $4.000000000e+00, v22  }
0x86: {  	vm6 =	vlt.s32 v28, $0x7FF;
	v32 =	vtrunc.f32 v32;
	vm8 =	vlt.s32 v44, $0x7FF  }
0x87: {  	v30 =	vcvt.f32.s32 v30;
	v32 =	vcvt.f32.s32 v32;
	v33 =	vadd.f32 $1.000000000e+00, v33  }
0x88: {  	v28 =	vnsel vm6, $0x7FF, v28;
	vm6 =	vgt.f32 v23, $0.0e+00;
	v35 =	vadd.f32 $1.000000000e+00, v39  }
0x89: {  	v23 =	vnsel vm7, $0x7FF, v31;
	v26 =	vmul.f32 v26, v40;
	v31 =	vsub.f32 v33, v34  }
0x8a: {  	vm7 =	vlt.s32 v30, $0x7FF;
	v23 =	vshll.u32 v23, $0x4;
	v33 =	vnsel vm8, $0x7FF, v44  }
0x8b: {  	v28 =	vshll.u32 v28, $0x4;
	vm8 =	vlt.s32 v32, $0x7FF;
	v26 =	vsub.f32 v43, v26  }
0x8c: {  	v30 =	vnsel vm7, $0x7FF, v30;
	v23 =	vor.u32 v0, v23;
	v32 =	vnsel vm8, $0x7FF, v32  }
0x8d: {  	v30 =	vshll.u32 v30, $0x4;
	v33 =	vshll.u32 v33, $0x4;
	v34 =	vmax.f32 v26, $0.0e+00  }
0x8e: {  	v30 =	vor.u32 v0, v30;
	v39 =	vmax.f32 v31, $0.0e+00;
	v37 =	vmul.f32 $1.280000000e+02, v34  }
0x8f: {  	v19 =	vadd.f32 v19, v36;
	v32 =	vshll.u32 v32, $0x4;
	v36 =	vmul.f32 $1.280000000e+02, v39  }
0x90: {  	v28 =	vor.u32 v0, v28;
	v33 =	vor.u32 v0, v33;
	v37 =	vtrunc.f32 v37  }
0x91: {  	v36 =	vtrunc.f32 v36;
	v37 =	vcvt.f32.s32 v37;
	[tilespmem:v23+s20+$0x0] =	vst.idx.add.f32.msk vm2, v29;
	v29 =	vor.u32 v0, v32  }
0x92: {  	v25 =	vadd.f32 $1.000000000e+00, v25;
	v36 =	vcvt.f32.s32 v36;
	v32 =	vmul.f32 $2.441406250e-04, v16;
	[tilespmem:v23+s2+$0x0] =	vst.idx.add.f32.msk vm2, v20  }
0x93: {  	v18 =	vadd.f32 v18, v19;
	vm7 =	vlt.s32 v37, $0x7FF;
	vm2 =	vgt.f32 v26, $0.0e+00;
	[tilespmem:v30+s20+$0x0] =	vst.idx.add.f32.msk vm3, v24  }
0x94: {  	v19 =	vnsel vm7, $0x7FF, v37;
	vm7 =	vlt.s32 v36, $0x7FF;
	v20 =	vadd.f32 $1.000000000e+00, v32;
	[tilespmem:v30+s2+$0x0] =	vst.idx.add.f32.msk vm3, v38  }
0x95: {  	v19 =	vshll.u32 v19, $0x4;
	v23 =	vnsel vm7, $0x7FF, v36;
	v24 =	vmul.f32 $2.441406250e-04, v22;
	[tilespmem:v28+s20+$0x0] =	vst.idx.add.f32.msk vm4, v25  }
0x96: {  	v17 =	vadd.f32 v17, v18;
	v18 =	vshll.u32 v23, $0x4;
	v19 =	vor.u32 v0, v19;
	[tilespmem:v28+s2+$0x0] =	vst.idx.add.f32.msk vm4, v21  }
0x97: {  	vm3 =	vgt.f32 v31, $0.0e+00;
	v21 =	vadd.f32 $1.000000000e+00, v24;
	[tilespmem:v29+s20+$0x0] =	vst.idx.add.f32.msk vm5, v27  }
0x98: {  	v16 =	vadd.f32 v16, v17;
	v17 =	vor.u32 v0, v18;
	[tilespmem:v29+s2+$0x0] =	vst.idx.add.f32.msk vm5, v41  }
0x99: {  	[tilespmem:v33+s20+$0x0] =	vst.idx.add.f32.msk vm6, v35  }
.Ltmp1:
0x9a: {  	v16 =	vadd.f32 v22, v16;
	[tilespmem:v33+s2+$0x0] =	vst.idx.add.f32.msk vm6, v42;
	(pc) =	sbr.rel @p4 .LBB2_5-.Ltmp1, $4  }
0x9b: {  	[tilespmem:v19+s20+$0x0] =	vst.idx.add.f32.msk vm2, v20  }
0x9c: {  	[tilespmem:v19+s2+$0x0] =	vst.idx.add.f32.msk vm2, v34  }
0x9d: {  	[tilespmem:v17+s20+$0x0] =	vst.idx.add.f32.msk vm3, v21  }
0x9e: {  	[tilespmem:v17+s2+$0x0] =	vst.idx.add.f32.msk vm3, v39  }
0x9f: {  	v17 =	vld [tilespmem:s15+$0x12820]  }
0xa0: {  	v21 =	vld [tilespmem:s15+$0x12800]  }
0xa1: {  	v19 =	vld [tilespmem:s15+$0x12810]  }
0xa2: {  	v18 =	vld [tilespmem:s15+$0x12830];
	s7 =	sor.u32 $0x60, s14  }
0xa3: {  	v42 =	vld [tilespmem:s7+$0x12800];
	_ =	sdelay $0x2  }
0xa4: {  	v22 =	vld [tilespmem:s15+$0x11820];
	v20 =	vadd.f32 v17, v17;
	v24 =	vmul.f32 $2.441406250e-04, v17;
	v27 =	vadd.f32 v21, v21  }
0xa5: {  	v25 =	vld [tilespmem:s15+$0x11810];
	v23 =	vmul.f32 $4.000000000e+00, v21;
	v28 =	vadd.f32 v19, v19;
	v35 =	vadd.f32 v18, v18  }
0xa6: {  	v26 =	vld [tilespmem:s15+$0x11800];
	v29 =	vmul.f32 $4.000000000e+00, v17;
	v59 =	vadd.f32 v42, v42;
	v30 =	vadd.f32 $-1.000000000e+00, v20  }
0xa7: {  	v31 =	vmul.f32 $4.000000000e+00, v19;
	v23 =	vadd.f32 $1.000000000e+00, v23;
	v27 =	vadd.f32 $-1.000000000e+00, v27  }
0xa8: {  	v33 =	vld [tilespmem:s15+$0x11830];
	v34 =	vmul.f32 $4.000000000e+00, v18;
	v28 =	vadd.f32 $-1.000000000e+00, v28;
	v29 =	vadd.f32 $1.000000000e+00, v29  }
0xa9: {  	v32 =	vmul.f32 $2.441406250e-04, v21;
	v20 =	vld [tilespmem:s15+$0x12840];
	v31 =	vadd.f32 $1.000000000e+00, v31;
	v44 =	vadd.f32 $-1.000000000e+00, v35  }
0xaa: {  	v34 =	vadd.f32 $1.000000000e+00, v34;
	v24 =	vadd.f32 $1.000000000e+00, v24;
	v30 =	vmul.f32 v30, v22  }
0xab: {  	v60 =	vadd.f32 $-1.000000000e+00, v59;
	v25 =	vmul.f32 v28, v25;
	v26 =	vmul.f32 v27, v26  }
0xac: {  	v43 =	vmul.f32 $2.441406250e-04, v19;
	v28 =	vadd.f32 $1.000000000e+00, v32;
	v63 =	vsub.f32 v29, v30  }
0xad: {  	v39 =	vmul.f32 $2.441406250e-04, v18;
	v22 =	vld [tilespmem:s15+$0x12850];
	v25 =	vsub.f32 v31, v25;
	v23 =	vsub.f32 v23, v26  }
0xae: {  	v30 =	vmul.f32 v44, v33;
	v29 =	vadd.f32 $1.000000000e+00, v43;
	v46 =	vadd.f32 v20, v20  }
0xaf: {  	v45 =	vld [tilespmem:s15+$0x11840];
	v47 =	vmul.f32 $4.000000000e+00, v20;
	v62 =	vmul.f32 $2.441406250e-04, v20;
	v35 =	vmax.f32 v25, $0.0e+00  }
0xb0: {  	v33 =	vmax.f32 v23, $0.0e+00;
	v30 =	vsub.f32 v34, v30;
	vm2 =	vgt.f32 v25, $0.0e+00  }
0xb1: {  	vm5 =	vgt.f32 v23, $0.0e+00;
	v40 =	vmax.f32 v63, $0.0e+00;
	vm3 =	vgt.f32 v63, $0.0e+00  }
0xb2: {  	v31 =	vadd.f32 $-1.000000000e+00, v46;
	v36 =	vmul.f32 $4.000000000e+00, v22;
	v37 =	vmul.f32 $1.280000000e+02, v33  }
0xb3: {  	v51 =	vld [tilespmem:s15+$0x11850];
	s6 =	sor.u32 $0x70, s14;
	v48 =	vadd.f32 v22, v22;
	v38 =	vmul.f32 $1.280000000e+02, v35;
	v43 =	vmul.f32 $1.280000000e+02, v40  }
0xb4: {  	v23 =	vld [tilespmem:s6+$0x12800];
	v26 =	vadd.f32 $1.000000000e+00, v47;
	v46 =	vmul.f32 $4.000000000e+00, v42;
	v31 =	vmul.f32 v31, v45  }
0xb5: {  	v49 =	vadd.f32 $1.000000000e+00, v36;
	v50 =	vtrunc.f32 v37;
	v52 =	vadd.f32 $-1.000000000e+00, v48  }
0xb6: {  	v53 =	vtrunc.f32 v38;
	v38 =	vmax.f32 v30, $0.0e+00;
	v43 =	vtrunc.f32 v43  }
0xb7: {  	v46 =	vadd.f32 $1.000000000e+00, v46;
	v36 =	vcvt.f32.s32 v50;
	v41 =	vmul.f32 $1.280000000e+02, v38  }
0xb8: {  	v57 =	vcvt.f32.s32 v53;
	v43 =	vcvt.f32.s32 v43;
	v26 =	vsub.f32 v26, v31  }
0xb9: {  	v31 =	vmul.f32 $2.441406250e-04, v22;
	v25 =	vmul.f32 v52, v51;
	v56 =	vadd.f32 v23, v23  }
0xba: {  	v45 =	vld [tilespmem:s7+$0x11800];
	v63 =	vmul.f32 $4.000000000e+00, v23;
	vm4 =	vlt.s32 v36, $0x7FF;
	v41 =	vtrunc.f32 v41  }
0xbb: {  	vm7 =	vlt.s32 v57, $0x7FF;
	vm13 =	vlt.s32 v43, $0x7FF;
	v54 =	vnsel vm4, $0x7FF, v36  }
0xbc: {  	v55 =	vld [tilespmem:s6+$0x11800];
	v37 =	vmax.f32 v26, $0.0e+00;
	v25 =	vsub.f32 v49, v25;
	vm4 =	vgt.f32 v30, $0.0e+00  }
0xbd: {  	v34 =	vadd.f32 $-1.000000000e+00, v56;
	v41 =	vcvt.f32.s32 v41;
	vm6 =	vgt.f32 v26, $0.0e+00  }
0xbe: {  	v30 =	vnsel vm7, $0x7FF, v57;
	v43 =	vnsel vm13, $0x7FF, v43;
	v56 =	vadd.f32 $1.000000000e+00, v39  }
0xbf: {  	v27 =	vshll.u32 v54, $0x4;
	v58 =	vmul.f32 $1.280000000e+02, v37;
	v26 =	vmul.f32 v60, v45  }
0xc0: {  	v45 =	vadd.f32 $1.000000000e+00, v63;
	v30 =	vshll.u32 v30, $0x4;
	v43 =	vshll.u32 v43, $0x4  }
0xc1: {  	v44 =	vmax.f32 v25, $0.0e+00;
	v27 =	vor.u32 v0, v27;
	v34 =	vmul.f32 v34, v55  }
0xc2: {  	vm8 =	vlt.s32 v41, $0x7FF;
	v30 =	vor.u32 v0, v30;
	v43 =	vor.u32 v0, v43  }
0xc3: {  	vm15 =	vgt.f32 v25, $0.0e+00;
	v32 =	vtrunc.f32 v58;
	v26 =	vsub.f32 v46, v26  }
0xc4: {  	v47 =	vmul.f32 $1.280000000e+02, v44;
	v61 =	vnsel vm8, $0x7FF, v41;
	v32 =	vcvt.f32.s32 v32  }
0xc5: {  	v34 =	vsub.f32 v45, v34;
	v50 =	vshll.u32 v61, $0x4;
	v48 =	vmax.f32 v26, $0.0e+00  }
0xc6: {  	v47 =	vtrunc.f32 v47;
	v25 =	vor.u32 v0, v50;
	v49 =	vmul.f32 $1.280000000e+02, v48  }
0xc7: {  	v47 =	vcvt.f32.s32 v47;
	vm14 =	vlt.s32 v32, $0x7FF;
	v51 =	vmax.f32 v34, $0.0e+00;
	[tilespmem:v27+s20+$0x0] =	vst.idx.add.f32.msk vm5, v28  }
0xc8: {  	v32 =	vnsel vm14, $0x7FF, v32;
	v52 =	vmul.f32 $1.280000000e+02, v51;
	[tilespmem:v27+s2+$0x0] =	vst.idx.add.f32.msk vm5, v33;
	v53 =	vtrunc.f32 v49  }
0xc9: {  	vm12 =	vlt.s32 v47, $0x7FF;
	v32 =	vshll.u32 v32, $0x4;
	v33 =	vcvt.f32.s32 v53;
	[tilespmem:v30+s20+$0x0] =	vst.idx.add.f32.msk vm2, v29  }
0xca: {  	v54 =	vnsel vm12, $0x7FF, v47;
	v27 =	vtrunc.f32 v52;
	v32 =	vor.u32 v0, v32;
	[tilespmem:v30+s2+$0x0] =	vst.idx.add.f32.msk vm2, v35  }
0xcb: {  	v55 =	vshll.u32 v54, $0x4;
	v27 =	vcvt.f32.s32 v27;
	vm2 =	vlt.s32 v33, $0x7FF;
	[tilespmem:v43+s20+$0x0] =	vst.idx.add.f32.msk vm3, v24  }
0xcc: {  	v57 =	vadd.f32 $1.000000000e+00, v62;
	v29 =	vor.u32 v0, v55;
	v33 =	vnsel vm2, $0x7FF, v33;
	[tilespmem:v43+s2+$0x0] =	vst.idx.add.f32.msk vm3, v40  }
0xcd: {  	vm2 =	vgt.f32 v26, $0.0e+00;
	vm3 =	vlt.s32 v27, $0x7FF;
	v58 =	vshll.u32 v33, $0x4;
	[tilespmem:v25+s20+$0x0] =	vst.idx.add.f32.msk vm4, v56  }
0xce: {  	v59 =	vadd.f32 $1.000000000e+00, v31;
	v27 =	vnsel vm3, $0x7FF, v27;
	[tilespmem:v25+s2+$0x0] =	vst.idx.add.f32.msk vm4, v38;
	v60 =	vor.u32 v0, v58  }
0xcf: {  	v61 =	vmul.f32 $2.441406250e-04, v42;
	vm3 =	vgt.f32 v34, $0.0e+00;
	v27 =	vshll.u32 v27, $0x4;
	[tilespmem:v32+s20+$0x0] =	vst.idx.add.f32.msk vm6, v57  }
0xd0: {  	v62 =	vor.u32 v0, v27;
	[tilespmem:v32+s2+$0x0] =	vst.idx.add.f32.msk vm6, v37  }
0xd1: {  	v16 =	vadd.f32 v21, v16;
	v63 =	vmul.f32 $2.441406250e-04, v23;
	v26 =	vadd.f32 $1.000000000e+00, v61;
	[tilespmem:v29+s20+$0x0] =	vst.idx.add.f32.msk vm15, v59  }
0xd2: {  	p4 =	seq.s32 s13, $0x7;
	[tilespmem:v29+s2+$0x0] =	vst.idx.add.f32.msk vm15, v44  }
0xd3: {  	v16 =	vadd.f32 v19, v16;
	s6 =	sshll.u32 @!p4 s13, $0xD;
	v27 =	vadd.f32 $1.000000000e+00, v63;
	[tilespmem:v60+s20+$0x0] =	vst.idx.add.f32.msk vm2, v26  }
0xd4: {  	s6 =	sadd.s32 @!p4 s31, s6;
	[tilespmem:v60+s2+$0x0] =	vst.idx.add.f32.msk vm2, v48  }
0xd5: {  	v16 =	vadd.f32 v17, v16;
	s6 =	sshrl.u32 @!p4 s6, $0x3;
	[tilespmem:v62+s20+$0x0] =	vst.idx.add.f32.msk vm3, v27  }
0xd6: {  	s14 =	simm.s32 @!p4 $0x0;
	s15 =	simm.s32 @!p4 $0x11800;
	s7 =	sadd.s32 @!p4 s0, s6;
	[tilespmem:v62+s2+$0x0] =	vst.idx.add.f32.msk vm3, v51  }
0xd7: {  	v16 =	vadd.f32 v18, v16;
	[tilespmem:s15], [sflag:$0x1] =	stream.linear.gather @!p4 [hbm4b:s7+s14], $0x1000, $0x38;
	[tilespmem:$0x17020] =	vst v63  }
0xd8: {  	s6 =	sadd.s32 @!p4 s24, s6;
	s7 =	simm.s32 @!p4 $0x12800  }
0xd9: {  	v16 =	vadd.f32 v20, v16;
	[tilespmem:s7], [sflag:$0x2] =	stream.linear.gather @!p4 [hbm4b:s6+s14], $0x1000, $0x38;
	[tilespmem:$0x17020] =	vst v63  }
0xda: {  	s23 =	simm.s32 $0x0;
	_ =	swait.ge [sflag:s3], $0x1000  }
0xdb: {  	s16 =	simm.s32 $0x400;
	v16 =	vadd.f32 v22, v16;
	s15 =	sand.u32 $0x380, s23;
	[sflag:s3] =	ssyncset.done $0x0  }
0xdc: {  	s6 =	simm.s32 $0x0;
	s7 =	simm.s32 $0xFFFFFC00;
	[sflag:s3] =	ssyncadd.s32 $0xFFFFF000  }
0xdd: {  	v16 =	vadd.f32 v42, v16;
	s21 =	sand.u32 $0x3, s6;
	s18 =	sand.u32 $0xC00, s6;
	_ =	swait.ge [sflag:s4], $0x1000  }
0xde: {  	s14 =	sshll.u32 s21, $0xA;
	s15 =	sor.u32 s15, s18;
	[sflag:s4] =	ssyncset.done $0x0  }
0xdf: {  	v20 =	vadd.f32 v23, v16;
	s18 =	simm.s32 $0x0;
	s14 =	sadd.s32 $0x0, s14;
	[sflag:s4] =	ssyncadd.s32 $0xFFFFF000  }
.LBB2_7:
0xe0: {  	s6 =	sadd.s32 $0x20, s6  }
0xe1: {  	v21 =	vld [tilespmem:s15+$0x14820];
	s18 =	sadd.s32 $0x1, s18;
	s7 =	sadd.s32 $0x20, s7;
	s21 =	smov.u32 s16  }
0xe2: {  	p5 =	sne.s32 s16, $0x7C00;
	s16 =	sadd.s32 $0x400, s16;
	s19 =	sand.u32 $0x3, s18;
	v22 =	vld [tilespmem:s15+$0x14800]  }
0xe3: {  	s19 =	sshll.u32 s19, $0xA;
	v23 =	vld [tilespmem:s15+$0x14810]  }
0xe4: {  	s19 =	sadd.s32 s19, s6;
	v16 =	vld [tilespmem:s15+$0x13820]  }
0xe5: {  	v19 =	vld [tilespmem:s15+$0x13800]  }
0xe6: {  	v17 =	vadd.f32 v21, v21;
	v24 =	vmul.f32 $2.441406250e-04, v21;
	v18 =	vld [tilespmem:s15+$0x14830]  }
0xe7: {  	v25 =	vmul.f32 $4.000000000e+00, v22;
	v26 =	vadd.f32 v22, v22;
	v27 =	vmul.f32 $2.441406250e-04, v22;
	v28 =	vld [tilespmem:s15+$0x13810]  }
0xe8: {  	v30 =	vmul.f32 $4.000000000e+00, v21;
	v29 =	vadd.f32 v23, v23;
	v31 =	vadd.f32 $-1.000000000e+00, v17;
	v17 =	vld [tilespmem:s15+$0x14840]  }
0xe9: {  	v32 =	vmul.f32 $4.000000000e+00, v23;
	v25 =	vadd.f32 $1.000000000e+00, v25;
	v26 =	vadd.f32 $-1.000000000e+00, v26  }
0xea: {  	v30 =	vadd.f32 $1.000000000e+00, v30;
	v29 =	vadd.f32 $-1.000000000e+00, v29;
	v31 =	vmul.f32 v31, v16;
	v33 =	vld [tilespmem:s15+$0x13830]  }
0xeb: {  	v32 =	vadd.f32 $1.000000000e+00, v32;
	v34 =	vmul.f32 $4.000000000e+00, v18;
	v35 =	vadd.f32 v18, v18;
	v16 =	vld [tilespmem:s15+$0x14850]  }
0xec: {  	v19 =	vmul.f32 v26, v19;
	v26 =	vmul.f32 v29, v28;
	v28 =	vsub.f32 v30, v31  }
0xed: {  	v27 =	vadd.f32 $1.000000000e+00, v27;
	v29 =	vmul.f32 $2.441406250e-04, v23;
	v30 =	vadd.f32 $-1.000000000e+00, v35;
	v31 =	vld [tilespmem:s15+$0x13840]  }
0xee: {  	v26 =	vsub.f32 v32, v26;
	v32 =	vadd.f32 v17, v17  }
0xef: {  	v25 =	vsub.f32 v25, v19;
	v34 =	vadd.f32 $1.000000000e+00, v34;
	v35 =	vmul.f32 $4.000000000e+00, v17  }
0xf0: {  	s23 =	sadd.s32 $0x400, s7;
	v30 =	vmul.f32 v30, v33;
	v19 =	vmax.f32 v26, $0.0e+00;
	v32 =	vadd.f32 $-1.000000000e+00, v32  }
0xf1: {  	s21 =	sand.u32 $0xC00, s21;
	s23 =	sand.u32 $0x380, s23;
	v33 =	vmax.f32 v25, $0.0e+00;
	v35 =	vadd.f32 $1.000000000e+00, v35;
	v36 =	vmul.f32 $4.000000000e+00, v16  }
0xf2: {  	s21 =	sor.u32 s23, s21;
	v20 =	vadd.f32 v22, v20;
	v29 =	vadd.f32 $1.000000000e+00, v29;
	v22 =	vmul.f32 v32, v31  }
0xf3: {  	v30 =	vsub.f32 v34, v30;
	v31 =	vmul.f32 $1.280000000e+02, v33;
	v32 =	vadd.f32 v16, v16  }
0xf4: {  	v20 =	vadd.f32 v23, v20;
	v34 =	vmul.f32 $1.280000000e+02, v19;
	v23 =	vadd.f32 $1.000000000e+00, v36  }
0xf5: {  	s23 =	sor.u32 $0x60, s14;
	vm2 =	vgt.f32 v26, $0.0e+00;
	v31 =	vtrunc.f32 v31;
	v32 =	vadd.f32 $-1.000000000e+00, v32;
	v26 =	vld [tilespmem:s15+$0x13850];
	s15 =	smov.u32 s21  }
0xf6: {  	v36 =	vadd.f32 v21, v20;
	v34 =	vtrunc.f32 v34;
	v21 =	vmax.f32 v30, $0.0e+00;
	s21 =	sor.u32 $0x70, s14;
	s14 =	smov.u32 s19;
	v20 =	vld [tilespmem:s23+$0x14800]  }
0xf7: {  	vm5 =	vgt.f32 v25, $0.0e+00;
	v25 =	vmul.f32 $2.441406250e-04, v18;
	v31 =	vcvt.f32.s32 v31;
	v37 =	vld [tilespmem:s21+$0x13800]  }
0xf8: {  	v38 =	vmax.f32 v28, $0.0e+00;
	v39 =	vmul.f32 $2.441406250e-04, v16;
	v35 =	vsub.f32 v35, v22;
	v22 =	vld [tilespmem:s21+$0x14800]  }
0xf9: {  	vm3 =	vgt.f32 v28, $0.0e+00;
	v28 =	vmul.f32 $1.280000000e+02, v21;
	vm4 =	vlt.s32 v31, $0x7FF;
	v40 =	vld [tilespmem:s23+$0x13800]  }
0xfa: {  	v41 =	vmax.f32 v35, $0.0e+00;
	v31 =	vnsel vm4, $0x7FF, v31;
	v26 =	vmul.f32 v32, v26  }
0xfb: {  	v28 =	vtrunc.f32 v28;
	vm4 =	vgt.f32 v30, $0.0e+00;
	v31 =	vshll.u32 v31, $0x4  }
0xfc: {  	v30 =	vmul.f32 $1.280000000e+02, v38;
	v23 =	vsub.f32 v23, v26;
	v26 =	vor.u32 v0, v31  }
0xfd: {  	v32 =	vmul.f32 $1.280000000e+02, v41;
	v31 =	vcvt.f32.s32 v34;
	v34 =	vadd.f32 v22, v22  }
0xfe: {  	v30 =	vtrunc.f32 v30;
	v43 =	vmul.f32 $4.000000000e+00, v20;
	v42 =	vmax.f32 v23, $0.0e+00  }
0xff: {  	v45 =	vadd.f32 v20, v20;
	v44 =	vmul.f32 $1.280000000e+02, v42;
	v34 =	vadd.f32 $-1.000000000e+00, v34  }
0x100: {  	v24 =	vadd.f32 $1.000000000e+00, v24;
	v46 =	vmul.f32 $2.441406250e-04, v17;
	vm7 =	vlt.s32 v31, $0x7FF  }
0x101: {  	v28 =	vcvt.f32.s32 v28;
	v43 =	vadd.f32 $1.000000000e+00, v43;
	v44 =	vtrunc.f32 v44;
	[tilespmem:v26+s20+$0x0] =	vst.idx.add.f32.msk vm5, v27  }
0x102: {  	v27 =	vadd.f32 $1.000000000e+00, v46;
	v34 =	vmul.f32 v34, v37;
	v44 =	vcvt.f32.s32 v44;
	[tilespmem:v26+s2+$0x0] =	vst.idx.add.f32.msk vm5, v33  }
0x103: {  	vm5 =	vgt.f32 v35, $0.0e+00;
	v26 =	vadd.f32 $-1.000000000e+00, v45;
	v33 =	vmul.f32 $4.000000000e+00, v22  }
0x104: {  	vm6 =	vlt.s32 v28, $0x7FF;
	v32 =	vtrunc.f32 v32;
	vm8 =	vlt.s32 v44, $0x7FF  }
0x105: {  	v30 =	vcvt.f32.s32 v30;
	v32 =	vcvt.f32.s32 v32;
	v33 =	vadd.f32 $1.000000000e+00, v33  }
0x106: {  	v28 =	vnsel vm6, $0x7FF, v28;
	vm6 =	vgt.f32 v23, $0.0e+00;
	v35 =	vadd.f32 $1.000000000e+00, v39  }
0x107: {  	v23 =	vnsel vm7, $0x7FF, v31;
	v26 =	vmul.f32 v26, v40;
	v31 =	vsub.f32 v33, v34  }
0x108: {  	vm7 =	vlt.s32 v30, $0x7FF;
	v23 =	vshll.u32 v23, $0x4;
	v33 =	vnsel vm8, $0x7FF, v44  }
0x109: {  	v28 =	vshll.u32 v28, $0x4;
	vm8 =	vlt.s32 v32, $0x7FF;
	v26 =	vsub.f32 v43, v26  }
0x10a: {  	v30 =	vnsel vm7, $0x7FF, v30;
	v23 =	vor.u32 v0, v23;
	v32 =	vnsel vm8, $0x7FF, v32  }
0x10b: {  	v30 =	vshll.u32 v30, $0x4;
	v33 =	vshll.u32 v33, $0x4;
	v34 =	vmax.f32 v26, $0.0e+00  }
0x10c: {  	v30 =	vor.u32 v0, v30;
	v39 =	vmax.f32 v31, $0.0e+00;
	v37 =	vmul.f32 $1.280000000e+02, v34  }
0x10d: {  	v18 =	vadd.f32 v18, v36;
	v32 =	vshll.u32 v32, $0x4;
	v36 =	vmul.f32 $1.280000000e+02, v39  }
0x10e: {  	v28 =	vor.u32 v0, v28;
	v33 =	vor.u32 v0, v33;
	v37 =	vtrunc.f32 v37  }
0x10f: {  	v36 =	vtrunc.f32 v36;
	v37 =	vcvt.f32.s32 v37;
	[tilespmem:v23+s20+$0x0] =	vst.idx.add.f32.msk vm2, v29;
	v29 =	vor.u32 v0, v32  }
0x110: {  	v25 =	vadd.f32 $1.000000000e+00, v25;
	v36 =	vcvt.f32.s32 v36;
	v32 =	vmul.f32 $2.441406250e-04, v20;
	[tilespmem:v23+s2+$0x0] =	vst.idx.add.f32.msk vm2, v19  }
0x111: {  	v17 =	vadd.f32 v17, v18;
	vm7 =	vlt.s32 v37, $0x7FF;
	vm2 =	vgt.f32 v26, $0.0e+00;
	[tilespmem:v30+s20+$0x0] =	vst.idx.add.f32.msk vm3, v24  }
0x112: {  	v18 =	vnsel vm7, $0x7FF, v37;
	vm7 =	vlt.s32 v36, $0x7FF;
	v19 =	vadd.f32 $1.000000000e+00, v32;
	[tilespmem:v30+s2+$0x0] =	vst.idx.add.f32.msk vm3, v38  }
0x113: {  	v18 =	vshll.u32 v18, $0x4;
	v23 =	vnsel vm7, $0x7FF, v36;
	v24 =	vmul.f32 $2.441406250e-04, v22;
	[tilespmem:v28+s20+$0x0] =	vst.idx.add.f32.msk vm4, v25  }
0x114: {  	v16 =	vadd.f32 v16, v17;
	v17 =	vshll.u32 v23, $0x4;
	v18 =	vor.u32 v0, v18;
	[tilespmem:v28+s2+$0x0] =	vst.idx.add.f32.msk vm4, v21  }
0x115: {  	vm3 =	vgt.f32 v31, $0.0e+00;
	v21 =	vadd.f32 $1.000000000e+00, v24;
	[tilespmem:v29+s20+$0x0] =	vst.idx.add.f32.msk vm5, v27  }
0x116: {  	v16 =	vadd.f32 v20, v16;
	v17 =	vor.u32 v0, v17;
	[tilespmem:v29+s2+$0x0] =	vst.idx.add.f32.msk vm5, v41  }
0x117: {  	[tilespmem:v33+s20+$0x0] =	vst.idx.add.f32.msk vm6, v35  }
.Ltmp2:
0x118: {  	v20 =	vadd.f32 v22, v16;
	[tilespmem:v33+s2+$0x0] =	vst.idx.add.f32.msk vm6, v42;
	(pc) =	sbr.rel @p5 .LBB2_7-.Ltmp2, $4  }
0x119: {  	[tilespmem:v18+s20+$0x0] =	vst.idx.add.f32.msk vm2, v19  }
0x11a: {  	[tilespmem:v18+s2+$0x0] =	vst.idx.add.f32.msk vm2, v34  }
0x11b: {  	[tilespmem:v17+s20+$0x0] =	vst.idx.add.f32.msk vm3, v21  }
0x11c: {  	[tilespmem:v17+s2+$0x0] =	vst.idx.add.f32.msk vm3, v39  }
0x11d: {  	v19 =	vld [tilespmem:s15+$0x14820]  }
0x11e: {  	v21 =	vld [tilespmem:s15+$0x14800]  }
0x11f: {  	v22 =	vld [tilespmem:s15+$0x14810]  }
0x120: {  	v16 =	vld [tilespmem:s15+$0x14830];
	s6 =	sor.u32 $0x70, s14  }
0x121: {  	s7 =	sor.u32 $0x60, s14;
	v37 =	vld [tilespmem:s6+$0x14800]  }
0x122: {  	v38 =	vld [tilespmem:s7+$0x14800];
	_ =	sdelay $0x1  }
0x123: {  	v17 =	vadd.f32 v19, v19;
	v23 =	vmul.f32 $2.441406250e-04, v19;
	v25 =	vadd.f32 v21, v21  }
0x124: {  	v24 =	vmul.f32 $4.000000000e+00, v21;
	v28 =	vadd.f32 v22, v22;
	v34 =	vadd.f32 v16, v16  }
0x125: {  	v29 =	vmul.f32 $4.000000000e+00, v19;
	v20 =	vadd.f32 v21, v20;
	v40 =	vadd.f32 v37, v37  }
0x126: {  	v18 =	vld [tilespmem:s15+$0x13820];
	v31 =	vmul.f32 $4.000000000e+00, v22;
	v44 =	vadd.f32 v38, v38;
	v30 =	vadd.f32 $-1.000000000e+00, v17  }
0x127: {  	v26 =	vld [tilespmem:s15+$0x13810];
	v35 =	vmul.f32 $4.000000000e+00, v16;
	v24 =	vadd.f32 $1.000000000e+00, v24;
	v25 =	vadd.f32 $-1.000000000e+00, v25  }
0x128: {  	v27 =	vld [tilespmem:s15+$0x13800];
	v49 =	vmul.f32 $2.441406250e-04, v22;
	v28 =	vadd.f32 $-1.000000000e+00, v28;
	v29 =	vadd.f32 $1.000000000e+00, v29  }
0x129: {  	v32 =	vmul.f32 $2.441406250e-04, v21;
	v31 =	vadd.f32 $1.000000000e+00, v31;
	v47 =	vadd.f32 $-1.000000000e+00, v34  }
0x12a: {  	v33 =	vld [tilespmem:s15+$0x13830];
	v42 =	vmul.f32 $4.000000000e+00, v38;
	v51 =	vadd.f32 $1.000000000e+00, v35;
	v21 =	vadd.f32 $1.000000000e+00, v49  }
0x12b: {  	v17 =	vld [tilespmem:s15+$0x14840];
	v20 =	vadd.f32 v22, v20;
	v23 =	vadd.f32 $1.000000000e+00, v23  }
0x12c: {  	v40 =	vadd.f32 $-1.000000000e+00, v40;
	v42 =	vadd.f32 $1.000000000e+00, v42;
	v30 =	vmul.f32 v30, v18  }
0x12d: {  	v49 =	vadd.f32 $-1.000000000e+00, v44;
	v26 =	vmul.f32 v28, v26;
	v25 =	vmul.f32 v25, v27  }
0x12e: {  	v27 =	vadd.f32 $1.000000000e+00, v32;
	v46 =	vsub.f32 v29, v30  }
0x12f: {  	v18 =	vld [tilespmem:s15+$0x14850];
	v26 =	vsub.f32 v31, v26;
	v24 =	vsub.f32 v24, v25;
	v29 =	vmul.f32 v47, v33  }
0x130: {  	v19 =	vadd.f32 v19, v20;
	v50 =	vadd.f32 v17, v17;
	v52 =	vmul.f32 $4.000000000e+00, v17  }
0x131: {  	v48 =	vld [tilespmem:s15+$0x13840];
	v35 =	vmax.f32 v26, $0.0e+00;
	v33 =	vmax.f32 v24, $0.0e+00;
	v25 =	vsub.f32 v51, v29  }
0x132: {  	vm2 =	vgt.f32 v26, $0.0e+00;
	vm5 =	vgt.f32 v24, $0.0e+00;
	v24 =	vmul.f32 $2.441406250e-04, v16  }
0x133: {  	vm3 =	vgt.f32 v46, $0.0e+00;
	v31 =	vadd.f32 $-1.000000000e+00, v50;
	v34 =	vadd.f32 $1.000000000e+00, v52  }
0x134: {  	v36 =	vmul.f32 $4.000000000e+00, v18;
	v53 =	vmul.f32 $1.280000000e+02, v33;
	v54 =	vadd.f32 v18, v18  }
0x135: {  	v57 =	vld [tilespmem:s15+$0x13850];
	v55 =	vmul.f32 $1.280000000e+02, v35;
	v50 =	vmul.f32 $4.000000000e+00, v37;
	v20 =	vmax.f32 v25, $0.0e+00  }
0x136: {  	v62 =	vld [tilespmem:s6+$0x13800];
	v30 =	vmul.f32 v31, v48;
	v56 =	vadd.f32 $1.000000000e+00, v36;
	v31 =	vtrunc.f32 v53  }
0x137: {  	v29 =	vadd.f32 $-1.000000000e+00, v54;
	v32 =	vtrunc.f32 v55;
	v58 =	vmul.f32 $1.280000000e+02, v20  }
0x138: {  	v36 =	vmax.f32 v46, $0.0e+00;
	v46 =	vmul.f32 $2.441406250e-04, v17;
	v31 =	vcvt.f32.s32 v31  }
0x139: {  	v16 =	vadd.f32 v16, v19;
	v60 =	vmul.f32 $1.280000000e+02, v36;
	v63 =	vcvt.f32.s32 v32  }
0x13a: {  	v45 =	vld [tilespmem:s7+$0x13800];
	v30 =	vsub.f32 v34, v30;
	v34 =	vmul.f32 $2.441406250e-04, v18;
	v26 =	vmul.f32 v29, v57  }
0x13b: {  	v24 =	vadd.f32 $1.000000000e+00, v24;
	v28 =	vtrunc.f32 v58;
	v29 =	vmul.f32 v40, v62  }
0x13c: {  	v40 =	vadd.f32 $1.000000000e+00, v50;
	vm4 =	vlt.s32 v31, $0x7FF;
	vm7 =	vlt.s32 v63, $0x7FF  }
0x13d: {  	v28 =	vcvt.f32.s32 v28;
	v31 =	vnsel vm4, $0x7FF, v31;
	v39 =	vmax.f32 v30, $0.0e+00  }
0x13e: {  	vm4 =	vgt.f32 v25, $0.0e+00;
	v22 =	vsub.f32 v56, v26;
	v25 =	vtrunc.f32 v60  }
0x13f: {  	vm6 =	vgt.f32 v30, $0.0e+00;
	v30 =	vmul.f32 v49, v45;
	v29 =	vsub.f32 v40, v29  }
0x140: {  	v59 =	vshll.u32 v31, $0x4;
	v48 =	vmul.f32 $1.280000000e+02, v39;
	vm8 =	vlt.s32 v28, $0x7FF  }
0x141: {  	v25 =	vcvt.f32.s32 v25;
	v31 =	vnsel vm7, $0x7FF, v63;
	v61 =	vor.u32 v0, v59  }
0x142: {  	v41 =	vmax.f32 v22, $0.0e+00;
	v28 =	vnsel vm8, $0x7FF, v28;
	v31 =	vshll.u32 v31, $0x4  }
0x143: {  	v30 =	vsub.f32 v42, v30;
	vm15 =	vgt.f32 v22, $0.0e+00;
	v54 =	vmax.f32 v29, $0.0e+00  }
0x144: {  	v43 =	vmul.f32 $1.280000000e+02, v41;
	v32 =	vtrunc.f32 v48;
	vm13 =	vlt.s32 v25, $0x7FF  }
0x145: {  	v31 =	vor.u32 v0, v31;
	v53 =	vshll.u32 v28, $0x4;
	v25 =	vnsel vm13, $0x7FF, v25  }
0x146: {  	v32 =	vcvt.f32.s32 v32;
	v51 =	vmax.f32 v30, $0.0e+00;
	v25 =	vshll.u32 v25, $0x4  }
0x147: {  	v43 =	vtrunc.f32 v43;
	v52 =	vmul.f32 $1.280000000e+02, v51;
	v25 =	vor.u32 v0, v25  }
0x148: {  	v55 =	vmul.f32 $1.280000000e+02, v54;
	v43 =	vcvt.f32.s32 v43;
	vm14 =	vlt.s32 v32, $0x7FF;
	[tilespmem:v61+s20+$0x0] =	vst.idx.add.f32.msk vm5, v27  }
0x149: {  	v22 =	vor.u32 v0, v53;
	v32 =	vnsel vm14, $0x7FF, v32;
	v56 =	vtrunc.f32 v52;
	[tilespmem:v61+s2+$0x0] =	vst.idx.add.f32.msk vm5, v33  }
0x14a: {  	vm12 =	vlt.s32 v43, $0x7FF;
	v32 =	vshll.u32 v32, $0x4;
	v28 =	vcvt.f32.s32 v56;
	[tilespmem:v31+s20+$0x0] =	vst.idx.add.f32.msk vm2, v21  }
0x14b: {  	v26 =	vtrunc.f32 v55;
	v57 =	vnsel vm12, $0x7FF, v43;
	v32 =	vor.u32 v0, v32;
	[tilespmem:v31+s2+$0x0] =	vst.idx.add.f32.msk vm2, v35  }
0x14c: {  	v26 =	vcvt.f32.s32 v26;
	v58 =	vshll.u32 v57, $0x4;
	vm2 =	vlt.s32 v28, $0x7FF;
	[tilespmem:v25+s20+$0x0] =	vst.idx.add.f32.msk vm3, v23  }
0x14d: {  	v46 =	vadd.f32 $1.000000000e+00, v46;
	v21 =	vor.u32 v0, v58;
	v28 =	vnsel vm2, $0x7FF, v28;
	[tilespmem:v25+s2+$0x0] =	vst.idx.add.f32.msk vm3, v36  }
0x14e: {  	vm2 =	vgt.f32 v30, $0.0e+00;
	vm3 =	vlt.s32 v26, $0x7FF;
	v60 =	vshll.u32 v28, $0x4;
	[tilespmem:v22+s20+$0x0] =	vst.idx.add.f32.msk vm4, v24  }
0x14f: {  	v62 =	vmul.f32 $2.441406250e-04, v38;
	v19 =	vnsel vm3, $0x7FF, v26;
	v61 =	vor.u32 v0, v60;
	[tilespmem:v22+s2+$0x0] =	vst.idx.add.f32.msk vm4, v20  }
0x150: {  	v59 =	vadd.f32 $1.000000000e+00, v34;
	vm3 =	vgt.f32 v29, $0.0e+00;
	v19 =	vshll.u32 v19, $0x4;
	[tilespmem:v32+s20+$0x0] =	vst.idx.add.f32.msk vm6, v46  }
0x151: {  	v16 =	vadd.f32 v17, v16;
	v17 =	vor.u32 v0, v19;
	[tilespmem:v32+s2+$0x0] =	vst.idx.add.f32.msk vm6, v39  }
0x152: {  	v63 =	vmul.f32 $2.441406250e-04, v37;
	v19 =	vadd.f32 $1.000000000e+00, v62;
	[tilespmem:v21+s20+$0x0] =	vst.idx.add.f32.msk vm15, v59  }
.Ltmp3:
0x153: {  	v16 =	vadd.f32 v18, v16;
	[tilespmem:v21+s2+$0x0] =	vst.idx.add.f32.msk vm15, v41;
	(pc) =	sbr.rel @p4 .LBB2_9-.Ltmp3, $4  }
0x154: {  	v18 =	vadd.f32 $1.000000000e+00, v63;
	[tilespmem:v61+s20+$0x0] =	vst.idx.add.f32.msk vm2, v19  }
0x155: {  	v16 =	vadd.f32 v38, v16;
	[tilespmem:v61+s2+$0x0] =	vst.idx.add.f32.msk vm2, v51  }
0x156: {  	[tilespmem:v17+s20+$0x0] =	vst.idx.add.f32.msk vm3, v18  }
0x157: {  	v16 =	vadd.f32 v37, v16;
	[tilespmem:v17+s2+$0x0] =	vst.idx.add.f32.msk vm3, v54  }
0x158: {  	s6 =	sshll.u32 s13, $0xD  }
0x159: {  	s6 =	sadd.s32 s22, s6  }
.Ltmp4:
0x15a: {  	s6 =	sshrl.u32 s6, $0x3;
	(pc) =	sbr.rel .LBB2_4-.Ltmp4, $4  }
0x15b: {  	s7 =	sadd.s32 s0, s6  }
0x15c: {  	[tilespmem:s28], [sflag:$0x3] =	stream.linear.gather [hbm4b:s7+s20], $0x1000, $0x38;
	[tilespmem:$0x17020] =	vst v63  }
0x15d: {  	s13 =	sadd.s32 $0x1, s13;
	s6 =	sadd.s32 s24, s6  }
0x15e: {  	[tilespmem:s29], [sflag:$0x4] =	stream.linear.gather [hbm4b:s6+s20], $0x1000, $0x38;
	[tilespmem:$0x17020] =	vst v63  }
.LBB2_9:
0x15f: {  	s6 =	simm.s32 $0x0  }
0x160: {  	v18 =	vcombine.low v2, v1;
	v17 =	vmul.u32 $0x10, v0;
	v19 =	vmov s6  }
0x161: {  	v19 =	vshll.u32 v19, $0x4  }
0x162: {  	v20 =	vcombine.low v4, v3;
	v18 =	vand.u32 $0xF, v18;
	v35 =	vor.u32 v17, v19  }
0x163: {  	v30 =	vor.u32 v18, v35  }
0x164: {  	v22 =	vcombine.low v10, v9;
	v20 =	vand.u32 $0xF, v20;
	v29 =	vor.u32 v0, v35  }
0x165: {  	v23 =	vcombine.low v8, v7;
	v39 =	vor.u32 v20, v35  }
0x166: {  	v21 =	vcombine.low v11, v12;
	v22 =	vand.u32 $0xF, v22  }
0x167: {  	v25 =	vcombine.low v1, v2;
	v23 =	vand.u32 $0xF, v23;
	v42 =	vor.u32 v22, v35  }
0x168: {  	v28 =	vcombine.low v9, v10;
	v19 =	vcombine.low v6, v5;
	v44 =	vor.u32 v23, v35;
	v37 =	vld.idx.msk [tilespmem:v30+s20+$0x0], $0xffff  }
0x169: {  	v32 =	vcombine.low v5, v6;
	v26 =	vcombine.low v7, v8;
	v41 =	vld.idx.msk [tilespmem:v29+s20+$0x0], $0xffff  }
0x16a: {  	v38 =	vcombine.low v3, v4;
	v24 =	vcombine.low v12, v11;
	v19 =	vand.u32 $0xF, v19;
	v47 =	vld.idx.msk [tilespmem:v39+s20+$0x0], $0xffff  }
0x16b: {  	v40 =	vcombine.low v14, v13;
	v27 =	vcombine.low v13, v14;
	v36 =	vor.u32 v19, v35;
	v49 =	vld.idx.msk [tilespmem:v29+s2+$0x0], $0xffff  }
0x16c: {  	v21 =	vand.u32 $0xF, v21;
	v24 =	vand.u32 $0xF, v24;
	v25 =	vand.u32 $0xF, v25;
	v50 =	vld.idx.msk [tilespmem:v42+s20+$0x0], $0xffff  }
0x16d: {  	v26 =	vand.u32 $0xF, v26;
	v27 =	vand.u32 $0xF, v27;
	v28 =	vand.u32 $0xF, v28;
	v51 =	vld.idx.msk [tilespmem:v44+s20+$0x0], $0xffff  }
0x16e: {  	v43 =	vor.u32 v15, v35;
	v46 =	vor.u32 v24, v35;
	v33 =	vor.u32 v21, v35  }
0x16f: {  	v34 =	vor.u32 v26, v35;
	v52 =	vor.u32 v25, v35;
	v63 =	vld.idx.msk [tilespmem:v30+s2+$0x0], $0xffff;
	v30 =	vand.u32 $0xF, v32  }
0x170: {  	v32 =	vand.u32 $0xF, v38;
	v45 =	vld.idx.msk [tilespmem:v36+s20+$0x0], $0xffff;
	v31 =	vtrunc.f32 v37;
	v29 =	vtrunc.f32 v41  }
0x171: {  	v59 =	vtrunc.f32 v47;
	v49 =	vadd.f32 $0.0e+00, v49;
	v56 =	vtrunc.f32 v50  }
0x172: {  	v39 =	vld.idx.msk [tilespmem:v39+s2+$0x0], $0xffff;
	v57 =	vtrunc.f32 v51;
	v48 =	vcvt.f32.s32 v31;
	v31 =	vor.u32 v27, v35  }
0x173: {  	v53 =	vcvt.f32.s32 v29;
	v29 =	vand.u32 $0xF, v40;
	v38 =	vcvt.f32.s32 v59  }
0x174: {  	v56 =	vcvt.f32.s32 v56;
	v60 =	vcvt.f32.s32 v57;
	v57 =	vor.u32 v30, v35  }
0x175: {  	v36 =	vld.idx.msk [tilespmem:v36+s2+$0x0], $0xffff;
	v58 =	vtrunc.f32 v45;
	v40 =	vadd.f32 v63, v49;
	v48 =	vcvt.s32.f32 v48  }
0x176: {  	v54 =	vor.u32 v29, v35;
	v53 =	vcvt.s32.f32 v53;
	v55 =	vcvt.f32.s32 v58  }
0x177: {  	v44 =	vld.idx.msk [tilespmem:v44+s2+$0x0], $0xffff;
	v38 =	vcvt.s32.f32 v38;
	v39 =	vadd.f32 v39, v40;
	v37 =	vsub.f32 v37, v48  }
0x178: {  	v58 =	vld.idx.msk [tilespmem:v46+s20+$0x0], $0xffff;
	v41 =	vsub.f32 v41, v53;
	v49 =	vcvt.s32.f32 v55;
	v48 =	vadd.f32 v48, v53  }
0x179: {  	v53 =	vcvt.s32.f32 v56;
	v56 =	vor.u32 v32, v35;
	v55 =	vcvt.s32.f32 v60  }
0x17a: {  	v35 =	vor.u32 v28, v35;
	v36 =	vadd.f32 v36, v39;
	v48 =	vadd.f32 v38, v48  }
0x17b: {  	v59 =	vld.idx.msk [tilespmem:v43+s20+$0x0], $0xffff;
	v41 =	vmul.f32 $4.096000000e+03, v41;
	v50 =	vsub.f32 v50, v53;
	v45 =	vsub.f32 v45, v49  }
0x17c: {  	v37 =	vmul.f32 $4.096000000e+03, v37;
	v40 =	vld.idx.msk [tilespmem:v54+s20+$0x0], $0xffff;
	v38 =	vsub.f32 v47, v38;
	v61 =	vsub.f32 v51, v55  }
0x17d: {  	v60 =	vtrunc.f32 v58;
	v36 =	vadd.f32 v44, v36;
	v41 =	vadd.f32 $0.0e+00, v41  }
0x17e: {  	v48 =	vadd.f32 v49, v48;
	v39 =	vmul.f32 $4.096000000e+03, v50;
	v62 =	vcvt.f32.s32 v60;
	v47 =	vld.idx.msk [tilespmem:v56+s20+$0x0], $0xffff  }
0x17f: {  	v38 =	vmul.f32 $4.096000000e+03, v38;
	v37 =	vadd.f32 v37, v41;
	v41 =	vld.idx.msk [tilespmem:v42+s2+$0x0], $0xffff;
	v42 =	vmul.f32 $4.096000000e+03, v45  }
0x180: {  	v46 =	vld.idx.msk [tilespmem:v46+s2+$0x0], $0xffff;
	v48 =	vadd.f32 v55, v48;
	v55 =	vtrunc.f32 v59;
	v60 =	vcvt.s32.f32 v62  }
0x181: {  	v51 =	vld.idx.msk [tilespmem:v57+s20+$0x0], $0xffff;
	v63 =	vtrunc.f32 v40;
	v62 =	vcvt.f32.s32 v55;
	v37 =	vadd.f32 v38, v37  }
0x182: {  	v49 =	vld.idx.msk [tilespmem:v54+s2+$0x0], $0xffff;
	v45 =	vmul.f32 $4.096000000e+03, v61;
	v61 =	vcvt.f32.s32 v63;
	v48 =	vadd.f32 v53, v48  }
0x183: {  	v63 =	vsub.f32 v58, v60;
	v53 =	vld.idx.msk [tilespmem:v35+s20+$0x0], $0xffff;
	v50 =	vcvt.s32.f32 v62;
	v37 =	vadd.f32 v42, v37  }
0x184: {  	v42 =	vld.idx.msk [tilespmem:v52+s20+$0x0], $0xffff;
	v44 =	vcvt.s32.f32 v61;
	v58 =	vtrunc.f32 v47;
	v38 =	vadd.f32 v60, v48  }
0x185: {  	v36 =	vadd.f32 v41, v36;
	v60 =	vsub.f32 v59, v50;
	v41 =	vmul.f32 $4.096000000e+03, v63  }
0x186: {  	v43 =	vld.idx.msk [tilespmem:v43+s2+$0x0], $0xffff;
	v63 =	vtrunc.f32 v51;
	v37 =	vadd.f32 v45, v37;
	v40 =	vsub.f32 v40, v44  }
0x187: {  	v45 =	vcvt.f32.s32 v58;
	v38 =	vadd.f32 v44, v38;
	v36 =	vadd.f32 v46, v36  }
0x188: {  	v52 =	vld.idx.msk [tilespmem:v52+s2+$0x0], $0xffff;
	v48 =	vmul.f32 $4.096000000e+03, v60;
	v58 =	vtrunc.f32 v53;
	v37 =	vadd.f32 v39, v37  }
0x189: {  	v55 =	vcvt.s32.f32 v45;
	v61 =	vtrunc.f32 v42;
	v62 =	vadd.f32 v49, v36;
	v36 =	vld.idx.msk [tilespmem:v33+s20+$0x0], $0xffff  }
0x18a: {  	v49 =	vcvt.f32.s32 v63;
	v41 =	vadd.f32 v41, v37;
	v39 =	vcvt.f32.s32 v61;
	v37 =	vld.idx.msk [tilespmem:v34+s20+$0x0], $0xffff  }
0x18b: {  	v40 =	vmul.f32 $4.096000000e+03, v40;
	v59 =	vsub.f32 v47, v55;
	v43 =	vadd.f32 v43, v62  }
0x18c: {  	v46 =	vld.idx.msk [tilespmem:v56+s2+$0x0], $0xffff;
	v38 =	vadd.f32 v50, v38;
	v56 =	vcvt.s32.f32 v49;
	v54 =	vcvt.s32.f32 v39  }
0x18d: {  	v40 =	vadd.f32 v40, v41;
	v45 =	vmul.f32 $4.096000000e+03, v59;
	v43 =	vadd.f32 v52, v43  }
0x18e: {  	v57 =	vld.idx.msk [tilespmem:v57+s2+$0x0], $0xffff;
	v51 =	vsub.f32 v51, v56;
	v38 =	vadd.f32 v54, v38;
	v60 =	vtrunc.f32 v36  }
0x18f: {  	v39 =	vadd.f32 v48, v40;
	v40 =	vcvt.f32.s32 v58;
	v61 =	vtrunc.f32 v37  }
0x190: {  	s12 =	simm.s32 $0x10000;
	v63 =	vcvt.f32.s32 v60;
	v38 =	vadd.f32 v55, v38;
	v62 =	vcvt.f32.s32 v61  }
0x191: {  	s13 =	simm.s32 $0x10800;
	s14 =	simm.s32 $0x11000;
	s7 =	simm.s32 $0x10;
	v47 =	vsub.f32 v42, v54;
	v43 =	vadd.f32 v46, v43;
	v41 =	vcvt.s32.f32 v40;
	v40 =	vld.idx.msk [tilespmem:v31+s20+$0x0], $0xffff  }
0x192: {  	s15 =	simm.s32 $0x10800;
	s16 =	simm.s32 $0x11000;
	s19 =	simm.s32 $0x11C00;
	v42 =	vcvt.s32.f32 v63;
	v46 =	vadd.f32 v56, v38;
	v44 =	vcvt.s32.f32 v62  }
0x193: {  	s21 =	simm.s32 $0x12000;
	s23 =	simm.s32 $0x12400;
	s6 =	simm.s32 $0x10000;
	v35 =	vld.idx.msk [tilespmem:v35+s2+$0x0], $0xffff;
	v38 =	vadd.f32 v57, v43;
	v43 =	vmul.f32 $4.096000000e+03, v51;
	v48 =	vsub.f32 v53, v41  }
.LBB2_10:
0x194: {  	v47 =	vmul.f32 $4.096000000e+03, v47;
	v46 =	vadd.f32 v44, v46;
	s12 =	sadd.s32 $0x10, s12;
	s13 =	sadd.s32 $0x10, s13;
	s14 =	sadd.s32 $0x10, s14  }
0x195: {  	p4 =	sne.s32 s7, $0x7F0;
	s18 =	smov.u32 s7;
	s7 =	sadd.s32 $0x10, s7;
	v48 =	vmul.f32 $4.096000000e+03, v48  }
0x196: {  	v36 =	vsub.f32 v36, v42;
	v39 =	vadd.f32 v47, v39;
	v47 =	vtrunc.f32 v40  }
0x197: {  	v41 =	vadd.f32 v41, v46;
	v46 =	vcvt.f32.s32 v47  }
0x198: {  	v37 =	vsub.f32 v37, v44;
	v36 =	vmul.f32 $4.096000000e+03, v36;
	v39 =	vadd.f32 v45, v39  }
0x199: {  	v41 =	vadd.f32 v42, v41;
	v34 =	vld.idx.msk [tilespmem:v34+s2+$0x0], $0xffff;
	v42 =	vcvt.s32.f32 v46  }
0x19a: {  	v37 =	vmul.f32 $4.096000000e+03, v37;
	v39 =	vadd.f32 v43, v39  }
0x19b: {  	v40 =	vsub.f32 v40, v42  }
0x19c: {  	v37 =	vadd.f32 v37, v39  }
0x19d: {  	v39 =	vadd.f32 v42, v41;
	v33 =	vld.idx.msk [tilespmem:v33+s2+$0x0], $0xffff;
	v40 =	vmul.f32 $4.096000000e+03, v40  }
0x19e: {  	v37 =	vadd.f32 v48, v37;
	v31 =	vld.idx.msk [tilespmem:v31+s2+$0x0], $0xffff  }
0x19f: {  	v34 =	vadd.f32 v34, v38;
	[tilespmem:s6+$0x0] =	vst v39;
	s6 =	smov.u32 s12  }
0x1a0: {  	v38 =	vmov s18  }
0x1a1: {  	v38 =	vshll.u32 v38, $0x4;
	v34 =	vadd.f32 v35, v34  }
0x1a2: {  	v35 =	vor.u32 v17, v38;
	v36 =	vadd.f32 v36, v37  }
0x1a3: {  	v37 =	vor.u32 v0, v35;
	v38 =	vor.u32 v18, v35;
	v33 =	vadd.f32 v33, v34  }
0x1a4: {  	v34 =	vadd.f32 v40, v36  }
0x1a5: {  	v36 =	vor.u32 v19, v35;
	v31 =	vadd.f32 v31, v33  }
0x1a6: {  	v39 =	vor.u32 v15, v35;
	[tilespmem:s15+$0x0] =	vst v34;
	s15 =	smov.u32 s13  }
0x1a7: {  	v40 =	vor.u32 v23, v35;
	[tilespmem:s16+$0x0] =	vst v31;
	s16 =	smov.u32 s14  }
0x1a8: {  	v41 =	vor.u32 v24, v35;
	v33 =	vor.u32 v21, v35  }
0x1a9: {  	v34 =	vor.u32 v26, v35;
	v31 =	vor.u32 v27, v35  }
0x1aa: {  	v42 =	vld.idx.msk [tilespmem:v38+s20+$0x0], $0xffff  }
0x1ab: {  	v43 =	vor.u32 v20, v35;
	_ =	sdelay $0x1  }
0x1ac: {  	v45 =	vor.u32 v22, v35;
	v44 =	vld.idx.msk [tilespmem:v37+s20+$0x0], $0xffff;
	_ =	sdelay $0x1  }
0x1ad: {  	v46 =	vld.idx.msk [tilespmem:v36+s20+$0x0], $0xffff  }
0x1ae: {  	v47 =	vtrunc.f32 v42;
	v48 =	vld.idx.msk [tilespmem:v43+s20+$0x0], $0xffff  }
0x1af: {  	v47 =	vcvt.f32.s32 v47;
	v37 =	vld.idx.msk [tilespmem:v37+s2+$0x0], $0xffff  }
0x1b0: {  	v49 =	vld.idx.msk [tilespmem:v45+s20+$0x0], $0xffff  }
0x1b1: {  	v52 =	vor.u32 v25, v35;
	v50 =	vtrunc.f32 v44;
	v47 =	vcvt.s32.f32 v47;
	v51 =	vld.idx.msk [tilespmem:v40+s20+$0x0], $0xffff  }
0x1b2: {  	v50 =	vcvt.f32.s32 v50;
	v38 =	vld.idx.msk [tilespmem:v38+s2+$0x0], $0xffff  }
0x1b3: {  	v54 =	vor.u32 v29, v35;
	v42 =	vsub.f32 v42, v47;
	v53 =	vtrunc.f32 v46  }
0x1b4: {  	v50 =	vcvt.s32.f32 v50;
	v53 =	vcvt.f32.s32 v53;
	v43 =	vld.idx.msk [tilespmem:v43+s2+$0x0], $0xffff  }
0x1b5: {  	v55 =	vtrunc.f32 v48;
	v37 =	vadd.f32 $0.0e+00, v37;
	v42 =	vmul.f32 $4.096000000e+03, v42  }
0x1b6: {  	v55 =	vcvt.f32.s32 v55;
	v44 =	vsub.f32 v44, v50;
	v56 =	vtrunc.f32 v49;
	v57 =	vld.idx.msk [tilespmem:v41+s20+$0x0], $0xffff  }
0x1b7: {  	v47 =	vadd.f32 v47, v50;
	v50 =	vtrunc.f32 v51;
	v56 =	vcvt.f32.s32 v56;
	v36 =	vld.idx.msk [tilespmem:v36+s2+$0x0], $0xffff  }
0x1b8: {  	v37 =	vadd.f32 v38, v37;
	v38 =	vcvt.s32.f32 v53;
	v50 =	vcvt.f32.s32 v50;
	v53 =	vld.idx.msk [tilespmem:v54+s20+$0x0], $0xffff  }
0x1b9: {  	v58 =	vor.u32 v32, v35;
	v55 =	vcvt.s32.f32 v55;
	v56 =	vcvt.s32.f32 v56;
	v40 =	vld.idx.msk [tilespmem:v40+s2+$0x0], $0xffff  }
0x1ba: {  	v59 =	vor.u32 v30, v35;
	v44 =	vmul.f32 $4.096000000e+03, v44;
	v37 =	vadd.f32 v43, v37;
	v43 =	vld.idx.msk [tilespmem:v39+s20+$0x0], $0xffff  }
0x1bb: {  	v47 =	vadd.f32 v55, v47;
	v50 =	vcvt.s32.f32 v50;
	v49 =	vsub.f32 v49, v56;
	v45 =	vld.idx.msk [tilespmem:v45+s2+$0x0], $0xffff  }
0x1bc: {  	v44 =	vadd.f32 $0.0e+00, v44;
	v46 =	vsub.f32 v46, v38;
	v60 =	vtrunc.f32 v57  }
0x1bd: {  	v38 =	vadd.f32 v38, v47;
	v36 =	vadd.f32 v36, v37;
	v37 =	vmul.f32 $4.096000000e+03, v49  }
0x1be: {  	v42 =	vadd.f32 v42, v44;
	v44 =	vsub.f32 v48, v55;
	v46 =	vmul.f32 $4.096000000e+03, v46;
	v47 =	vld.idx.msk [tilespmem:v58+s20+$0x0], $0xffff  }
0x1bf: {  	v48 =	vsub.f32 v51, v50;
	v49 =	vcvt.f32.s32 v60;
	v51 =	vtrunc.f32 v53;
	v54 =	vld.idx.msk [tilespmem:v54+s2+$0x0], $0xffff  }
0x1c0: {  	v38 =	vadd.f32 v50, v38;
	v44 =	vmul.f32 $4.096000000e+03, v44;
	v50 =	vtrunc.f32 v43;
	v41 =	vld.idx.msk [tilespmem:v41+s2+$0x0], $0xffff  }
0x1c1: {  	v48 =	vmul.f32 $4.096000000e+03, v48;
	v36 =	vadd.f32 v40, v36;
	v40 =	vcvt.s32.f32 v49;
	v39 =	vld.idx.msk [tilespmem:v39+s2+$0x0], $0xffff  }
0x1c2: {  	v42 =	vadd.f32 v44, v42;
	v44 =	vcvt.f32.s32 v51;
	v49 =	vcvt.f32.s32 v50  }
0x1c3: {  	v35 =	vor.u32 v28, v35;
	v38 =	vadd.f32 v56, v38;
	v50 =	vld.idx.msk [tilespmem:v52+s20+$0x0], $0xffff  }
0x1c4: {  	v36 =	vadd.f32 v45, v36;
	v42 =	vadd.f32 v46, v42;
	v45 =	vtrunc.f32 v47;
	v51 =	vld.idx.msk [tilespmem:v59+s20+$0x0], $0xffff  }
0x1c5: {  	v46 =	vsub.f32 v57, v40;
	v44 =	vcvt.s32.f32 v44;
	v49 =	vcvt.s32.f32 v49;
	v55 =	vld.idx.msk [tilespmem:v58+s2+$0x0], $0xffff  }
0x1c6: {  	v38 =	vadd.f32 v40, v38;
	v42 =	vadd.f32 v48, v42  }
0x1c7: {  	v40 =	vsub.f32 v43, v49;
	v43 =	vcvt.f32.s32 v45;
	v36 =	vadd.f32 v41, v36;
	v41 =	vld.idx.msk [tilespmem:v52+s2+$0x0], $0xffff  }
0x1c8: {  	v38 =	vadd.f32 v44, v38;
	v44 =	vsub.f32 v53, v44;
	v45 =	vmul.f32 $4.096000000e+03, v46;
	v48 =	vld.idx.msk [tilespmem:v59+s2+$0x0], $0xffff  }
0x1c9: {  	v37 =	vadd.f32 v37, v42;
	v40 =	vmul.f32 $4.096000000e+03, v40;
	v42 =	vtrunc.f32 v50;
	v52 =	vld.idx.msk [tilespmem:v35+s20+$0x0], $0xffff  }
0x1ca: {  	v44 =	vmul.f32 $4.096000000e+03, v44;
	v46 =	vadd.f32 v54, v36;
	v53 =	vtrunc.f32 v51;
	v36 =	vld.idx.msk [tilespmem:v33+s20+$0x0], $0xffff  }
0x1cb: {  	v45 =	vadd.f32 v45, v37;
	v42 =	vcvt.f32.s32 v42;
	v53 =	vcvt.f32.s32 v53;
	v37 =	vld.idx.msk [tilespmem:v34+s20+$0x0], $0xffff  }
0x1cc: {  	v38 =	vadd.f32 v49, v38;
	v39 =	vadd.f32 v39, v46  }
0x1cd: {  	v43 =	vcvt.s32.f32 v43;
	v44 =	vadd.f32 v44, v45;
	v42 =	vcvt.s32.f32 v42;
	v35 =	vld.idx.msk [tilespmem:v35+s2+$0x0], $0xffff  }
0x1ce: {  	v41 =	vadd.f32 v41, v39;
	v45 =	vcvt.s32.f32 v53  }
0x1cf: {  	v39 =	vadd.f32 v40, v44;
	v38 =	vadd.f32 v42, v38;
	v40 =	vtrunc.f32 v52  }
0x1d0: {  	v44 =	vsub.f32 v47, v43;
	v49 =	vadd.f32 v55, v41;
	v41 =	vtrunc.f32 v36  }
.Ltmp5:
0x1d1: {  	v38 =	vadd.f32 v43, v38;
	v53 =	vcvt.f32.s32 v40;
	v43 =	vtrunc.f32 v37;
	(pc) =	sbr.rel @p4 .LBB2_10-.Ltmp5, $4  }
0x1d2: {  	v47 =	vsub.f32 v50, v42;
	v50 =	vcvt.f32.s32 v41;
	v42 =	vcvt.f32.s32 v43;
	v40 =	vld.idx.msk [tilespmem:v31+s20+$0x0], $0xffff  }
0x1d3: {  	v46 =	vadd.f32 v45, v38;
	v43 =	vsub.f32 v51, v45;
	v41 =	vcvt.s32.f32 v53  }
0x1d4: {  	v45 =	vmul.f32 $4.096000000e+03, v44;
	v38 =	vadd.f32 v48, v49;
	v44 =	vcvt.s32.f32 v42  }
0x1d5: {  	v43 =	vmul.f32 $4.096000000e+03, v43;
	v48 =	vsub.f32 v52, v41;
	v42 =	vcvt.s32.f32 v50  }
0x1d6: {  	v17 =	vmul.f32 $4.096000000e+03, v47;
	_ =	sdelay $0x1  }
0x1d7: {  	v17 =	vadd.f32 v17, v39;
	_ =	sdelay $0x1  }
0x1d8: {  	v18 =	vsub.f32 v37, v44;
	v19 =	vld.idx.msk [tilespmem:v34+s2+$0x0], $0xffff;
	v17 =	vadd.f32 v45, v17  }
0x1d9: {  	v20 =	vtrunc.f32 v40  }
0x1da: {  	v20 =	vcvt.f32.s32 v20;
	v18 =	vmul.f32 $4.096000000e+03, v18;
	v17 =	vadd.f32 v43, v17  }
0x1db: {  	v21 =	vadd.f32 v44, v46;
	v22 =	vmul.f32 $4.096000000e+03, v48  }
0x1dc: {  	v23 =	vsub.f32 v36, v42;
	v20 =	vcvt.s32.f32 v20;
	v17 =	vadd.f32 v18, v17;
	v18 =	vld.idx.msk [tilespmem:v33+s2+$0x0], $0xffff  }
0x1dd: {  	v21 =	vadd.f32 v41, v21;
	v19 =	vadd.f32 v19, v38  }
0x1de: {  	v23 =	vmul.f32 $4.096000000e+03, v23;
	v24 =	vsub.f32 v40, v20;
	v17 =	vadd.f32 v22, v17;
	v22 =	vld.idx.msk [tilespmem:v31+s2+$0x0], $0xffff  }
0x1df: {  	v21 =	vadd.f32 v42, v21;
	v19 =	vadd.f32 v35, v19  }
0x1e0: {  	v24 =	vmul.f32 $4.096000000e+03, v24;
	v17 =	vadd.f32 v23, v17  }
0x1e1: {  	v20 =	vadd.f32 v20, v21;
	v18 =	vadd.f32 v18, v19  }
0x1e2: {  	v17 =	vadd.f32 v24, v17  }
0x1e3: {  	[tilespmem:s6+$0x0] =	vst v20;
	v18 =	vadd.f32 v22, v18  }
0x1e4: {  	[tilespmem:s15+$0x0] =	vst v17  }
0x1e5: {  	[tilespmem:s16+$0x0] =	vst v18  }
0x1e6: {  	s7 =	rddreg [dreg:$0x9];
	s6 =	simm.s32 $0x10000;
	[tilespmem:$0x12800] =	vst v16  }
0x1e7: {  	[spmem:s7] =	stream.linear.scatter [tilespmem:s6], [sflag:$0x5], $0x800, $0x38;
	[tilespmem:$0x17020] =	vst v63  }
0x1e8: {  	_ =	swait.ge [sflag:s5], $0x800  }
0x1e9: {  	[sflag:s5] =	ssyncset.done $0x0  }
0x1ea: {  	s7 =	simm.s32 $0x10800;
	s12 =	rddreg [dreg:$0xa];
	[sflag:s5] =	ssyncadd.s32 $0xFFFFF800  }
0x1eb: {  	[spmem:s12] =	stream.linear.scatter [tilespmem:s7], [sflag:$0x5], $0x800, $0x38;
	[tilespmem:$0x17020] =	vst v63  }
0x1ec: {  	_ =	swait.ge [sflag:s5], $0x800  }
0x1ed: {  	[sflag:s5] =	ssyncset.done $0x0  }
0x1ee: {  	s12 =	simm.s32 $0x11000;
	s13 =	rddreg [dreg:$0xb];
	[sflag:s5] =	ssyncadd.s32 $0xFFFFF800  }
0x1ef: {  	[spmem:s13] =	stream.linear.scatter [tilespmem:s12], [sflag:$0x5], $0x800, $0x38;
	[tilespmem:$0x17020] =	vst v63  }
0x1f0: {  	_ =	swait.ge [sflag:s5], $0x800  }
0x1f1: {  	[sflag:s5] =	ssyncset.done $0x0  }
0x1f2: {  	[sflag:s5] =	ssyncadd.s32 $0xFFFFF800  }
0x1f3: {  	[spmem:s17] =	stream.linear.scatter [tilespmem:s26], [sflag:$0x5], $0x10, $0x38;
	[tilespmem:$0x17020] =	vst v63  }
0x1f4: {  	_ =	swait.ge [sflag:s5], $0x10  }
0x1f5: {  	[sflag:s5] =	ssyncset.done $0x0  }
0x1f6: {  	[sflag:s5] =	ssyncadd.s32 $0xFFFFFFF0  }
0x1f7: {  	[bflag:$0x0] =	sbarrier.arrive $0xFFFF  }
0x1f8: {  	s14 =	rddreg [dreg:$0x18]  }
0x1f9: {  	[tilespmem:s25], [sflag:$0x5] =	stream.linear.gather [spmem:s14], $0x40, $0x38;
	[tilespmem:$0x17020] =	vst v63  }
0x1fa: {  	_ =	swait.ge [sflag:s5], $0x40  }
0x1fb: {  	[sflag:s5] =	ssyncset.done $0x0  }
0x1fc: {  	[sflag:s5] =	ssyncadd.s32 $0xFFFFFFC0  }
0x1fd: {  	v16 =	vld [tilespmem:$0x11800]  }
0x1fe: {  	v17 =	vld [tilespmem:$0x11810]  }
0x1ff: {  	s15 =	rddreg [dreg:$0xc];
	v18 =	vld [tilespmem:$0x11820]  }
0x200: {  	v19 =	vld [tilespmem:$0x11830];
	[tilespmem:s6], [sflag:$0x5] =	stream.linear.gather [spmem:s15], $0x200, $0x38  }
0x201: {  	_ =	swait.ge [sflag:s5], $0x200  }
0x202: {  	[sflag:s5] =	ssyncset.done $0x0  }
0x203: {  	s16 =	rddreg [dreg:$0xd];
	[sflag:s5] =	ssyncadd.s32 $0xFFFFFE00  }
0x204: {  	[tilespmem:s7], [sflag:$0x5] =	stream.linear.gather [spmem:s16], $0x200, $0x38;
	[tilespmem:$0x17020] =	vst v63  }
0x205: {  	_ =	swait.ge [sflag:s5], $0x200  }
0x206: {  	[sflag:s5] =	ssyncset.done $0x0  }
0x207: {  	s18 =	rddreg [dreg:$0xe];
	[sflag:s5] =	ssyncadd.s32 $0xFFFFFE00  }
0x208: {  	[tilespmem:s12], [sflag:$0x5] =	stream.linear.gather [spmem:s18], $0x200, $0x38;
	[tilespmem:$0x17020] =	vst v63  }
0x209: {  	_ =	swait.ge [sflag:s5], $0x200  }
0x20a: {  	[sflag:s5] =	ssyncset.done $0x0;
	s14 =	rddreg [dreg:$0xf]  }
0x20b: {  	s15 =	sld [smem:$0x7E3];
	[sflag:s5] =	ssyncadd.s32 $0xFFFFFE00  }
0x20c: {  	[tilespmem:s25], [sflag:$0x5] =	stream.linear.gather [spmem:s14], $0x80, $0x38;
	[tilespmem:$0x17020] =	vst v63  }
0x20d: {  	s16 =	sld [smem:$0x7E4]  }
0x20e: {  	[tilespmem:s19], [sflag:$0x5] =	stream.linear.gather [spmem:s15], $0x80, $0x38;
	[tilespmem:$0x17020] =	vst v63  }
0x20f: {  	s18 =	sld [smem:$0x7E5]  }
0x210: {  	[tilespmem:s21], [sflag:$0x5] =	stream.linear.gather [spmem:s16], $0x80, $0x38;
	[tilespmem:$0x17020] =	vst v63  }
0x211: {  	_ = 	snop  }
0x212: {  	[tilespmem:s23], [sflag:$0x5] =	stream.linear.gather [spmem:s18], $0x80, $0x38;
	[tilespmem:$0x17020] =	vst v63  }
0x213: {  	_ =	swait.ge [sflag:s5], $0x200  }
0x214: {  	[sflag:s5] =	ssyncset.done $0x0;
	s14 =	rddreg [dreg:$0x10]  }
0x215: {  	s15 =	sld [smem:$0x7E6];
	[sflag:s5] =	ssyncadd.s32 $0xFFFFFE00  }
0x216: {  	[tilespmem:s26], [sflag:$0x5] =	stream.linear.gather [spmem:s14], $0x80, $0x38;
	[tilespmem:$0x17020] =	vst v63  }
0x217: {  	s16 =	sld [smem:$0x7E7];
	s14 =	simm.s32 $0x12C00  }
0x218: {  	[tilespmem:s14], [sflag:$0x5] =	stream.linear.gather [spmem:s15], $0x80, $0x38;
	[tilespmem:$0x17020] =	vst v63  }
0x219: {  	s18 =	simm.s32 $0x13000;
	s14 =	sld [smem:$0x7E8]  }
0x21a: {  	[tilespmem:s18], [sflag:$0x5] =	stream.linear.gather [spmem:s16], $0x80, $0x38;
	[tilespmem:$0x17020] =	vst v63  }
0x21b: {  	s15 =	simm.s32 $0x13400  }
0x21c: {  	[tilespmem:s15], [sflag:$0x5] =	stream.linear.gather [spmem:s14], $0x80, $0x38;
	[tilespmem:$0x17020] =	vst v63  }
0x21d: {  	_ =	swait.ge [sflag:s5], $0x200  }
0x21e: {  	[sflag:s5] =	ssyncset.done $0x0;
	s16 =	rddreg [dreg:$0x11]  }
0x21f: {  	s18 =	sld [smem:$0x7E9];
	[sflag:s5] =	ssyncadd.s32 $0xFFFFFE00  }
0x220: {  	[tilespmem:s28], [sflag:$0x5] =	stream.linear.gather [spmem:s16], $0x80, $0x38;
	[tilespmem:$0x17020] =	vst v63  }
0x221: {  	s14 =	sld [smem:$0x7EA]  }
0x222: {  	[tilespmem:s8], [sflag:$0x5] =	stream.linear.gather [spmem:s18], $0x80, $0x38;
	[tilespmem:$0x17020] =	vst v63  }
0x223: {  	s15 =	sld [smem:$0x7EB]  }
0x224: {  	[tilespmem:s9], [sflag:$0x5] =	stream.linear.gather [spmem:s14], $0x80, $0x38;
	[tilespmem:$0x17020] =	vst v63  }
0x225: {  	_ = 	snop  }
0x226: {  	[tilespmem:s10], [sflag:$0x5] =	stream.linear.gather [spmem:s15], $0x80, $0x38;
	[tilespmem:$0x17020] =	vst v63  }
0x227: {  	_ =	swait.ge [sflag:s5], $0x200  }
0x228: {  	s13 =	simm.s32 $0x0;
	[sflag:s5] =	ssyncset.done $0x0  }
0x229: {  	s16 =	sand.u32 $0x70, s13;
	s18 =	sand.u32 $0xC00, s13;
	[sflag:s5] =	ssyncadd.s32 $0xFFFFFE00  }
0x22a: {  	s15 =	sor.u32 s16, s18;
	v20 =	vld [tilespmem:s6+$0x0]  }
0x22b: {  	v21 =	vld [tilespmem:s15+$0x11800];
	_ =	sdelay $0x4  }
0x22c: {  	v20 =	vadd.f32 v21, v20;
	_ =	sdelay $0x1  }
0x22d: {  	[tilespmem:s6+$0x0] =	vst v20  }
0x22e: {  	v20 =	vld [tilespmem:s7+$0x0]  }
0x22f: {  	v21 =	vld [tilespmem:s15+$0x12800];
	_ =	sdelay $0x4  }
0x230: {  	v20 =	vadd.f32 v21, v20;
	_ =	sdelay $0x1  }
0x231: {  	[tilespmem:s7+$0x0] =	vst v20  }
0x232: {  	v20 =	vld [tilespmem:s12+$0x0]  }
0x233: {  	v21 =	vld [tilespmem:s15+$0x13800];
	_ =	sdelay $0x3  }
0x234: {  	s14 =	simm.s32 $0x10;
	s15 =	simm.s32 $0x11010  }
.LBB2_12:
0x235: {  	v20 =	vadd.f32 v21, v20;
	s13 =	sadd.s32 $0x80, s13;
	s6 =	sadd.s32 $0x10, s6;
	s7 =	sadd.s32 $0x10, s7  }
0x236: {  	p4 =	sne.s32 s14, $0x1F0;
	s16 =	smov.u32 s14;
	s14 =	sadd.s32 $0x10, s14  }
0x237: {  	s16 =	sand.u32 $0x70, s16;
	s18 =	sand.u32 $0xC00, s13;
	[tilespmem:s12+$0x0] =	vst v20;
	s12 =	smov.u32 s15  }
0x238: {  	s16 =	sor.u32 s16, s18;
	v20 =	vld [tilespmem:s6+$0x0]  }
0x239: {  	v21 =	vld [tilespmem:s16+$0x11800];
	_ =	sdelay $0x4  }
0x23a: {  	v20 =	vadd.f32 v21, v20;
	_ =	sdelay $0x1  }
0x23b: {  	[tilespmem:s6+$0x0] =	vst v20  }
0x23c: {  	v20 =	vld [tilespmem:s7+$0x0]  }
0x23d: {  	v21 =	vld [tilespmem:s16+$0x12800];
	_ =	sdelay $0x4  }
0x23e: {  	v20 =	vadd.f32 v21, v20;
	_ =	sdelay $0x1  }
0x23f: {  	[tilespmem:s7+$0x0] =	vst v20  }
0x240: {  	v20 =	vld [tilespmem:s15+$0x0]  }
.Ltmp6:
0x241: {  	v21 =	vld [tilespmem:s16+$0x13800];
	(pc) =	sbr.rel @p4 .LBB2_12-.Ltmp6, $2  }
0x242: {  	_ =	sdelay $0x2  }
0x243: {  	s15 =	sadd.s32 $0x10, s15  }
0x244: {  	v20 =	vadd.f32 v21, v20  }
0x245: {  	s6 =	rddreg [dreg:$0x12]  }
0x246: {  	s7 =	sld [smem:$0x7EC];
	[tilespmem:s12+$0x0] =	vst v20  }
0x247: {  	[tilespmem:s25], [sflag:$0x5] =	stream.linear.gather [spmem:s6], $0x80, $0x38;
	[tilespmem:$0x17020] =	vst v63  }
0x248: {  	s12 =	sld [smem:$0x7ED]  }
0x249: {  	[tilespmem:s19], [sflag:$0x5] =	stream.linear.gather [spmem:s7], $0x80, $0x38;
	[tilespmem:$0x17020] =	vst v63  }
0x24a: {  	s13 =	sld [smem:$0x7EE]  }
0x24b: {  	[tilespmem:s21], [sflag:$0x5] =	stream.linear.gather [spmem:s12], $0x80, $0x38;
	[tilespmem:$0x17020] =	vst v63  }
0x24c: {  	_ = 	snop  }
0x24d: {  	[tilespmem:s23], [sflag:$0x5] =	stream.linear.gather [spmem:s13], $0x80, $0x38;
	[tilespmem:$0x17020] =	vst v63  }
0x24e: {  	_ =	swait.ge [sflag:s5], $0x200  }
0x24f: {  	[sflag:s5] =	ssyncset.done $0x0;
	s14 =	rddreg [dreg:$0x13]  }
0x250: {  	s15 =	sld [smem:$0x7EF];
	[sflag:s5] =	ssyncadd.s32 $0xFFFFFE00  }
0x251: {  	[tilespmem:s26], [sflag:$0x5] =	stream.linear.gather [spmem:s14], $0x80, $0x38;
	[tilespmem:$0x17020] =	vst v63  }
0x252: {  	s7 =	simm.s32 $0x12C00;
	s16 =	sld [smem:$0x7F0]  }
0x253: {  	[tilespmem:s7], [sflag:$0x5] =	stream.linear.gather [spmem:s15], $0x80, $0x38;
	[tilespmem:$0x17020] =	vst v63  }
0x254: {  	s18 =	simm.s32 $0x13000;
	s7 =	sld [smem:$0x7F1]  }
0x255: {  	[tilespmem:s18], [sflag:$0x5] =	stream.linear.gather [spmem:s16], $0x80, $0x38;
	[tilespmem:$0x17020] =	vst v63  }
0x256: {  	s12 =	simm.s32 $0x13400  }
0x257: {  	[tilespmem:s12], [sflag:$0x5] =	stream.linear.gather [spmem:s7], $0x80, $0x38;
	[tilespmem:$0x17020] =	vst v63  }
0x258: {  	_ =	swait.ge [sflag:s5], $0x200  }
0x259: {  	[sflag:s5] =	ssyncset.done $0x0;
	s13 =	rddreg [dreg:$0x14]  }
0x25a: {  	s14 =	sld [smem:$0x7F2];
	[sflag:s5] =	ssyncadd.s32 $0xFFFFFE00  }
0x25b: {  	[tilespmem:s28], [sflag:$0x5] =	stream.linear.gather [spmem:s13], $0x80, $0x38;
	[tilespmem:$0x17020] =	vst v63  }
0x25c: {  	s15 =	sld [smem:$0x7F3]  }
0x25d: {  	[tilespmem:s8], [sflag:$0x5] =	stream.linear.gather [spmem:s14], $0x80, $0x38;
	[tilespmem:$0x17020] =	vst v63  }
0x25e: {  	s16 =	sld [smem:$0x7F4]  }
0x25f: {  	[tilespmem:s9], [sflag:$0x5] =	stream.linear.gather [spmem:s15], $0x80, $0x38;
	[tilespmem:$0x17020] =	vst v63  }
0x260: {  	_ = 	snop  }
0x261: {  	[tilespmem:s10], [sflag:$0x5] =	stream.linear.gather [spmem:s16], $0x80, $0x38;
	[tilespmem:$0x17020] =	vst v63  }
0x262: {  	s6 =	simm.s32 $0x0;
	_ =	swait.ge [sflag:s5], $0x200  }
0x263: {  	s18 =	sand.u32 $0x70, s6;
	[sflag:s5] =	ssyncset.done $0x0  }
0x264: {  	s7 =	simm.s32 $0x10000;
	s13 =	sand.u32 $0xC00, s6;
	[sflag:s5] =	ssyncadd.s32 $0xFFFFFE00  }
0x265: {  	s15 =	sor.u32 s18, s13;
	v20 =	vld [tilespmem:s7+$0x0]  }
0x266: {  	v21 =	vld [tilespmem:s15+$0x11800];
	_ =	sdelay $0x4  }
0x267: {  	v20 =	vadd.f32 v21, v20;
	_ =	sdelay $0x1  }
0x268: {  	s12 =	simm.s32 $0x10800;
	[tilespmem:s7+$0x0] =	vst v20  }
0x269: {  	v20 =	vld [tilespmem:s12+$0x0]  }
0x26a: {  	v21 =	vld [tilespmem:s15+$0x12800];
	_ =	sdelay $0x4  }
0x26b: {  	v20 =	vadd.f32 v21, v20;
	_ =	sdelay $0x1  }
0x26c: {  	s13 =	simm.s32 $0x11000;
	[tilespmem:s12+$0x0] =	vst v20  }
0x26d: {  	v20 =	vld [tilespmem:s13+$0x0]  }
0x26e: {  	v21 =	vld [tilespmem:s15+$0x13800];
	_ =	sdelay $0x3  }
0x26f: {  	s14 =	simm.s32 $0x10;
	s15 =	simm.s32 $0x11010  }
.LBB2_14:
0x270: {  	v20 =	vadd.f32 v21, v20;
	s6 =	sadd.s32 $0x80, s6;
	s7 =	sadd.s32 $0x10, s7;
	s12 =	sadd.s32 $0x10, s12  }
0x271: {  	p4 =	sne.s32 s14, $0x1F0;
	s16 =	smov.u32 s14;
	s14 =	sadd.s32 $0x10, s14  }
0x272: {  	s16 =	sand.u32 $0x70, s16;
	s18 =	sand.u32 $0xC00, s6;
	[tilespmem:s13+$0x0] =	vst v20;
	s13 =	smov.u32 s15  }
0x273: {  	s16 =	sor.u32 s16, s18;
	v20 =	vld [tilespmem:s7+$0x0]  }
0x274: {  	v21 =	vld [tilespmem:s16+$0x11800];
	_ =	sdelay $0x4  }
0x275: {  	v20 =	vadd.f32 v21, v20;
	_ =	sdelay $0x1  }
0x276: {  	[tilespmem:s7+$0x0] =	vst v20  }
0x277: {  	v20 =	vld [tilespmem:s12+$0x0]  }
0x278: {  	v21 =	vld [tilespmem:s16+$0x12800];
	_ =	sdelay $0x4  }
0x279: {  	v20 =	vadd.f32 v21, v20;
	_ =	sdelay $0x1  }
0x27a: {  	[tilespmem:s12+$0x0] =	vst v20  }
0x27b: {  	v20 =	vld [tilespmem:s15+$0x0]  }
.Ltmp7:
0x27c: {  	v21 =	vld [tilespmem:s16+$0x13800];
	(pc) =	sbr.rel @p4 .LBB2_14-.Ltmp7, $2  }
0x27d: {  	_ =	sdelay $0x2  }
0x27e: {  	s15 =	sadd.s32 $0x10, s15  }
0x27f: {  	v20 =	vadd.f32 v21, v20  }
0x280: {  	s6 =	rddreg [dreg:$0x15]  }
0x281: {  	s16 =	sld [smem:$0x7F5];
	[tilespmem:s13+$0x0] =	vst v20  }
0x282: {  	[tilespmem:s25], [sflag:$0x5] =	stream.linear.gather [spmem:s6], $0x80, $0x38;
	[tilespmem:$0x17020] =	vst v63  }
0x283: {  	s18 =	sld [smem:$0x7F6]  }
0x284: {  	[tilespmem:s19], [sflag:$0x5] =	stream.linear.gather [spmem:s16], $0x80, $0x38;
	[tilespmem:$0x17020] =	vst v63  }
0x285: {  	s19 =	sld [smem:$0x7F7]  }
0x286: {  	[tilespmem:s21], [sflag:$0x5] =	stream.linear.gather [spmem:s18], $0x80, $0x38;
	[tilespmem:$0x17020] =	vst v63  }
0x287: {  	_ = 	snop  }
0x288: {  	[tilespmem:s23], [sflag:$0x5] =	stream.linear.gather [spmem:s19], $0x80, $0x38;
	[tilespmem:$0x17020] =	vst v63  }
0x289: {  	_ =	swait.ge [sflag:s5], $0x200  }
0x28a: {  	[sflag:s5] =	ssyncset.done $0x0;
	s21 =	rddreg [dreg:$0x16]  }
0x28b: {  	s23 =	sld [smem:$0x7F8];
	[sflag:s5] =	ssyncadd.s32 $0xFFFFFE00  }
0x28c: {  	[tilespmem:s26], [sflag:$0x5] =	stream.linear.gather [spmem:s21], $0x80, $0x38;
	[tilespmem:$0x17020] =	vst v63  }
0x28d: {  	s7 =	simm.s32 $0x12C00;
	s12 =	sld [smem:$0x7F9]  }
0x28e: {  	[tilespmem:s7], [sflag:$0x5] =	stream.linear.gather [spmem:s23], $0x80, $0x38;
	[tilespmem:$0x17020] =	vst v63  }
0x28f: {  	s13 =	simm.s32 $0x13000;
	s14 =	sld [smem:$0x7FA]  }
0x290: {  	[tilespmem:s13], [sflag:$0x5] =	stream.linear.gather [spmem:s12], $0x80, $0x38;
	[tilespmem:$0x17020] =	vst v63  }
0x291: {  	s15 =	simm.s32 $0x13400  }
0x292: {  	[tilespmem:s15], [sflag:$0x5] =	stream.linear.gather [spmem:s14], $0x80, $0x38;
	[tilespmem:$0x17020] =	vst v63  }
0x293: {  	_ =	swait.ge [sflag:s5], $0x200  }
0x294: {  	[sflag:s5] =	ssyncset.done $0x0;
	s16 =	rddreg [dreg:$0x17]  }
0x295: {  	s18 =	sld [smem:$0x7FB];
	[sflag:s5] =	ssyncadd.s32 $0xFFFFFE00  }
0x296: {  	[tilespmem:s28], [sflag:$0x5] =	stream.linear.gather [spmem:s16], $0x80, $0x38;
	[tilespmem:$0x17020] =	vst v63  }
0x297: {  	s19 =	sld [smem:$0x7FC]  }
0x298: {  	[tilespmem:s8], [sflag:$0x5] =	stream.linear.gather [spmem:s18], $0x80, $0x38;
	[tilespmem:$0x17020] =	vst v63  }
0x299: {  	s21 =	sld [smem:$0x7FD]  }
0x29a: {  	[tilespmem:s9], [sflag:$0x5] =	stream.linear.gather [spmem:s19], $0x80, $0x38;
	[tilespmem:$0x17020] =	vst v63  }
0x29b: {  	_ = 	snop  }
0x29c: {  	[tilespmem:s10], [sflag:$0x5] =	stream.linear.gather [spmem:s21], $0x80, $0x38;
	[tilespmem:$0x17020] =	vst v63  }
0x29d: {  	_ =	swait.ge [sflag:s5], $0x200  }
0x29e: {  	s6 =	simm.s32 $0x0;
	s7 =	simm.s32 $0x10000;
	[sflag:s5] =	ssyncset.done $0x0  }
0x29f: {  	s23 =	sand.u32 $0xC00, s6;
	s12 =	sand.u32 $0x70, s6;
	[sflag:s5] =	ssyncadd.s32 $0xFFFFFE00  }
0x2a0: {  	s15 =	sor.u32 s12, s23;
	v20 =	vld [tilespmem:s7+$0x0]  }
0x2a1: {  	v21 =	vld [tilespmem:s15+$0x11800];
	_ =	sdelay $0x4  }
0x2a2: {  	v20 =	vadd.f32 v21, v20;
	_ =	sdelay $0x1  }
0x2a3: {  	s12 =	simm.s32 $0x10800;
	[tilespmem:s7+$0x0] =	vst v20  }
0x2a4: {  	v20 =	vld [tilespmem:s12+$0x0]  }
0x2a5: {  	v21 =	vld [tilespmem:s15+$0x12800];
	_ =	sdelay $0x4  }
0x2a6: {  	v20 =	vadd.f32 v21, v20;
	_ =	sdelay $0x1  }
0x2a7: {  	s13 =	simm.s32 $0x11000;
	[tilespmem:s12+$0x0] =	vst v20  }
0x2a8: {  	v20 =	vld [tilespmem:s13+$0x0]  }
0x2a9: {  	v21 =	vld [tilespmem:s15+$0x13800];
	_ =	sdelay $0x3  }
0x2aa: {  	s14 =	simm.s32 $0x10;
	s15 =	simm.s32 $0x11010  }
.LBB2_16:
0x2ab: {  	v20 =	vadd.f32 v21, v20;
	s6 =	sadd.s32 $0x80, s6;
	s7 =	sadd.s32 $0x10, s7;
	s12 =	sadd.s32 $0x10, s12  }
0x2ac: {  	p4 =	sne.s32 s14, $0x1F0;
	s16 =	smov.u32 s14;
	s14 =	sadd.s32 $0x10, s14  }
0x2ad: {  	s16 =	sand.u32 $0x70, s16;
	s18 =	sand.u32 $0xC00, s6;
	[tilespmem:s13+$0x0] =	vst v20;
	s13 =	smov.u32 s15  }
0x2ae: {  	s16 =	sor.u32 s16, s18;
	v20 =	vld [tilespmem:s7+$0x0]  }
0x2af: {  	v21 =	vld [tilespmem:s16+$0x11800];
	_ =	sdelay $0x4  }
0x2b0: {  	v20 =	vadd.f32 v21, v20;
	_ =	sdelay $0x1  }
0x2b1: {  	[tilespmem:s7+$0x0] =	vst v20  }
0x2b2: {  	v20 =	vld [tilespmem:s12+$0x0]  }
0x2b3: {  	v21 =	vld [tilespmem:s16+$0x12800];
	_ =	sdelay $0x4  }
0x2b4: {  	v20 =	vadd.f32 v21, v20;
	_ =	sdelay $0x1  }
0x2b5: {  	[tilespmem:s12+$0x0] =	vst v20  }
0x2b6: {  	v20 =	vld [tilespmem:s15+$0x0]  }
.Ltmp8:
0x2b7: {  	v21 =	vld [tilespmem:s16+$0x13800];
	(pc) =	sbr.rel @p4 .LBB2_16-.Ltmp8, $2  }
0x2b8: {  	_ =	sdelay $0x2  }
0x2b9: {  	s15 =	sadd.s32 $0x10, s15  }
0x2ba: {  	v20 =	vadd.f32 v21, v20;
	_ =	sdelay $0x1  }
0x2bb: {  	s7 =	simm.s32 $0x0;
	[tilespmem:s13+$0x0] =	vst v20  }
0x2bc: {  	v21 =	vld [tilespmem:s7+$0x10800]  }
0x2bd: {  	s6 =	simm.s32 $0x40;
	v22 =	vimm.f32 $0.0e+00;
	v20 =	vimm.f32 $0.0e+00;
	v23 =	vld [tilespmem:s7+$0x10000]  }
.LBB2_18:
0x2be: {  	p4 =	sne.s32 s6, $0x7C0  }
.Ltmp9:
0x2bf: {  	_ = 	snop;
	(pc) =	sbr.rel @p4 .LBB2_18-.Ltmp9, $4  }
0x2c0: {  	_ = 	snop  }
0x2c1: {  	s7 =	sshra.s32 s6, $0x2;
	s6 =	sadd.s32 $0x40, s6;
	v20 =	vadd.f32 v21, v20  }
0x2c2: {  	v21 =	vld [tilespmem:s7+$0x10800];
	v22 =	vadd.f32 v23, v22  }
0x2c3: {  	v23 =	vld [tilespmem:s7+$0x10000]  }
0x2c4: {  	v16 =	vadd.f32 v17, v16;
	_ =	sdelay $0x1  }
0x2c5: {  	v16 =	vadd.f32 v18, v16;
	_ =	sdelay $0x1  }
0x2c6: {  	v16 =	vadd.f32 v19, v16  }
0x2c7: {  	v17 =	vadd.f32 v23, v22  }
0x2c8: {  	v18 =	vadd.f32 v21, v20;
	(xrf2) =	vadd.scan.msk.f32 $0xffff, v16  }
0x2c9: {  	(xrf2) =	vadd.scan.msk.f32 $0xffff, v17  }
0x2ca: {  	(xrf2) =	vadd.scan.msk.f32 $0xffff, v18;
	_ =	sdelay $0x7  }
0x2cb: {  	v16, _, _ =	vpop (xrf2)  }
0x2cc: {  	v17, _, _ =	vpop (xrf2)  }
0x2cd: {  	v18, _, _ =	vpop (xrf2)  }
0x2ce: {  	v18 =	vbroadcast v18, $0xF  }
0x2cf: {  	v17 =	vbroadcast v17, $0xF  }
0x2d0: {  	v18 =	vnsel vm0, $0x0, v18  }
0x2d1: {  	v17 =	vsel vm1, v18, v17  }
0x2d2: {  	s6 =	rddreg [dreg:$0x19];
	[tilespmem:$0x12800] =	vst v17  }
0x2d3: {  	[spmem:s6] =	stream.linear.scatter [tilespmem:s26], [sflag:$0x5], $0x10, $0x38;
	[tilespmem:$0x17020] =	vst v63  }
0x2d4: {  	_ =	swait.ge [sflag:s5], $0x10  }
0x2d5: {  	[sflag:s5] =	ssyncset.done $0x0  }
0x2d6: {  	[sflag:s5] =	ssyncadd.s32 $0xFFFFFFF0  }
0x2d7: {  	[bflag:$0x0] =	sbarrier.arrive $0xFFFF  }
0x2d8: {  	s21 =	rddreg [dreg:$0x1a]  }
0x2d9: {  	[tilespmem:s25], [sflag:$0x5] =	stream.linear.gather [spmem:s21], $0x40, $0x38;
	[tilespmem:$0x17020] =	vst v63  }
0x2da: {  	_ =	swait.ge [sflag:s5], $0x40  }
0x2db: {  	[sflag:s5] =	ssyncset.done $0x0  }
0x2dc: {  	[sflag:s5] =	ssyncadd.s32 $0xFFFFFFC0  }
0x2dd: {  	s16 =	simm.s32 $0x1F0;
	v17 =	vld [tilespmem:$0x11810]  }
0x2de: {  	v20 =	vld [tilespmem:s16+$0x10000]  }
0x2df: {  	v18 =	vld [tilespmem:$0x11820]  }
0x2e0: {  	v23 =	vld [tilespmem:s16+$0x10800];
	_ =	sdelay $0x1  }
0x2e1: {  	v19 =	vld [tilespmem:$0x11830];
	(v2sf) =	vpush v17, $0x0  }
0x2e2: {  	(xrf2) =	vadd.scan.msk.f32 $0xffff, v20;
	(v2sf) =	vpush v17, $0x1  }
0x2e3: {  	(v2sf) =	vpush v18, $0x0  }
0x2e4: {  	s14 =	simm.s32 $0x1E0;
	(xrf2) =	vadd.scan.msk.f32 $0xffff, v23;
	(v2sf) =	vpush v18, $0x1  }
0x2e5: {  	v21 =	vld [tilespmem:s14+$0x10000]  }
0x2e6: {  	(v2sf) =	vpush v19, $0x0  }
0x2e7: {  	(v2sf) =	vpush v19, $0x1  }
0x2e8: {  	v25 =	vld [tilespmem:s14+$0x10800];
	_ =	sdelay $0x1  }
0x2e9: {  	(xrf2) =	vadd.scan.msk.f32 $0xffff, v21;
	_ =	sdelay $0x1  }
0x2ea: {  	v17, _, _ =	vpop (xrf2)  }
0x2eb: {  	s6 =	simm.s32 $0x1D0;
	(xrf2) =	vadd.scan.msk.f32 $0xffff, v25;
	(v2sf) =	vpush v17, $0xF  }
0x2ec: {  	v18 =	vld [tilespmem:s6+$0x10000];
	v26, _, _ =	vpop (xrf2)  }
0x2ed: {  	v24 =	vld [tilespmem:s6+$0x10800];
	(v2sf) =	vpush v26, $0xF  }
0x2ee: {  	s7 =	spop (v2sf)  }
0x2ef: {  	s12 =	spop (v2sf);
	s7 =	sadd.f32 $0.0e+00, s7  }
0x2f0: {  	s13 =	spop (v2sf);
	s12 =	sadd.f32 $0.0e+00, s12  }
0x2f1: {  	(xrf2) =	vadd.scan.msk.f32 $0xffff, v18;
	s15 =	spop (v2sf)  }
0x2f2: {  	v27, _, _ =	vpop (xrf2);
	(xrf2) =	vadd.scan.msk.f32 $0xffff, v24;
	s7 =	simm.s32 @!p2 $0x0;
	s13 =	simm.s32 @!p1 $0x0;
	s12 =	simm.s32 @!p2 $0x0  }
0x2f3: {  	s7 =	sadd.f32 s13, s7;
	s13 =	spop (v2sf);
	s15 =	simm.s32 @!p1 $0x0  }
0x2f4: {  	(v2sf) =	vpush v27, $0xF;
	s18 =	spop (v2sf);
	s12 =	sadd.f32 s15, s12  }
0x2f5: {  	v28, _, _ =	vpop (xrf2);
	s18 =	simm.s32 @p0 $0x0  }
0x2f6: {  	(v2sf) =	vpush v28, $0xF;
	s23 =	sadd.f32 s18, s12;
	s12 =	simm.s32 $0x1C0  }
0x2f7: {  	v19 =	vld [tilespmem:s12+$0x10000]  }
0x2f8: {  	s13 =	simm.s32 @p0 $0x0  }
0x2f9: {  	s7 =	sadd.f32 s13, s7  }
0x2fa: {  	s15 =	spop (v2sf)  }
0x2fb: {  	v41, _, _ =	vpop (xrf2);
	s7 =	sadd.f32 s15, s7  }
0x2fc: {  	v33, _, _ =	vpop (xrf2);
	v22 =	vld [tilespmem:s12+$0x10800];
	s18 =	spop (v2sf);
	(xrf2) =	vadd.scan.msk.f32 $0xffff, v19  }
0x2fd: {  	s13 =	simm.s32 $0x1B0;
	s15 =	sadd.f32 s18, s23;
	v35 =	vsub.f32 s7, v17  }
0x2fe: {  	v16 =	vbroadcast v16, $0xF;
	(v2sf) =	vpush v41, $0xF;
	v17 =	vld [tilespmem:s13+$0x10000]  }
0x2ff: {  	v26 =	vsub.f32 s15, v26;
	v30 =	vadd.f32 v35, v20  }
0x300: {  	(v2sf) =	vpush v33, $0xF;
	v29 =	vadd.f32 v35, v16  }
0x301: {  	(xrf2) =	vadd.scan.msk.f32 $0xffff, v22;
	v37 =	vadd.f32 v26, v23;
	v23 =	vadd.f32 v30, v16  }
0x302: {  	v29 =	vsub.f32 v29, v26  }
0x303: {  	s19 =	spop (v2sf);
	(xrf2) =	vadd.scan.msk.f32 $0xffff, v17;
	v23 =	vsub.f32 v23, v37  }
0x304: {  	s18 =	sadd.f32 s19, s7;
	v29 =	vmax.f32 v29, $1.000000000e+00  }
0x305: {  	(erf) = vrcp.f32 v29;
	s21 =	spop (v2sf);
	v23 =	vmax.f32 v23, $1.000000000e+00  }
0x306: {  	v27 =	vsub.f32 s18, v27;
	s19 =	sadd.f32 s21, s15;
	(erf) = vrcp.f32 v23;
	v31, _, _ =	vpop (xrf2)  }
0x307: {  	v23 =	vld [tilespmem:s13+$0x10800];
	(v2sf) =	vpush v31, $0xF  }
0x308: {  	v34 =	vsub.f32 s19, v28;
	v28 =	vadd.f32 v27, v16  }
0x309: {  	v29 =	vadd.f32 v27, v21  }
0x30a: {  	v28 =	vsub.f32 v28, v34  }
0x30b: {  	s7 =	simm.s32 $0x1A0;
	v38 =	vadd.f32 v29, v16;
	v32, _, _ =	vpop (xrf2);
	v36 =	vadd.f32 v34, v25;
	v25 =	vmax.f32 v20, $1.000000000e+00  }
0x30c: {  	(v2sf) =	vpush v32, $0xF;
	v20 =	vld [tilespmem:s7+$0x10000];
	(erf) = vrcp.f32 v25;
	v28 =	vmax.f32 v28, $1.000000000e+00;
	(xrf2) =	vadd.scan.msk.f32 $0xffff, v23  }
0x30d: {  	v39 =	vsub.f32 v16, v26;
	v25 =	vsub.f32 v16, v37;
	v37, _, _ =	vpop (xrf2)  }
0x30e: {  	s23 =	spop (v2sf);
	v38 =	vsub.f32 v38, v36;
	v42 =	vpop (erf);
	(v2sf) =	vpush v37, $0xF  }
0x30f: {  	s15 =	sadd.f32 s23, s18;
	(erf) = vrcp.f32 v28;
	v28 =	vpop (erf)  }
0x310: {  	s21 =	spop (v2sf);
	v43 =	vmax.f32 v38, $1.000000000e+00;
	v38 =	vld [tilespmem:s16+$0x11000];
	v39 =	vmul.f32 v42, v39;
	v40 =	vmul.f32 v28, v25  }
0x311: {  	v26 =	vimm.f32 $0.0e+00;
	s18 =	simm.s32 $0x640;
	s16 =	sadd.f32 s21, s19;
	(xrf2) =	vadd.scan.msk.f32 $0xffff, v20;
	(erf) = vrcp.f32 v43;
	v25 =	vld [tilespmem:s7+$0x10800];
	v28 =	vsub.f32 s15, v41  }
.LBB2_20:
0x312: {  	v41 =	vmax.f32 v21, $1.000000000e+00;
	v43 =	vsub.f32 $1.000000000e+00, v40;
	v39 =	vsub.f32 $1.000000000e+00, v39  }
0x313: {  	p4 =	sne.s32 s18, $0x0;
	v21 =	vmovc v18;
	v18 =	vmovc v19;
	v19 =	vmov v17;
	v17 =	vmov v20;
	v42 =	vmov v37;
	s19 =	smov.u32 s7  }
0x314: {  	vm2 =	vgt.f32 v30, $0.0e+00;
	vm3 =	vgt.f32 v35, $0.0e+00;
	v30 =	vmovc v29;
	v37 =	vsub.f32 s16, v33;
	v33 =	vmovc v32  }
0x315: {  	v35 =	vadd.f32 v28, v16;
	v20 =	vnsel vm2, $0x0, v43;
	v39 =	vnsel vm3, $0x0, v39;
	v40 =	vpop (erf)  }
0x316: {  	v29 =	vadd.f32 v28, v21;
	v32, _, _ =	vpop (xrf2);
	s21 =	spop (v2sf);
	v38 =	vmul.f32 v40, v38;
	v39 =	vsub.f32 v20, v39  }
0x317: {  	s7 =	sshra.s32 s18, $0x2;
	v40 =	vadd.f32 v37, v24;
	v24 =	vmovc v22;
	(xrf2) =	vadd.scan.msk.f32 $0xffff, v25;
	(v2sf) =	vpush v32, $0xF;
	(erf) = vrcp.f32 v41  }
0x318: {  	v45 =	vsub.f32 v35, v37;
	v22 =	vmovc v23;
	v41 =	vadd.f32 v29, v16;
	v20 =	vld [tilespmem:s7+$0x10000];
	v38 =	vmul.f32 v39, v38  }
.Ltmp10:
0x319: {  	v43 =	vsub.f32 v16, v34;
	v34 =	vmov v37;
	v39 =	vsub.f32 v16, v36;
	v44 =	vpop (erf);
	(pc) =	sbr.rel @p4 .LBB2_20-.Ltmp10, $4  }
0x31a: {  	v23 =	vmovc v25;
	v45 =	vmax.f32 v45, $1.000000000e+00;
	v36 =	vmovc v40;
	v41 =	vsub.f32 v41, v40;
	v26 =	vadd.f32 v38, v26  }
0x31b: {  	s15 =	sadd.f32 s21, s15;
	v35 =	vmov v27;
	v27 =	vmov v28;
	s21 =	spop (v2sf);
	(erf) = vrcp.f32 v45;
	v25 =	vpop (erf)  }
0x31c: {  	v41 =	vmax.f32 v41, $1.000000000e+00;
	v37, _, _ =	vpop (xrf2);
	v38 =	vld [tilespmem:s14+$0x11000];
	v40 =	vmul.f32 v25, v39;
	v39 =	vmul.f32 v44, v43;
	s14 =	smov.u32 s6;
	s6 =	smov.u32 s12;
	s12 =	smov.u32 s13  }
0x31d: {  	s18 =	sadd.s32 $0xFFFFFFC0, s18;
	v28 =	vsub.f32 s15, v31;
	v31 =	vmovc v42;
	s16 =	sadd.f32 s21, s16;
	s13 =	smov.u32 s19;
	v25 =	vld [tilespmem:s7+$0x10800];
	(xrf2) =	vadd.scan.msk.f32 $0xffff, v20;
	(v2sf) =	vpush v37, $0xF;
	(erf) = vrcp.f32 v41  }
0x31e: {  	_ =	sdelay $0x3  }
0x31f: {  	(xrf2) =	vadd.scan.msk.f32 $0xffff, v25;
	_ =	sdelay $0x3  }
0x320: {  	v43 =	vadd.f32 v28, v16  }
0x321: {  	v41, _, _ =	vpop (xrf2)  }
0x322: {  	v33 =	vsub.f32 s16, v33;
	(v2sf) =	vpush v41, $0xF  }
0x323: {  	v40 =	vsub.f32 $1.000000000e+00, v40;
	v21 =	vmax.f32 v21, $1.000000000e+00;
	v39 =	vsub.f32 $1.000000000e+00, v39  }
0x324: {  	vm2 =	vgt.f32 v30, $0.0e+00;
	v36 =	vsub.f32 v16, v36;
	v52 =	vsub.f32 v43, v33;
	v43, _, _ =	vpop (xrf2)  }
0x325: {  	v34 =	vsub.f32 v16, v34;
	vm3 =	vgt.f32 v35, $0.0e+00;
	(v2sf) =	vpush v43, $0xF  }
0x326: {  	s18 =	spop (v2sf);
	v42 =	vadd.f32 v28, v18;
	(erf) = vrcp.f32 v21;
	v55 =	vnsel vm2, $0x0, v40;
	v46, _, _ =	vpop (xrf2)  }
0x327: {  	s15 =	sadd.f32 s18, s15;
	v35 =	vnsel vm3, $0x0, v39;
	vm2 =	vgt.f32 v29, $0.0e+00;
	(v2sf) =	vpush v46, $0xF  }
0x328: {  	v44 =	vpop (erf);
	vm3 =	vgt.f32 v27, $0.0e+00;
	v24 =	vadd.f32 v33, v24;
	v45 =	vadd.f32 v42, v16  }
0x329: {  	v40 =	vmax.f32 v18, $1.000000000e+00;
	v31 =	vsub.f32 s15, v31;
	v57 =	vmul.f32 v44, v38  }
0x32a: {  	v47 =	vsub.f32 v16, v33;
	v45 =	vsub.f32 v45, v24;
	v30 =	vmax.f32 v52, $1.000000000e+00  }
0x32b: {  	v29 =	vadd.f32 v31, v19;
	v60 =	vadd.f32 v31, v16;
	v53 =	vpop (erf);
	(erf) = vrcp.f32 v30  }
0x32c: {  	v56 =	vld [tilespmem:s14+$0x11000];
	v45 =	vmax.f32 v45, $1.000000000e+00;
	v21 =	vmul.f32 v53, v34;
	v34 =	vsub.f32 v55, v35;
	s19 =	spop (v2sf)  }
0x32d: {  	v24 =	vsub.f32 v16, v24;
	v52 =	vmax.f32 v19, $1.000000000e+00;
	v54 =	vpop (erf);
	(erf) = vrcp.f32 v45;
	s21 =	sadd.f32 s19, s16  }
0x32e: {  	v30 =	vmul.f32 v54, v36;
	v21 =	vsub.f32 $1.000000000e+00, v21;
	v59 =	vmul.f32 v34, v57  }
0x32f: {  	v63 =	vadd.f32 v29, v16;
	(erf) = vrcp.f32 v40;
	v32 =	vsub.f32 s21, v32;
	s23 =	spop (v2sf)  }
0x330: {  	v61 =	vpop (erf);
	v30 =	vsub.f32 $1.000000000e+00, v30;
	v21 =	vnsel vm3, $0x0, v21;
	v26 =	vadd.f32 v59, v26;
	s15 =	sadd.f32 s23, s15  }
0x331: {  	v62 =	vmul.f32 v61, v56;
	v22 =	vadd.f32 v32, v22;
	v34 =	vsub.f32 v60, v32;
	s18 =	spop (v2sf)  }
0x332: {  	vm3 =	vgt.f32 v28, $0.0e+00;
	v58 =	vnsel vm2, $0x0, v30;
	v30 =	vsub.f32 s15, v37;
	s14 =	sadd.f32 s18, s21  }
0x333: {  	v21 =	vsub.f32 v58, v21;
	v49 =	vsub.f32 v63, v22;
	v34 =	vmax.f32 v34, $1.000000000e+00  }
0x334: {  	(erf) = vrcp.f32 v34;
	v34 =	vadd.f32 v30, v17;
	v51 =	vsub.f32 s14, v41;
	s19 =	spop (v2sf)  }
0x335: {  	vm2 =	vgt.f32 v42, $0.0e+00;
	v22 =	vsub.f32 v16, v22;
	v53 =	vadd.f32 v30, v16;
	s15 =	sadd.f32 s19, s15  }
0x336: {  	v50 =	vmax.f32 v49, $1.000000000e+00;
	v54 =	vadd.f32 v34, v16;
	v23 =	vadd.f32 v51, v23;
	s21 =	spop (v2sf)  }
0x337: {  	(erf) = vrcp.f32 v50;
	v33 =	vsub.f32 v53, v51;
	v35 =	vsub.f32 s15, v43;
	s14 =	sadd.f32 s21, s14  }
0x338: {  	v45 =	vmul.f32 v21, v62;
	(erf) = vrcp.f32 v52;
	v55 =	vsub.f32 v54, v23  }
0x339: {  	v33 =	vmax.f32 v33, $1.000000000e+00;
	v37 =	vadd.f32 v35, v20;
	v36 =	vsub.f32 s14, v46  }
0x33a: {  	v44 =	vpop (erf);
	(erf) = vrcp.f32 v33;
	v19 =	vmax.f32 v55, $1.000000000e+00;
	v56 =	vadd.f32 v35, v16  }
0x33b: {  	v57 =	vld [tilespmem:s6+$0x11000];
	v48 =	vpop (erf);
	(erf) = vrcp.f32 v19;
	v59 =	vadd.f32 v37, v16;
	v58 =	vadd.f32 v36, v25  }
0x33c: {  	v21 =	vmul.f32 v44, v47;
	v62 =	vsub.f32 v16, v32;
	v28 =	vsub.f32 v56, v36  }
0x33d: {  	v24 =	vmul.f32 v48, v24;
	v17 =	vmax.f32 v17, $1.000000000e+00;
	v60 =	vsub.f32 v59, v58  }
0x33e: {  	v21 =	vsub.f32 $1.000000000e+00, v21;
	v61 =	vpop (erf);
	(erf) = vrcp.f32 v17;
	v17 =	vmax.f32 v28, $1.000000000e+00  }
0x33f: {  	v18 =	vadd.f32 v45, v26;
	v63 =	vpop (erf);
	(erf) = vrcp.f32 v17;
	v17 =	vmax.f32 v60, $1.000000000e+00  }
0x340: {  	v40 =	vmul.f32 v61, v57;
	v24 =	vsub.f32 $1.000000000e+00, v24;
	v41 =	vpop (erf);
	(erf) = vrcp.f32 v17  }
0x341: {  	v39 =	vnsel vm3, $0x0, v21;
	vm3 =	vgt.f32 v31, $0.0e+00;
	v42 =	vmul.f32 v41, v22  }
0x342: {  	v24 =	vnsel vm2, $0x0, v24;
	v47 =	vsub.f32 v16, v51;
	v43 =	vmul.f32 v63, v62;
	v45 =	vpop (erf)  }
0x343: {  	vm2 =	vgt.f32 v29, $0.0e+00;
	v23 =	vsub.f32 v16, v23;
	v19 =	vsub.f32 $1.000000000e+00, v42;
	v48 =	vpop (erf)  }
0x344: {  	v22 =	vsub.f32 $1.000000000e+00, v43;
	v46 =	vmax.f32 v20, $1.000000000e+00;
	v54 =	vmul.f32 v48, v47;
	v49 =	vpop (erf)  }
0x345: {  	v50 =	vnsel vm2, $0x0, v19;
	v20 =	vmul.f32 v49, v23;
	(erf) = vrcp.f32 v46  }
0x346: {  	v44 =	vld [tilespmem:s12+$0x11000];
	v51 =	vnsel vm3, $0x0, v22;
	vm2 =	vgt.f32 v34, $0.0e+00;
	v17 =	vsub.f32 v24, v39  }
0x347: {  	v53 =	vld [tilespmem:s13+$0x11000];
	vm3 =	vgt.f32 v30, $0.0e+00;
	v52 =	vpop (erf);
	v23 =	vsub.f32 $1.000000000e+00, v54;
	v20 =	vsub.f32 $1.000000000e+00, v20  }
0x348: {  	v55 =	vsub.f32 v16, v58;
	v16 =	vsub.f32 v16, v36;
	v17 =	vmul.f32 v17, v40;
	v56 =	vpop (erf)  }
0x349: {  	v59 =	vnsel vm3, $0x0, v23;
	v20 =	vnsel vm2, $0x0, v20;
	v57 =	vpop (erf)  }
0x34a: {  	v58 =	vld [tilespmem:s7+$0x11000];
	v17 =	vadd.f32 v17, v18;
	v16 =	vmul.f32 v56, v16;
	v24 =	vmul.f32 v57, v55  }
0x34b: {  	v21 =	vmul.f32 v45, v44;
	v18 =	vsub.f32 v50, v51;
	v20 =	vsub.f32 v20, v59  }
0x34c: {  	v19 =	vmul.f32 v52, v53;
	v16 =	vsub.f32 $1.000000000e+00, v16;
	v60 =	vsub.f32 $1.000000000e+00, v24  }
0x34d: {  	vm3 =	vgt.f32 v35, $0.0e+00;
	vm2 =	vgt.f32 v37, $0.0e+00;
	v18 =	vmul.f32 v18, v21  }
0x34e: {  	v19 =	vmul.f32 v20, v19;
	v62 =	vpop (erf);
	v16 =	vnsel vm3, $0x0, v16;
	v61 =	vnsel vm2, $0x0, v60  }
0x34f: {  	v17 =	vadd.f32 v18, v17;
	v63 =	vmul.f32 v62, v58;
	v16 =	vsub.f32 v61, v16;
	_ =	sdelay $0x1  }
0x350: {  	v17 =	vadd.f32 v19, v17;
	v16 =	vmul.f32 v16, v63;
	_ =	sdelay $0x1  }
0x351: {  	v16 =	vadd.f32 v16, v17;
	_ =	sdelay $0x1  }
0x352: {  	[tilespmem:$0x12800] =	vst v16  }
0x353: {  	[spmem:s17] =	stream.linear.scatter [tilespmem:s26], [sflag:$0x5], $0x10, $0x38;
	[tilespmem:$0x17020] =	vst v63  }
0x354: {  	_ =	swait.ge [sflag:s5], $0x10  }
0x355: {  	[sflag:s5] =	ssyncset.done $0x0  }
0x356: {  	[sflag:s5] =	ssyncadd.s32 $0xFFFFFFF0  }
0x357: {  	s6 =	simm.s32 @!p3 $0x11800;
	[bflag:$0x0] =	sbarrier.arrive $0xFFFF  }
0x358: {  	[tilespmem:s6], [sflag:$0x5] =	stream.linear.gather @!p3 [spmem:s17], $0x40, $0x38;
	[tilespmem:$0x17020] =	vst v63  }
0x359: {  	s6 =	simm.s32 @!p3 $0x5  }
0x35a: {  	_ =	swait.ge @!p3 [sflag:s6], $0x40  }
0x35b: {  	[sflag:s6] =	ssyncset.done @!p3 $0x0  }
0x35c: {  	[sflag:s6] =	ssyncadd.s32 @!p3 $0xFFFFFFC0  }
0x35d: {  	v16 =	vld @!p3 [tilespmem:$0x11800]  }
0x35e: {  	v17 =	vld @!p3 [tilespmem:$0x11810];
	_ =	sdelay $0x1  }
0x35f: {  	v18 =	vld @!p3 [tilespmem:$0x11820];
	_ =	sdelay $0x1  }
0x360: {  	v19 =	vld @!p3 [tilespmem:$0x11830]  }
0x361: {  	v16 =	vadd.f32 @!p3 v17, v16;
	_ =	sdelay $0x1  }
0x362: {  	v16 =	vadd.f32 @!p3 v18, v16;
	_ =	sdelay $0x1  }
0x363: {  	v16 =	vadd.f32 @!p3 v19, v16;
	_ =	sdelay $0x1  }
0x364: {  	(xrf2) =	vadd.scan.msk.f32 @!p3 $0xffff, v16;
	_ =	sdelay $0x9  }
0x365: {  	v16, _, _ =	vpop @!p3 (xrf2)  }
0x366: {  	v16 =	vadd.f32 @!p3 $0.0e+00, v16;
	_ =	sdelay $0x1  }
0x367: {  	v16 =	vbroadcast @!p3 v16, $0xF;
	_ =	sdelay $0x1  }
0x368: {  	s12 =	simm.s32 @!p3 $0x12800;
	s7 =	simm.s32 @!p3 $0x0;
	s13 =	rddreg [dreg:$0x1b];
	[tilespmem:$0x12800] =	vst @!p3 v16  }
0x369: {  	[hbm4b:s13+s7] =	stream.linear.scatter @!p3 [tilespmem:s12], [sflag:$0x5], $0x10, $0x38;
	[tilespmem:$0x17020] =	vst v63  }
0x36a: {  	_ =	swait.ge @!p3 [sflag:s6], $0x10  }
0x36b: {  	s23 =	sld [smem:$0x7E2];
	_ =	sdelay $0x1  }
0x36c: {  	s11 =	sadd.s32 $0x1, s11  }
0x36d: {  	p4 =	sne.s32 s11, s23  }
.Ltmp11:
0x36e: {  	_ = 	snop;
	(pc) =	sbr.rel @p4 .LBB2_1-.Ltmp11, $3  }
0x36f: {  	_ =	sdelay $0x1  }
0x370: {  	[sflag:s6] =	ssyncset.done @!p3 $0x0  }
0x371: {  	[sflag:s6] =	ssyncadd.s32 @!p3 $0xFFFFFFF0  }
0x372: {  	_ =	sfence.sel $0x180000  }
0x373: {  	[bflag:$0x0] =	sbarrier.arrive $0xFFFF  }
0x374: {  	_ =	strace $0x90000047  }
0x375: {  	s0 =	stileid.u32;
	[bflag:$0x2] =	sbarrier.arrive $0xFFFF  }
0x376: {  	p0 =	sne.s32 s0, $0x0;
	s0 =	rddreg [dreg:$0x8]  }
0x377: {  	s0 =	sadd.s32 @!p0 $0x100000, s0  }
0x378: {  	[sflag:s0] =	ssyncadd.tile.s32 @!p0 $0x1;
	_ =	shalt  }
.Lfunc_end2:
_tile_overlayer_lowered:
.L_overlay_start_2:
0x379: {  	(tag) =	ssettag $0x2  }
0x37a: {  	s0 =	rddreg [dreg:$0x0];
	s2 =	stileid.u32  }
0x37b: {  	s1 =	rddreg [dreg:$0x1];
	p0 =	sne.s32 s2, $0x0  }
0x37c: {  	s3 =	rddreg [dreg:$0x2];
	[bflag:$0x3] =	sbarrier.arrive $0xFFFF;
	s2 =	simm.s32 @!p0 $0x1C05  }
0x37d: {  	[timem:s3], [sflag:s2] =	dma.local @!p0 [hbm:s0], s1  }
0x37e: {  	s0 =	simm.s32 @!p0 $0x5  }
0x37f: {  	_ =	swait.ge @!p0 [sflag:s0], s1  }
0x380: {  	s1 =	ssub.s32 @!p0 $0x0, s1;
	[sflag:s0] =	ssyncset.done @!p0 $0x0  }
0x381: {  	[sflag:s0] =	ssyncadd.s32 @!p0 s1  }
0x382: {  	[bflag:$0x3] =	sbarrier.arrive $0xFFFF  }
0x383: {  	_ =	shalt  }

</sc_bundles>
